<compile_context>
chip_gen: v7x
topology: tpu7x:2x2x1
jax: 0.10.2.dev20260603
libtpu: 0.0.44.dev20260713+nightly
codegen_flags: <defaults>
</compile_context>

<pallas_src>
import functools

import numpy as np
import jax
import jax.numpy as jnp
from jax import lax
from jax.experimental import pallas as pl
from jax.experimental.pallas import tpu as pltpu
from jax.experimental.pallas import tpu_sc as plsc

_H = 256
_W = 256
_N = 1000
_NP = 1024
_NWORDS = _NP // 32


def _iota16():
    return lax.iota(jnp.int32, 16)


def _full16(v):
    return jnp.full((16,), v, jnp.int32)


def _srl(x, n):
    return lax.shift_right_logical(x, n)


def _bitc(b):
    return jnp.int32(np.int32(np.uint32(1 << b)))


def _msb_index(v):
    neg = v < 0
    u = v
    u = u | _srl(u, 1)
    u = u | _srl(u, 2)
    u = u | _srl(u, 4)
    u = u | _srl(u, 8)
    u = u | _srl(u, 16)
    iso = u ^ _srl(u, 1)
    eb = _srl(lax.bitcast_convert_type(iso.astype(jnp.float32),
                                       jnp.int32), 23) - 127
    return jnp.where(neg, 31, eb)


def _sc_body(boxes_hbm, out_hbm, bx_v, py1_v, px1_v, py2_v, px2_v,
             rw_v, cw_part, cw_v, outb, cw_sh):
    cid = lax.axis_index("c")
    sid = lax.axis_index("s")
    wid = cid * 16 + sid

    pltpu.sync_copy(boxes_hbm, bx_v)

    lanes = _iota16()

    def cvt(g, carry):
        for u in range(4):
            base = g * 64 + u * 16
            bi = base + lanes
            bic = jnp.minimum(bi, _N - 1)
            valid = bi < _N
            bic4 = bic * 4
            b0 = plsc.load_gather(bx_v, [bic4])
            b1 = plsc.load_gather(bx_v, [bic4 + 1])
            b2 = plsc.load_gather(bx_v, [bic4 + 2])
            b3 = plsc.load_gather(bx_v, [bic4 + 3])
            sl = pl.ds(base, 16)
            py1_v[sl] = jnp.maximum(0, (b0 * _H).astype(jnp.int32))
            px1_v[sl] = jnp.maximum(0, (b1 * _W).astype(jnp.int32))
            py2_v[sl] = jnp.where(
                valid, jnp.minimum(_H, (b2 * _H).astype(jnp.int32)), 0)
            px2_v[sl] = jnp.where(
                valid, jnp.minimum(_W, (b3 * _W).astype(jnp.int32)), 0)
        return carry

    lax.fori_loop(0, _NP // 64, cvt, 0)

    idx_lo = lanes * 32
    idx_hi = idx_lo + 512

    y0 = wid * 8

    def rw_bit(b, accs):
        y1lo = plsc.load_gather(py1_v, [idx_lo + b])
        y2lo = plsc.load_gather(py2_v, [idx_lo + b])
        y1hi = plsc.load_gather(py1_v, [idx_hi + b])
        y2hi = plsc.load_gather(py2_v, [idx_hi + b])
        bit = jnp.int32(1) << b
        out = []
        for r in range(8):
            wlo, whi = accs[r]
            y = y0 + r
            mlo = (y >= y1lo) & (y < y2lo)
            mhi = (y >= y1hi) & (y < y2hi)
            out.append((wlo | jnp.where(mlo, bit, 0),
                        whi | jnp.where(mhi, bit, 0)))
        return tuple(out)

    z = jnp.zeros((16,), jnp.int32)
    accs = lax.fori_loop(0, 32, rw_bit, tuple((z, z) for _ in range(8)))
    for r in range(8):
        rw_v[r, 0:16] = accs[r][0]
        rw_v[r, 16:32] = accs[r][1]

    xsv = lanes + sid * 16

    def cw_word(w, carry):
        wvec0 = jnp.zeros((16,), jnp.int32)
        wvec1 = jnp.zeros((16,), jnp.int32)
        for half in range(2):
            p1v = px1_v[pl.ds(w * 32 + half * 16, 16)]
            p2v = px2_v[pl.ds(w * 32 + half * 16, 16)]
            for b in range(16):
                idxc = _full16(b)
                p1 = p1v.at[idxc].get(mode="promise_in_bounds")
                p2 = p2v.at[idxc].get(mode="promise_in_bounds")
                m = (xsv >= p1) & (xsv < p2)
                bb = half * 16 + b
                if bb % 2:
                    wvec1 = wvec1 | jnp.where(m, _bitc(bb), 0)
                else:
                    wvec0 = wvec0 | jnp.where(m, _bitc(bb), 0)
        cw_part[w, 0:16] = wvec0 | wvec1
        return carry

    lax.fori_loop(0, _NWORDS, cw_word, 0)

    pltpu.sync_copy(cw_part, cw_sh.at[sid])
    plsc.subcore_barrier()
    pltpu.sync_copy(cw_sh, cw_v)

    def row_loop(r, carry):
        rwlo = rw_v[r, 0:16]
        rwhi = rw_v[r, 16:32]

        def scan_words(j, ks, nzm0, nzm1):
            for i, k in enumerate(ks):
                half = rwlo if k < 16 else rwhi
                rk = half.at[_full16(k % 16)].get(mode="promise_in_bounds")
                cw = cw_v[j, k, 0:16]
                nz = (rk & cw) != 0
                if i % 2 == 0:
                    nzm0 = nzm0 | jnp.where(nz, _bitc(k), 0)
                else:
                    nzm1 = nzm1 | jnp.where(nz, _bitc(k), 0)
            return nzm0, nzm1

        z16 = jnp.zeros((16,), jnp.int32)

        def resolve(j, nzm):
            covered = nzm != 0
            kcl = jnp.maximum(_msb_index(nzm), 0)
            rk2 = plsc.load_gather(rw_v, [_full16(r), kcl])
            cw2 = plsc.load_gather(cw_v, [_full16(j), kcl, lanes])
            a2 = rk2 & cw2
            bpos = jnp.maximum(_msb_index(a2), 0)
            idx = jnp.minimum(kcl * 32 + bpos, _N - 1)
            sl = pl.ds(j * 16, 16)
            outb[0, r, sl] = jnp.where(covered, jnp.float32(1.0), 0.0)
            for ch in range(4):
                vc = plsc.load_gather(bx_v, [idx * 4 + ch])
                outb[ch + 1, r, sl] = jnp.where(covered, vc, 0.0)

        def rest(j):
            def go(nzm_in):
                a, b = scan_words(j, range(0, 24), nzm_in, z16)
                return a | b
            return go

        def pair_loop(jj, carry2):
            j0 = jj * 2
            j1 = j0 + 1
            a0, b0 = scan_words(j0, range(24, 32), z16, z16)
            a1, b1 = scan_words(j1, range(24, 32), z16, z16)
            nzm0 = a0 | b0
            nzm1 = a1 | b1
            nzm0 = lax.cond(jnp.all(nzm0 != 0), lambda n: n, rest(j0), nzm0)
            nzm1 = lax.cond(jnp.all(nzm1 != 0), lambda n: n, rest(j1), nzm1)
            resolve(j0, nzm0)
            resolve(j1, nzm1)
            return carry2

        lax.fori_loop(0, 8, pair_loop, 0)
        return carry

    lax.fori_loop(0, 8, row_loop, 0)

    pltpu.sync_copy(outb, out_hbm.at[:, pl.ds(wid * 8, 8), :])


@jax.jit
def kernel(boxes):
    mesh = plsc.VectorSubcoreMesh(core_axis_name="c", subcore_axis_name="s")
    sc = functools.partial(
        pl.kernel,
        mesh=mesh,
        compiler_params=pltpu.CompilerParams(needs_layout_passes=False),
        out_type=jax.ShapeDtypeStruct((5, _H, _W), jnp.float32),
        scratch_types=[
            pltpu.VMEM((_N * 4,), jnp.float32),
            pltpu.VMEM((_NP,), jnp.int32),
            pltpu.VMEM((_NP,), jnp.int32),
            pltpu.VMEM((_NP,), jnp.int32),
            pltpu.VMEM((_NP,), jnp.int32),
            pltpu.VMEM((8, _NWORDS), jnp.int32),
            pltpu.VMEM((_NWORDS, 16), jnp.int32),
            pltpu.VMEM((16, _NWORDS, 16), jnp.int32),
            pltpu.VMEM((5, 8, _W), jnp.float32),
            pltpu.VMEM_SHARED((16, _NWORDS, 16), jnp.int32),
        ],
    )(_sc_body)
    return sc(boxes.reshape(-1))[None]

# --- scband reference (transcript-rebuilt; emitter-appended) ---
"""Pipeline reference for scband-control-net-spatial-embedder-8409545965710 (READ-ONLY COPY).

The authoritative reference and input builder live on the scoring server;
editing this copy changes nothing except your own understanding.
"""

import jax, jax.numpy as jnp
import numpy as np

H, W = 256, 256
C = 5
N_BOXES = 1000


def setup_inputs(seed: int = 0) -> dict:
    key = jax.random.key(seed)
    boxes = jax.random.uniform(key, (N_BOXES, 4), dtype=jnp.float32)
    return {"boxes": boxes}


def reference(boxes):
    ys = jnp.arange(H)
    xs = jnp.arange(W)
    scale = jnp.array([H, W, H, W], dtype=jnp.float32)

    def step(smap, box):
        # pixel coords: truncation toward zero, same as torch .long() for non-negative inputs
        bp = (box * scale).astype(jnp.int32)
        y1 = jnp.maximum(0, bp[0])
        x1 = jnp.maximum(0, bp[1])
        y2 = jnp.minimum(H, bp[2])
        x2 = jnp.minimum(W, bp[3])
        row = (ys >= y1) & (ys < y2)
        col = (xs >= x1) & (xs < x2)
        # if y1 >= y2 or x1 >= x2 the mask is empty, which matches the torch 'continue' skip
        mask = row[:, None] & col[None, :]
        vals = jnp.stack([jnp.float32(1.0), box[0], box[1], box[2], box[3]])
        new = jnp.where(mask[None, :, :], vals[:, None, None], smap)
        return new, None

    init = jnp.zeros((C, H, W), dtype=jnp.float32)
    final, _ = jax.lax.scan(step, init, boxes)
    return final[None]  # (1, 5, H, W)

if __name__ == "__main__":
    import jax
    _d = setup_inputs()
    print(jax.jit(kernel)(*tuple(_d.values())))

</pallas_src>

<mosaic_0001>
#map = affine_map<(d0, d1) -> (0)>
#map1 = affine_map<(d0, d1) -> (0, 0, 0)>
module attributes {stable_mosaic.version = 14 : i64} {
  func.func @_sc_body(%arg0: i32, %arg1: i32, %arg2: memref<4000xf32, #tpu.memory_space<hbm>>, %arg3: memref<5x256x256xf32, #tpu.memory_space<hbm>>, %arg4: memref<4000xf32, #tpu.memory_space<vmem>>, %arg5: memref<1024xi32, #tpu.memory_space<vmem>>, %arg6: memref<1024xi32, #tpu.memory_space<vmem>>, %arg7: memref<1024xi32, #tpu.memory_space<vmem>>, %arg8: memref<1024xi32, #tpu.memory_space<vmem>>, %arg9: memref<8x32xi32, #tpu.memory_space<vmem>>, %arg10: memref<32x16xi32, #tpu.memory_space<vmem>>, %arg11: memref<16x32x16xi32, #tpu.memory_space<vmem>>, %arg12: memref<5x8x256xf32, #tpu.memory_space<vmem>>, %arg13: memref<16x32x16xi32, #tpu.memory_space<vmem_shared>>) attributes {dimension_semantics = [#tpu.dimension_semantics<core_parallel>, #tpu.dimension_semantics<subcore_parallel>], iteration_bounds = array<i64: 2, 16>, scalar_prefetch = 0 : i64, scratch_operands = 10 : i64, tpu.core_type = #tpu.core_type<sc_vector_subcore>, window_params = [{transform_indices = #map}, {transform_indices = #map1}]} {
    %mul3A = arith.constant 16 : i32
    %mul3A_0 = arith.muli %arg0, %mul3A : i32
    %add3A = arith.addi %mul3A_0, %arg1 : i32
    "tpu.region"() ({
      %run_scoped3A = tpu.sem_alloc : memref<!tpu.dma_semaphore, #tpu.memory_space<semaphore_mem>>
      tpu.enqueue_dma source(%arg2 : memref<4000xf32, #tpu.memory_space<hbm>>) target(%arg4 : memref<4000xf32, #tpu.memory_space<vmem>>) target_semaphore(%run_scoped3A : memref<!tpu.dma_semaphore, #tpu.memory_space<semaphore_mem>>)
      tpu.wait_dma2 semaphore(%run_scoped3A : memref<!tpu.dma_semaphore, #tpu.memory_space<semaphore_mem>>) src(%arg2 : memref<4000xf32, #tpu.memory_space<hbm>>) dst(%arg4 : memref<4000xf32, #tpu.memory_space<vmem>>)
      tpu.yield
    }) : () -> ()
    %iota3A = tpu.iota {dimensions = array<i32: 0>} : vector<16xi32>
    %scan3A = arith.constant 0 : i32
    %scan3A_1 = arith.constant 0 : i32
    %scan3A_2 = arith.constant 16 : i32
    %scan3A_3 = arith.addi %scan3A_1, %scan3A_2 : i32
    %scan3A_4 = arith.constant 1 : i32
    scf.for %scan3A_102 = %scan3A_1 to %scan3A_3 step %scan3A_4  : i32 {
      %mul3A_103 = arith.constant 64 : i32
      %mul3A_104 = arith.muli %scan3A_102, %mul3A_103 : i32
      %add3A_105 = arith.constant 0 : i32
      %add3A_106 = arith.addi %mul3A_104, %add3A_105 : i32
      %add3A_107 = vector.broadcast %add3A_106 : i32 to vector<16xi32>
      %add3A_108 = arith.addi %add3A_107, %iota3A : vector<16xi32>
      %min3A = arith.constant 999 : i32
      %min3A_109 = vector.broadcast %min3A : i32 to vector<16xi32>
      %min3A_110 = arith.minsi %add3A_108, %min3A_109 : vector<16xi32>
      %lt3A = arith.constant 1000 : i32
      %lt3A_111 = vector.broadcast %lt3A : i32 to vector<16xi32>
      %lt3A_112 = arith.cmpi slt, %add3A_108, %lt3A_111 : vector<16xi32>
      %mul3A_113 = arith.constant 4 : i32
      %mul3A_114 = vector.broadcast %mul3A_113 : i32 to vector<16xi32>
      %mul3A_115 = arith.muli %min3A_110, %mul3A_114 : vector<16xi32>
      %gather3A = tpu.vector_load_idx %arg4[%mul3A_115] : memref<4000xf32, #tpu.memory_space<vmem>>[vector<16xi32>], vector<16xf32>,
      %add3A_116 = arith.constant 1 : i32
      %add3A_117 = vector.broadcast %add3A_116 : i32 to vector<16xi32>
      %add3A_118 = arith.addi %mul3A_115, %add3A_117 : vector<16xi32>
      %gather3A_119 = tpu.vector_load_idx %arg4[%add3A_118] : memref<4000xf32, #tpu.memory_space<vmem>>[vector<16xi32>], vector<16xf32>,
      %add3A_120 = arith.constant 2 : i32
      %add3A_121 = vector.broadcast %add3A_120 : i32 to vector<16xi32>
      %add3A_122 = arith.addi %mul3A_115, %add3A_121 : vector<16xi32>
      %gather3A_123 = tpu.vector_load_idx %arg4[%add3A_122] : memref<4000xf32, #tpu.memory_space<vmem>>[vector<16xi32>], vector<16xf32>,
      %add3A_124 = arith.constant 3 : i32
      %add3A_125 = vector.broadcast %add3A_124 : i32 to vector<16xi32>
      %add3A_126 = arith.addi %mul3A_115, %add3A_125 : vector<16xi32>
      %gather3A_127 = tpu.vector_load_idx %arg4[%add3A_126] : memref<4000xf32, #tpu.memory_space<vmem>>[vector<16xi32>], vector<16xf32>,
      %mul3A_128 = arith.constant 2.560000e+02 : f32
      %mul3A_129 = vector.broadcast %mul3A_128 : f32 to vector<16xf32>
      %mul3A_130 = arith.mulf %gather3A, %mul3A_129 : vector<16xf32>
      %convert_element_type3A = arith.fptosi %mul3A_130 : vector<16xf32> to vector<16xi32>
      %max3A = arith.constant 0 : i32
      %max3A_131 = vector.broadcast %max3A : i32 to vector<16xi32>
      %max3A_132 = arith.maxsi %max3A_131, %convert_element_type3A : vector<16xi32>
      %swap3A_133 = arith.index_cast %add3A_106 : i32 to index
      %swap3A_134 = tpu.vector_load %arg5[%swap3A_133] {strides = array<i32>} : memref<1024xi32, #tpu.memory_space<vmem>>, vector<16xi32>,
      tpu.vector_store %arg5[%swap3A_133], %max3A_132 {strides = array<i32>} : memref<1024xi32, #tpu.memory_space<vmem>>, vector<16xi32>,
      %mul3A_135 = arith.constant 2.560000e+02 : f32
      %mul3A_136 = vector.broadcast %mul3A_135 : f32 to vector<16xf32>
      %mul3A_137 = arith.mulf %gather3A_119, %mul3A_136 : vector<16xf32>
      %convert_element_type3A_138 = arith.fptosi %mul3A_137 : vector<16xf32> to vector<16xi32>
      %max3A_139 = arith.constant 0 : i32
      %max3A_140 = vector.broadcast %max3A_139 : i32 to vector<16xi32>
      %max3A_141 = arith.maxsi %max3A_140, %convert_element_type3A_138 : vector<16xi32>
      %swap3A_142 = arith.index_cast %add3A_106 : i32 to index
      %swap3A_143 = tpu.vector_load %arg6[%swap3A_142] {strides = array<i32>} : memref<1024xi32, #tpu.memory_space<vmem>>, vector<16xi32>,
      tpu.vector_store %arg6[%swap3A_142], %max3A_141 {strides = array<i32>} : memref<1024xi32, #tpu.memory_space<vmem>>, vector<16xi32>,
      %mul3A_144 = arith.constant 2.560000e+02 : f32
      %mul3A_145 = vector.broadcast %mul3A_144 : f32 to vector<16xf32>
      %mul3A_146 = arith.mulf %gather3A_123, %mul3A_145 : vector<16xf32>
      %convert_element_type3A_147 = arith.fptosi %mul3A_146 : vector<16xf32> to vector<16xi32>
      %min3A_148 = arith.constant 256 : i32
      %min3A_149 = vector.broadcast %min3A_148 : i32 to vector<16xi32>
      %min3A_150 = arith.minsi %min3A_149, %convert_element_type3A_147 : vector<16xi32>
      %jit3A = arith.constant 0 : i32
      %broadcast_in_dim3A_151 = vector.broadcast %jit3A : i32 to vector<16xi32>
      %select_n3A = arith.select %lt3A_112, %min3A_150, %broadcast_in_dim3A_151 : vector<16xi1>, vector<16xi32>
      %swap3A_152 = arith.index_cast %add3A_106 : i32 to index
      %swap3A_153 = tpu.vector_load %arg7[%swap3A_152] {strides = array<i32>} : memref<1024xi32, #tpu.memory_space<vmem>>, vector<16xi32>,
      tpu.vector_store %arg7[%swap3A_152], %select_n3A {strides = array<i32>} : memref<1024xi32, #tpu.memory_space<vmem>>, vector<16xi32>,
      %mul3A_154 = arith.constant 2.560000e+02 : f32
      %mul3A_155 = vector.broadcast %mul3A_154 : f32 to vector<16xf32>
      %mul3A_156 = arith.mulf %gather3A_127, %mul3A_155 : vector<16xf32>
      %convert_element_type3A_157 = arith.fptosi %mul3A_156 : vector<16xf32> to vector<16xi32>
      %min3A_158 = arith.constant 256 : i32
      %min3A_159 = vector.broadcast %min3A_158 : i32 to vector<16xi32>
      %min3A_160 = arith.minsi %min3A_159, %convert_element_type3A_157 : vector<16xi32>
      %jit3A_161 = arith.constant 0 : i32
      %broadcast_in_dim3A_162 = vector.broadcast %jit3A_161 : i32 to vector<16xi32>
      %select_n3A_163 = arith.select %lt3A_112, %min3A_160, %broadcast_in_dim3A_162 : vector<16xi1>, vector<16xi32>
      %swap3A_164 = arith.index_cast %add3A_106 : i32 to index
      %swap3A_165 = tpu.vector_load %arg8[%swap3A_164] {strides = array<i32>} : memref<1024xi32, #tpu.memory_space<vmem>>, vector<16xi32>,
      tpu.vector_store %arg8[%swap3A_164], %select_n3A_163 {strides = array<i32>} : memref<1024xi32, #tpu.memory_space<vmem>>, vector<16xi32>,
      %mul3A_166 = arith.constant 64 : i32
      %mul3A_167 = arith.muli %scan3A_102, %mul3A_166 : i32
      %add3A_168 = arith.constant 16 : i32
      %add3A_169 = arith.addi %mul3A_167, %add3A_168 : i32
      %add3A_170 = vector.broadcast %add3A_169 : i32 to vector<16xi32>
      %add3A_171 = arith.addi %add3A_170, %iota3A : vector<16xi32>
      %min3A_172 = arith.constant 999 : i32
      %min3A_173 = vector.broadcast %min3A_172 : i32 to vector<16xi32>
      %min3A_174 = arith.minsi %add3A_171, %min3A_173 : vector<16xi32>
      %lt3A_175 = arith.constant 1000 : i32
      %lt3A_176 = vector.broadcast %lt3A_175 : i32 to vector<16xi32>
      %lt3A_177 = arith.cmpi slt, %add3A_171, %lt3A_176 : vector<16xi32>
      %mul3A_178 = arith.constant 4 : i32
      %mul3A_179 = vector.broadcast %mul3A_178 : i32 to vector<16xi32>
      %mul3A_180 = arith.muli %min3A_174, %mul3A_179 : vector<16xi32>
      %gather3A_181 = tpu.vector_load_idx %arg4[%mul3A_180] : memref<4000xf32, #tpu.memory_space<vmem>>[vector<16xi32>], vector<16xf32>,
      %add3A_182 = arith.constant 1 : i32
      %add3A_183 = vector.broadcast %add3A_182 : i32 to vector<16xi32>
      %add3A_184 = arith.addi %mul3A_180, %add3A_183 : vector<16xi32>
      %gather3A_185 = tpu.vector_load_idx %arg4[%add3A_184] : memref<4000xf32, #tpu.memory_space<vmem>>[vector<16xi32>], vector<16xf32>,
      %add3A_186 = arith.constant 2 : i32
      %add3A_187 = vector.broadcast %add3A_186 : i32 to vector<16xi32>
      %add3A_188 = arith.addi %mul3A_180, %add3A_187 : vector<16xi32>
      %gather3A_189 = tpu.vector_load_idx %arg4[%add3A_188] : memref<4000xf32, #tpu.memory_space<vmem>>[vector<16xi32>], vector<16xf32>,
      %add3A_190 = arith.constant 3 : i32
      %add3A_191 = vector.broadcast %add3A_190 : i32 to vector<16xi32>
      %add3A_192 = arith.addi %mul3A_180, %add3A_191 : vector<16xi32>
      %gather3A_193 = tpu.vector_load_idx %arg4[%add3A_192] : memref<4000xf32, #tpu.memory_space<vmem>>[vector<16xi32>], vector<16xf32>,
      %mul3A_194 = arith.constant 2.560000e+02 : f32
      %mul3A_195 = vector.broadcast %mul3A_194 : f32 to vector<16xf32>
      %mul3A_196 = arith.mulf %gather3A_181, %mul3A_195 : vector<16xf32>
      %convert_element_type3A_197 = arith.fptosi %mul3A_196 : vector<16xf32> to vector<16xi32>
      %max3A_198 = arith.constant 0 : i32
      %max3A_199 = vector.broadcast %max3A_198 : i32 to vector<16xi32>
      %max3A_200 = arith.maxsi %max3A_199, %convert_element_type3A_197 : vector<16xi32>
      %swap3A_201 = arith.index_cast %add3A_169 : i32 to index
      %swap3A_202 = tpu.vector_load %arg5[%swap3A_201] {strides = array<i32>} : memref<1024xi32, #tpu.memory_space<vmem>>, vector<16xi32>,
      tpu.vector_store %arg5[%swap3A_201], %max3A_200 {strides = array<i32>} : memref<1024xi32, #tpu.memory_space<vmem>>, vector<16xi32>,
      %mul3A_203 = arith.constant 2.560000e+02 : f32
      %mul3A_204 = vector.broadcast %mul3A_203 : f32 to vector<16xf32>
      %mul3A_205 = arith.mulf %gather3A_185, %mul3A_204 : vector<16xf32>
      %convert_element_type3A_206 = arith.fptosi %mul3A_205 : vector<16xf32> to vector<16xi32>
      %max3A_207 = arith.constant 0 : i32
      %max3A_208 = vector.broadcast %max3A_207 : i32 to vector<16xi32>
      %max3A_209 = arith.maxsi %max3A_208, %convert_element_type3A_206 : vector<16xi32>
      %swap3A_210 = arith.index_cast %add3A_169 : i32 to index
      %swap3A_211 = tpu.vector_load %arg6[%swap3A_210] {strides = array<i32>} : memref<1024xi32, #tpu.memory_space<vmem>>, vector<16xi32>,
      tpu.vector_store %arg6[%swap3A_210], %max3A_209 {strides = array<i32>} : memref<1024xi32, #tpu.memory_space<vmem>>, vector<16xi32>,
      %mul3A_212 = arith.constant 2.560000e+02 : f32
      %mul3A_213 = vector.broadcast %mul3A_212 : f32 to vector<16xf32>
      %mul3A_214 = arith.mulf %gather3A_189, %mul3A_213 : vector<16xf32>
      %convert_element_type3A_215 = arith.fptosi %mul3A_214 : vector<16xf32> to vector<16xi32>
      %min3A_216 = arith.constant 256 : i32
      %min3A_217 = vector.broadcast %min3A_216 : i32 to vector<16xi32>
      %min3A_218 = arith.minsi %min3A_217, %convert_element_type3A_215 : vector<16xi32>
      %jit3A_219 = arith.constant 0 : i32
      %broadcast_in_dim3A_220 = vector.broadcast %jit3A_219 : i32 to vector<16xi32>
      %select_n3A_221 = arith.select %lt3A_177, %min3A_218, %broadcast_in_dim3A_220 : vector<16xi1>, vector<16xi32>
      %swap3A_222 = arith.index_cast %add3A_169 : i32 to index
      %swap3A_223 = tpu.vector_load %arg7[%swap3A_222] {strides = array<i32>} : memref<1024xi32, #tpu.memory_space<vmem>>, vector<16xi32>,
      tpu.vector_store %arg7[%swap3A_222], %select_n3A_221 {strides = array<i32>} : memref<1024xi32, #tpu.memory_space<vmem>>, vector<16xi32>,
      %mul3A_224 = arith.constant 2.560000e+02 : f32
      %mul3A_225 = vector.broadcast %mul3A_224 : f32 to vector<16xf32>
      %mul3A_226 = arith.mulf %gather3A_193, %mul3A_225 : vector<16xf32>
      %convert_element_type3A_227 = arith.fptosi %mul3A_226 : vector<16xf32> to vector<16xi32>
      %min3A_228 = arith.constant 256 : i32
      %min3A_229 = vector.broadcast %min3A_228 : i32 to vector<16xi32>
      %min3A_230 = arith.minsi %min3A_229, %convert_element_type3A_227 : vector<16xi32>
      %jit3A_231 = arith.constant 0 : i32
      %broadcast_in_dim3A_232 = vector.broadcast %jit3A_231 : i32 to vector<16xi32>
      %select_n3A_233 = arith.select %lt3A_177, %min3A_230, %broadcast_in_dim3A_232 : vector<16xi1>, vector<16xi32>
      %swap3A_234 = arith.index_cast %add3A_169 : i32 to index
      %swap3A_235 = tpu.vector_load %arg8[%swap3A_234] {strides = array<i32>} : memref<1024xi32, #tpu.memory_space<vmem>>, vector<16xi32>,
      tpu.vector_store %arg8[%swap3A_234], %select_n3A_233 {strides = array<i32>} : memref<1024xi32, #tpu.memory_space<vmem>>, vector<16xi32>,
      %mul3A_236 = arith.constant 64 : i32
      %mul3A_237 = arith.muli %scan3A_102, %mul3A_236 : i32
      %add3A_238 = arith.constant 32 : i32
      %add3A_239 = arith.addi %mul3A_237, %add3A_238 : i32
      %add3A_240 = vector.broadcast %add3A_239 : i32 to vector<16xi32>
      %add3A_241 = arith.addi %add3A_240, %iota3A : vector<16xi32>
      %min3A_242 = arith.constant 999 : i32
      %min3A_243 = vector.broadcast %min3A_242 : i32 to vector<16xi32>
      %min3A_244 = arith.minsi %add3A_241, %min3A_243 : vector<16xi32>
      %lt3A_245 = arith.constant 1000 : i32
      %lt3A_246 = vector.broadcast %lt3A_245 : i32 to vector<16xi32>
      %lt3A_247 = arith.cmpi slt, %add3A_241, %lt3A_246 : vector<16xi32>
      %mul3A_248 = arith.constant 4 : i32
      %mul3A_249 = vector.broadcast %mul3A_248 : i32 to vector<16xi32>
      %mul3A_250 = arith.muli %min3A_244, %mul3A_249 : vector<16xi32>
      %gather3A_251 = tpu.vector_load_idx %arg4[%mul3A_250] : memref<4000xf32, #tpu.memory_space<vmem>>[vector<16xi32>], vector<16xf32>,
      %add3A_252 = arith.constant 1 : i32
      %add3A_253 = vector.broadcast %add3A_252 : i32 to vector<16xi32>
      %add3A_254 = arith.addi %mul3A_250, %add3A_253 : vector<16xi32>
      %gather3A_255 = tpu.vector_load_idx %arg4[%add3A_254] : memref<4000xf32, #tpu.memory_space<vmem>>[vector<16xi32>], vector<16xf32>,
      %add3A_256 = arith.constant 2 : i32
      %add3A_257 = vector.broadcast %add3A_256 : i32 to vector<16xi32>
      %add3A_258 = arith.addi %mul3A_250, %add3A_257 : vector<16xi32>
      %gather3A_259 = tpu.vector_load_idx %arg4[%add3A_258] : memref<4000xf32, #tpu.memory_space<vmem>>[vector<16xi32>], vector<16xf32>,
      %add3A_260 = arith.constant 3 : i32
      %add3A_261 = vector.broadcast %add3A_260 : i32 to vector<16xi32>
      %add3A_262 = arith.addi %mul3A_250, %add3A_261 : vector<16xi32>
      %gather3A_263 = tpu.vector_load_idx %arg4[%add3A_262] : memref<4000xf32, #tpu.memory_space<vmem>>[vector<16xi32>], vector<16xf32>,
      %mul3A_264 = arith.constant 2.560000e+02 : f32
      %mul3A_265 = vector.broadcast %mul3A_264 : f32 to vector<16xf32>
      %mul3A_266 = arith.mulf %gather3A_251, %mul3A_265 : vector<16xf32>
      %convert_element_type3A_267 = arith.fptosi %mul3A_266 : vector<16xf32> to vector<16xi32>
      %max3A_268 = arith.constant 0 : i32
      %max3A_269 = vector.broadcast %max3A_268 : i32 to vector<16xi32>
      %max3A_270 = arith.maxsi %max3A_269, %convert_element_type3A_267 : vector<16xi32>
      %swap3A_271 = arith.index_cast %add3A_239 : i32 to index
      %swap3A_272 = tpu.vector_load %arg5[%swap3A_271] {strides = array<i32>} : memref<1024xi32, #tpu.memory_space<vmem>>, vector<16xi32>,
      tpu.vector_store %arg5[%swap3A_271], %max3A_270 {strides = array<i32>} : memref<1024xi32, #tpu.memory_space<vmem>>, vector<16xi32>,
      %mul3A_273 = arith.constant 2.560000e+02 : f32
      %mul3A_274 = vector.broadcast %mul3A_273 : f32 to vector<16xf32>
      %mul3A_275 = arith.mulf %gather3A_255, %mul3A_274 : vector<16xf32>
      %convert_element_type3A_276 = arith.fptosi %mul3A_275 : vector<16xf32> to vector<16xi32>
      %max3A_277 = arith.constant 0 : i32
      %max3A_278 = vector.broadcast %max3A_277 : i32 to vector<16xi32>
      %max3A_279 = arith.maxsi %max3A_278, %convert_element_type3A_276 : vector<16xi32>
      %swap3A_280 = arith.index_cast %add3A_239 : i32 to index
      %swap3A_281 = tpu.vector_load %arg6[%swap3A_280] {strides = array<i32>} : memref<1024xi32, #tpu.memory_space<vmem>>, vector<16xi32>,
      tpu.vector_store %arg6[%swap3A_280], %max3A_279 {strides = array<i32>} : memref<1024xi32, #tpu.memory_space<vmem>>, vector<16xi32>,
      %mul3A_282 = arith.constant 2.560000e+02 : f32
      %mul3A_283 = vector.broadcast %mul3A_282 : f32 to vector<16xf32>
      %mul3A_284 = arith.mulf %gather3A_259, %mul3A_283 : vector<16xf32>
      %convert_element_type3A_285 = arith.fptosi %mul3A_284 : vector<16xf32> to vector<16xi32>
      %min3A_286 = arith.constant 256 : i32
      %min3A_287 = vector.broadcast %min3A_286 : i32 to vector<16xi32>
      %min3A_288 = arith.minsi %min3A_287, %convert_element_type3A_285 : vector<16xi32>
      %jit3A_289 = arith.constant 0 : i32
      %broadcast_in_dim3A_290 = vector.broadcast %jit3A_289 : i32 to vector<16xi32>
      %select_n3A_291 = arith.select %lt3A_247, %min3A_288, %broadcast_in_dim3A_290 : vector<16xi1>, vector<16xi32>
      %swap3A_292 = arith.index_cast %add3A_239 : i32 to index
      %swap3A_293 = tpu.vector_load %arg7[%swap3A_292] {strides = array<i32>} : memref<1024xi32, #tpu.memory_space<vmem>>, vector<16xi32>,
      tpu.vector_store %arg7[%swap3A_292], %select_n3A_291 {strides = array<i32>} : memref<1024xi32, #tpu.memory_space<vmem>>, vector<16xi32>,
      %mul3A_294 = arith.constant 2.560000e+02 : f32
      %mul3A_295 = vector.broadcast %mul3A_294 : f32 to vector<16xf32>
      %mul3A_296 = arith.mulf %gather3A_263, %mul3A_295 : vector<16xf32>
      %convert_element_type3A_297 = arith.fptosi %mul3A_296 : vector<16xf32> to vector<16xi32>
      %min3A_298 = arith.constant 256 : i32
      %min3A_299 = vector.broadcast %min3A_298 : i32 to vector<16xi32>
      %min3A_300 = arith.minsi %min3A_299, %convert_element_type3A_297 : vector<16xi32>
      %jit3A_301 = arith.constant 0 : i32
      %broadcast_in_dim3A_302 = vector.broadcast %jit3A_301 : i32 to vector<16xi32>
      %select_n3A_303 = arith.select %lt3A_247, %min3A_300, %broadcast_in_dim3A_302 : vector<16xi1>, vector<16xi32>
      %swap3A_304 = arith.index_cast %add3A_239 : i32 to index
      %swap3A_305 = tpu.vector_load %arg8[%swap3A_304] {strides = array<i32>} : memref<1024xi32, #tpu.memory_space<vmem>>, vector<16xi32>,
      tpu.vector_store %arg8[%swap3A_304], %select_n3A_303 {strides = array<i32>} : memref<1024xi32, #tpu.memory_space<vmem>>, vector<16xi32>,
      %mul3A_306 = arith.constant 64 : i32
      %mul3A_307 = arith.muli %scan3A_102, %mul3A_306 : i32
      %add3A_308 = arith.constant 48 : i32
      %add3A_309 = arith.addi %mul3A_307, %add3A_308 : i32
      %add3A_310 = vector.broadcast %add3A_309 : i32 to vector<16xi32>
      %add3A_311 = arith.addi %add3A_310, %iota3A : vector<16xi32>
      %min3A_312 = arith.constant 999 : i32
      %min3A_313 = vector.broadcast %min3A_312 : i32 to vector<16xi32>
      %min3A_314 = arith.minsi %add3A_311, %min3A_313 : vector<16xi32>
      %lt3A_315 = arith.constant 1000 : i32
      %lt3A_316 = vector.broadcast %lt3A_315 : i32 to vector<16xi32>
      %lt3A_317 = arith.cmpi slt, %add3A_311, %lt3A_316 : vector<16xi32>
      %mul3A_318 = arith.constant 4 : i32
      %mul3A_319 = vector.broadcast %mul3A_318 : i32 to vector<16xi32>
      %mul3A_320 = arith.muli %min3A_314, %mul3A_319 : vector<16xi32>
      %gather3A_321 = tpu.vector_load_idx %arg4[%mul3A_320] : memref<4000xf32, #tpu.memory_space<vmem>>[vector<16xi32>], vector<16xf32>,
      %add3A_322 = arith.constant 1 : i32
      %add3A_323 = vector.broadcast %add3A_322 : i32 to vector<16xi32>
      %add3A_324 = arith.addi %mul3A_320, %add3A_323 : vector<16xi32>
      %gather3A_325 = tpu.vector_load_idx %arg4[%add3A_324] : memref<4000xf32, #tpu.memory_space<vmem>>[vector<16xi32>], vector<16xf32>,
      %add3A_326 = arith.constant 2 : i32
      %add3A_327 = vector.broadcast %add3A_326 : i32 to vector<16xi32>
      %add3A_328 = arith.addi %mul3A_320, %add3A_327 : vector<16xi32>
      %gather3A_329 = tpu.vector_load_idx %arg4[%add3A_328] : memref<4000xf32, #tpu.memory_space<vmem>>[vector<16xi32>], vector<16xf32>,
      %add3A_330 = arith.constant 3 : i32
      %add3A_331 = vector.broadcast %add3A_330 : i32 to vector<16xi32>
      %add3A_332 = arith.addi %mul3A_320, %add3A_331 : vector<16xi32>
      %gather3A_333 = tpu.vector_load_idx %arg4[%add3A_332] : memref<4000xf32, #tpu.memory_space<vmem>>[vector<16xi32>], vector<16xf32>,
      %mul3A_334 = arith.constant 2.560000e+02 : f32
      %mul3A_335 = vector.broadcast %mul3A_334 : f32 to vector<16xf32>
      %mul3A_336 = arith.mulf %gather3A_321, %mul3A_335 : vector<16xf32>
      %convert_element_type3A_337 = arith.fptosi %mul3A_336 : vector<16xf32> to vector<16xi32>
      %max3A_338 = arith.constant 0 : i32
      %max3A_339 = vector.broadcast %max3A_338 : i32 to vector<16xi32>
      %max3A_340 = arith.maxsi %max3A_339, %convert_element_type3A_337 : vector<16xi32>
      %swap3A_341 = arith.index_cast %add3A_309 : i32 to index
      %swap3A_342 = tpu.vector_load %arg5[%swap3A_341] {strides = array<i32>} : memref<1024xi32, #tpu.memory_space<vmem>>, vector<16xi32>,
      tpu.vector_store %arg5[%swap3A_341], %max3A_340 {strides = array<i32>} : memref<1024xi32, #tpu.memory_space<vmem>>, vector<16xi32>,
      %mul3A_343 = arith.constant 2.560000e+02 : f32
      %mul3A_344 = vector.broadcast %mul3A_343 : f32 to vector<16xf32>
      %mul3A_345 = arith.mulf %gather3A_325, %mul3A_344 : vector<16xf32>
      %convert_element_type3A_346 = arith.fptosi %mul3A_345 : vector<16xf32> to vector<16xi32>
      %max3A_347 = arith.constant 0 : i32
      %max3A_348 = vector.broadcast %max3A_347 : i32 to vector<16xi32>
      %max3A_349 = arith.maxsi %max3A_348, %convert_element_type3A_346 : vector<16xi32>
      %swap3A_350 = arith.index_cast %add3A_309 : i32 to index
      %swap3A_351 = tpu.vector_load %arg6[%swap3A_350] {strides = array<i32>} : memref<1024xi32, #tpu.memory_space<vmem>>, vector<16xi32>,
      tpu.vector_store %arg6[%swap3A_350], %max3A_349 {strides = array<i32>} : memref<1024xi32, #tpu.memory_space<vmem>>, vector<16xi32>,
      %mul3A_352 = arith.constant 2.560000e+02 : f32
      %mul3A_353 = vector.broadcast %mul3A_352 : f32 to vector<16xf32>
      %mul3A_354 = arith.mulf %gather3A_329, %mul3A_353 : vector<16xf32>
      %convert_element_type3A_355 = arith.fptosi %mul3A_354 : vector<16xf32> to vector<16xi32>
      %min3A_356 = arith.constant 256 : i32
      %min3A_357 = vector.broadcast %min3A_356 : i32 to vector<16xi32>
      %min3A_358 = arith.minsi %min3A_357, %convert_element_type3A_355 : vector<16xi32>
      %jit3A_359 = arith.constant 0 : i32
      %broadcast_in_dim3A_360 = vector.broadcast %jit3A_359 : i32 to vector<16xi32>
      %select_n3A_361 = arith.select %lt3A_317, %min3A_358, %broadcast_in_dim3A_360 : vector<16xi1>, vector<16xi32>
      %swap3A_362 = arith.index_cast %add3A_309 : i32 to index
      %swap3A_363 = tpu.vector_load %arg7[%swap3A_362] {strides = array<i32>} : memref<1024xi32, #tpu.memory_space<vmem>>, vector<16xi32>,
      tpu.vector_store %arg7[%swap3A_362], %select_n3A_361 {strides = array<i32>} : memref<1024xi32, #tpu.memory_space<vmem>>, vector<16xi32>,
      %mul3A_364 = arith.constant 2.560000e+02 : f32
      %mul3A_365 = vector.broadcast %mul3A_364 : f32 to vector<16xf32>
      %mul3A_366 = arith.mulf %gather3A_333, %mul3A_365 : vector<16xf32>
      %convert_element_type3A_367 = arith.fptosi %mul3A_366 : vector<16xf32> to vector<16xi32>
      %min3A_368 = arith.constant 256 : i32
      %min3A_369 = vector.broadcast %min3A_368 : i32 to vector<16xi32>
      %min3A_370 = arith.minsi %min3A_369, %convert_element_type3A_367 : vector<16xi32>
      %jit3A_371 = arith.constant 0 : i32
      %broadcast_in_dim3A_372 = vector.broadcast %jit3A_371 : i32 to vector<16xi32>
      %select_n3A_373 = arith.select %lt3A_317, %min3A_370, %broadcast_in_dim3A_372 : vector<16xi1>, vector<16xi32>
      %swap3A_374 = arith.index_cast %add3A_309 : i32 to index
      %swap3A_375 = tpu.vector_load %arg8[%swap3A_374] {strides = array<i32>} : memref<1024xi32, #tpu.memory_space<vmem>>, vector<16xi32>,
      tpu.vector_store %arg8[%swap3A_374], %select_n3A_373 {strides = array<i32>} : memref<1024xi32, #tpu.memory_space<vmem>>, vector<16xi32>,
    }
    %scan3A_5 = arith.constant 16 : i32
    %mul3A_6 = arith.constant 32 : i32
    %mul3A_7 = vector.broadcast %mul3A_6 : i32 to vector<16xi32>
    %mul3A_8 = arith.muli %iota3A, %mul3A_7 : vector<16xi32>
    %add3A_9 = arith.constant 512 : i32
    %add3A_10 = vector.broadcast %add3A_9 : i32 to vector<16xi32>
    %add3A_11 = arith.addi %mul3A_8, %add3A_10 : vector<16xi32>
    %mul3A_12 = arith.constant 8 : i32
    %mul3A_13 = arith.muli %add3A, %mul3A_12 : i32
    %broadcast_in_dim3A = arith.constant 0 : i32
    %broadcast_in_dim3A_14 = vector.broadcast %broadcast_in_dim3A : i32 to vector<16xi32>
    %scan3A_15 = arith.constant 0 : i32
    %scan3A_16 = arith.constant 32 : i32
    %scan3A_17 = arith.addi %scan3A_15, %scan3A_16 : i32
    %scan3A_18 = arith.constant 1 : i32
    %scan3A_19:16 = scf.for %scan3A_102 = %scan3A_15 to %scan3A_17 step %scan3A_18 iter_args(%scan3A_103 = %broadcast_in_dim3A_14, %scan3A_104 = %broadcast_in_dim3A_14, %scan3A_105 = %broadcast_in_dim3A_14, %scan3A_106 = %broadcast_in_dim3A_14, %scan3A_107 = %broadcast_in_dim3A_14, %scan3A_108 = %broadcast_in_dim3A_14, %scan3A_109 = %broadcast_in_dim3A_14, %scan3A_110 = %broadcast_in_dim3A_14, %scan3A_111 = %broadcast_in_dim3A_14, %scan3A_112 = %broadcast_in_dim3A_14, %scan3A_113 = %broadcast_in_dim3A_14, %scan3A_114 = %broadcast_in_dim3A_14, %scan3A_115 = %broadcast_in_dim3A_14, %scan3A_116 = %broadcast_in_dim3A_14, %scan3A_117 = %broadcast_in_dim3A_14, %scan3A_118 = %broadcast_in_dim3A_14) -> (vector<16xi32>, vector<16xi32>, vector<16xi32>, vector<16xi32>, vector<16xi32>, vector<16xi32>, vector<16xi32>, vector<16xi32>, vector<16xi32>, vector<16xi32>, vector<16xi32>, vector<16xi32>, vector<16xi32>, vector<16xi32>, vector<16xi32>, vector<16xi32>)  : i32 {
      %add3A_119 = vector.broadcast %scan3A_102 : i32 to vector<16xi32>
      %add3A_120 = arith.addi %mul3A_8, %add3A_119 : vector<16xi32>
      %gather3A = tpu.vector_load_idx %arg5[%add3A_120] : memref<1024xi32, #tpu.memory_space<vmem>>[vector<16xi32>], vector<16xi32>,
      %add3A_121 = vector.broadcast %scan3A_102 : i32 to vector<16xi32>
      %add3A_122 = arith.addi %mul3A_8, %add3A_121 : vector<16xi32>
      %gather3A_123 = tpu.vector_load_idx %arg7[%add3A_122] : memref<1024xi32, #tpu.memory_space<vmem>>[vector<16xi32>], vector<16xi32>,
      %add3A_124 = vector.broadcast %scan3A_102 : i32 to vector<16xi32>
      %add3A_125 = arith.addi %add3A_11, %add3A_124 : vector<16xi32>
      %gather3A_126 = tpu.vector_load_idx %arg5[%add3A_125] : memref<1024xi32, #tpu.memory_space<vmem>>[vector<16xi32>], vector<16xi32>,
      %add3A_127 = vector.broadcast %scan3A_102 : i32 to vector<16xi32>
      %add3A_128 = arith.addi %add3A_11, %add3A_127 : vector<16xi32>
      %gather3A_129 = tpu.vector_load_idx %arg7[%add3A_128] : memref<1024xi32, #tpu.memory_space<vmem>>[vector<16xi32>], vector<16xi32>,
      %shift_left3A = arith.constant 1 : i32
      %shift_left3A_130 = arith.shli %shift_left3A, %scan3A_102 : i32
      %add3A_131 = arith.constant 0 : i32
      %add3A_132 = arith.addi %mul3A_13, %add3A_131 : i32
      %ge3A = vector.broadcast %add3A_132 : i32 to vector<16xi32>
      %ge3A_133 = arith.cmpi sge, %ge3A, %gather3A : vector<16xi32>
      %lt3A = vector.broadcast %add3A_132 : i32 to vector<16xi32>
      %lt3A_134 = arith.cmpi slt, %lt3A, %gather3A_123 : vector<16xi32>
      %and3A = arith.andi %ge3A_133, %lt3A_134 : vector<16xi1>
      %ge3A_135 = vector.broadcast %add3A_132 : i32 to vector<16xi32>
      %ge3A_136 = arith.cmpi sge, %ge3A_135, %gather3A_126 : vector<16xi32>
      %lt3A_137 = vector.broadcast %add3A_132 : i32 to vector<16xi32>
      %lt3A_138 = arith.cmpi slt, %lt3A_137, %gather3A_129 : vector<16xi32>
      %and3A_139 = arith.andi %ge3A_136, %lt3A_138 : vector<16xi1>
      %jit3A = arith.constant 0 : i32
      %broadcast_in_dim3A_140 = vector.broadcast %shift_left3A_130 : i32 to vector<16xi32>
      %broadcast_in_dim3A_141 = vector.broadcast %jit3A : i32 to vector<16xi32>
      %select_n3A = arith.select %and3A, %broadcast_in_dim3A_140, %broadcast_in_dim3A_141 : vector<16xi1>, vector<16xi32>
      %or3A = arith.ori %scan3A_103, %select_n3A : vector<16xi32>
      %jit3A_142 = arith.constant 0 : i32
      %broadcast_in_dim3A_143 = vector.broadcast %shift_left3A_130 : i32 to vector<16xi32>
      %broadcast_in_dim3A_144 = vector.broadcast %jit3A_142 : i32 to vector<16xi32>
      %select_n3A_145 = arith.select %and3A_139, %broadcast_in_dim3A_143, %broadcast_in_dim3A_144 : vector<16xi1>, vector<16xi32>
      %or3A_146 = arith.ori %scan3A_104, %select_n3A_145 : vector<16xi32>
      %add3A_147 = arith.constant 1 : i32
      %add3A_148 = arith.addi %mul3A_13, %add3A_147 : i32
      %ge3A_149 = vector.broadcast %add3A_148 : i32 to vector<16xi32>
      %ge3A_150 = arith.cmpi sge, %ge3A_149, %gather3A : vector<16xi32>
      %lt3A_151 = vector.broadcast %add3A_148 : i32 to vector<16xi32>
      %lt3A_152 = arith.cmpi slt, %lt3A_151, %gather3A_123 : vector<16xi32>
      %and3A_153 = arith.andi %ge3A_150, %lt3A_152 : vector<16xi1>
      %ge3A_154 = vector.broadcast %add3A_148 : i32 to vector<16xi32>
      %ge3A_155 = arith.cmpi sge, %ge3A_154, %gather3A_126 : vector<16xi32>
      %lt3A_156 = vector.broadcast %add3A_148 : i32 to vector<16xi32>
      %lt3A_157 = arith.cmpi slt, %lt3A_156, %gather3A_129 : vector<16xi32>
      %and3A_158 = arith.andi %ge3A_155, %lt3A_157 : vector<16xi1>
      %jit3A_159 = arith.constant 0 : i32
      %broadcast_in_dim3A_160 = vector.broadcast %shift_left3A_130 : i32 to vector<16xi32>
      %broadcast_in_dim3A_161 = vector.broadcast %jit3A_159 : i32 to vector<16xi32>
      %select_n3A_162 = arith.select %and3A_153, %broadcast_in_dim3A_160, %broadcast_in_dim3A_161 : vector<16xi1>, vector<16xi32>
      %or3A_163 = arith.ori %scan3A_105, %select_n3A_162 : vector<16xi32>
      %jit3A_164 = arith.constant 0 : i32
      %broadcast_in_dim3A_165 = vector.broadcast %shift_left3A_130 : i32 to vector<16xi32>
      %broadcast_in_dim3A_166 = vector.broadcast %jit3A_164 : i32 to vector<16xi32>
      %select_n3A_167 = arith.select %and3A_158, %broadcast_in_dim3A_165, %broadcast_in_dim3A_166 : vector<16xi1>, vector<16xi32>
      %or3A_168 = arith.ori %scan3A_106, %select_n3A_167 : vector<16xi32>
      %add3A_169 = arith.constant 2 : i32
      %add3A_170 = arith.addi %mul3A_13, %add3A_169 : i32
      %ge3A_171 = vector.broadcast %add3A_170 : i32 to vector<16xi32>
      %ge3A_172 = arith.cmpi sge, %ge3A_171, %gather3A : vector<16xi32>
      %lt3A_173 = vector.broadcast %add3A_170 : i32 to vector<16xi32>
      %lt3A_174 = arith.cmpi slt, %lt3A_173, %gather3A_123 : vector<16xi32>
      %and3A_175 = arith.andi %ge3A_172, %lt3A_174 : vector<16xi1>
      %ge3A_176 = vector.broadcast %add3A_170 : i32 to vector<16xi32>
      %ge3A_177 = arith.cmpi sge, %ge3A_176, %gather3A_126 : vector<16xi32>
      %lt3A_178 = vector.broadcast %add3A_170 : i32 to vector<16xi32>
      %lt3A_179 = arith.cmpi slt, %lt3A_178, %gather3A_129 : vector<16xi32>
      %and3A_180 = arith.andi %ge3A_177, %lt3A_179 : vector<16xi1>
      %jit3A_181 = arith.constant 0 : i32
      %broadcast_in_dim3A_182 = vector.broadcast %shift_left3A_130 : i32 to vector<16xi32>
      %broadcast_in_dim3A_183 = vector.broadcast %jit3A_181 : i32 to vector<16xi32>
      %select_n3A_184 = arith.select %and3A_175, %broadcast_in_dim3A_182, %broadcast_in_dim3A_183 : vector<16xi1>, vector<16xi32>
      %or3A_185 = arith.ori %scan3A_107, %select_n3A_184 : vector<16xi32>
      %jit3A_186 = arith.constant 0 : i32
      %broadcast_in_dim3A_187 = vector.broadcast %shift_left3A_130 : i32 to vector<16xi32>
      %broadcast_in_dim3A_188 = vector.broadcast %jit3A_186 : i32 to vector<16xi32>
      %select_n3A_189 = arith.select %and3A_180, %broadcast_in_dim3A_187, %broadcast_in_dim3A_188 : vector<16xi1>, vector<16xi32>
      %or3A_190 = arith.ori %scan3A_108, %select_n3A_189 : vector<16xi32>
      %add3A_191 = arith.constant 3 : i32
      %add3A_192 = arith.addi %mul3A_13, %add3A_191 : i32
      %ge3A_193 = vector.broadcast %add3A_192 : i32 to vector<16xi32>
      %ge3A_194 = arith.cmpi sge, %ge3A_193, %gather3A : vector<16xi32>
      %lt3A_195 = vector.broadcast %add3A_192 : i32 to vector<16xi32>
      %lt3A_196 = arith.cmpi slt, %lt3A_195, %gather3A_123 : vector<16xi32>
      %and3A_197 = arith.andi %ge3A_194, %lt3A_196 : vector<16xi1>
      %ge3A_198 = vector.broadcast %add3A_192 : i32 to vector<16xi32>
      %ge3A_199 = arith.cmpi sge, %ge3A_198, %gather3A_126 : vector<16xi32>
      %lt3A_200 = vector.broadcast %add3A_192 : i32 to vector<16xi32>
      %lt3A_201 = arith.cmpi slt, %lt3A_200, %gather3A_129 : vector<16xi32>
      %and3A_202 = arith.andi %ge3A_199, %lt3A_201 : vector<16xi1>
      %jit3A_203 = arith.constant 0 : i32
      %broadcast_in_dim3A_204 = vector.broadcast %shift_left3A_130 : i32 to vector<16xi32>
      %broadcast_in_dim3A_205 = vector.broadcast %jit3A_203 : i32 to vector<16xi32>
      %select_n3A_206 = arith.select %and3A_197, %broadcast_in_dim3A_204, %broadcast_in_dim3A_205 : vector<16xi1>, vector<16xi32>
      %or3A_207 = arith.ori %scan3A_109, %select_n3A_206 : vector<16xi32>
      %jit3A_208 = arith.constant 0 : i32
      %broadcast_in_dim3A_209 = vector.broadcast %shift_left3A_130 : i32 to vector<16xi32>
      %broadcast_in_dim3A_210 = vector.broadcast %jit3A_208 : i32 to vector<16xi32>
      %select_n3A_211 = arith.select %and3A_202, %broadcast_in_dim3A_209, %broadcast_in_dim3A_210 : vector<16xi1>, vector<16xi32>
      %or3A_212 = arith.ori %scan3A_110, %select_n3A_211 : vector<16xi32>
      %add3A_213 = arith.constant 4 : i32
      %add3A_214 = arith.addi %mul3A_13, %add3A_213 : i32
      %ge3A_215 = vector.broadcast %add3A_214 : i32 to vector<16xi32>
      %ge3A_216 = arith.cmpi sge, %ge3A_215, %gather3A : vector<16xi32>
      %lt3A_217 = vector.broadcast %add3A_214 : i32 to vector<16xi32>
      %lt3A_218 = arith.cmpi slt, %lt3A_217, %gather3A_123 : vector<16xi32>
      %and3A_219 = arith.andi %ge3A_216, %lt3A_218 : vector<16xi1>
      %ge3A_220 = vector.broadcast %add3A_214 : i32 to vector<16xi32>
      %ge3A_221 = arith.cmpi sge, %ge3A_220, %gather3A_126 : vector<16xi32>
      %lt3A_222 = vector.broadcast %add3A_214 : i32 to vector<16xi32>
      %lt3A_223 = arith.cmpi slt, %lt3A_222, %gather3A_129 : vector<16xi32>
      %and3A_224 = arith.andi %ge3A_221, %lt3A_223 : vector<16xi1>
      %jit3A_225 = arith.constant 0 : i32
      %broadcast_in_dim3A_226 = vector.broadcast %shift_left3A_130 : i32 to vector<16xi32>
      %broadcast_in_dim3A_227 = vector.broadcast %jit3A_225 : i32 to vector<16xi32>
      %select_n3A_228 = arith.select %and3A_219, %broadcast_in_dim3A_226, %broadcast_in_dim3A_227 : vector<16xi1>, vector<16xi32>
      %or3A_229 = arith.ori %scan3A_111, %select_n3A_228 : vector<16xi32>
      %jit3A_230 = arith.constant 0 : i32
      %broadcast_in_dim3A_231 = vector.broadcast %shift_left3A_130 : i32 to vector<16xi32>
      %broadcast_in_dim3A_232 = vector.broadcast %jit3A_230 : i32 to vector<16xi32>
      %select_n3A_233 = arith.select %and3A_224, %broadcast_in_dim3A_231, %broadcast_in_dim3A_232 : vector<16xi1>, vector<16xi32>
      %or3A_234 = arith.ori %scan3A_112, %select_n3A_233 : vector<16xi32>
      %add3A_235 = arith.constant 5 : i32
      %add3A_236 = arith.addi %mul3A_13, %add3A_235 : i32
      %ge3A_237 = vector.broadcast %add3A_236 : i32 to vector<16xi32>
      %ge3A_238 = arith.cmpi sge, %ge3A_237, %gather3A : vector<16xi32>
      %lt3A_239 = vector.broadcast %add3A_236 : i32 to vector<16xi32>
      %lt3A_240 = arith.cmpi slt, %lt3A_239, %gather3A_123 : vector<16xi32>
      %and3A_241 = arith.andi %ge3A_238, %lt3A_240 : vector<16xi1>
      %ge3A_242 = vector.broadcast %add3A_236 : i32 to vector<16xi32>
      %ge3A_243 = arith.cmpi sge, %ge3A_242, %gather3A_126 : vector<16xi32>
      %lt3A_244 = vector.broadcast %add3A_236 : i32 to vector<16xi32>
      %lt3A_245 = arith.cmpi slt, %lt3A_244, %gather3A_129 : vector<16xi32>
      %and3A_246 = arith.andi %ge3A_243, %lt3A_245 : vector<16xi1>
      %jit3A_247 = arith.constant 0 : i32
      %broadcast_in_dim3A_248 = vector.broadcast %shift_left3A_130 : i32 to vector<16xi32>
      %broadcast_in_dim3A_249 = vector.broadcast %jit3A_247 : i32 to vector<16xi32>
      %select_n3A_250 = arith.select %and3A_241, %broadcast_in_dim3A_248, %broadcast_in_dim3A_249 : vector<16xi1>, vector<16xi32>
      %or3A_251 = arith.ori %scan3A_113, %select_n3A_250 : vector<16xi32>
      %jit3A_252 = arith.constant 0 : i32
      %broadcast_in_dim3A_253 = vector.broadcast %shift_left3A_130 : i32 to vector<16xi32>
      %broadcast_in_dim3A_254 = vector.broadcast %jit3A_252 : i32 to vector<16xi32>
      %select_n3A_255 = arith.select %and3A_246, %broadcast_in_dim3A_253, %broadcast_in_dim3A_254 : vector<16xi1>, vector<16xi32>
      %or3A_256 = arith.ori %scan3A_114, %select_n3A_255 : vector<16xi32>
      %add3A_257 = arith.constant 6 : i32
      %add3A_258 = arith.addi %mul3A_13, %add3A_257 : i32
      %ge3A_259 = vector.broadcast %add3A_258 : i32 to vector<16xi32>
      %ge3A_260 = arith.cmpi sge, %ge3A_259, %gather3A : vector<16xi32>
      %lt3A_261 = vector.broadcast %add3A_258 : i32 to vector<16xi32>
      %lt3A_262 = arith.cmpi slt, %lt3A_261, %gather3A_123 : vector<16xi32>
      %and3A_263 = arith.andi %ge3A_260, %lt3A_262 : vector<16xi1>
      %ge3A_264 = vector.broadcast %add3A_258 : i32 to vector<16xi32>
      %ge3A_265 = arith.cmpi sge, %ge3A_264, %gather3A_126 : vector<16xi32>
      %lt3A_266 = vector.broadcast %add3A_258 : i32 to vector<16xi32>
      %lt3A_267 = arith.cmpi slt, %lt3A_266, %gather3A_129 : vector<16xi32>
      %and3A_268 = arith.andi %ge3A_265, %lt3A_267 : vector<16xi1>
      %jit3A_269 = arith.constant 0 : i32
      %broadcast_in_dim3A_270 = vector.broadcast %shift_left3A_130 : i32 to vector<16xi32>
      %broadcast_in_dim3A_271 = vector.broadcast %jit3A_269 : i32 to vector<16xi32>
      %select_n3A_272 = arith.select %and3A_263, %broadcast_in_dim3A_270, %broadcast_in_dim3A_271 : vector<16xi1>, vector<16xi32>
      %or3A_273 = arith.ori %scan3A_115, %select_n3A_272 : vector<16xi32>
      %jit3A_274 = arith.constant 0 : i32
      %broadcast_in_dim3A_275 = vector.broadcast %shift_left3A_130 : i32 to vector<16xi32>
      %broadcast_in_dim3A_276 = vector.broadcast %jit3A_274 : i32 to vector<16xi32>
      %select_n3A_277 = arith.select %and3A_268, %broadcast_in_dim3A_275, %broadcast_in_dim3A_276 : vector<16xi1>, vector<16xi32>
      %or3A_278 = arith.ori %scan3A_116, %select_n3A_277 : vector<16xi32>
      %add3A_279 = arith.constant 7 : i32
      %add3A_280 = arith.addi %mul3A_13, %add3A_279 : i32
      %ge3A_281 = vector.broadcast %add3A_280 : i32 to vector<16xi32>
      %ge3A_282 = arith.cmpi sge, %ge3A_281, %gather3A : vector<16xi32>
      %lt3A_283 = vector.broadcast %add3A_280 : i32 to vector<16xi32>
      %lt3A_284 = arith.cmpi slt, %lt3A_283, %gather3A_123 : vector<16xi32>
      %and3A_285 = arith.andi %ge3A_282, %lt3A_284 : vector<16xi1>
      %ge3A_286 = vector.broadcast %add3A_280 : i32 to vector<16xi32>
      %ge3A_287 = arith.cmpi sge, %ge3A_286, %gather3A_126 : vector<16xi32>
      %lt3A_288 = vector.broadcast %add3A_280 : i32 to vector<16xi32>
      %lt3A_289 = arith.cmpi slt, %lt3A_288, %gather3A_129 : vector<16xi32>
      %and3A_290 = arith.andi %ge3A_287, %lt3A_289 : vector<16xi1>
      %jit3A_291 = arith.constant 0 : i32
      %broadcast_in_dim3A_292 = vector.broadcast %shift_left3A_130 : i32 to vector<16xi32>
      %broadcast_in_dim3A_293 = vector.broadcast %jit3A_291 : i32 to vector<16xi32>
      %select_n3A_294 = arith.select %and3A_285, %broadcast_in_dim3A_292, %broadcast_in_dim3A_293 : vector<16xi1>, vector<16xi32>
      %or3A_295 = arith.ori %scan3A_117, %select_n3A_294 : vector<16xi32>
      %jit3A_296 = arith.constant 0 : i32
      %broadcast_in_dim3A_297 = vector.broadcast %shift_left3A_130 : i32 to vector<16xi32>
      %broadcast_in_dim3A_298 = vector.broadcast %jit3A_296 : i32 to vector<16xi32>
      %select_n3A_299 = arith.select %and3A_290, %broadcast_in_dim3A_297, %broadcast_in_dim3A_298 : vector<16xi1>, vector<16xi32>
      %or3A_300 = arith.ori %scan3A_118, %select_n3A_299 : vector<16xi32>
      scf.yield %or3A, %or3A_146, %or3A_163, %or3A_168, %or3A_185, %or3A_190, %or3A_207, %or3A_212, %or3A_229, %or3A_234, %or3A_251, %or3A_256, %or3A_273, %or3A_278, %or3A_295, %or3A_300 : vector<16xi32>, vector<16xi32>, vector<16xi32>, vector<16xi32>, vector<16xi32>, vector<16xi32>, vector<16xi32>, vector<16xi32>, vector<16xi32>, vector<16xi32>, vector<16xi32>, vector<16xi32>, vector<16xi32>, vector<16xi32>, vector<16xi32>, vector<16xi32>
    }
    %scan3A_20 = arith.constant 32 : i32
    %swap3A = arith.constant 0 : i32
    %swap3A_21 = arith.index_cast %swap3A : i32 to index
    %swap3A_22 = arith.constant 0 : index
    %swap3A_23 = tpu.vector_load %arg9[%swap3A_21, %swap3A_22] {strides = array<i32>} : memref<8x32xi32, #tpu.memory_space<vmem>>, vector<16xi32>,
    tpu.vector_store %arg9[%swap3A_21, %swap3A_22], %scan3A_19#0 {strides = array<i32>} : memref<8x32xi32, #tpu.memory_space<vmem>>, vector<16xi32>,
    %swap3A_24 = arith.constant 0 : i32
    %swap3A_25 = arith.index_cast %swap3A_24 : i32 to index
    %swap3A_26 = arith.constant 16 : index
    %swap3A_27 = tpu.vector_load %arg9[%swap3A_25, %swap3A_26] {strides = array<i32>} : memref<8x32xi32, #tpu.memory_space<vmem>>, vector<16xi32>,
    tpu.vector_store %arg9[%swap3A_25, %swap3A_26], %scan3A_19#1 {strides = array<i32>} : memref<8x32xi32, #tpu.memory_space<vmem>>, vector<16xi32>,
    %swap3A_28 = arith.constant 1 : i32
    %swap3A_29 = arith.index_cast %swap3A_28 : i32 to index
    %swap3A_30 = arith.constant 0 : index
    %swap3A_31 = tpu.vector_load %arg9[%swap3A_29, %swap3A_30] {strides = array<i32>} : memref<8x32xi32, #tpu.memory_space<vmem>>, vector<16xi32>,
    tpu.vector_store %arg9[%swap3A_29, %swap3A_30], %scan3A_19#2 {strides = array<i32>} : memref<8x32xi32, #tpu.memory_space<vmem>>, vector<16xi32>,
    %swap3A_32 = arith.constant 1 : i32
    %swap3A_33 = arith.index_cast %swap3A_32 : i32 to index
    %swap3A_34 = arith.constant 16 : index
    %swap3A_35 = tpu.vector_load %arg9[%swap3A_33, %swap3A_34] {strides = array<i32>} : memref<8x32xi32, #tpu.memory_space<vmem>>, vector<16xi32>,
    tpu.vector_store %arg9[%swap3A_33, %swap3A_34], %scan3A_19#3 {strides = array<i32>} : memref<8x32xi32, #tpu.memory_space<vmem>>, vector<16xi32>,
    %swap3A_36 = arith.constant 2 : i32
    %swap3A_37 = arith.index_cast %swap3A_36 : i32 to index
    %swap3A_38 = arith.constant 0 : index
    %swap3A_39 = tpu.vector_load %arg9[%swap3A_37, %swap3A_38] {strides = array<i32>} : memref<8x32xi32, #tpu.memory_space<vmem>>, vector<16xi32>,
    tpu.vector_store %arg9[%swap3A_37, %swap3A_38], %scan3A_19#4 {strides = array<i32>} : memref<8x32xi32, #tpu.memory_space<vmem>>, vector<16xi32>,
    %swap3A_40 = arith.constant 2 : i32
    %swap3A_41 = arith.index_cast %swap3A_40 : i32 to index
    %swap3A_42 = arith.constant 16 : index
    %swap3A_43 = tpu.vector_load %arg9[%swap3A_41, %swap3A_42] {strides = array<i32>} : memref<8x32xi32, #tpu.memory_space<vmem>>, vector<16xi32>,
    tpu.vector_store %arg9[%swap3A_41, %swap3A_42], %scan3A_19#5 {strides = array<i32>} : memref<8x32xi32, #tpu.memory_space<vmem>>, vector<16xi32>,
    %swap3A_44 = arith.constant 3 : i32
    %swap3A_45 = arith.index_cast %swap3A_44 : i32 to index
    %swap3A_46 = arith.constant 0 : index
    %swap3A_47 = tpu.vector_load %arg9[%swap3A_45, %swap3A_46] {strides = array<i32>} : memref<8x32xi32, #tpu.memory_space<vmem>>, vector<16xi32>,
    tpu.vector_store %arg9[%swap3A_45, %swap3A_46], %scan3A_19#6 {strides = array<i32>} : memref<8x32xi32, #tpu.memory_space<vmem>>, vector<16xi32>,
    %swap3A_48 = arith.constant 3 : i32
    %swap3A_49 = arith.index_cast %swap3A_48 : i32 to index
    %swap3A_50 = arith.constant 16 : index
    %swap3A_51 = tpu.vector_load %arg9[%swap3A_49, %swap3A_50] {strides = array<i32>} : memref<8x32xi32, #tpu.memory_space<vmem>>, vector<16xi32>,
    tpu.vector_store %arg9[%swap3A_49, %swap3A_50], %scan3A_19#7 {strides = array<i32>} : memref<8x32xi32, #tpu.memory_space<vmem>>, vector<16xi32>,
    %swap3A_52 = arith.constant 4 : i32
    %swap3A_53 = arith.index_cast %swap3A_52 : i32 to index
    %swap3A_54 = arith.constant 0 : index
    %swap3A_55 = tpu.vector_load %arg9[%swap3A_53, %swap3A_54] {strides = array<i32>} : memref<8x32xi32, #tpu.memory_space<vmem>>, vector<16xi32>,
    tpu.vector_store %arg9[%swap3A_53, %swap3A_54], %scan3A_19#8 {strides = array<i32>} : memref<8x32xi32, #tpu.memory_space<vmem>>, vector<16xi32>,
    %swap3A_56 = arith.constant 4 : i32
    %swap3A_57 = arith.index_cast %swap3A_56 : i32 to index
    %swap3A_58 = arith.constant 16 : index
    %swap3A_59 = tpu.vector_load %arg9[%swap3A_57, %swap3A_58] {strides = array<i32>} : memref<8x32xi32, #tpu.memory_space<vmem>>, vector<16xi32>,
    tpu.vector_store %arg9[%swap3A_57, %swap3A_58], %scan3A_19#9 {strides = array<i32>} : memref<8x32xi32, #tpu.memory_space<vmem>>, vector<16xi32>,
    %swap3A_60 = arith.constant 5 : i32
    %swap3A_61 = arith.index_cast %swap3A_60 : i32 to index
    %swap3A_62 = arith.constant 0 : index
    %swap3A_63 = tpu.vector_load %arg9[%swap3A_61, %swap3A_62] {strides = array<i32>} : memref<8x32xi32, #tpu.memory_space<vmem>>, vector<16xi32>,
    tpu.vector_store %arg9[%swap3A_61, %swap3A_62], %scan3A_19#10 {strides = array<i32>} : memref<8x32xi32, #tpu.memory_space<vmem>>, vector<16xi32>,
    %swap3A_64 = arith.constant 5 : i32
    %swap3A_65 = arith.index_cast %swap3A_64 : i32 to index
    %swap3A_66 = arith.constant 16 : index
    %swap3A_67 = tpu.vector_load %arg9[%swap3A_65, %swap3A_66] {strides = array<i32>} : memref<8x32xi32, #tpu.memory_space<vmem>>, vector<16xi32>,
    tpu.vector_store %arg9[%swap3A_65, %swap3A_66], %scan3A_19#11 {strides = array<i32>} : memref<8x32xi32, #tpu.memory_space<vmem>>, vector<16xi32>,
    %swap3A_68 = arith.constant 6 : i32
    %swap3A_69 = arith.index_cast %swap3A_68 : i32 to index
    %swap3A_70 = arith.constant 0 : index
    %swap3A_71 = tpu.vector_load %arg9[%swap3A_69, %swap3A_70] {strides = array<i32>} : memref<8x32xi32, #tpu.memory_space<vmem>>, vector<16xi32>,
    tpu.vector_store %arg9[%swap3A_69, %swap3A_70], %scan3A_19#12 {strides = array<i32>} : memref<8x32xi32, #tpu.memory_space<vmem>>, vector<16xi32>,
    %swap3A_72 = arith.constant 6 : i32
    %swap3A_73 = arith.index_cast %swap3A_72 : i32 to index
    %swap3A_74 = arith.constant 16 : index
    %swap3A_75 = tpu.vector_load %arg9[%swap3A_73, %swap3A_74] {strides = array<i32>} : memref<8x32xi32, #tpu.memory_space<vmem>>, vector<16xi32>,
    tpu.vector_store %arg9[%swap3A_73, %swap3A_74], %scan3A_19#13 {strides = array<i32>} : memref<8x32xi32, #tpu.memory_space<vmem>>, vector<16xi32>,
    %swap3A_76 = arith.constant 7 : i32
    %swap3A_77 = arith.index_cast %swap3A_76 : i32 to index
    %swap3A_78 = arith.constant 0 : index
    %swap3A_79 = tpu.vector_load %arg9[%swap3A_77, %swap3A_78] {strides = array<i32>} : memref<8x32xi32, #tpu.memory_space<vmem>>, vector<16xi32>,
    tpu.vector_store %arg9[%swap3A_77, %swap3A_78], %scan3A_19#14 {strides = array<i32>} : memref<8x32xi32, #tpu.memory_space<vmem>>, vector<16xi32>,
    %swap3A_80 = arith.constant 7 : i32
    %swap3A_81 = arith.index_cast %swap3A_80 : i32 to index
    %swap3A_82 = arith.constant 16 : index
    %swap3A_83 = tpu.vector_load %arg9[%swap3A_81, %swap3A_82] {strides = array<i32>} : memref<8x32xi32, #tpu.memory_space<vmem>>, vector<16xi32>,
    tpu.vector_store %arg9[%swap3A_81, %swap3A_82], %scan3A_19#15 {strides = array<i32>} : memref<8x32xi32, #tpu.memory_space<vmem>>, vector<16xi32>,
    %mul3A_84 = arith.constant 16 : i32
    %mul3A_85 = arith.muli %arg1, %mul3A_84 : i32
    %add3A_86 = vector.broadcast %mul3A_85 : i32 to vector<16xi32>
    %add3A_87 = arith.addi %iota3A, %add3A_86 : vector<16xi32>
    %scan3A_88 = arith.constant 0 : i32
    %scan3A_89 = arith.constant 0 : i32
    %scan3A_90 = arith.constant 32 : i32
    %scan3A_91 = arith.addi %scan3A_89, %scan3A_90 : i32
    %scan3A_92 = arith.constant 1 : i32
    scf.for %scan3A_102 = %scan3A_89 to %scan3A_91 step %scan3A_92  : i32 {
      %broadcast_in_dim3A_103 = arith.constant 0 : i32
      %broadcast_in_dim3A_104 = vector.broadcast %broadcast_in_dim3A_103 : i32 to vector<16xi32>
      %broadcast_in_dim3A_105 = arith.constant 0 : i32
      %broadcast_in_dim3A_106 = vector.broadcast %broadcast_in_dim3A_105 : i32 to vector<16xi32>
      %mul3A_107 = arith.constant 32 : i32
      %mul3A_108 = arith.muli %scan3A_102, %mul3A_107 : i32
      %add3A_109 = arith.constant 0 : i32
      %add3A_110 = arith.addi %mul3A_108, %add3A_109 : i32
      %get3A = arith.index_cast %add3A_110 : i32 to index
      %get3A_111 = tpu.vector_load %arg6[%get3A] {strides = array<i32>} : memref<1024xi32, #tpu.memory_space<vmem>>, vector<16xi32>,
      %mul3A_112 = arith.constant 32 : i32
      %mul3A_113 = arith.muli %scan3A_102, %mul3A_112 : i32
      %add3A_114 = arith.constant 0 : i32
      %add3A_115 = arith.addi %mul3A_113, %add3A_114 : i32
      %get3A_116 = arith.index_cast %add3A_115 : i32 to index
      %get3A_117 = tpu.vector_load %arg8[%get3A_116] {strides = array<i32>} : memref<1024xi32, #tpu.memory_space<vmem>>, vector<16xi32>,
      %broadcast_in_dim3A_118 = arith.constant 0 : i32
      %broadcast_in_dim3A_119 = vector.broadcast %broadcast_in_dim3A_118 : i32 to vector<16xi32>
      %lt3A = arith.constant 0 : i32
      %lt3A_120 = vector.broadcast %lt3A : i32 to vector<16xi32>
      %lt3A_121 = arith.cmpi slt, %broadcast_in_dim3A_119, %lt3A_120 : vector<16xi32>
      %add3A_122 = arith.constant 16 : i32
      %add3A_123 = vector.broadcast %add3A_122 : i32 to vector<16xi32>
      %add3A_124 = arith.addi %broadcast_in_dim3A_119, %add3A_123 : vector<16xi32>
      %select_n3A = arith.select %lt3A_121, %add3A_124, %broadcast_in_dim3A_119 : vector<16xi1>, vector<16xi32>
      %broadcast_in_dim3A_125 = vector.shape_cast %select_n3A : vector<16xi32> to vector<16x1xi32>
      %gather3A = vector.shape_cast %broadcast_in_dim3A_125 : vector<16x1xi32> to vector<16xi32>
      %gather3A_126 = tpu.dynamic_gather %get3A_111[%gather3A] in [0] : vector<16xi32>, vector<16xi32> -> vector<16xi32>
      %lt3A_127 = arith.constant 0 : i32
      %lt3A_128 = vector.broadcast %lt3A_127 : i32 to vector<16xi32>
      %lt3A_129 = arith.cmpi slt, %broadcast_in_dim3A_119, %lt3A_128 : vector<16xi32>
      %add3A_130 = arith.constant 16 : i32
      %add3A_131 = vector.broadcast %add3A_130 : i32 to vector<16xi32>
      %add3A_132 = arith.addi %broadcast_in_dim3A_119, %add3A_131 : vector<16xi32>
      %select_n3A_133 = arith.select %lt3A_129, %add3A_132, %broadcast_in_dim3A_119 : vector<16xi1>, vector<16xi32>
      %broadcast_in_dim3A_134 = vector.shape_cast %select_n3A_133 : vector<16xi32> to vector<16x1xi32>
      %gather3A_135 = vector.shape_cast %broadcast_in_dim3A_134 : vector<16x1xi32> to vector<16xi32>
      %gather3A_136 = tpu.dynamic_gather %get3A_117[%gather3A_135] in [0] : vector<16xi32>, vector<16xi32> -> vector<16xi32>
      %ge3A = arith.cmpi sge, %add3A_87, %gather3A_126 : vector<16xi32>
      %lt3A_137 = arith.cmpi slt, %add3A_87, %gather3A_136 : vector<16xi32>
      %and3A = arith.andi %ge3A, %lt3A_137 : vector<16xi1>
      %jit3A = arith.constant 1 : i32
      %jit3A_138 = arith.constant 0 : i32
      %broadcast_in_dim3A_139 = vector.broadcast %jit3A : i32 to vector<16xi32>
      %broadcast_in_dim3A_140 = vector.broadcast %jit3A_138 : i32 to vector<16xi32>
      %select_n3A_141 = arith.select %and3A, %broadcast_in_dim3A_139, %broadcast_in_dim3A_140 : vector<16xi1>, vector<16xi32>
      %or3A = arith.ori %broadcast_in_dim3A_104, %select_n3A_141 : vector<16xi32>
      %broadcast_in_dim3A_142 = arith.constant 1 : i32
      %broadcast_in_dim3A_143 = vector.broadcast %broadcast_in_dim3A_142 : i32 to vector<16xi32>
      %lt3A_144 = arith.constant 0 : i32
      %lt3A_145 = vector.broadcast %lt3A_144 : i32 to vector<16xi32>
      %lt3A_146 = arith.cmpi slt, %broadcast_in_dim3A_143, %lt3A_145 : vector<16xi32>
      %add3A_147 = arith.constant 16 : i32
      %add3A_148 = vector.broadcast %add3A_147 : i32 to vector<16xi32>
      %add3A_149 = arith.addi %broadcast_in_dim3A_143, %add3A_148 : vector<16xi32>
      %select_n3A_150 = arith.select %lt3A_146, %add3A_149, %broadcast_in_dim3A_143 : vector<16xi1>, vector<16xi32>
      %broadcast_in_dim3A_151 = vector.shape_cast %select_n3A_150 : vector<16xi32> to vector<16x1xi32>
      %gather3A_152 = vector.shape_cast %broadcast_in_dim3A_151 : vector<16x1xi32> to vector<16xi32>
      %gather3A_153 = tpu.dynamic_gather %get3A_111[%gather3A_152] in [0] : vector<16xi32>, vector<16xi32> -> vector<16xi32>
      %lt3A_154 = arith.constant 0 : i32
      %lt3A_155 = vector.broadcast %lt3A_154 : i32 to vector<16xi32>
      %lt3A_156 = arith.cmpi slt, %broadcast_in_dim3A_143, %lt3A_155 : vector<16xi32>
      %add3A_157 = arith.constant 16 : i32
      %add3A_158 = vector.broadcast %add3A_157 : i32 to vector<16xi32>
      %add3A_159 = arith.addi %broadcast_in_dim3A_143, %add3A_158 : vector<16xi32>
      %select_n3A_160 = arith.select %lt3A_156, %add3A_159, %broadcast_in_dim3A_143 : vector<16xi1>, vector<16xi32>
      %broadcast_in_dim3A_161 = vector.shape_cast %select_n3A_160 : vector<16xi32> to vector<16x1xi32>
      %gather3A_162 = vector.shape_cast %broadcast_in_dim3A_161 : vector<16x1xi32> to vector<16xi32>
      %gather3A_163 = tpu.dynamic_gather %get3A_117[%gather3A_162] in [0] : vector<16xi32>, vector<16xi32> -> vector<16xi32>
      %ge3A_164 = arith.cmpi sge, %add3A_87, %gather3A_153 : vector<16xi32>
      %lt3A_165 = arith.cmpi slt, %add3A_87, %gather3A_163 : vector<16xi32>
      %and3A_166 = arith.andi %ge3A_164, %lt3A_165 : vector<16xi1>
      %jit3A_167 = arith.constant 2 : i32
      %jit3A_168 = arith.constant 0 : i32
      %broadcast_in_dim3A_169 = vector.broadcast %jit3A_167 : i32 to vector<16xi32>
      %broadcast_in_dim3A_170 = vector.broadcast %jit3A_168 : i32 to vector<16xi32>
      %select_n3A_171 = arith.select %and3A_166, %broadcast_in_dim3A_169, %broadcast_in_dim3A_170 : vector<16xi1>, vector<16xi32>
      %or3A_172 = arith.ori %broadcast_in_dim3A_106, %select_n3A_171 : vector<16xi32>
      %broadcast_in_dim3A_173 = arith.constant 2 : i32
      %broadcast_in_dim3A_174 = vector.broadcast %broadcast_in_dim3A_173 : i32 to vector<16xi32>
      %lt3A_175 = arith.constant 0 : i32
      %lt3A_176 = vector.broadcast %lt3A_175 : i32 to vector<16xi32>
      %lt3A_177 = arith.cmpi slt, %broadcast_in_dim3A_174, %lt3A_176 : vector<16xi32>
      %add3A_178 = arith.constant 16 : i32
      %add3A_179 = vector.broadcast %add3A_178 : i32 to vector<16xi32>
      %add3A_180 = arith.addi %broadcast_in_dim3A_174, %add3A_179 : vector<16xi32>
      %select_n3A_181 = arith.select %lt3A_177, %add3A_180, %broadcast_in_dim3A_174 : vector<16xi1>, vector<16xi32>
      %broadcast_in_dim3A_182 = vector.shape_cast %select_n3A_181 : vector<16xi32> to vector<16x1xi32>
      %gather3A_183 = vector.shape_cast %broadcast_in_dim3A_182 : vector<16x1xi32> to vector<16xi32>
      %gather3A_184 = tpu.dynamic_gather %get3A_111[%gather3A_183] in [0] : vector<16xi32>, vector<16xi32> -> vector<16xi32>
      %lt3A_185 = arith.constant 0 : i32
      %lt3A_186 = vector.broadcast %lt3A_185 : i32 to vector<16xi32>
      %lt3A_187 = arith.cmpi slt, %broadcast_in_dim3A_174, %lt3A_186 : vector<16xi32>
      %add3A_188 = arith.constant 16 : i32
      %add3A_189 = vector.broadcast %add3A_188 : i32 to vector<16xi32>
      %add3A_190 = arith.addi %broadcast_in_dim3A_174, %add3A_189 : vector<16xi32>
      %select_n3A_191 = arith.select %lt3A_187, %add3A_190, %broadcast_in_dim3A_174 : vector<16xi1>, vector<16xi32>
      %broadcast_in_dim3A_192 = vector.shape_cast %select_n3A_191 : vector<16xi32> to vector<16x1xi32>
      %gather3A_193 = vector.shape_cast %broadcast_in_dim3A_192 : vector<16x1xi32> to vector<16xi32>
      %gather3A_194 = tpu.dynamic_gather %get3A_117[%gather3A_193] in [0] : vector<16xi32>, vector<16xi32> -> vector<16xi32>
      %ge3A_195 = arith.cmpi sge, %add3A_87, %gather3A_184 : vector<16xi32>
      %lt3A_196 = arith.cmpi slt, %add3A_87, %gather3A_194 : vector<16xi32>
      %and3A_197 = arith.andi %ge3A_195, %lt3A_196 : vector<16xi1>
      %jit3A_198 = arith.constant 4 : i32
      %jit3A_199 = arith.constant 0 : i32
      %broadcast_in_dim3A_200 = vector.broadcast %jit3A_198 : i32 to vector<16xi32>
      %broadcast_in_dim3A_201 = vector.broadcast %jit3A_199 : i32 to vector<16xi32>
      %select_n3A_202 = arith.select %and3A_197, %broadcast_in_dim3A_200, %broadcast_in_dim3A_201 : vector<16xi1>, vector<16xi32>
      %or3A_203 = arith.ori %or3A, %select_n3A_202 : vector<16xi32>
      %broadcast_in_dim3A_204 = arith.constant 3 : i32
      %broadcast_in_dim3A_205 = vector.broadcast %broadcast_in_dim3A_204 : i32 to vector<16xi32>
      %lt3A_206 = arith.constant 0 : i32
      %lt3A_207 = vector.broadcast %lt3A_206 : i32 to vector<16xi32>
      %lt3A_208 = arith.cmpi slt, %broadcast_in_dim3A_205, %lt3A_207 : vector<16xi32>
      %add3A_209 = arith.constant 16 : i32
      %add3A_210 = vector.broadcast %add3A_209 : i32 to vector<16xi32>
      %add3A_211 = arith.addi %broadcast_in_dim3A_205, %add3A_210 : vector<16xi32>
      %select_n3A_212 = arith.select %lt3A_208, %add3A_211, %broadcast_in_dim3A_205 : vector<16xi1>, vector<16xi32>
      %broadcast_in_dim3A_213 = vector.shape_cast %select_n3A_212 : vector<16xi32> to vector<16x1xi32>
      %gather3A_214 = vector.shape_cast %broadcast_in_dim3A_213 : vector<16x1xi32> to vector<16xi32>
      %gather3A_215 = tpu.dynamic_gather %get3A_111[%gather3A_214] in [0] : vector<16xi32>, vector<16xi32> -> vector<16xi32>
      %lt3A_216 = arith.constant 0 : i32
      %lt3A_217 = vector.broadcast %lt3A_216 : i32 to vector<16xi32>
      %lt3A_218 = arith.cmpi slt, %broadcast_in_dim3A_205, %lt3A_217 : vector<16xi32>
      %add3A_219 = arith.constant 16 : i32
      %add3A_220 = vector.broadcast %add3A_219 : i32 to vector<16xi32>
      %add3A_221 = arith.addi %broadcast_in_dim3A_205, %add3A_220 : vector<16xi32>
      %select_n3A_222 = arith.select %lt3A_218, %add3A_221, %broadcast_in_dim3A_205 : vector<16xi1>, vector<16xi32>
      %broadcast_in_dim3A_223 = vector.shape_cast %select_n3A_222 : vector<16xi32> to vector<16x1xi32>
      %gather3A_224 = vector.shape_cast %broadcast_in_dim3A_223 : vector<16x1xi32> to vector<16xi32>
      %gather3A_225 = tpu.dynamic_gather %get3A_117[%gather3A_224] in [0] : vector<16xi32>, vector<16xi32> -> vector<16xi32>
      %ge3A_226 = arith.cmpi sge, %add3A_87, %gather3A_215 : vector<16xi32>
      %lt3A_227 = arith.cmpi slt, %add3A_87, %gather3A_225 : vector<16xi32>
      %and3A_228 = arith.andi %ge3A_226, %lt3A_227 : vector<16xi1>
      %jit3A_229 = arith.constant 8 : i32
      %jit3A_230 = arith.constant 0 : i32
      %broadcast_in_dim3A_231 = vector.broadcast %jit3A_229 : i32 to vector<16xi32>
      %broadcast_in_dim3A_232 = vector.broadcast %jit3A_230 : i32 to vector<16xi32>
      %select_n3A_233 = arith.select %and3A_228, %broadcast_in_dim3A_231, %broadcast_in_dim3A_232 : vector<16xi1>, vector<16xi32>
      %or3A_234 = arith.ori %or3A_172, %select_n3A_233 : vector<16xi32>
      %broadcast_in_dim3A_235 = arith.constant 4 : i32
      %broadcast_in_dim3A_236 = vector.broadcast %broadcast_in_dim3A_235 : i32 to vector<16xi32>
      %lt3A_237 = arith.constant 0 : i32
      %lt3A_238 = vector.broadcast %lt3A_237 : i32 to vector<16xi32>
      %lt3A_239 = arith.cmpi slt, %broadcast_in_dim3A_236, %lt3A_238 : vector<16xi32>
      %add3A_240 = arith.constant 16 : i32
      %add3A_241 = vector.broadcast %add3A_240 : i32 to vector<16xi32>
      %add3A_242 = arith.addi %broadcast_in_dim3A_236, %add3A_241 : vector<16xi32>
      %select_n3A_243 = arith.select %lt3A_239, %add3A_242, %broadcast_in_dim3A_236 : vector<16xi1>, vector<16xi32>
      %broadcast_in_dim3A_244 = vector.shape_cast %select_n3A_243 : vector<16xi32> to vector<16x1xi32>
      %gather3A_245 = vector.shape_cast %broadcast_in_dim3A_244 : vector<16x1xi32> to vector<16xi32>
      %gather3A_246 = tpu.dynamic_gather %get3A_111[%gather3A_245] in [0] : vector<16xi32>, vector<16xi32> -> vector<16xi32>
      %lt3A_247 = arith.constant 0 : i32
      %lt3A_248 = vector.broadcast %lt3A_247 : i32 to vector<16xi32>
      %lt3A_249 = arith.cmpi slt, %broadcast_in_dim3A_236, %lt3A_248 : vector<16xi32>
      %add3A_250 = arith.constant 16 : i32
      %add3A_251 = vector.broadcast %add3A_250 : i32 to vector<16xi32>
      %add3A_252 = arith.addi %broadcast_in_dim3A_236, %add3A_251 : vector<16xi32>
      %select_n3A_253 = arith.select %lt3A_249, %add3A_252, %broadcast_in_dim3A_236 : vector<16xi1>, vector<16xi32>
      %broadcast_in_dim3A_254 = vector.shape_cast %select_n3A_253 : vector<16xi32> to vector<16x1xi32>
      %gather3A_255 = vector.shape_cast %broadcast_in_dim3A_254 : vector<16x1xi32> to vector<16xi32>
      %gather3A_256 = tpu.dynamic_gather %get3A_117[%gather3A_255] in [0] : vector<16xi32>, vector<16xi32> -> vector<16xi32>
      %ge3A_257 = arith.cmpi sge, %add3A_87, %gather3A_246 : vector<16xi32>
      %lt3A_258 = arith.cmpi slt, %add3A_87, %gather3A_256 : vector<16xi32>
      %and3A_259 = arith.andi %ge3A_257, %lt3A_258 : vector<16xi1>
      %jit3A_260 = arith.constant 16 : i32
      %jit3A_261 = arith.constant 0 : i32
      %broadcast_in_dim3A_262 = vector.broadcast %jit3A_260 : i32 to vector<16xi32>
      %broadcast_in_dim3A_263 = vector.broadcast %jit3A_261 : i32 to vector<16xi32>
      %select_n3A_264 = arith.select %and3A_259, %broadcast_in_dim3A_262, %broadcast_in_dim3A_263 : vector<16xi1>, vector<16xi32>
      %or3A_265 = arith.ori %or3A_203, %select_n3A_264 : vector<16xi32>
      %broadcast_in_dim3A_266 = arith.constant 5 : i32
      %broadcast_in_dim3A_267 = vector.broadcast %broadcast_in_dim3A_266 : i32 to vector<16xi32>
      %lt3A_268 = arith.constant 0 : i32
      %lt3A_269 = vector.broadcast %lt3A_268 : i32 to vector<16xi32>
      %lt3A_270 = arith.cmpi slt, %broadcast_in_dim3A_267, %lt3A_269 : vector<16xi32>
      %add3A_271 = arith.constant 16 : i32
      %add3A_272 = vector.broadcast %add3A_271 : i32 to vector<16xi32>
      %add3A_273 = arith.addi %broadcast_in_dim3A_267, %add3A_272 : vector<16xi32>
      %select_n3A_274 = arith.select %lt3A_270, %add3A_273, %broadcast_in_dim3A_267 : vector<16xi1>, vector<16xi32>
      %broadcast_in_dim3A_275 = vector.shape_cast %select_n3A_274 : vector<16xi32> to vector<16x1xi32>
      %gather3A_276 = vector.shape_cast %broadcast_in_dim3A_275 : vector<16x1xi32> to vector<16xi32>
      %gather3A_277 = tpu.dynamic_gather %get3A_111[%gather3A_276] in [0] : vector<16xi32>, vector<16xi32> -> vector<16xi32>
      %lt3A_278 = arith.constant 0 : i32
      %lt3A_279 = vector.broadcast %lt3A_278 : i32 to vector<16xi32>
      %lt3A_280 = arith.cmpi slt, %broadcast_in_dim3A_267, %lt3A_279 : vector<16xi32>
      %add3A_281 = arith.constant 16 : i32
      %add3A_282 = vector.broadcast %add3A_281 : i32 to vector<16xi32>
      %add3A_283 = arith.addi %broadcast_in_dim3A_267, %add3A_282 : vector<16xi32>
      %select_n3A_284 = arith.select %lt3A_280, %add3A_283, %broadcast_in_dim3A_267 : vector<16xi1>, vector<16xi32>
      %broadcast_in_dim3A_285 = vector.shape_cast %select_n3A_284 : vector<16xi32> to vector<16x1xi32>
      %gather3A_286 = vector.shape_cast %broadcast_in_dim3A_285 : vector<16x1xi32> to vector<16xi32>
      %gather3A_287 = tpu.dynamic_gather %get3A_117[%gather3A_286] in [0] : vector<16xi32>, vector<16xi32> -> vector<16xi32>
      %ge3A_288 = arith.cmpi sge, %add3A_87, %gather3A_277 : vector<16xi32>
      %lt3A_289 = arith.cmpi slt, %add3A_87, %gather3A_287 : vector<16xi32>
      %and3A_290 = arith.andi %ge3A_288, %lt3A_289 : vector<16xi1>
      %jit3A_291 = arith.constant 32 : i32
      %jit3A_292 = arith.constant 0 : i32
      %broadcast_in_dim3A_293 = vector.broadcast %jit3A_291 : i32 to vector<16xi32>
      %broadcast_in_dim3A_294 = vector.broadcast %jit3A_292 : i32 to vector<16xi32>
      %select_n3A_295 = arith.select %and3A_290, %broadcast_in_dim3A_293, %broadcast_in_dim3A_294 : vector<16xi1>, vector<16xi32>
      %or3A_296 = arith.ori %or3A_234, %select_n3A_295 : vector<16xi32>
      %broadcast_in_dim3A_297 = arith.constant 6 : i32
      %broadcast_in_dim3A_298 = vector.broadcast %broadcast_in_dim3A_297 : i32 to vector<16xi32>
      %lt3A_299 = arith.constant 0 : i32
      %lt3A_300 = vector.broadcast %lt3A_299 : i32 to vector<16xi32>
      %lt3A_301 = arith.cmpi slt, %broadcast_in_dim3A_298, %lt3A_300 : vector<16xi32>
      %add3A_302 = arith.constant 16 : i32
      %add3A_303 = vector.broadcast %add3A_302 : i32 to vector<16xi32>
      %add3A_304 = arith.addi %broadcast_in_dim3A_298, %add3A_303 : vector<16xi32>
      %select_n3A_305 = arith.select %lt3A_301, %add3A_304, %broadcast_in_dim3A_298 : vector<16xi1>, vector<16xi32>
      %broadcast_in_dim3A_306 = vector.shape_cast %select_n3A_305 : vector<16xi32> to vector<16x1xi32>
      %gather3A_307 = vector.shape_cast %broadcast_in_dim3A_306 : vector<16x1xi32> to vector<16xi32>
      %gather3A_308 = tpu.dynamic_gather %get3A_111[%gather3A_307] in [0] : vector<16xi32>, vector<16xi32> -> vector<16xi32>
      %lt3A_309 = arith.constant 0 : i32
      %lt3A_310 = vector.broadcast %lt3A_309 : i32 to vector<16xi32>
      %lt3A_311 = arith.cmpi slt, %broadcast_in_dim3A_298, %lt3A_310 : vector<16xi32>
      %add3A_312 = arith.constant 16 : i32
      %add3A_313 = vector.broadcast %add3A_312 : i32 to vector<16xi32>
      %add3A_314 = arith.addi %broadcast_in_dim3A_298, %add3A_313 : vector<16xi32>
      %select_n3A_315 = arith.select %lt3A_311, %add3A_314, %broadcast_in_dim3A_298 : vector<16xi1>, vector<16xi32>
      %broadcast_in_dim3A_316 = vector.shape_cast %select_n3A_315 : vector<16xi32> to vector<16x1xi32>
      %gather3A_317 = vector.shape_cast %broadcast_in_dim3A_316 : vector<16x1xi32> to vector<16xi32>
      %gather3A_318 = tpu.dynamic_gather %get3A_117[%gather3A_317] in [0] : vector<16xi32>, vector<16xi32> -> vector<16xi32>
      %ge3A_319 = arith.cmpi sge, %add3A_87, %gather3A_308 : vector<16xi32>
      %lt3A_320 = arith.cmpi slt, %add3A_87, %gather3A_318 : vector<16xi32>
      %and3A_321 = arith.andi %ge3A_319, %lt3A_320 : vector<16xi1>
      %jit3A_322 = arith.constant 64 : i32
      %jit3A_323 = arith.constant 0 : i32
      %broadcast_in_dim3A_324 = vector.broadcast %jit3A_322 : i32 to vector<16xi32>
      %broadcast_in_dim3A_325 = vector.broadcast %jit3A_323 : i32 to vector<16xi32>
      %select_n3A_326 = arith.select %and3A_321, %broadcast_in_dim3A_324, %broadcast_in_dim3A_325 : vector<16xi1>, vector<16xi32>
      %or3A_327 = arith.ori %or3A_265, %select_n3A_326 : vector<16xi32>
      %broadcast_in_dim3A_328 = arith.constant 7 : i32
      %broadcast_in_dim3A_329 = vector.broadcast %broadcast_in_dim3A_328 : i32 to vector<16xi32>
      %lt3A_330 = arith.constant 0 : i32
      %lt3A_331 = vector.broadcast %lt3A_330 : i32 to vector<16xi32>
      %lt3A_332 = arith.cmpi slt, %broadcast_in_dim3A_329, %lt3A_331 : vector<16xi32>
      %add3A_333 = arith.constant 16 : i32
      %add3A_334 = vector.broadcast %add3A_333 : i32 to vector<16xi32>
      %add3A_335 = arith.addi %broadcast_in_dim3A_329, %add3A_334 : vector<16xi32>
      %select_n3A_336 = arith.select %lt3A_332, %add3A_335, %broadcast_in_dim3A_329 : vector<16xi1>, vector<16xi32>
      %broadcast_in_dim3A_337 = vector.shape_cast %select_n3A_336 : vector<16xi32> to vector<16x1xi32>
      %gather3A_338 = vector.shape_cast %broadcast_in_dim3A_337 : vector<16x1xi32> to vector<16xi32>
      %gather3A_339 = tpu.dynamic_gather %get3A_111[%gather3A_338] in [0] : vector<16xi32>, vector<16xi32> -> vector<16xi32>
      %lt3A_340 = arith.constant 0 : i32
      %lt3A_341 = vector.broadcast %lt3A_340 : i32 to vector<16xi32>
      %lt3A_342 = arith.cmpi slt, %broadcast_in_dim3A_329, %lt3A_341 : vector<16xi32>
      %add3A_343 = arith.constant 16 : i32
      %add3A_344 = vector.broadcast %add3A_343 : i32 to vector<16xi32>
      %add3A_345 = arith.addi %broadcast_in_dim3A_329, %add3A_344 : vector<16xi32>
      %select_n3A_346 = arith.select %lt3A_342, %add3A_345, %broadcast_in_dim3A_329 : vector<16xi1>, vector<16xi32>
      %broadcast_in_dim3A_347 = vector.shape_cast %select_n3A_346 : vector<16xi32> to vector<16x1xi32>
      %gather3A_348 = vector.shape_cast %broadcast_in_dim3A_347 : vector<16x1xi32> to vector<16xi32>
      %gather3A_349 = tpu.dynamic_gather %get3A_117[%gather3A_348] in [0] : vector<16xi32>, vector<16xi32> -> vector<16xi32>
      %ge3A_350 = arith.cmpi sge, %add3A_87, %gather3A_339 : vector<16xi32>
      %lt3A_351 = arith.cmpi slt, %add3A_87, %gather3A_349 : vector<16xi32>
      %and3A_352 = arith.andi %ge3A_350, %lt3A_351 : vector<16xi1>
      %jit3A_353 = arith.constant 128 : i32
      %jit3A_354 = arith.constant 0 : i32
      %broadcast_in_dim3A_355 = vector.broadcast %jit3A_353 : i32 to vector<16xi32>
      %broadcast_in_dim3A_356 = vector.broadcast %jit3A_354 : i32 to vector<16xi32>
      %select_n3A_357 = arith.select %and3A_352, %broadcast_in_dim3A_355, %broadcast_in_dim3A_356 : vector<16xi1>, vector<16xi32>
      %or3A_358 = arith.ori %or3A_296, %select_n3A_357 : vector<16xi32>
      %broadcast_in_dim3A_359 = arith.constant 8 : i32
      %broadcast_in_dim3A_360 = vector.broadcast %broadcast_in_dim3A_359 : i32 to vector<16xi32>
      %lt3A_361 = arith.constant 0 : i32
      %lt3A_362 = vector.broadcast %lt3A_361 : i32 to vector<16xi32>
      %lt3A_363 = arith.cmpi slt, %broadcast_in_dim3A_360, %lt3A_362 : vector<16xi32>
      %add3A_364 = arith.constant 16 : i32
      %add3A_365 = vector.broadcast %add3A_364 : i32 to vector<16xi32>
      %add3A_366 = arith.addi %broadcast_in_dim3A_360, %add3A_365 : vector<16xi32>
      %select_n3A_367 = arith.select %lt3A_363, %add3A_366, %broadcast_in_dim3A_360 : vector<16xi1>, vector<16xi32>
      %broadcast_in_dim3A_368 = vector.shape_cast %select_n3A_367 : vector<16xi32> to vector<16x1xi32>
      %gather3A_369 = vector.shape_cast %broadcast_in_dim3A_368 : vector<16x1xi32> to vector<16xi32>
      %gather3A_370 = tpu.dynamic_gather %get3A_111[%gather3A_369] in [0] : vector<16xi32>, vector<16xi32> -> vector<16xi32>
      %lt3A_371 = arith.constant 0 : i32
      %lt3A_372 = vector.broadcast %lt3A_371 : i32 to vector<16xi32>
      %lt3A_373 = arith.cmpi slt, %broadcast_in_dim3A_360, %lt3A_372 : vector<16xi32>
      %add3A_374 = arith.constant 16 : i32
      %add3A_375 = vector.broadcast %add3A_374 : i32 to vector<16xi32>
      %add3A_376 = arith.addi %broadcast_in_dim3A_360, %add3A_375 : vector<16xi32>
      %select_n3A_377 = arith.select %lt3A_373, %add3A_376, %broadcast_in_dim3A_360 : vector<16xi1>, vector<16xi32>
      %broadcast_in_dim3A_378 = vector.shape_cast %select_n3A_377 : vector<16xi32> to vector<16x1xi32>
      %gather3A_379 = vector.shape_cast %broadcast_in_dim3A_378 : vector<16x1xi32> to vector<16xi32>
      %gather3A_380 = tpu.dynamic_gather %get3A_117[%gather3A_379] in [0] : vector<16xi32>, vector<16xi32> -> vector<16xi32>
      %ge3A_381 = arith.cmpi sge, %add3A_87, %gather3A_370 : vector<16xi32>
      %lt3A_382 = arith.cmpi slt, %add3A_87, %gather3A_380 : vector<16xi32>
      %and3A_383 = arith.andi %ge3A_381, %lt3A_382 : vector<16xi1>
      %jit3A_384 = arith.constant 256 : i32
      %jit3A_385 = arith.constant 0 : i32
      %broadcast_in_dim3A_386 = vector.broadcast %jit3A_384 : i32 to vector<16xi32>
      %broadcast_in_dim3A_387 = vector.broadcast %jit3A_385 : i32 to vector<16xi32>
      %select_n3A_388 = arith.select %and3A_383, %broadcast_in_dim3A_386, %broadcast_in_dim3A_387 : vector<16xi1>, vector<16xi32>
      %or3A_389 = arith.ori %or3A_327, %select_n3A_388 : vector<16xi32>
      %broadcast_in_dim3A_390 = arith.constant 9 : i32
      %broadcast_in_dim3A_391 = vector.broadcast %broadcast_in_dim3A_390 : i32 to vector<16xi32>
      %lt3A_392 = arith.constant 0 : i32
      %lt3A_393 = vector.broadcast %lt3A_392 : i32 to vector<16xi32>
      %lt3A_394 = arith.cmpi slt, %broadcast_in_dim3A_391, %lt3A_393 : vector<16xi32>
      %add3A_395 = arith.constant 16 : i32
      %add3A_396 = vector.broadcast %add3A_395 : i32 to vector<16xi32>
      %add3A_397 = arith.addi %broadcast_in_dim3A_391, %add3A_396 : vector<16xi32>
      %select_n3A_398 = arith.select %lt3A_394, %add3A_397, %broadcast_in_dim3A_391 : vector<16xi1>, vector<16xi32>
      %broadcast_in_dim3A_399 = vector.shape_cast %select_n3A_398 : vector<16xi32> to vector<16x1xi32>
      %gather3A_400 = vector.shape_cast %broadcast_in_dim3A_399 : vector<16x1xi32> to vector<16xi32>
      %gather3A_401 = tpu.dynamic_gather %get3A_111[%gather3A_400] in [0] : vector<16xi32>, vector<16xi32> -> vector<16xi32>
      %lt3A_402 = arith.constant 0 : i32
      %lt3A_403 = vector.broadcast %lt3A_402 : i32 to vector<16xi32>
      %lt3A_404 = arith.cmpi slt, %broadcast_in_dim3A_391, %lt3A_403 : vector<16xi32>
      %add3A_405 = arith.constant 16 : i32
      %add3A_406 = vector.broadcast %add3A_405 : i32 to vector<16xi32>
      %add3A_407 = arith.addi %broadcast_in_dim3A_391, %add3A_406 : vector<16xi32>
      %select_n3A_408 = arith.select %lt3A_404, %add3A_407, %broadcast_in_dim3A_391 : vector<16xi1>, vector<16xi32>
      %broadcast_in_dim3A_409 = vector.shape_cast %select_n3A_408 : vector<16xi32> to vector<16x1xi32>
      %gather3A_410 = vector.shape_cast %broadcast_in_dim3A_409 : vector<16x1xi32> to vector<16xi32>
      %gather3A_411 = tpu.dynamic_gather %get3A_117[%gather3A_410] in [0] : vector<16xi32>, vector<16xi32> -> vector<16xi32>
      %ge3A_412 = arith.cmpi sge, %add3A_87, %gather3A_401 : vector<16xi32>
      %lt3A_413 = arith.cmpi slt, %add3A_87, %gather3A_411 : vector<16xi32>
      %and3A_414 = arith.andi %ge3A_412, %lt3A_413 : vector<16xi1>
      %jit3A_415 = arith.constant 512 : i32
      %jit3A_416 = arith.constant 0 : i32
      %broadcast_in_dim3A_417 = vector.broadcast %jit3A_415 : i32 to vector<16xi32>
      %broadcast_in_dim3A_418 = vector.broadcast %jit3A_416 : i32 to vector<16xi32>
      %select_n3A_419 = arith.select %and3A_414, %broadcast_in_dim3A_417, %broadcast_in_dim3A_418 : vector<16xi1>, vector<16xi32>
      %or3A_420 = arith.ori %or3A_358, %select_n3A_419 : vector<16xi32>
      %broadcast_in_dim3A_421 = arith.constant 10 : i32
      %broadcast_in_dim3A_422 = vector.broadcast %broadcast_in_dim3A_421 : i32 to vector<16xi32>
      %lt3A_423 = arith.constant 0 : i32
      %lt3A_424 = vector.broadcast %lt3A_423 : i32 to vector<16xi32>
      %lt3A_425 = arith.cmpi slt, %broadcast_in_dim3A_422, %lt3A_424 : vector<16xi32>
      %add3A_426 = arith.constant 16 : i32
      %add3A_427 = vector.broadcast %add3A_426 : i32 to vector<16xi32>
      %add3A_428 = arith.addi %broadcast_in_dim3A_422, %add3A_427 : vector<16xi32>
      %select_n3A_429 = arith.select %lt3A_425, %add3A_428, %broadcast_in_dim3A_422 : vector<16xi1>, vector<16xi32>
      %broadcast_in_dim3A_430 = vector.shape_cast %select_n3A_429 : vector<16xi32> to vector<16x1xi32>
      %gather3A_431 = vector.shape_cast %broadcast_in_dim3A_430 : vector<16x1xi32> to vector<16xi32>
      %gather3A_432 = tpu.dynamic_gather %get3A_111[%gather3A_431] in [0] : vector<16xi32>, vector<16xi32> -> vector<16xi32>
      %lt3A_433 = arith.constant 0 : i32
      %lt3A_434 = vector.broadcast %lt3A_433 : i32 to vector<16xi32>
      %lt3A_435 = arith.cmpi slt, %broadcast_in_dim3A_422, %lt3A_434 : vector<16xi32>
      %add3A_436 = arith.constant 16 : i32
      %add3A_437 = vector.broadcast %add3A_436 : i32 to vector<16xi32>
      %add3A_438 = arith.addi %broadcast_in_dim3A_422, %add3A_437 : vector<16xi32>
      %select_n3A_439 = arith.select %lt3A_435, %add3A_438, %broadcast_in_dim3A_422 : vector<16xi1>, vector<16xi32>
      %broadcast_in_dim3A_440 = vector.shape_cast %select_n3A_439 : vector<16xi32> to vector<16x1xi32>
      %gather3A_441 = vector.shape_cast %broadcast_in_dim3A_440 : vector<16x1xi32> to vector<16xi32>
      %gather3A_442 = tpu.dynamic_gather %get3A_117[%gather3A_441] in [0] : vector<16xi32>, vector<16xi32> -> vector<16xi32>
      %ge3A_443 = arith.cmpi sge, %add3A_87, %gather3A_432 : vector<16xi32>
      %lt3A_444 = arith.cmpi slt, %add3A_87, %gather3A_442 : vector<16xi32>
      %and3A_445 = arith.andi %ge3A_443, %lt3A_444 : vector<16xi1>
      %jit3A_446 = arith.constant 1024 : i32
      %jit3A_447 = arith.constant 0 : i32
      %broadcast_in_dim3A_448 = vector.broadcast %jit3A_446 : i32 to vector<16xi32>
      %broadcast_in_dim3A_449 = vector.broadcast %jit3A_447 : i32 to vector<16xi32>
      %select_n3A_450 = arith.select %and3A_445, %broadcast_in_dim3A_448, %broadcast_in_dim3A_449 : vector<16xi1>, vector<16xi32>
      %or3A_451 = arith.ori %or3A_389, %select_n3A_450 : vector<16xi32>
      %broadcast_in_dim3A_452 = arith.constant 11 : i32
      %broadcast_in_dim3A_453 = vector.broadcast %broadcast_in_dim3A_452 : i32 to vector<16xi32>
      %lt3A_454 = arith.constant 0 : i32
      %lt3A_455 = vector.broadcast %lt3A_454 : i32 to vector<16xi32>
      %lt3A_456 = arith.cmpi slt, %broadcast_in_dim3A_453, %lt3A_455 : vector<16xi32>
      %add3A_457 = arith.constant 16 : i32
      %add3A_458 = vector.broadcast %add3A_457 : i32 to vector<16xi32>
      %add3A_459 = arith.addi %broadcast_in_dim3A_453, %add3A_458 : vector<16xi32>
      %select_n3A_460 = arith.select %lt3A_456, %add3A_459, %broadcast_in_dim3A_453 : vector<16xi1>, vector<16xi32>
      %broadcast_in_dim3A_461 = vector.shape_cast %select_n3A_460 : vector<16xi32> to vector<16x1xi32>
      %gather3A_462 = vector.shape_cast %broadcast_in_dim3A_461 : vector<16x1xi32> to vector<16xi32>
      %gather3A_463 = tpu.dynamic_gather %get3A_111[%gather3A_462] in [0] : vector<16xi32>, vector<16xi32> -> vector<16xi32>
      %lt3A_464 = arith.constant 0 : i32
      %lt3A_465 = vector.broadcast %lt3A_464 : i32 to vector<16xi32>
      %lt3A_466 = arith.cmpi slt, %broadcast_in_dim3A_453, %lt3A_465 : vector<16xi32>
      %add3A_467 = arith.constant 16 : i32
      %add3A_468 = vector.broadcast %add3A_467 : i32 to vector<16xi32>
      %add3A_469 = arith.addi %broadcast_in_dim3A_453, %add3A_468 : vector<16xi32>
      %select_n3A_470 = arith.select %lt3A_466, %add3A_469, %broadcast_in_dim3A_453 : vector<16xi1>, vector<16xi32>
      %broadcast_in_dim3A_471 = vector.shape_cast %select_n3A_470 : vector<16xi32> to vector<16x1xi32>
      %gather3A_472 = vector.shape_cast %broadcast_in_dim3A_471 : vector<16x1xi32> to vector<16xi32>
      %gather3A_473 = tpu.dynamic_gather %get3A_117[%gather3A_472] in [0] : vector<16xi32>, vector<16xi32> -> vector<16xi32>
      %ge3A_474 = arith.cmpi sge, %add3A_87, %gather3A_463 : vector<16xi32>
      %lt3A_475 = arith.cmpi slt, %add3A_87, %gather3A_473 : vector<16xi32>
      %and3A_476 = arith.andi %ge3A_474, %lt3A_475 : vector<16xi1>
      %jit3A_477 = arith.constant 2048 : i32
      %jit3A_478 = arith.constant 0 : i32
      %broadcast_in_dim3A_479 = vector.broadcast %jit3A_477 : i32 to vector<16xi32>
      %broadcast_in_dim3A_480 = vector.broadcast %jit3A_478 : i32 to vector<16xi32>
      %select_n3A_481 = arith.select %and3A_476, %broadcast_in_dim3A_479, %broadcast_in_dim3A_480 : vector<16xi1>, vector<16xi32>
      %or3A_482 = arith.ori %or3A_420, %select_n3A_481 : vector<16xi32>
      %broadcast_in_dim3A_483 = arith.constant 12 : i32
      %broadcast_in_dim3A_484 = vector.broadcast %broadcast_in_dim3A_483 : i32 to vector<16xi32>
      %lt3A_485 = arith.constant 0 : i32
      %lt3A_486 = vector.broadcast %lt3A_485 : i32 to vector<16xi32>
      %lt3A_487 = arith.cmpi slt, %broadcast_in_dim3A_484, %lt3A_486 : vector<16xi32>
      %add3A_488 = arith.constant 16 : i32
      %add3A_489 = vector.broadcast %add3A_488 : i32 to vector<16xi32>
      %add3A_490 = arith.addi %broadcast_in_dim3A_484, %add3A_489 : vector<16xi32>
      %select_n3A_491 = arith.select %lt3A_487, %add3A_490, %broadcast_in_dim3A_484 : vector<16xi1>, vector<16xi32>
      %broadcast_in_dim3A_492 = vector.shape_cast %select_n3A_491 : vector<16xi32> to vector<16x1xi32>
      %gather3A_493 = vector.shape_cast %broadcast_in_dim3A_492 : vector<16x1xi32> to vector<16xi32>
      %gather3A_494 = tpu.dynamic_gather %get3A_111[%gather3A_493] in [0] : vector<16xi32>, vector<16xi32> -> vector<16xi32>
      %lt3A_495 = arith.constant 0 : i32
      %lt3A_496 = vector.broadcast %lt3A_495 : i32 to vector<16xi32>
      %lt3A_497 = arith.cmpi slt, %broadcast_in_dim3A_484, %lt3A_496 : vector<16xi32>
      %add3A_498 = arith.constant 16 : i32
      %add3A_499 = vector.broadcast %add3A_498 : i32 to vector<16xi32>
      %add3A_500 = arith.addi %broadcast_in_dim3A_484, %add3A_499 : vector<16xi32>
      %select_n3A_501 = arith.select %lt3A_497, %add3A_500, %broadcast_in_dim3A_484 : vector<16xi1>, vector<16xi32>
      %broadcast_in_dim3A_502 = vector.shape_cast %select_n3A_501 : vector<16xi32> to vector<16x1xi32>
      %gather3A_503 = vector.shape_cast %broadcast_in_dim3A_502 : vector<16x1xi32> to vector<16xi32>
      %gather3A_504 = tpu.dynamic_gather %get3A_117[%gather3A_503] in [0] : vector<16xi32>, vector<16xi32> -> vector<16xi32>
      %ge3A_505 = arith.cmpi sge, %add3A_87, %gather3A_494 : vector<16xi32>
      %lt3A_506 = arith.cmpi slt, %add3A_87, %gather3A_504 : vector<16xi32>
      %and3A_507 = arith.andi %ge3A_505, %lt3A_506 : vector<16xi1>
      %jit3A_508 = arith.constant 4096 : i32
      %jit3A_509 = arith.constant 0 : i32
      %broadcast_in_dim3A_510 = vector.broadcast %jit3A_508 : i32 to vector<16xi32>
      %broadcast_in_dim3A_511 = vector.broadcast %jit3A_509 : i32 to vector<16xi32>
      %select_n3A_512 = arith.select %and3A_507, %broadcast_in_dim3A_510, %broadcast_in_dim3A_511 : vector<16xi1>, vector<16xi32>
      %or3A_513 = arith.ori %or3A_451, %select_n3A_512 : vector<16xi32>
      %broadcast_in_dim3A_514 = arith.constant 13 : i32
      %broadcast_in_dim3A_515 = vector.broadcast %broadcast_in_dim3A_514 : i32 to vector<16xi32>
      %lt3A_516 = arith.constant 0 : i32
      %lt3A_517 = vector.broadcast %lt3A_516 : i32 to vector<16xi32>
      %lt3A_518 = arith.cmpi slt, %broadcast_in_dim3A_515, %lt3A_517 : vector<16xi32>
      %add3A_519 = arith.constant 16 : i32
      %add3A_520 = vector.broadcast %add3A_519 : i32 to vector<16xi32>
      %add3A_521 = arith.addi %broadcast_in_dim3A_515, %add3A_520 : vector<16xi32>
      %select_n3A_522 = arith.select %lt3A_518, %add3A_521, %broadcast_in_dim3A_515 : vector<16xi1>, vector<16xi32>
      %broadcast_in_dim3A_523 = vector.shape_cast %select_n3A_522 : vector<16xi32> to vector<16x1xi32>
      %gather3A_524 = vector.shape_cast %broadcast_in_dim3A_523 : vector<16x1xi32> to vector<16xi32>
      %gather3A_525 = tpu.dynamic_gather %get3A_111[%gather3A_524] in [0] : vector<16xi32>, vector<16xi32> -> vector<16xi32>
      %lt3A_526 = arith.constant 0 : i32
      %lt3A_527 = vector.broadcast %lt3A_526 : i32 to vector<16xi32>
      %lt3A_528 = arith.cmpi slt, %broadcast_in_dim3A_515, %lt3A_527 : vector<16xi32>
      %add3A_529 = arith.constant 16 : i32
      %add3A_530 = vector.broadcast %add3A_529 : i32 to vector<16xi32>
      %add3A_531 = arith.addi %broadcast_in_dim3A_515, %add3A_530 : vector<16xi32>
      %select_n3A_532 = arith.select %lt3A_528, %add3A_531, %broadcast_in_dim3A_515 : vector<16xi1>, vector<16xi32>
      %broadcast_in_dim3A_533 = vector.shape_cast %select_n3A_532 : vector<16xi32> to vector<16x1xi32>
      %gather3A_534 = vector.shape_cast %broadcast_in_dim3A_533 : vector<16x1xi32> to vector<16xi32>
      %gather3A_535 = tpu.dynamic_gather %get3A_117[%gather3A_534] in [0] : vector<16xi32>, vector<16xi32> -> vector<16xi32>
      %ge3A_536 = arith.cmpi sge, %add3A_87, %gather3A_525 : vector<16xi32>
      %lt3A_537 = arith.cmpi slt, %add3A_87, %gather3A_535 : vector<16xi32>
      %and3A_538 = arith.andi %ge3A_536, %lt3A_537 : vector<16xi1>
      %jit3A_539 = arith.constant 8192 : i32
      %jit3A_540 = arith.constant 0 : i32
      %broadcast_in_dim3A_541 = vector.broadcast %jit3A_539 : i32 to vector<16xi32>
      %broadcast_in_dim3A_542 = vector.broadcast %jit3A_540 : i32 to vector<16xi32>
      %select_n3A_543 = arith.select %and3A_538, %broadcast_in_dim3A_541, %broadcast_in_dim3A_542 : vector<16xi1>, vector<16xi32>
      %or3A_544 = arith.ori %or3A_482, %select_n3A_543 : vector<16xi32>
      %broadcast_in_dim3A_545 = arith.constant 14 : i32
      %broadcast_in_dim3A_546 = vector.broadcast %broadcast_in_dim3A_545 : i32 to vector<16xi32>
      %lt3A_547 = arith.constant 0 : i32
      %lt3A_548 = vector.broadcast %lt3A_547 : i32 to vector<16xi32>
      %lt3A_549 = arith.cmpi slt, %broadcast_in_dim3A_546, %lt3A_548 : vector<16xi32>
      %add3A_550 = arith.constant 16 : i32
      %add3A_551 = vector.broadcast %add3A_550 : i32 to vector<16xi32>
      %add3A_552 = arith.addi %broadcast_in_dim3A_546, %add3A_551 : vector<16xi32>
      %select_n3A_553 = arith.select %lt3A_549, %add3A_552, %broadcast_in_dim3A_546 : vector<16xi1>, vector<16xi32>
      %broadcast_in_dim3A_554 = vector.shape_cast %select_n3A_553 : vector<16xi32> to vector<16x1xi32>
      %gather3A_555 = vector.shape_cast %broadcast_in_dim3A_554 : vector<16x1xi32> to vector<16xi32>
      %gather3A_556 = tpu.dynamic_gather %get3A_111[%gather3A_555] in [0] : vector<16xi32>, vector<16xi32> -> vector<16xi32>
      %lt3A_557 = arith.constant 0 : i32
      %lt3A_558 = vector.broadcast %lt3A_557 : i32 to vector<16xi32>
      %lt3A_559 = arith.cmpi slt, %broadcast_in_dim3A_546, %lt3A_558 : vector<16xi32>
      %add3A_560 = arith.constant 16 : i32
      %add3A_561 = vector.broadcast %add3A_560 : i32 to vector<16xi32>
      %add3A_562 = arith.addi %broadcast_in_dim3A_546, %add3A_561 : vector<16xi32>
      %select_n3A_563 = arith.select %lt3A_559, %add3A_562, %broadcast_in_dim3A_546 : vector<16xi1>, vector<16xi32>
      %broadcast_in_dim3A_564 = vector.shape_cast %select_n3A_563 : vector<16xi32> to vector<16x1xi32>
      %gather3A_565 = vector.shape_cast %broadcast_in_dim3A_564 : vector<16x1xi32> to vector<16xi32>
      %gather3A_566 = tpu.dynamic_gather %get3A_117[%gather3A_565] in [0] : vector<16xi32>, vector<16xi32> -> vector<16xi32>
      %ge3A_567 = arith.cmpi sge, %add3A_87, %gather3A_556 : vector<16xi32>
      %lt3A_568 = arith.cmpi slt, %add3A_87, %gather3A_566 : vector<16xi32>
      %and3A_569 = arith.andi %ge3A_567, %lt3A_568 : vector<16xi1>
      %jit3A_570 = arith.constant 16384 : i32
      %jit3A_571 = arith.constant 0 : i32
      %broadcast_in_dim3A_572 = vector.broadcast %jit3A_570 : i32 to vector<16xi32>
      %broadcast_in_dim3A_573 = vector.broadcast %jit3A_571 : i32 to vector<16xi32>
      %select_n3A_574 = arith.select %and3A_569, %broadcast_in_dim3A_572, %broadcast_in_dim3A_573 : vector<16xi1>, vector<16xi32>
      %or3A_575 = arith.ori %or3A_513, %select_n3A_574 : vector<16xi32>
      %broadcast_in_dim3A_576 = arith.constant 15 : i32
      %broadcast_in_dim3A_577 = vector.broadcast %broadcast_in_dim3A_576 : i32 to vector<16xi32>
      %lt3A_578 = arith.constant 0 : i32
      %lt3A_579 = vector.broadcast %lt3A_578 : i32 to vector<16xi32>
      %lt3A_580 = arith.cmpi slt, %broadcast_in_dim3A_577, %lt3A_579 : vector<16xi32>
      %add3A_581 = arith.constant 16 : i32
      %add3A_582 = vector.broadcast %add3A_581 : i32 to vector<16xi32>
      %add3A_583 = arith.addi %broadcast_in_dim3A_577, %add3A_582 : vector<16xi32>
      %select_n3A_584 = arith.select %lt3A_580, %add3A_583, %broadcast_in_dim3A_577 : vector<16xi1>, vector<16xi32>
      %broadcast_in_dim3A_585 = vector.shape_cast %select_n3A_584 : vector<16xi32> to vector<16x1xi32>
      %gather3A_586 = vector.shape_cast %broadcast_in_dim3A_585 : vector<16x1xi32> to vector<16xi32>
      %gather3A_587 = tpu.dynamic_gather %get3A_111[%gather3A_586] in [0] : vector<16xi32>, vector<16xi32> -> vector<16xi32>
      %lt3A_588 = arith.constant 0 : i32
      %lt3A_589 = vector.broadcast %lt3A_588 : i32 to vector<16xi32>
      %lt3A_590 = arith.cmpi slt, %broadcast_in_dim3A_577, %lt3A_589 : vector<16xi32>
      %add3A_591 = arith.constant 16 : i32
      %add3A_592 = vector.broadcast %add3A_591 : i32 to vector<16xi32>
      %add3A_593 = arith.addi %broadcast_in_dim3A_577, %add3A_592 : vector<16xi32>
      %select_n3A_594 = arith.select %lt3A_590, %add3A_593, %broadcast_in_dim3A_577 : vector<16xi1>, vector<16xi32>
      %broadcast_in_dim3A_595 = vector.shape_cast %select_n3A_594 : vector<16xi32> to vector<16x1xi32>
      %gather3A_596 = vector.shape_cast %broadcast_in_dim3A_595 : vector<16x1xi32> to vector<16xi32>
      %gather3A_597 = tpu.dynamic_gather %get3A_117[%gather3A_596] in [0] : vector<16xi32>, vector<16xi32> -> vector<16xi32>
      %ge3A_598 = arith.cmpi sge, %add3A_87, %gather3A_587 : vector<16xi32>
      %lt3A_599 = arith.cmpi slt, %add3A_87, %gather3A_597 : vector<16xi32>
      %and3A_600 = arith.andi %ge3A_598, %lt3A_599 : vector<16xi1>
      %jit3A_601 = arith.constant 32768 : i32
      %jit3A_602 = arith.constant 0 : i32
      %broadcast_in_dim3A_603 = vector.broadcast %jit3A_601 : i32 to vector<16xi32>
      %broadcast_in_dim3A_604 = vector.broadcast %jit3A_602 : i32 to vector<16xi32>
      %select_n3A_605 = arith.select %and3A_600, %broadcast_in_dim3A_603, %broadcast_in_dim3A_604 : vector<16xi1>, vector<16xi32>
      %or3A_606 = arith.ori %or3A_544, %select_n3A_605 : vector<16xi32>
      %mul3A_607 = arith.constant 32 : i32
      %mul3A_608 = arith.muli %scan3A_102, %mul3A_607 : i32
      %add3A_609 = arith.constant 16 : i32
      %add3A_610 = arith.addi %mul3A_608, %add3A_609 : i32
      %get3A_611 = arith.index_cast %add3A_610 : i32 to index
      %get3A_612 = tpu.vector_load %arg6[%get3A_611] {strides = array<i32>} : memref<1024xi32, #tpu.memory_space<vmem>>, vector<16xi32>,
      %mul3A_613 = arith.constant 32 : i32
      %mul3A_614 = arith.muli %scan3A_102, %mul3A_613 : i32
      %add3A_615 = arith.constant 16 : i32
      %add3A_616 = arith.addi %mul3A_614, %add3A_615 : i32
      %get3A_617 = arith.index_cast %add3A_616 : i32 to index
      %get3A_618 = tpu.vector_load %arg8[%get3A_617] {strides = array<i32>} : memref<1024xi32, #tpu.memory_space<vmem>>, vector<16xi32>,
      %broadcast_in_dim3A_619 = arith.constant 0 : i32
      %broadcast_in_dim3A_620 = vector.broadcast %broadcast_in_dim3A_619 : i32 to vector<16xi32>
      %lt3A_621 = arith.constant 0 : i32
      %lt3A_622 = vector.broadcast %lt3A_621 : i32 to vector<16xi32>
      %lt3A_623 = arith.cmpi slt, %broadcast_in_dim3A_620, %lt3A_622 : vector<16xi32>
      %add3A_624 = arith.constant 16 : i32
      %add3A_625 = vector.broadcast %add3A_624 : i32 to vector<16xi32>
      %add3A_626 = arith.addi %broadcast_in_dim3A_620, %add3A_625 : vector<16xi32>
      %select_n3A_627 = arith.select %lt3A_623, %add3A_626, %broadcast_in_dim3A_620 : vector<16xi1>, vector<16xi32>
      %broadcast_in_dim3A_628 = vector.shape_cast %select_n3A_627 : vector<16xi32> to vector<16x1xi32>
      %gather3A_629 = vector.shape_cast %broadcast_in_dim3A_628 : vector<16x1xi32> to vector<16xi32>
      %gather3A_630 = tpu.dynamic_gather %get3A_612[%gather3A_629] in [0] : vector<16xi32>, vector<16xi32> -> vector<16xi32>
      %lt3A_631 = arith.constant 0 : i32
      %lt3A_632 = vector.broadcast %lt3A_631 : i32 to vector<16xi32>
      %lt3A_633 = arith.cmpi slt, %broadcast_in_dim3A_620, %lt3A_632 : vector<16xi32>
      %add3A_634 = arith.constant 16 : i32
      %add3A_635 = vector.broadcast %add3A_634 : i32 to vector<16xi32>
      %add3A_636 = arith.addi %broadcast_in_dim3A_620, %add3A_635 : vector<16xi32>
      %select_n3A_637 = arith.select %lt3A_633, %add3A_636, %broadcast_in_dim3A_620 : vector<16xi1>, vector<16xi32>
      %broadcast_in_dim3A_638 = vector.shape_cast %select_n3A_637 : vector<16xi32> to vector<16x1xi32>
      %gather3A_639 = vector.shape_cast %broadcast_in_dim3A_638 : vector<16x1xi32> to vector<16xi32>
      %gather3A_640 = tpu.dynamic_gather %get3A_618[%gather3A_639] in [0] : vector<16xi32>, vector<16xi32> -> vector<16xi32>
      %ge3A_641 = arith.cmpi sge, %add3A_87, %gather3A_630 : vector<16xi32>
      %lt3A_642 = arith.cmpi slt, %add3A_87, %gather3A_640 : vector<16xi32>
      %and3A_643 = arith.andi %ge3A_641, %lt3A_642 : vector<16xi1>
      %jit3A_644 = arith.constant 65536 : i32
      %jit3A_645 = arith.constant 0 : i32
      %broadcast_in_dim3A_646 = vector.broadcast %jit3A_644 : i32 to vector<16xi32>
      %broadcast_in_dim3A_647 = vector.broadcast %jit3A_645 : i32 to vector<16xi32>
      %select_n3A_648 = arith.select %and3A_643, %broadcast_in_dim3A_646, %broadcast_in_dim3A_647 : vector<16xi1>, vector<16xi32>
      %or3A_649 = arith.ori %or3A_575, %select_n3A_648 : vector<16xi32>
      %broadcast_in_dim3A_650 = arith.constant 1 : i32
      %broadcast_in_dim3A_651 = vector.broadcast %broadcast_in_dim3A_650 : i32 to vector<16xi32>
      %lt3A_652 = arith.constant 0 : i32
      %lt3A_653 = vector.broadcast %lt3A_652 : i32 to vector<16xi32>
      %lt3A_654 = arith.cmpi slt, %broadcast_in_dim3A_651, %lt3A_653 : vector<16xi32>
      %add3A_655 = arith.constant 16 : i32
      %add3A_656 = vector.broadcast %add3A_655 : i32 to vector<16xi32>
      %add3A_657 = arith.addi %broadcast_in_dim3A_651, %add3A_656 : vector<16xi32>
      %select_n3A_658 = arith.select %lt3A_654, %add3A_657, %broadcast_in_dim3A_651 : vector<16xi1>, vector<16xi32>
      %broadcast_in_dim3A_659 = vector.shape_cast %select_n3A_658 : vector<16xi32> to vector<16x1xi32>
      %gather3A_660 = vector.shape_cast %broadcast_in_dim3A_659 : vector<16x1xi32> to vector<16xi32>
      %gather3A_661 = tpu.dynamic_gather %get3A_612[%gather3A_660] in [0] : vector<16xi32>, vector<16xi32> -> vector<16xi32>
      %lt3A_662 = arith.constant 0 : i32
      %lt3A_663 = vector.broadcast %lt3A_662 : i32 to vector<16xi32>
      %lt3A_664 = arith.cmpi slt, %broadcast_in_dim3A_651, %lt3A_663 : vector<16xi32>
      %add3A_665 = arith.constant 16 : i32
      %add3A_666 = vector.broadcast %add3A_665 : i32 to vector<16xi32>
      %add3A_667 = arith.addi %broadcast_in_dim3A_651, %add3A_666 : vector<16xi32>
      %select_n3A_668 = arith.select %lt3A_664, %add3A_667, %broadcast_in_dim3A_651 : vector<16xi1>, vector<16xi32>
      %broadcast_in_dim3A_669 = vector.shape_cast %select_n3A_668 : vector<16xi32> to vector<16x1xi32>
      %gather3A_670 = vector.shape_cast %broadcast_in_dim3A_669 : vector<16x1xi32> to vector<16xi32>
      %gather3A_671 = tpu.dynamic_gather %get3A_618[%gather3A_670] in [0] : vector<16xi32>, vector<16xi32> -> vector<16xi32>
      %ge3A_672 = arith.cmpi sge, %add3A_87, %gather3A_661 : vector<16xi32>
      %lt3A_673 = arith.cmpi slt, %add3A_87, %gather3A_671 : vector<16xi32>
      %and3A_674 = arith.andi %ge3A_672, %lt3A_673 : vector<16xi1>
      %jit3A_675 = arith.constant 131072 : i32
      %jit3A_676 = arith.constant 0 : i32
      %broadcast_in_dim3A_677 = vector.broadcast %jit3A_675 : i32 to vector<16xi32>
      %broadcast_in_dim3A_678 = vector.broadcast %jit3A_676 : i32 to vector<16xi32>
      %select_n3A_679 = arith.select %and3A_674, %broadcast_in_dim3A_677, %broadcast_in_dim3A_678 : vector<16xi1>, vector<16xi32>
      %or3A_680 = arith.ori %or3A_606, %select_n3A_679 : vector<16xi32>
      %broadcast_in_dim3A_681 = arith.constant 2 : i32
      %broadcast_in_dim3A_682 = vector.broadcast %broadcast_in_dim3A_681 : i32 to vector<16xi32>
      %lt3A_683 = arith.constant 0 : i32
      %lt3A_684 = vector.broadcast %lt3A_683 : i32 to vector<16xi32>
      %lt3A_685 = arith.cmpi slt, %broadcast_in_dim3A_682, %lt3A_684 : vector<16xi32>
      %add3A_686 = arith.constant 16 : i32
      %add3A_687 = vector.broadcast %add3A_686 : i32 to vector<16xi32>
      %add3A_688 = arith.addi %broadcast_in_dim3A_682, %add3A_687 : vector<16xi32>
      %select_n3A_689 = arith.select %lt3A_685, %add3A_688, %broadcast_in_dim3A_682 : vector<16xi1>, vector<16xi32>
      %broadcast_in_dim3A_690 = vector.shape_cast %select_n3A_689 : vector<16xi32> to vector<16x1xi32>
      %gather3A_691 = vector.shape_cast %broadcast_in_dim3A_690 : vector<16x1xi32> to vector<16xi32>
      %gather3A_692 = tpu.dynamic_gather %get3A_612[%gather3A_691] in [0] : vector<16xi32>, vector<16xi32> -> vector<16xi32>
      %lt3A_693 = arith.constant 0 : i32
      %lt3A_694 = vector.broadcast %lt3A_693 : i32 to vector<16xi32>
      %lt3A_695 = arith.cmpi slt, %broadcast_in_dim3A_682, %lt3A_694 : vector<16xi32>
      %add3A_696 = arith.constant 16 : i32
      %add3A_697 = vector.broadcast %add3A_696 : i32 to vector<16xi32>
      %add3A_698 = arith.addi %broadcast_in_dim3A_682, %add3A_697 : vector<16xi32>
      %select_n3A_699 = arith.select %lt3A_695, %add3A_698, %broadcast_in_dim3A_682 : vector<16xi1>, vector<16xi32>
      %broadcast_in_dim3A_700 = vector.shape_cast %select_n3A_699 : vector<16xi32> to vector<16x1xi32>
      %gather3A_701 = vector.shape_cast %broadcast_in_dim3A_700 : vector<16x1xi32> to vector<16xi32>
      %gather3A_702 = tpu.dynamic_gather %get3A_618[%gather3A_701] in [0] : vector<16xi32>, vector<16xi32> -> vector<16xi32>
      %ge3A_703 = arith.cmpi sge, %add3A_87, %gather3A_692 : vector<16xi32>
      %lt3A_704 = arith.cmpi slt, %add3A_87, %gather3A_702 : vector<16xi32>
      %and3A_705 = arith.andi %ge3A_703, %lt3A_704 : vector<16xi1>
      %jit3A_706 = arith.constant 262144 : i32
      %jit3A_707 = arith.constant 0 : i32
      %broadcast_in_dim3A_708 = vector.broadcast %jit3A_706 : i32 to vector<16xi32>
      %broadcast_in_dim3A_709 = vector.broadcast %jit3A_707 : i32 to vector<16xi32>
      %select_n3A_710 = arith.select %and3A_705, %broadcast_in_dim3A_708, %broadcast_in_dim3A_709 : vector<16xi1>, vector<16xi32>
      %or3A_711 = arith.ori %or3A_649, %select_n3A_710 : vector<16xi32>
      %broadcast_in_dim3A_712 = arith.constant 3 : i32
      %broadcast_in_dim3A_713 = vector.broadcast %broadcast_in_dim3A_712 : i32 to vector<16xi32>
      %lt3A_714 = arith.constant 0 : i32
      %lt3A_715 = vector.broadcast %lt3A_714 : i32 to vector<16xi32>
      %lt3A_716 = arith.cmpi slt, %broadcast_in_dim3A_713, %lt3A_715 : vector<16xi32>
      %add3A_717 = arith.constant 16 : i32
      %add3A_718 = vector.broadcast %add3A_717 : i32 to vector<16xi32>
      %add3A_719 = arith.addi %broadcast_in_dim3A_713, %add3A_718 : vector<16xi32>
      %select_n3A_720 = arith.select %lt3A_716, %add3A_719, %broadcast_in_dim3A_713 : vector<16xi1>, vector<16xi32>
      %broadcast_in_dim3A_721 = vector.shape_cast %select_n3A_720 : vector<16xi32> to vector<16x1xi32>
      %gather3A_722 = vector.shape_cast %broadcast_in_dim3A_721 : vector<16x1xi32> to vector<16xi32>
      %gather3A_723 = tpu.dynamic_gather %get3A_612[%gather3A_722] in [0] : vector<16xi32>, vector<16xi32> -> vector<16xi32>
      %lt3A_724 = arith.constant 0 : i32
      %lt3A_725 = vector.broadcast %lt3A_724 : i32 to vector<16xi32>
      %lt3A_726 = arith.cmpi slt, %broadcast_in_dim3A_713, %lt3A_725 : vector<16xi32>
      %add3A_727 = arith.constant 16 : i32
      %add3A_728 = vector.broadcast %add3A_727 : i32 to vector<16xi32>
      %add3A_729 = arith.addi %broadcast_in_dim3A_713, %add3A_728 : vector<16xi32>
      %select_n3A_730 = arith.select %lt3A_726, %add3A_729, %broadcast_in_dim3A_713 : vector<16xi1>, vector<16xi32>
      %broadcast_in_dim3A_731 = vector.shape_cast %select_n3A_730 : vector<16xi32> to vector<16x1xi32>
      %gather3A_732 = vector.shape_cast %broadcast_in_dim3A_731 : vector<16x1xi32> to vector<16xi32>
      %gather3A_733 = tpu.dynamic_gather %get3A_618[%gather3A_732] in [0] : vector<16xi32>, vector<16xi32> -> vector<16xi32>
      %ge3A_734 = arith.cmpi sge, %add3A_87, %gather3A_723 : vector<16xi32>
      %lt3A_735 = arith.cmpi slt, %add3A_87, %gather3A_733 : vector<16xi32>
      %and3A_736 = arith.andi %ge3A_734, %lt3A_735 : vector<16xi1>
      %jit3A_737 = arith.constant 524288 : i32
      %jit3A_738 = arith.constant 0 : i32
      %broadcast_in_dim3A_739 = vector.broadcast %jit3A_737 : i32 to vector<16xi32>
      %broadcast_in_dim3A_740 = vector.broadcast %jit3A_738 : i32 to vector<16xi32>
      %select_n3A_741 = arith.select %and3A_736, %broadcast_in_dim3A_739, %broadcast_in_dim3A_740 : vector<16xi1>, vector<16xi32>
      %or3A_742 = arith.ori %or3A_680, %select_n3A_741 : vector<16xi32>
      %broadcast_in_dim3A_743 = arith.constant 4 : i32
      %broadcast_in_dim3A_744 = vector.broadcast %broadcast_in_dim3A_743 : i32 to vector<16xi32>
      %lt3A_745 = arith.constant 0 : i32
      %lt3A_746 = vector.broadcast %lt3A_745 : i32 to vector<16xi32>
      %lt3A_747 = arith.cmpi slt, %broadcast_in_dim3A_744, %lt3A_746 : vector<16xi32>
      %add3A_748 = arith.constant 16 : i32
      %add3A_749 = vector.broadcast %add3A_748 : i32 to vector<16xi32>
      %add3A_750 = arith.addi %broadcast_in_dim3A_744, %add3A_749 : vector<16xi32>
      %select_n3A_751 = arith.select %lt3A_747, %add3A_750, %broadcast_in_dim3A_744 : vector<16xi1>, vector<16xi32>
      %broadcast_in_dim3A_752 = vector.shape_cast %select_n3A_751 : vector<16xi32> to vector<16x1xi32>
      %gather3A_753 = vector.shape_cast %broadcast_in_dim3A_752 : vector<16x1xi32> to vector<16xi32>
      %gather3A_754 = tpu.dynamic_gather %get3A_612[%gather3A_753] in [0] : vector<16xi32>, vector<16xi32> -> vector<16xi32>
      %lt3A_755 = arith.constant 0 : i32
      %lt3A_756 = vector.broadcast %lt3A_755 : i32 to vector<16xi32>
      %lt3A_757 = arith.cmpi slt, %broadcast_in_dim3A_744, %lt3A_756 : vector<16xi32>
      %add3A_758 = arith.constant 16 : i32
      %add3A_759 = vector.broadcast %add3A_758 : i32 to vector<16xi32>
      %add3A_760 = arith.addi %broadcast_in_dim3A_744, %add3A_759 : vector<16xi32>
      %select_n3A_761 = arith.select %lt3A_757, %add3A_760, %broadcast_in_dim3A_744 : vector<16xi1>, vector<16xi32>
      %broadcast_in_dim3A_762 = vector.shape_cast %select_n3A_761 : vector<16xi32> to vector<16x1xi32>
      %gather3A_763 = vector.shape_cast %broadcast_in_dim3A_762 : vector<16x1xi32> to vector<16xi32>
      %gather3A_764 = tpu.dynamic_gather %get3A_618[%gather3A_763] in [0] : vector<16xi32>, vector<16xi32> -> vector<16xi32>
      %ge3A_765 = arith.cmpi sge, %add3A_87, %gather3A_754 : vector<16xi32>
      %lt3A_766 = arith.cmpi slt, %add3A_87, %gather3A_764 : vector<16xi32>
      %and3A_767 = arith.andi %ge3A_765, %lt3A_766 : vector<16xi1>
      %jit3A_768 = arith.constant 1048576 : i32
      %jit3A_769 = arith.constant 0 : i32
      %broadcast_in_dim3A_770 = vector.broadcast %jit3A_768 : i32 to vector<16xi32>
      %broadcast_in_dim3A_771 = vector.broadcast %jit3A_769 : i32 to vector<16xi32>
      %select_n3A_772 = arith.select %and3A_767, %broadcast_in_dim3A_770, %broadcast_in_dim3A_771 : vector<16xi1>, vector<16xi32>
      %or3A_773 = arith.ori %or3A_711, %select_n3A_772 : vector<16xi32>
      %broadcast_in_dim3A_774 = arith.constant 5 : i32
      %broadcast_in_dim3A_775 = vector.broadcast %broadcast_in_dim3A_774 : i32 to vector<16xi32>
      %lt3A_776 = arith.constant 0 : i32
      %lt3A_777 = vector.broadcast %lt3A_776 : i32 to vector<16xi32>
      %lt3A_778 = arith.cmpi slt, %broadcast_in_dim3A_775, %lt3A_777 : vector<16xi32>
      %add3A_779 = arith.constant 16 : i32
      %add3A_780 = vector.broadcast %add3A_779 : i32 to vector<16xi32>
      %add3A_781 = arith.addi %broadcast_in_dim3A_775, %add3A_780 : vector<16xi32>
      %select_n3A_782 = arith.select %lt3A_778, %add3A_781, %broadcast_in_dim3A_775 : vector<16xi1>, vector<16xi32>
      %broadcast_in_dim3A_783 = vector.shape_cast %select_n3A_782 : vector<16xi32> to vector<16x1xi32>
      %gather3A_784 = vector.shape_cast %broadcast_in_dim3A_783 : vector<16x1xi32> to vector<16xi32>
      %gather3A_785 = tpu.dynamic_gather %get3A_612[%gather3A_784] in [0] : vector<16xi32>, vector<16xi32> -> vector<16xi32>
      %lt3A_786 = arith.constant 0 : i32
      %lt3A_787 = vector.broadcast %lt3A_786 : i32 to vector<16xi32>
      %lt3A_788 = arith.cmpi slt, %broadcast_in_dim3A_775, %lt3A_787 : vector<16xi32>
      %add3A_789 = arith.constant 16 : i32
      %add3A_790 = vector.broadcast %add3A_789 : i32 to vector<16xi32>
      %add3A_791 = arith.addi %broadcast_in_dim3A_775, %add3A_790 : vector<16xi32>
      %select_n3A_792 = arith.select %lt3A_788, %add3A_791, %broadcast_in_dim3A_775 : vector<16xi1>, vector<16xi32>
      %broadcast_in_dim3A_793 = vector.shape_cast %select_n3A_792 : vector<16xi32> to vector<16x1xi32>
      %gather3A_794 = vector.shape_cast %broadcast_in_dim3A_793 : vector<16x1xi32> to vector<16xi32>
      %gather3A_795 = tpu.dynamic_gather %get3A_618[%gather3A_794] in [0] : vector<16xi32>, vector<16xi32> -> vector<16xi32>
      %ge3A_796 = arith.cmpi sge, %add3A_87, %gather3A_785 : vector<16xi32>
      %lt3A_797 = arith.cmpi slt, %add3A_87, %gather3A_795 : vector<16xi32>
      %and3A_798 = arith.andi %ge3A_796, %lt3A_797 : vector<16xi1>
      %jit3A_799 = arith.constant 2097152 : i32
      %jit3A_800 = arith.constant 0 : i32
      %broadcast_in_dim3A_801 = vector.broadcast %jit3A_799 : i32 to vector<16xi32>
      %broadcast_in_dim3A_802 = vector.broadcast %jit3A_800 : i32 to vector<16xi32>
      %select_n3A_803 = arith.select %and3A_798, %broadcast_in_dim3A_801, %broadcast_in_dim3A_802 : vector<16xi1>, vector<16xi32>
      %or3A_804 = arith.ori %or3A_742, %select_n3A_803 : vector<16xi32>
      %broadcast_in_dim3A_805 = arith.constant 6 : i32
      %broadcast_in_dim3A_806 = vector.broadcast %broadcast_in_dim3A_805 : i32 to vector<16xi32>
      %lt3A_807 = arith.constant 0 : i32
      %lt3A_808 = vector.broadcast %lt3A_807 : i32 to vector<16xi32>
      %lt3A_809 = arith.cmpi slt, %broadcast_in_dim3A_806, %lt3A_808 : vector<16xi32>
      %add3A_810 = arith.constant 16 : i32
      %add3A_811 = vector.broadcast %add3A_810 : i32 to vector<16xi32>
      %add3A_812 = arith.addi %broadcast_in_dim3A_806, %add3A_811 : vector<16xi32>
      %select_n3A_813 = arith.select %lt3A_809, %add3A_812, %broadcast_in_dim3A_806 : vector<16xi1>, vector<16xi32>
      %broadcast_in_dim3A_814 = vector.shape_cast %select_n3A_813 : vector<16xi32> to vector<16x1xi32>
      %gather3A_815 = vector.shape_cast %broadcast_in_dim3A_814 : vector<16x1xi32> to vector<16xi32>
      %gather3A_816 = tpu.dynamic_gather %get3A_612[%gather3A_815] in [0] : vector<16xi32>, vector<16xi32> -> vector<16xi32>
      %lt3A_817 = arith.constant 0 : i32
      %lt3A_818 = vector.broadcast %lt3A_817 : i32 to vector<16xi32>
      %lt3A_819 = arith.cmpi slt, %broadcast_in_dim3A_806, %lt3A_818 : vector<16xi32>
      %add3A_820 = arith.constant 16 : i32
      %add3A_821 = vector.broadcast %add3A_820 : i32 to vector<16xi32>
      %add3A_822 = arith.addi %broadcast_in_dim3A_806, %add3A_821 : vector<16xi32>
      %select_n3A_823 = arith.select %lt3A_819, %add3A_822, %broadcast_in_dim3A_806 : vector<16xi1>, vector<16xi32>
      %broadcast_in_dim3A_824 = vector.shape_cast %select_n3A_823 : vector<16xi32> to vector<16x1xi32>
      %gather3A_825 = vector.shape_cast %broadcast_in_dim3A_824 : vector<16x1xi32> to vector<16xi32>
      %gather3A_826 = tpu.dynamic_gather %get3A_618[%gather3A_825] in [0] : vector<16xi32>, vector<16xi32> -> vector<16xi32>
      %ge3A_827 = arith.cmpi sge, %add3A_87, %gather3A_816 : vector<16xi32>
      %lt3A_828 = arith.cmpi slt, %add3A_87, %gather3A_826 : vector<16xi32>
      %and3A_829 = arith.andi %ge3A_827, %lt3A_828 : vector<16xi1>
      %jit3A_830 = arith.constant 4194304 : i32
      %jit3A_831 = arith.constant 0 : i32
      %broadcast_in_dim3A_832 = vector.broadcast %jit3A_830 : i32 to vector<16xi32>
      %broadcast_in_dim3A_833 = vector.broadcast %jit3A_831 : i32 to vector<16xi32>
      %select_n3A_834 = arith.select %and3A_829, %broadcast_in_dim3A_832, %broadcast_in_dim3A_833 : vector<16xi1>, vector<16xi32>
      %or3A_835 = arith.ori %or3A_773, %select_n3A_834 : vector<16xi32>
      %broadcast_in_dim3A_836 = arith.constant 7 : i32
      %broadcast_in_dim3A_837 = vector.broadcast %broadcast_in_dim3A_836 : i32 to vector<16xi32>
      %lt3A_838 = arith.constant 0 : i32
      %lt3A_839 = vector.broadcast %lt3A_838 : i32 to vector<16xi32>
      %lt3A_840 = arith.cmpi slt, %broadcast_in_dim3A_837, %lt3A_839 : vector<16xi32>
      %add3A_841 = arith.constant 16 : i32
      %add3A_842 = vector.broadcast %add3A_841 : i32 to vector<16xi32>
      %add3A_843 = arith.addi %broadcast_in_dim3A_837, %add3A_842 : vector<16xi32>
      %select_n3A_844 = arith.select %lt3A_840, %add3A_843, %broadcast_in_dim3A_837 : vector<16xi1>, vector<16xi32>
      %broadcast_in_dim3A_845 = vector.shape_cast %select_n3A_844 : vector<16xi32> to vector<16x1xi32>
      %gather3A_846 = vector.shape_cast %broadcast_in_dim3A_845 : vector<16x1xi32> to vector<16xi32>
      %gather3A_847 = tpu.dynamic_gather %get3A_612[%gather3A_846] in [0] : vector<16xi32>, vector<16xi32> -> vector<16xi32>
      %lt3A_848 = arith.constant 0 : i32
      %lt3A_849 = vector.broadcast %lt3A_848 : i32 to vector<16xi32>
      %lt3A_850 = arith.cmpi slt, %broadcast_in_dim3A_837, %lt3A_849 : vector<16xi32>
      %add3A_851 = arith.constant 16 : i32
      %add3A_852 = vector.broadcast %add3A_851 : i32 to vector<16xi32>
      %add3A_853 = arith.addi %broadcast_in_dim3A_837, %add3A_852 : vector<16xi32>
      %select_n3A_854 = arith.select %lt3A_850, %add3A_853, %broadcast_in_dim3A_837 : vector<16xi1>, vector<16xi32>
      %broadcast_in_dim3A_855 = vector.shape_cast %select_n3A_854 : vector<16xi32> to vector<16x1xi32>
      %gather3A_856 = vector.shape_cast %broadcast_in_dim3A_855 : vector<16x1xi32> to vector<16xi32>
      %gather3A_857 = tpu.dynamic_gather %get3A_618[%gather3A_856] in [0] : vector<16xi32>, vector<16xi32> -> vector<16xi32>
      %ge3A_858 = arith.cmpi sge, %add3A_87, %gather3A_847 : vector<16xi32>
      %lt3A_859 = arith.cmpi slt, %add3A_87, %gather3A_857 : vector<16xi32>
      %and3A_860 = arith.andi %ge3A_858, %lt3A_859 : vector<16xi1>
      %jit3A_861 = arith.constant 8388608 : i32
      %jit3A_862 = arith.constant 0 : i32
      %broadcast_in_dim3A_863 = vector.broadcast %jit3A_861 : i32 to vector<16xi32>
      %broadcast_in_dim3A_864 = vector.broadcast %jit3A_862 : i32 to vector<16xi32>
      %select_n3A_865 = arith.select %and3A_860, %broadcast_in_dim3A_863, %broadcast_in_dim3A_864 : vector<16xi1>, vector<16xi32>
      %or3A_866 = arith.ori %or3A_804, %select_n3A_865 : vector<16xi32>
      %broadcast_in_dim3A_867 = arith.constant 8 : i32
      %broadcast_in_dim3A_868 = vector.broadcast %broadcast_in_dim3A_867 : i32 to vector<16xi32>
      %lt3A_869 = arith.constant 0 : i32
      %lt3A_870 = vector.broadcast %lt3A_869 : i32 to vector<16xi32>
      %lt3A_871 = arith.cmpi slt, %broadcast_in_dim3A_868, %lt3A_870 : vector<16xi32>
      %add3A_872 = arith.constant 16 : i32
      %add3A_873 = vector.broadcast %add3A_872 : i32 to vector<16xi32>
      %add3A_874 = arith.addi %broadcast_in_dim3A_868, %add3A_873 : vector<16xi32>
      %select_n3A_875 = arith.select %lt3A_871, %add3A_874, %broadcast_in_dim3A_868 : vector<16xi1>, vector<16xi32>
      %broadcast_in_dim3A_876 = vector.shape_cast %select_n3A_875 : vector<16xi32> to vector<16x1xi32>
      %gather3A_877 = vector.shape_cast %broadcast_in_dim3A_876 : vector<16x1xi32> to vector<16xi32>
      %gather3A_878 = tpu.dynamic_gather %get3A_612[%gather3A_877] in [0] : vector<16xi32>, vector<16xi32> -> vector<16xi32>
      %lt3A_879 = arith.constant 0 : i32
      %lt3A_880 = vector.broadcast %lt3A_879 : i32 to vector<16xi32>
      %lt3A_881 = arith.cmpi slt, %broadcast_in_dim3A_868, %lt3A_880 : vector<16xi32>
      %add3A_882 = arith.constant 16 : i32
      %add3A_883 = vector.broadcast %add3A_882 : i32 to vector<16xi32>
      %add3A_884 = arith.addi %broadcast_in_dim3A_868, %add3A_883 : vector<16xi32>
      %select_n3A_885 = arith.select %lt3A_881, %add3A_884, %broadcast_in_dim3A_868 : vector<16xi1>, vector<16xi32>
      %broadcast_in_dim3A_886 = vector.shape_cast %select_n3A_885 : vector<16xi32> to vector<16x1xi32>
      %gather3A_887 = vector.shape_cast %broadcast_in_dim3A_886 : vector<16x1xi32> to vector<16xi32>
      %gather3A_888 = tpu.dynamic_gather %get3A_618[%gather3A_887] in [0] : vector<16xi32>, vector<16xi32> -> vector<16xi32>
      %ge3A_889 = arith.cmpi sge, %add3A_87, %gather3A_878 : vector<16xi32>
      %lt3A_890 = arith.cmpi slt, %add3A_87, %gather3A_888 : vector<16xi32>
      %and3A_891 = arith.andi %ge3A_889, %lt3A_890 : vector<16xi1>
      %jit3A_892 = arith.constant 16777216 : i32
      %jit3A_893 = arith.constant 0 : i32
      %broadcast_in_dim3A_894 = vector.broadcast %jit3A_892 : i32 to vector<16xi32>
      %broadcast_in_dim3A_895 = vector.broadcast %jit3A_893 : i32 to vector<16xi32>
      %select_n3A_896 = arith.select %and3A_891, %broadcast_in_dim3A_894, %broadcast_in_dim3A_895 : vector<16xi1>, vector<16xi32>
      %or3A_897 = arith.ori %or3A_835, %select_n3A_896 : vector<16xi32>
      %broadcast_in_dim3A_898 = arith.constant 9 : i32
      %broadcast_in_dim3A_899 = vector.broadcast %broadcast_in_dim3A_898 : i32 to vector<16xi32>
      %lt3A_900 = arith.constant 0 : i32
      %lt3A_901 = vector.broadcast %lt3A_900 : i32 to vector<16xi32>
      %lt3A_902 = arith.cmpi slt, %broadcast_in_dim3A_899, %lt3A_901 : vector<16xi32>
      %add3A_903 = arith.constant 16 : i32
      %add3A_904 = vector.broadcast %add3A_903 : i32 to vector<16xi32>
      %add3A_905 = arith.addi %broadcast_in_dim3A_899, %add3A_904 : vector<16xi32>
      %select_n3A_906 = arith.select %lt3A_902, %add3A_905, %broadcast_in_dim3A_899 : vector<16xi1>, vector<16xi32>
      %broadcast_in_dim3A_907 = vector.shape_cast %select_n3A_906 : vector<16xi32> to vector<16x1xi32>
      %gather3A_908 = vector.shape_cast %broadcast_in_dim3A_907 : vector<16x1xi32> to vector<16xi32>
      %gather3A_909 = tpu.dynamic_gather %get3A_612[%gather3A_908] in [0] : vector<16xi32>, vector<16xi32> -> vector<16xi32>
      %lt3A_910 = arith.constant 0 : i32
      %lt3A_911 = vector.broadcast %lt3A_910 : i32 to vector<16xi32>
      %lt3A_912 = arith.cmpi slt, %broadcast_in_dim3A_899, %lt3A_911 : vector<16xi32>
      %add3A_913 = arith.constant 16 : i32
      %add3A_914 = vector.broadcast %add3A_913 : i32 to vector<16xi32>
      %add3A_915 = arith.addi %broadcast_in_dim3A_899, %add3A_914 : vector<16xi32>
      %select_n3A_916 = arith.select %lt3A_912, %add3A_915, %broadcast_in_dim3A_899 : vector<16xi1>, vector<16xi32>
      %broadcast_in_dim3A_917 = vector.shape_cast %select_n3A_916 : vector<16xi32> to vector<16x1xi32>
      %gather3A_918 = vector.shape_cast %broadcast_in_dim3A_917 : vector<16x1xi32> to vector<16xi32>
      %gather3A_919 = tpu.dynamic_gather %get3A_618[%gather3A_918] in [0] : vector<16xi32>, vector<16xi32> -> vector<16xi32>
      %ge3A_920 = arith.cmpi sge, %add3A_87, %gather3A_909 : vector<16xi32>
      %lt3A_921 = arith.cmpi slt, %add3A_87, %gather3A_919 : vector<16xi32>
      %and3A_922 = arith.andi %ge3A_920, %lt3A_921 : vector<16xi1>
      %jit3A_923 = arith.constant 33554432 : i32
      %jit3A_924 = arith.constant 0 : i32
      %broadcast_in_dim3A_925 = vector.broadcast %jit3A_923 : i32 to vector<16xi32>
      %broadcast_in_dim3A_926 = vector.broadcast %jit3A_924 : i32 to vector<16xi32>
      %select_n3A_927 = arith.select %and3A_922, %broadcast_in_dim3A_925, %broadcast_in_dim3A_926 : vector<16xi1>, vector<16xi32>
      %or3A_928 = arith.ori %or3A_866, %select_n3A_927 : vector<16xi32>
      %broadcast_in_dim3A_929 = arith.constant 10 : i32
      %broadcast_in_dim3A_930 = vector.broadcast %broadcast_in_dim3A_929 : i32 to vector<16xi32>
      %lt3A_931 = arith.constant 0 : i32
      %lt3A_932 = vector.broadcast %lt3A_931 : i32 to vector<16xi32>
      %lt3A_933 = arith.cmpi slt, %broadcast_in_dim3A_930, %lt3A_932 : vector<16xi32>
      %add3A_934 = arith.constant 16 : i32
      %add3A_935 = vector.broadcast %add3A_934 : i32 to vector<16xi32>
      %add3A_936 = arith.addi %broadcast_in_dim3A_930, %add3A_935 : vector<16xi32>
      %select_n3A_937 = arith.select %lt3A_933, %add3A_936, %broadcast_in_dim3A_930 : vector<16xi1>, vector<16xi32>
      %broadcast_in_dim3A_938 = vector.shape_cast %select_n3A_937 : vector<16xi32> to vector<16x1xi32>
      %gather3A_939 = vector.shape_cast %broadcast_in_dim3A_938 : vector<16x1xi32> to vector<16xi32>
      %gather3A_940 = tpu.dynamic_gather %get3A_612[%gather3A_939] in [0] : vector<16xi32>, vector<16xi32> -> vector<16xi32>
      %lt3A_941 = arith.constant 0 : i32
      %lt3A_942 = vector.broadcast %lt3A_941 : i32 to vector<16xi32>
      %lt3A_943 = arith.cmpi slt, %broadcast_in_dim3A_930, %lt3A_942 : vector<16xi32>
      %add3A_944 = arith.constant 16 : i32
      %add3A_945 = vector.broadcast %add3A_944 : i32 to vector<16xi32>
      %add3A_946 = arith.addi %broadcast_in_dim3A_930, %add3A_945 : vector<16xi32>
      %select_n3A_947 = arith.select %lt3A_943, %add3A_946, %broadcast_in_dim3A_930 : vector<16xi1>, vector<16xi32>
      %broadcast_in_dim3A_948 = vector.shape_cast %select_n3A_947 : vector<16xi32> to vector<16x1xi32>
      %gather3A_949 = vector.shape_cast %broadcast_in_dim3A_948 : vector<16x1xi32> to vector<16xi32>
      %gather3A_950 = tpu.dynamic_gather %get3A_618[%gather3A_949] in [0] : vector<16xi32>, vector<16xi32> -> vector<16xi32>
      %ge3A_951 = arith.cmpi sge, %add3A_87, %gather3A_940 : vector<16xi32>
      %lt3A_952 = arith.cmpi slt, %add3A_87, %gather3A_950 : vector<16xi32>
      %and3A_953 = arith.andi %ge3A_951, %lt3A_952 : vector<16xi1>
      %jit3A_954 = arith.constant 67108864 : i32
      %jit3A_955 = arith.constant 0 : i32
      %broadcast_in_dim3A_956 = vector.broadcast %jit3A_954 : i32 to vector<16xi32>
      %broadcast_in_dim3A_957 = vector.broadcast %jit3A_955 : i32 to vector<16xi32>
      %select_n3A_958 = arith.select %and3A_953, %broadcast_in_dim3A_956, %broadcast_in_dim3A_957 : vector<16xi1>, vector<16xi32>
      %or3A_959 = arith.ori %or3A_897, %select_n3A_958 : vector<16xi32>
      %broadcast_in_dim3A_960 = arith.constant 11 : i32
      %broadcast_in_dim3A_961 = vector.broadcast %broadcast_in_dim3A_960 : i32 to vector<16xi32>
      %lt3A_962 = arith.constant 0 : i32
      %lt3A_963 = vector.broadcast %lt3A_962 : i32 to vector<16xi32>
      %lt3A_964 = arith.cmpi slt, %broadcast_in_dim3A_961, %lt3A_963 : vector<16xi32>
      %add3A_965 = arith.constant 16 : i32
      %add3A_966 = vector.broadcast %add3A_965 : i32 to vector<16xi32>
      %add3A_967 = arith.addi %broadcast_in_dim3A_961, %add3A_966 : vector<16xi32>
      %select_n3A_968 = arith.select %lt3A_964, %add3A_967, %broadcast_in_dim3A_961 : vector<16xi1>, vector<16xi32>
      %broadcast_in_dim3A_969 = vector.shape_cast %select_n3A_968 : vector<16xi32> to vector<16x1xi32>
      %gather3A_970 = vector.shape_cast %broadcast_in_dim3A_969 : vector<16x1xi32> to vector<16xi32>
      %gather3A_971 = tpu.dynamic_gather %get3A_612[%gather3A_970] in [0] : vector<16xi32>, vector<16xi32> -> vector<16xi32>
      %lt3A_972 = arith.constant 0 : i32
      %lt3A_973 = vector.broadcast %lt3A_972 : i32 to vector<16xi32>
      %lt3A_974 = arith.cmpi slt, %broadcast_in_dim3A_961, %lt3A_973 : vector<16xi32>
      %add3A_975 = arith.constant 16 : i32
      %add3A_976 = vector.broadcast %add3A_975 : i32 to vector<16xi32>
      %add3A_977 = arith.addi %broadcast_in_dim3A_961, %add3A_976 : vector<16xi32>
      %select_n3A_978 = arith.select %lt3A_974, %add3A_977, %broadcast_in_dim3A_961 : vector<16xi1>, vector<16xi32>
      %broadcast_in_dim3A_979 = vector.shape_cast %select_n3A_978 : vector<16xi32> to vector<16x1xi32>
      %gather3A_980 = vector.shape_cast %broadcast_in_dim3A_979 : vector<16x1xi32> to vector<16xi32>
      %gather3A_981 = tpu.dynamic_gather %get3A_618[%gather3A_980] in [0] : vector<16xi32>, vector<16xi32> -> vector<16xi32>
      %ge3A_982 = arith.cmpi sge, %add3A_87, %gather3A_971 : vector<16xi32>
      %lt3A_983 = arith.cmpi slt, %add3A_87, %gather3A_981 : vector<16xi32>
      %and3A_984 = arith.andi %ge3A_982, %lt3A_983 : vector<16xi1>
      %jit3A_985 = arith.constant 134217728 : i32
      %jit3A_986 = arith.constant 0 : i32
      %broadcast_in_dim3A_987 = vector.broadcast %jit3A_985 : i32 to vector<16xi32>
      %broadcast_in_dim3A_988 = vector.broadcast %jit3A_986 : i32 to vector<16xi32>
      %select_n3A_989 = arith.select %and3A_984, %broadcast_in_dim3A_987, %broadcast_in_dim3A_988 : vector<16xi1>, vector<16xi32>
      %or3A_990 = arith.ori %or3A_928, %select_n3A_989 : vector<16xi32>
      %broadcast_in_dim3A_991 = arith.constant 12 : i32
      %broadcast_in_dim3A_992 = vector.broadcast %broadcast_in_dim3A_991 : i32 to vector<16xi32>
      %lt3A_993 = arith.constant 0 : i32
      %lt3A_994 = vector.broadcast %lt3A_993 : i32 to vector<16xi32>
      %lt3A_995 = arith.cmpi slt, %broadcast_in_dim3A_992, %lt3A_994 : vector<16xi32>
      %add3A_996 = arith.constant 16 : i32
      %add3A_997 = vector.broadcast %add3A_996 : i32 to vector<16xi32>
      %add3A_998 = arith.addi %broadcast_in_dim3A_992, %add3A_997 : vector<16xi32>
      %select_n3A_999 = arith.select %lt3A_995, %add3A_998, %broadcast_in_dim3A_992 : vector<16xi1>, vector<16xi32>
      %broadcast_in_dim3A_1000 = vector.shape_cast %select_n3A_999 : vector<16xi32> to vector<16x1xi32>
      %gather3A_1001 = vector.shape_cast %broadcast_in_dim3A_1000 : vector<16x1xi32> to vector<16xi32>
      %gather3A_1002 = tpu.dynamic_gather %get3A_612[%gather3A_1001] in [0] : vector<16xi32>, vector<16xi32> -> vector<16xi32>
      %lt3A_1003 = arith.constant 0 : i32
      %lt3A_1004 = vector.broadcast %lt3A_1003 : i32 to vector<16xi32>
      %lt3A_1005 = arith.cmpi slt, %broadcast_in_dim3A_992, %lt3A_1004 : vector<16xi32>
      %add3A_1006 = arith.constant 16 : i32
      %add3A_1007 = vector.broadcast %add3A_1006 : i32 to vector<16xi32>
      %add3A_1008 = arith.addi %broadcast_in_dim3A_992, %add3A_1007 : vector<16xi32>
      %select_n3A_1009 = arith.select %lt3A_1005, %add3A_1008, %broadcast_in_dim3A_992 : vector<16xi1>, vector<16xi32>
      %broadcast_in_dim3A_1010 = vector.shape_cast %select_n3A_1009 : vector<16xi32> to vector<16x1xi32>
      %gather3A_1011 = vector.shape_cast %broadcast_in_dim3A_1010 : vector<16x1xi32> to vector<16xi32>
      %gather3A_1012 = tpu.dynamic_gather %get3A_618[%gather3A_1011] in [0] : vector<16xi32>, vector<16xi32> -> vector<16xi32>
      %ge3A_1013 = arith.cmpi sge, %add3A_87, %gather3A_1002 : vector<16xi32>
      %lt3A_1014 = arith.cmpi slt, %add3A_87, %gather3A_1012 : vector<16xi32>
      %and3A_1015 = arith.andi %ge3A_1013, %lt3A_1014 : vector<16xi1>
      %jit3A_1016 = arith.constant 268435456 : i32
      %jit3A_1017 = arith.constant 0 : i32
      %broadcast_in_dim3A_1018 = vector.broadcast %jit3A_1016 : i32 to vector<16xi32>
      %broadcast_in_dim3A_1019 = vector.broadcast %jit3A_1017 : i32 to vector<16xi32>
      %select_n3A_1020 = arith.select %and3A_1015, %broadcast_in_dim3A_1018, %broadcast_in_dim3A_1019 : vector<16xi1>, vector<16xi32>
      %or3A_1021 = arith.ori %or3A_959, %select_n3A_1020 : vector<16xi32>
      %broadcast_in_dim3A_1022 = arith.constant 13 : i32
      %broadcast_in_dim3A_1023 = vector.broadcast %broadcast_in_dim3A_1022 : i32 to vector<16xi32>
      %lt3A_1024 = arith.constant 0 : i32
      %lt3A_1025 = vector.broadcast %lt3A_1024 : i32 to vector<16xi32>
      %lt3A_1026 = arith.cmpi slt, %broadcast_in_dim3A_1023, %lt3A_1025 : vector<16xi32>
      %add3A_1027 = arith.constant 16 : i32
      %add3A_1028 = vector.broadcast %add3A_1027 : i32 to vector<16xi32>
      %add3A_1029 = arith.addi %broadcast_in_dim3A_1023, %add3A_1028 : vector<16xi32>
      %select_n3A_1030 = arith.select %lt3A_1026, %add3A_1029, %broadcast_in_dim3A_1023 : vector<16xi1>, vector<16xi32>
      %broadcast_in_dim3A_1031 = vector.shape_cast %select_n3A_1030 : vector<16xi32> to vector<16x1xi32>
      %gather3A_1032 = vector.shape_cast %broadcast_in_dim3A_1031 : vector<16x1xi32> to vector<16xi32>
      %gather3A_1033 = tpu.dynamic_gather %get3A_612[%gather3A_1032] in [0] : vector<16xi32>, vector<16xi32> -> vector<16xi32>
      %lt3A_1034 = arith.constant 0 : i32
      %lt3A_1035 = vector.broadcast %lt3A_1034 : i32 to vector<16xi32>
      %lt3A_1036 = arith.cmpi slt, %broadcast_in_dim3A_1023, %lt3A_1035 : vector<16xi32>
      %add3A_1037 = arith.constant 16 : i32
      %add3A_1038 = vector.broadcast %add3A_1037 : i32 to vector<16xi32>
      %add3A_1039 = arith.addi %broadcast_in_dim3A_1023, %add3A_1038 : vector<16xi32>
      %select_n3A_1040 = arith.select %lt3A_1036, %add3A_1039, %broadcast_in_dim3A_1023 : vector<16xi1>, vector<16xi32>
      %broadcast_in_dim3A_1041 = vector.shape_cast %select_n3A_1040 : vector<16xi32> to vector<16x1xi32>
      %gather3A_1042 = vector.shape_cast %broadcast_in_dim3A_1041 : vector<16x1xi32> to vector<16xi32>
      %gather3A_1043 = tpu.dynamic_gather %get3A_618[%gather3A_1042] in [0] : vector<16xi32>, vector<16xi32> -> vector<16xi32>
      %ge3A_1044 = arith.cmpi sge, %add3A_87, %gather3A_1033 : vector<16xi32>
      %lt3A_1045 = arith.cmpi slt, %add3A_87, %gather3A_1043 : vector<16xi32>
      %and3A_1046 = arith.andi %ge3A_1044, %lt3A_1045 : vector<16xi1>
      %jit3A_1047 = arith.constant 536870912 : i32
      %jit3A_1048 = arith.constant 0 : i32
      %broadcast_in_dim3A_1049 = vector.broadcast %jit3A_1047 : i32 to vector<16xi32>
      %broadcast_in_dim3A_1050 = vector.broadcast %jit3A_1048 : i32 to vector<16xi32>
      %select_n3A_1051 = arith.select %and3A_1046, %broadcast_in_dim3A_1049, %broadcast_in_dim3A_1050 : vector<16xi1>, vector<16xi32>
      %or3A_1052 = arith.ori %or3A_990, %select_n3A_1051 : vector<16xi32>
      %broadcast_in_dim3A_1053 = arith.constant 14 : i32
      %broadcast_in_dim3A_1054 = vector.broadcast %broadcast_in_dim3A_1053 : i32 to vector<16xi32>
      %lt3A_1055 = arith.constant 0 : i32
      %lt3A_1056 = vector.broadcast %lt3A_1055 : i32 to vector<16xi32>
      %lt3A_1057 = arith.cmpi slt, %broadcast_in_dim3A_1054, %lt3A_1056 : vector<16xi32>
      %add3A_1058 = arith.constant 16 : i32
      %add3A_1059 = vector.broadcast %add3A_1058 : i32 to vector<16xi32>
      %add3A_1060 = arith.addi %broadcast_in_dim3A_1054, %add3A_1059 : vector<16xi32>
      %select_n3A_1061 = arith.select %lt3A_1057, %add3A_1060, %broadcast_in_dim3A_1054 : vector<16xi1>, vector<16xi32>
      %broadcast_in_dim3A_1062 = vector.shape_cast %select_n3A_1061 : vector<16xi32> to vector<16x1xi32>
      %gather3A_1063 = vector.shape_cast %broadcast_in_dim3A_1062 : vector<16x1xi32> to vector<16xi32>
      %gather3A_1064 = tpu.dynamic_gather %get3A_612[%gather3A_1063] in [0] : vector<16xi32>, vector<16xi32> -> vector<16xi32>
      %lt3A_1065 = arith.constant 0 : i32
      %lt3A_1066 = vector.broadcast %lt3A_1065 : i32 to vector<16xi32>
      %lt3A_1067 = arith.cmpi slt, %broadcast_in_dim3A_1054, %lt3A_1066 : vector<16xi32>
      %add3A_1068 = arith.constant 16 : i32
      %add3A_1069 = vector.broadcast %add3A_1068 : i32 to vector<16xi32>
      %add3A_1070 = arith.addi %broadcast_in_dim3A_1054, %add3A_1069 : vector<16xi32>
      %select_n3A_1071 = arith.select %lt3A_1067, %add3A_1070, %broadcast_in_dim3A_1054 : vector<16xi1>, vector<16xi32>
      %broadcast_in_dim3A_1072 = vector.shape_cast %select_n3A_1071 : vector<16xi32> to vector<16x1xi32>
      %gather3A_1073 = vector.shape_cast %broadcast_in_dim3A_1072 : vector<16x1xi32> to vector<16xi32>
      %gather3A_1074 = tpu.dynamic_gather %get3A_618[%gather3A_1073] in [0] : vector<16xi32>, vector<16xi32> -> vector<16xi32>
      %ge3A_1075 = arith.cmpi sge, %add3A_87, %gather3A_1064 : vector<16xi32>
      %lt3A_1076 = arith.cmpi slt, %add3A_87, %gather3A_1074 : vector<16xi32>
      %and3A_1077 = arith.andi %ge3A_1075, %lt3A_1076 : vector<16xi1>
      %jit3A_1078 = arith.constant 1073741824 : i32
      %jit3A_1079 = arith.constant 0 : i32
      %broadcast_in_dim3A_1080 = vector.broadcast %jit3A_1078 : i32 to vector<16xi32>
      %broadcast_in_dim3A_1081 = vector.broadcast %jit3A_1079 : i32 to vector<16xi32>
      %select_n3A_1082 = arith.select %and3A_1077, %broadcast_in_dim3A_1080, %broadcast_in_dim3A_1081 : vector<16xi1>, vector<16xi32>
      %or3A_1083 = arith.ori %or3A_1021, %select_n3A_1082 : vector<16xi32>
      %broadcast_in_dim3A_1084 = arith.constant 15 : i32
      %broadcast_in_dim3A_1085 = vector.broadcast %broadcast_in_dim3A_1084 : i32 to vector<16xi32>
      %lt3A_1086 = arith.constant 0 : i32
      %lt3A_1087 = vector.broadcast %lt3A_1086 : i32 to vector<16xi32>
      %lt3A_1088 = arith.cmpi slt, %broadcast_in_dim3A_1085, %lt3A_1087 : vector<16xi32>
      %add3A_1089 = arith.constant 16 : i32
      %add3A_1090 = vector.broadcast %add3A_1089 : i32 to vector<16xi32>
      %add3A_1091 = arith.addi %broadcast_in_dim3A_1085, %add3A_1090 : vector<16xi32>
      %select_n3A_1092 = arith.select %lt3A_1088, %add3A_1091, %broadcast_in_dim3A_1085 : vector<16xi1>, vector<16xi32>
      %broadcast_in_dim3A_1093 = vector.shape_cast %select_n3A_1092 : vector<16xi32> to vector<16x1xi32>
      %gather3A_1094 = vector.shape_cast %broadcast_in_dim3A_1093 : vector<16x1xi32> to vector<16xi32>
      %gather3A_1095 = tpu.dynamic_gather %get3A_612[%gather3A_1094] in [0] : vector<16xi32>, vector<16xi32> -> vector<16xi32>
      %lt3A_1096 = arith.constant 0 : i32
      %lt3A_1097 = vector.broadcast %lt3A_1096 : i32 to vector<16xi32>
      %lt3A_1098 = arith.cmpi slt, %broadcast_in_dim3A_1085, %lt3A_1097 : vector<16xi32>
      %add3A_1099 = arith.constant 16 : i32
      %add3A_1100 = vector.broadcast %add3A_1099 : i32 to vector<16xi32>
      %add3A_1101 = arith.addi %broadcast_in_dim3A_1085, %add3A_1100 : vector<16xi32>
      %select_n3A_1102 = arith.select %lt3A_1098, %add3A_1101, %broadcast_in_dim3A_1085 : vector<16xi1>, vector<16xi32>
      %broadcast_in_dim3A_1103 = vector.shape_cast %select_n3A_1102 : vector<16xi32> to vector<16x1xi32>
      %gather3A_1104 = vector.shape_cast %broadcast_in_dim3A_1103 : vector<16x1xi32> to vector<16xi32>
      %gather3A_1105 = tpu.dynamic_gather %get3A_618[%gather3A_1104] in [0] : vector<16xi32>, vector<16xi32> -> vector<16xi32>
      %ge3A_1106 = arith.cmpi sge, %add3A_87, %gather3A_1095 : vector<16xi32>
      %lt3A_1107 = arith.cmpi slt, %add3A_87, %gather3A_1105 : vector<16xi32>
      %and3A_1108 = arith.andi %ge3A_1106, %lt3A_1107 : vector<16xi1>
      %jit3A_1109 = arith.constant -2147483648 : i32
      %jit3A_1110 = arith.constant 0 : i32
      %broadcast_in_dim3A_1111 = vector.broadcast %jit3A_1109 : i32 to vector<16xi32>
      %broadcast_in_dim3A_1112 = vector.broadcast %jit3A_1110 : i32 to vector<16xi32>
      %select_n3A_1113 = arith.select %and3A_1108, %broadcast_in_dim3A_1111, %broadcast_in_dim3A_1112 : vector<16xi1>, vector<16xi32>
      %or3A_1114 = arith.ori %or3A_1052, %select_n3A_1113 : vector<16xi32>
      %or3A_1115 = arith.ori %or3A_1083, %or3A_1114 : vector<16xi32>
      %swap3A_1116 = arith.index_cast %scan3A_102 : i32 to index
      %swap3A_1117 = arith.constant 0 : index
      %swap3A_1118 = tpu.vector_load %arg10[%swap3A_1116, %swap3A_1117] {strides = array<i32>} : memref<32x16xi32, #tpu.memory_space<vmem>>, vector<16xi32>,
      tpu.vector_store %arg10[%swap3A_1116, %swap3A_1117], %or3A_1115 {strides = array<i32>} : memref<32x16xi32, #tpu.memory_space<vmem>>, vector<16xi32>,
    }
    %scan3A_93 = arith.constant 32 : i32
    "tpu.region"() ({
      %run_scoped3A = tpu.sem_alloc : memref<!tpu.dma_semaphore, #tpu.memory_space<semaphore_mem>>
      %dma_start3A = arith.constant 0 : i32
      %dma_start3A_102 = arith.constant 0 : i32
      %dma_start3A_103 = tpu.memref_slice %arg13[%arg1, %dma_start3A, %dma_start3A_102] : memref<16x32x16xi32, #tpu.memory_space<vmem_shared>> -> memref<1x32x16xi32, #tpu.memory_space<vmem_shared>>
      %dma_start3A_104 = tpu.memref_squeeze %dma_start3A_103 : memref<1x32x16xi32, #tpu.memory_space<vmem_shared>> -> memref<32x16xi32, #tpu.memory_space<vmem_shared>>
      %dma_start3A_105 = arith.constant 0 : i32
      %dma_start3A_106 = arith.constant 0 : i32
      %dma_start3A_107 = tpu.memref_slice %arg13[%arg1, %dma_start3A_105, %dma_start3A_106] : memref<16x32x16xi32, #tpu.memory_space<vmem_shared>> -> memref<1x32x16xi32, #tpu.memory_space<vmem_shared>>
      %dma_start3A_108 = tpu.memref_squeeze %dma_start3A_107 : memref<1x32x16xi32, #tpu.memory_space<vmem_shared>> -> memref<32x16xi32, #tpu.memory_space<vmem_shared>>
      tpu.enqueue_dma source(%arg10 : memref<32x16xi32, #tpu.memory_space<vmem>>) target(%dma_start3A_108 : memref<32x16xi32, #tpu.memory_space<vmem_shared>>) target_semaphore(%run_scoped3A : memref<!tpu.dma_semaphore, #tpu.memory_space<semaphore_mem>>)
      %dma_wait3A = arith.constant 0 : i32
      %dma_wait3A_109 = arith.constant 0 : i32
      %dma_wait3A_110 = tpu.memref_slice %arg13[%arg1, %dma_wait3A, %dma_wait3A_109] : memref<16x32x16xi32, #tpu.memory_space<vmem_shared>> -> memref<1x32x16xi32, #tpu.memory_space<vmem_shared>>
      %dma_wait3A_111 = tpu.memref_squeeze %dma_wait3A_110 : memref<1x32x16xi32, #tpu.memory_space<vmem_shared>> -> memref<32x16xi32, #tpu.memory_space<vmem_shared>>
      %dma_wait3A_112 = arith.constant 0 : i32
      %dma_wait3A_113 = arith.constant 0 : i32
      %dma_wait3A_114 = tpu.memref_slice %arg13[%arg1, %dma_wait3A_112, %dma_wait3A_113] : memref<16x32x16xi32, #tpu.memory_space<vmem_shared>> -> memref<1x32x16xi32, #tpu.memory_space<vmem_shared>>
      %dma_wait3A_115 = tpu.memref_squeeze %dma_wait3A_114 : memref<1x32x16xi32, #tpu.memory_space<vmem_shared>> -> memref<32x16xi32, #tpu.memory_space<vmem_shared>>
      tpu.wait_dma2 semaphore(%run_scoped3A : memref<!tpu.dma_semaphore, #tpu.memory_space<semaphore_mem>>) src(%arg10 : memref<32x16xi32, #tpu.memory_space<vmem>>) dst(%dma_wait3A_115 : memref<32x16xi32, #tpu.memory_space<vmem_shared>>)
      tpu.yield
    }) : () -> ()
    %barrier3A = arith.constant 0 : index
    tpu.barrier barrier_id(%barrier3A)
    "tpu.region"() ({
      %run_scoped3A = tpu.sem_alloc : memref<!tpu.dma_semaphore, #tpu.memory_space<semaphore_mem>>
      tpu.enqueue_dma source(%arg13 : memref<16x32x16xi32, #tpu.memory_space<vmem_shared>>) target(%arg11 : memref<16x32x16xi32, #tpu.memory_space<vmem>>) target_semaphore(%run_scoped3A : memref<!tpu.dma_semaphore, #tpu.memory_space<semaphore_mem>>)
      tpu.wait_dma2 semaphore(%run_scoped3A : memref<!tpu.dma_semaphore, #tpu.memory_space<semaphore_mem>>) src(%arg13 : memref<16x32x16xi32, #tpu.memory_space<vmem_shared>>) dst(%arg11 : memref<16x32x16xi32, #tpu.memory_space<vmem>>)
      tpu.yield
    }) : () -> ()
    %scan3A_94 = arith.constant 0 : i32
    %scan3A_95 = arith.constant 0 : i32
    %scan3A_96 = arith.constant 8 : i32
    %scan3A_97 = arith.addi %scan3A_95, %scan3A_96 : i32
    %scan3A_98 = arith.constant 1 : i32
    scf.for %scan3A_102 = %scan3A_95 to %scan3A_97 step %scan3A_98  : i32 {
      %get3A = arith.index_cast %scan3A_102 : i32 to index
      %get3A_103 = arith.constant 0 : index
      %get3A_104 = tpu.vector_load %arg9[%get3A, %get3A_103] {strides = array<i32>} : memref<8x32xi32, #tpu.memory_space<vmem>>, vector<16xi32>,
      %get3A_105 = arith.index_cast %scan3A_102 : i32 to index
      %get3A_106 = arith.constant 16 : index
      %get3A_107 = tpu.vector_load %arg9[%get3A_105, %get3A_106] {strides = array<i32>} : memref<8x32xi32, #tpu.memory_space<vmem>>, vector<16xi32>,
      %broadcast_in_dim3A_108 = arith.constant 0 : i32
      %broadcast_in_dim3A_109 = vector.broadcast %broadcast_in_dim3A_108 : i32 to vector<16xi32>
      %scan3A_110 = arith.constant 0 : i32
      %scan3A_111 = arith.constant 0 : i32
      %scan3A_112 = arith.constant 8 : i32
      %scan3A_113 = arith.addi %scan3A_111, %scan3A_112 : i32
      %scan3A_114 = arith.constant 1 : i32
      scf.for %scan3A_116 = %scan3A_111 to %scan3A_113 step %scan3A_114  : i32 {
        %mul3A_117 = arith.constant 2 : i32
        %mul3A_118 = arith.muli %scan3A_116, %mul3A_117 : i32
        %add3A_119 = arith.constant 1 : i32
        %add3A_120 = arith.addi %mul3A_118, %add3A_119 : i32
        %broadcast_in_dim3A_121 = arith.constant 8 : i32
        %broadcast_in_dim3A_122 = vector.broadcast %broadcast_in_dim3A_121 : i32 to vector<16xi32>
        %lt3A = arith.constant 0 : i32
        %lt3A_123 = vector.broadcast %lt3A : i32 to vector<16xi32>
        %lt3A_124 = arith.cmpi slt, %broadcast_in_dim3A_122, %lt3A_123 : vector<16xi32>
        %add3A_125 = arith.constant 16 : i32
        %add3A_126 = vector.broadcast %add3A_125 : i32 to vector<16xi32>
        %add3A_127 = arith.addi %broadcast_in_dim3A_122, %add3A_126 : vector<16xi32>
        %select_n3A = arith.select %lt3A_124, %add3A_127, %broadcast_in_dim3A_122 : vector<16xi1>, vector<16xi32>
        %broadcast_in_dim3A_128 = vector.shape_cast %select_n3A : vector<16xi32> to vector<16x1xi32>
        %gather3A = vector.shape_cast %broadcast_in_dim3A_128 : vector<16x1xi32> to vector<16xi32>
        %gather3A_129 = tpu.dynamic_gather %get3A_107[%gather3A] in [0] : vector<16xi32>, vector<16xi32> -> vector<16xi32>
        %get3A_130 = arith.constant 24 : i32
        %get3A_131 = arith.index_cast %mul3A_118 : i32 to index
        %get3A_132 = arith.index_cast %get3A_130 : i32 to index
        %get3A_133 = arith.constant 0 : index
        %get3A_134 = tpu.vector_load %arg11[%get3A_131, %get3A_132, %get3A_133] {strides = array<i32>} : memref<16x32x16xi32, #tpu.memory_space<vmem>>, vector<16xi32>,
        %and3A = arith.andi %gather3A_129, %get3A_134 : vector<16xi32>
        %ne3A = arith.constant 0 : i32
        %ne3A_135 = vector.broadcast %ne3A : i32 to vector<16xi32>
        %ne3A_136 = arith.cmpi ne, %and3A, %ne3A_135 : vector<16xi32>
        %jit3A = arith.constant 16777216 : i32
        %jit3A_137 = arith.constant 0 : i32
        %broadcast_in_dim3A_138 = vector.broadcast %jit3A : i32 to vector<16xi32>
        %broadcast_in_dim3A_139 = vector.broadcast %jit3A_137 : i32 to vector<16xi32>
        %select_n3A_140 = arith.select %ne3A_136, %broadcast_in_dim3A_138, %broadcast_in_dim3A_139 : vector<16xi1>, vector<16xi32>
        %or3A = arith.ori %broadcast_in_dim3A_109, %select_n3A_140 : vector<16xi32>
        %broadcast_in_dim3A_141 = arith.constant 9 : i32
        %broadcast_in_dim3A_142 = vector.broadcast %broadcast_in_dim3A_141 : i32 to vector<16xi32>
        %lt3A_143 = arith.constant 0 : i32
        %lt3A_144 = vector.broadcast %lt3A_143 : i32 to vector<16xi32>
        %lt3A_145 = arith.cmpi slt, %broadcast_in_dim3A_142, %lt3A_144 : vector<16xi32>
        %add3A_146 = arith.constant 16 : i32
        %add3A_147 = vector.broadcast %add3A_146 : i32 to vector<16xi32>
        %add3A_148 = arith.addi %broadcast_in_dim3A_142, %add3A_147 : vector<16xi32>
        %select_n3A_149 = arith.select %lt3A_145, %add3A_148, %broadcast_in_dim3A_142 : vector<16xi1>, vector<16xi32>
        %broadcast_in_dim3A_150 = vector.shape_cast %select_n3A_149 : vector<16xi32> to vector<16x1xi32>
        %gather3A_151 = vector.shape_cast %broadcast_in_dim3A_150 : vector<16x1xi32> to vector<16xi32>
        %gather3A_152 = tpu.dynamic_gather %get3A_107[%gather3A_151] in [0] : vector<16xi32>, vector<16xi32> -> vector<16xi32>
        %get3A_153 = arith.constant 25 : i32
        %get3A_154 = arith.index_cast %mul3A_118 : i32 to index
        %get3A_155 = arith.index_cast %get3A_153 : i32 to index
        %get3A_156 = arith.constant 0 : index
        %get3A_157 = tpu.vector_load %arg11[%get3A_154, %get3A_155, %get3A_156] {strides = array<i32>} : memref<16x32x16xi32, #tpu.memory_space<vmem>>, vector<16xi32>,
        %and3A_158 = arith.andi %gather3A_152, %get3A_157 : vector<16xi32>
        %ne3A_159 = arith.constant 0 : i32
        %ne3A_160 = vector.broadcast %ne3A_159 : i32 to vector<16xi32>
        %ne3A_161 = arith.cmpi ne, %and3A_158, %ne3A_160 : vector<16xi32>
        %jit3A_162 = arith.constant 33554432 : i32
        %jit3A_163 = arith.constant 0 : i32
        %broadcast_in_dim3A_164 = vector.broadcast %jit3A_162 : i32 to vector<16xi32>
        %broadcast_in_dim3A_165 = vector.broadcast %jit3A_163 : i32 to vector<16xi32>
        %select_n3A_166 = arith.select %ne3A_161, %broadcast_in_dim3A_164, %broadcast_in_dim3A_165 : vector<16xi1>, vector<16xi32>
        %or3A_167 = arith.ori %broadcast_in_dim3A_109, %select_n3A_166 : vector<16xi32>
        %broadcast_in_dim3A_168 = arith.constant 10 : i32
        %broadcast_in_dim3A_169 = vector.broadcast %broadcast_in_dim3A_168 : i32 to vector<16xi32>
        %lt3A_170 = arith.constant 0 : i32
        %lt3A_171 = vector.broadcast %lt3A_170 : i32 to vector<16xi32>
        %lt3A_172 = arith.cmpi slt, %broadcast_in_dim3A_169, %lt3A_171 : vector<16xi32>
        %add3A_173 = arith.constant 16 : i32
        %add3A_174 = vector.broadcast %add3A_173 : i32 to vector<16xi32>
        %add3A_175 = arith.addi %broadcast_in_dim3A_169, %add3A_174 : vector<16xi32>
        %select_n3A_176 = arith.select %lt3A_172, %add3A_175, %broadcast_in_dim3A_169 : vector<16xi1>, vector<16xi32>
        %broadcast_in_dim3A_177 = vector.shape_cast %select_n3A_176 : vector<16xi32> to vector<16x1xi32>
        %gather3A_178 = vector.shape_cast %broadcast_in_dim3A_177 : vector<16x1xi32> to vector<16xi32>
        %gather3A_179 = tpu.dynamic_gather %get3A_107[%gather3A_178] in [0] : vector<16xi32>, vector<16xi32> -> vector<16xi32>
        %get3A_180 = arith.constant 26 : i32
        %get3A_181 = arith.index_cast %mul3A_118 : i32 to index
        %get3A_182 = arith.index_cast %get3A_180 : i32 to index
        %get3A_183 = arith.constant 0 : index
        %get3A_184 = tpu.vector_load %arg11[%get3A_181, %get3A_182, %get3A_183] {strides = array<i32>} : memref<16x32x16xi32, #tpu.memory_space<vmem>>, vector<16xi32>,
        %and3A_185 = arith.andi %gather3A_179, %get3A_184 : vector<16xi32>
        %ne3A_186 = arith.constant 0 : i32
        %ne3A_187 = vector.broadcast %ne3A_186 : i32 to vector<16xi32>
        %ne3A_188 = arith.cmpi ne, %and3A_185, %ne3A_187 : vector<16xi32>
        %jit3A_189 = arith.constant 67108864 : i32
        %jit3A_190 = arith.constant 0 : i32
        %broadcast_in_dim3A_191 = vector.broadcast %jit3A_189 : i32 to vector<16xi32>
        %broadcast_in_dim3A_192 = vector.broadcast %jit3A_190 : i32 to vector<16xi32>
        %select_n3A_193 = arith.select %ne3A_188, %broadcast_in_dim3A_191, %broadcast_in_dim3A_192 : vector<16xi1>, vector<16xi32>
        %or3A_194 = arith.ori %or3A, %select_n3A_193 : vector<16xi32>
        %broadcast_in_dim3A_195 = arith.constant 11 : i32
        %broadcast_in_dim3A_196 = vector.broadcast %broadcast_in_dim3A_195 : i32 to vector<16xi32>
        %lt3A_197 = arith.constant 0 : i32
        %lt3A_198 = vector.broadcast %lt3A_197 : i32 to vector<16xi32>
        %lt3A_199 = arith.cmpi slt, %broadcast_in_dim3A_196, %lt3A_198 : vector<16xi32>
        %add3A_200 = arith.constant 16 : i32
        %add3A_201 = vector.broadcast %add3A_200 : i32 to vector<16xi32>
        %add3A_202 = arith.addi %broadcast_in_dim3A_196, %add3A_201 : vector<16xi32>
        %select_n3A_203 = arith.select %lt3A_199, %add3A_202, %broadcast_in_dim3A_196 : vector<16xi1>, vector<16xi32>
        %broadcast_in_dim3A_204 = vector.shape_cast %select_n3A_203 : vector<16xi32> to vector<16x1xi32>
        %gather3A_205 = vector.shape_cast %broadcast_in_dim3A_204 : vector<16x1xi32> to vector<16xi32>
        %gather3A_206 = tpu.dynamic_gather %get3A_107[%gather3A_205] in [0] : vector<16xi32>, vector<16xi32> -> vector<16xi32>
        %get3A_207 = arith.constant 27 : i32
        %get3A_208 = arith.index_cast %mul3A_118 : i32 to index
        %get3A_209 = arith.index_cast %get3A_207 : i32 to index
        %get3A_210 = arith.constant 0 : index
        %get3A_211 = tpu.vector_load %arg11[%get3A_208, %get3A_209, %get3A_210] {strides = array<i32>} : memref<16x32x16xi32, #tpu.memory_space<vmem>>, vector<16xi32>,
        %and3A_212 = arith.andi %gather3A_206, %get3A_211 : vector<16xi32>
        %ne3A_213 = arith.constant 0 : i32
        %ne3A_214 = vector.broadcast %ne3A_213 : i32 to vector<16xi32>
        %ne3A_215 = arith.cmpi ne, %and3A_212, %ne3A_214 : vector<16xi32>
        %jit3A_216 = arith.constant 134217728 : i32
        %jit3A_217 = arith.constant 0 : i32
        %broadcast_in_dim3A_218 = vector.broadcast %jit3A_216 : i32 to vector<16xi32>
        %broadcast_in_dim3A_219 = vector.broadcast %jit3A_217 : i32 to vector<16xi32>
        %select_n3A_220 = arith.select %ne3A_215, %broadcast_in_dim3A_218, %broadcast_in_dim3A_219 : vector<16xi1>, vector<16xi32>
        %or3A_221 = arith.ori %or3A_167, %select_n3A_220 : vector<16xi32>
        %broadcast_in_dim3A_222 = arith.constant 12 : i32
        %broadcast_in_dim3A_223 = vector.broadcast %broadcast_in_dim3A_222 : i32 to vector<16xi32>
        %lt3A_224 = arith.constant 0 : i32
        %lt3A_225 = vector.broadcast %lt3A_224 : i32 to vector<16xi32>
        %lt3A_226 = arith.cmpi slt, %broadcast_in_dim3A_223, %lt3A_225 : vector<16xi32>
        %add3A_227 = arith.constant 16 : i32
        %add3A_228 = vector.broadcast %add3A_227 : i32 to vector<16xi32>
        %add3A_229 = arith.addi %broadcast_in_dim3A_223, %add3A_228 : vector<16xi32>
        %select_n3A_230 = arith.select %lt3A_226, %add3A_229, %broadcast_in_dim3A_223 : vector<16xi1>, vector<16xi32>
        %broadcast_in_dim3A_231 = vector.shape_cast %select_n3A_230 : vector<16xi32> to vector<16x1xi32>
        %gather3A_232 = vector.shape_cast %broadcast_in_dim3A_231 : vector<16x1xi32> to vector<16xi32>
        %gather3A_233 = tpu.dynamic_gather %get3A_107[%gather3A_232] in [0] : vector<16xi32>, vector<16xi32> -> vector<16xi32>
        %get3A_234 = arith.constant 28 : i32
        %get3A_235 = arith.index_cast %mul3A_118 : i32 to index
        %get3A_236 = arith.index_cast %get3A_234 : i32 to index
        %get3A_237 = arith.constant 0 : index
        %get3A_238 = tpu.vector_load %arg11[%get3A_235, %get3A_236, %get3A_237] {strides = array<i32>} : memref<16x32x16xi32, #tpu.memory_space<vmem>>, vector<16xi32>,
        %and3A_239 = arith.andi %gather3A_233, %get3A_238 : vector<16xi32>
        %ne3A_240 = arith.constant 0 : i32
        %ne3A_241 = vector.broadcast %ne3A_240 : i32 to vector<16xi32>
        %ne3A_242 = arith.cmpi ne, %and3A_239, %ne3A_241 : vector<16xi32>
        %jit3A_243 = arith.constant 268435456 : i32
        %jit3A_244 = arith.constant 0 : i32
        %broadcast_in_dim3A_245 = vector.broadcast %jit3A_243 : i32 to vector<16xi32>
        %broadcast_in_dim3A_246 = vector.broadcast %jit3A_244 : i32 to vector<16xi32>
        %select_n3A_247 = arith.select %ne3A_242, %broadcast_in_dim3A_245, %broadcast_in_dim3A_246 : vector<16xi1>, vector<16xi32>
        %or3A_248 = arith.ori %or3A_194, %select_n3A_247 : vector<16xi32>
        %broadcast_in_dim3A_249 = arith.constant 13 : i32
        %broadcast_in_dim3A_250 = vector.broadcast %broadcast_in_dim3A_249 : i32 to vector<16xi32>
        %lt3A_251 = arith.constant 0 : i32
        %lt3A_252 = vector.broadcast %lt3A_251 : i32 to vector<16xi32>
        %lt3A_253 = arith.cmpi slt, %broadcast_in_dim3A_250, %lt3A_252 : vector<16xi32>
        %add3A_254 = arith.constant 16 : i32
        %add3A_255 = vector.broadcast %add3A_254 : i32 to vector<16xi32>
        %add3A_256 = arith.addi %broadcast_in_dim3A_250, %add3A_255 : vector<16xi32>
        %select_n3A_257 = arith.select %lt3A_253, %add3A_256, %broadcast_in_dim3A_250 : vector<16xi1>, vector<16xi32>
        %broadcast_in_dim3A_258 = vector.shape_cast %select_n3A_257 : vector<16xi32> to vector<16x1xi32>
        %gather3A_259 = vector.shape_cast %broadcast_in_dim3A_258 : vector<16x1xi32> to vector<16xi32>
        %gather3A_260 = tpu.dynamic_gather %get3A_107[%gather3A_259] in [0] : vector<16xi32>, vector<16xi32> -> vector<16xi32>
        %get3A_261 = arith.constant 29 : i32
        %get3A_262 = arith.index_cast %mul3A_118 : i32 to index
        %get3A_263 = arith.index_cast %get3A_261 : i32 to index
        %get3A_264 = arith.constant 0 : index
        %get3A_265 = tpu.vector_load %arg11[%get3A_262, %get3A_263, %get3A_264] {strides = array<i32>} : memref<16x32x16xi32, #tpu.memory_space<vmem>>, vector<16xi32>,
        %and3A_266 = arith.andi %gather3A_260, %get3A_265 : vector<16xi32>
        %ne3A_267 = arith.constant 0 : i32
        %ne3A_268 = vector.broadcast %ne3A_267 : i32 to vector<16xi32>
        %ne3A_269 = arith.cmpi ne, %and3A_266, %ne3A_268 : vector<16xi32>
        %jit3A_270 = arith.constant 536870912 : i32
        %jit3A_271 = arith.constant 0 : i32
        %broadcast_in_dim3A_272 = vector.broadcast %jit3A_270 : i32 to vector<16xi32>
        %broadcast_in_dim3A_273 = vector.broadcast %jit3A_271 : i32 to vector<16xi32>
        %select_n3A_274 = arith.select %ne3A_269, %broadcast_in_dim3A_272, %broadcast_in_dim3A_273 : vector<16xi1>, vector<16xi32>
        %or3A_275 = arith.ori %or3A_221, %select_n3A_274 : vector<16xi32>
        %broadcast_in_dim3A_276 = arith.constant 14 : i32
        %broadcast_in_dim3A_277 = vector.broadcast %broadcast_in_dim3A_276 : i32 to vector<16xi32>
        %lt3A_278 = arith.constant 0 : i32
        %lt3A_279 = vector.broadcast %lt3A_278 : i32 to vector<16xi32>
        %lt3A_280 = arith.cmpi slt, %broadcast_in_dim3A_277, %lt3A_279 : vector<16xi32>
        %add3A_281 = arith.constant 16 : i32
        %add3A_282 = vector.broadcast %add3A_281 : i32 to vector<16xi32>
        %add3A_283 = arith.addi %broadcast_in_dim3A_277, %add3A_282 : vector<16xi32>
        %select_n3A_284 = arith.select %lt3A_280, %add3A_283, %broadcast_in_dim3A_277 : vector<16xi1>, vector<16xi32>
        %broadcast_in_dim3A_285 = vector.shape_cast %select_n3A_284 : vector<16xi32> to vector<16x1xi32>
        %gather3A_286 = vector.shape_cast %broadcast_in_dim3A_285 : vector<16x1xi32> to vector<16xi32>
        %gather3A_287 = tpu.dynamic_gather %get3A_107[%gather3A_286] in [0] : vector<16xi32>, vector<16xi32> -> vector<16xi32>
        %get3A_288 = arith.constant 30 : i32
        %get3A_289 = arith.index_cast %mul3A_118 : i32 to index
        %get3A_290 = arith.index_cast %get3A_288 : i32 to index
        %get3A_291 = arith.constant 0 : index
        %get3A_292 = tpu.vector_load %arg11[%get3A_289, %get3A_290, %get3A_291] {strides = array<i32>} : memref<16x32x16xi32, #tpu.memory_space<vmem>>, vector<16xi32>,
        %and3A_293 = arith.andi %gather3A_287, %get3A_292 : vector<16xi32>
        %ne3A_294 = arith.constant 0 : i32
        %ne3A_295 = vector.broadcast %ne3A_294 : i32 to vector<16xi32>
        %ne3A_296 = arith.cmpi ne, %and3A_293, %ne3A_295 : vector<16xi32>
        %jit3A_297 = arith.constant 1073741824 : i32
        %jit3A_298 = arith.constant 0 : i32
        %broadcast_in_dim3A_299 = vector.broadcast %jit3A_297 : i32 to vector<16xi32>
        %broadcast_in_dim3A_300 = vector.broadcast %jit3A_298 : i32 to vector<16xi32>
        %select_n3A_301 = arith.select %ne3A_296, %broadcast_in_dim3A_299, %broadcast_in_dim3A_300 : vector<16xi1>, vector<16xi32>
        %or3A_302 = arith.ori %or3A_248, %select_n3A_301 : vector<16xi32>
        %broadcast_in_dim3A_303 = arith.constant 15 : i32
        %broadcast_in_dim3A_304 = vector.broadcast %broadcast_in_dim3A_303 : i32 to vector<16xi32>
        %lt3A_305 = arith.constant 0 : i32
        %lt3A_306 = vector.broadcast %lt3A_305 : i32 to vector<16xi32>
        %lt3A_307 = arith.cmpi slt, %broadcast_in_dim3A_304, %lt3A_306 : vector<16xi32>
        %add3A_308 = arith.constant 16 : i32
        %add3A_309 = vector.broadcast %add3A_308 : i32 to vector<16xi32>
        %add3A_310 = arith.addi %broadcast_in_dim3A_304, %add3A_309 : vector<16xi32>
        %select_n3A_311 = arith.select %lt3A_307, %add3A_310, %broadcast_in_dim3A_304 : vector<16xi1>, vector<16xi32>
        %broadcast_in_dim3A_312 = vector.shape_cast %select_n3A_311 : vector<16xi32> to vector<16x1xi32>
        %gather3A_313 = vector.shape_cast %broadcast_in_dim3A_312 : vector<16x1xi32> to vector<16xi32>
        %gather3A_314 = tpu.dynamic_gather %get3A_107[%gather3A_313] in [0] : vector<16xi32>, vector<16xi32> -> vector<16xi32>
        %get3A_315 = arith.constant 31 : i32
        %get3A_316 = arith.index_cast %mul3A_118 : i32 to index
        %get3A_317 = arith.index_cast %get3A_315 : i32 to index
        %get3A_318 = arith.constant 0 : index
        %get3A_319 = tpu.vector_load %arg11[%get3A_316, %get3A_317, %get3A_318] {strides = array<i32>} : memref<16x32x16xi32, #tpu.memory_space<vmem>>, vector<16xi32>,
        %and3A_320 = arith.andi %gather3A_314, %get3A_319 : vector<16xi32>
        %ne3A_321 = arith.constant 0 : i32
        %ne3A_322 = vector.broadcast %ne3A_321 : i32 to vector<16xi32>
        %ne3A_323 = arith.cmpi ne, %and3A_320, %ne3A_322 : vector<16xi32>
        %jit3A_324 = arith.constant -2147483648 : i32
        %jit3A_325 = arith.constant 0 : i32
        %broadcast_in_dim3A_326 = vector.broadcast %jit3A_324 : i32 to vector<16xi32>
        %broadcast_in_dim3A_327 = vector.broadcast %jit3A_325 : i32 to vector<16xi32>
        %select_n3A_328 = arith.select %ne3A_323, %broadcast_in_dim3A_326, %broadcast_in_dim3A_327 : vector<16xi1>, vector<16xi32>
        %or3A_329 = arith.ori %or3A_275, %select_n3A_328 : vector<16xi32>
        %broadcast_in_dim3A_330 = arith.constant 8 : i32
        %broadcast_in_dim3A_331 = vector.broadcast %broadcast_in_dim3A_330 : i32 to vector<16xi32>
        %lt3A_332 = arith.constant 0 : i32
        %lt3A_333 = vector.broadcast %lt3A_332 : i32 to vector<16xi32>
        %lt3A_334 = arith.cmpi slt, %broadcast_in_dim3A_331, %lt3A_333 : vector<16xi32>
        %add3A_335 = arith.constant 16 : i32
        %add3A_336 = vector.broadcast %add3A_335 : i32 to vector<16xi32>
        %add3A_337 = arith.addi %broadcast_in_dim3A_331, %add3A_336 : vector<16xi32>
        %select_n3A_338 = arith.select %lt3A_334, %add3A_337, %broadcast_in_dim3A_331 : vector<16xi1>, vector<16xi32>
        %broadcast_in_dim3A_339 = vector.shape_cast %select_n3A_338 : vector<16xi32> to vector<16x1xi32>
        %gather3A_340 = vector.shape_cast %broadcast_in_dim3A_339 : vector<16x1xi32> to vector<16xi32>
        %gather3A_341 = tpu.dynamic_gather %get3A_107[%gather3A_340] in [0] : vector<16xi32>, vector<16xi32> -> vector<16xi32>
        %get3A_342 = arith.constant 24 : i32
        %get3A_343 = arith.index_cast %add3A_120 : i32 to index
        %get3A_344 = arith.index_cast %get3A_342 : i32 to index
        %get3A_345 = arith.constant 0 : index
        %get3A_346 = tpu.vector_load %arg11[%get3A_343, %get3A_344, %get3A_345] {strides = array<i32>} : memref<16x32x16xi32, #tpu.memory_space<vmem>>, vector<16xi32>,
        %and3A_347 = arith.andi %gather3A_341, %get3A_346 : vector<16xi32>
        %ne3A_348 = arith.constant 0 : i32
        %ne3A_349 = vector.broadcast %ne3A_348 : i32 to vector<16xi32>
        %ne3A_350 = arith.cmpi ne, %and3A_347, %ne3A_349 : vector<16xi32>
        %jit3A_351 = arith.constant 16777216 : i32
        %jit3A_352 = arith.constant 0 : i32
        %broadcast_in_dim3A_353 = vector.broadcast %jit3A_351 : i32 to vector<16xi32>
        %broadcast_in_dim3A_354 = vector.broadcast %jit3A_352 : i32 to vector<16xi32>
        %select_n3A_355 = arith.select %ne3A_350, %broadcast_in_dim3A_353, %broadcast_in_dim3A_354 : vector<16xi1>, vector<16xi32>
        %or3A_356 = arith.ori %broadcast_in_dim3A_109, %select_n3A_355 : vector<16xi32>
        %broadcast_in_dim3A_357 = arith.constant 9 : i32
        %broadcast_in_dim3A_358 = vector.broadcast %broadcast_in_dim3A_357 : i32 to vector<16xi32>
        %lt3A_359 = arith.constant 0 : i32
        %lt3A_360 = vector.broadcast %lt3A_359 : i32 to vector<16xi32>
        %lt3A_361 = arith.cmpi slt, %broadcast_in_dim3A_358, %lt3A_360 : vector<16xi32>
        %add3A_362 = arith.constant 16 : i32
        %add3A_363 = vector.broadcast %add3A_362 : i32 to vector<16xi32>
        %add3A_364 = arith.addi %broadcast_in_dim3A_358, %add3A_363 : vector<16xi32>
        %select_n3A_365 = arith.select %lt3A_361, %add3A_364, %broadcast_in_dim3A_358 : vector<16xi1>, vector<16xi32>
        %broadcast_in_dim3A_366 = vector.shape_cast %select_n3A_365 : vector<16xi32> to vector<16x1xi32>
        %gather3A_367 = vector.shape_cast %broadcast_in_dim3A_366 : vector<16x1xi32> to vector<16xi32>
        %gather3A_368 = tpu.dynamic_gather %get3A_107[%gather3A_367] in [0] : vector<16xi32>, vector<16xi32> -> vector<16xi32>
        %get3A_369 = arith.constant 25 : i32
        %get3A_370 = arith.index_cast %add3A_120 : i32 to index
        %get3A_371 = arith.index_cast %get3A_369 : i32 to index
        %get3A_372 = arith.constant 0 : index
        %get3A_373 = tpu.vector_load %arg11[%get3A_370, %get3A_371, %get3A_372] {strides = array<i32>} : memref<16x32x16xi32, #tpu.memory_space<vmem>>, vector<16xi32>,
        %and3A_374 = arith.andi %gather3A_368, %get3A_373 : vector<16xi32>
        %ne3A_375 = arith.constant 0 : i32
        %ne3A_376 = vector.broadcast %ne3A_375 : i32 to vector<16xi32>
        %ne3A_377 = arith.cmpi ne, %and3A_374, %ne3A_376 : vector<16xi32>
        %jit3A_378 = arith.constant 33554432 : i32
        %jit3A_379 = arith.constant 0 : i32
        %broadcast_in_dim3A_380 = vector.broadcast %jit3A_378 : i32 to vector<16xi32>
        %broadcast_in_dim3A_381 = vector.broadcast %jit3A_379 : i32 to vector<16xi32>
        %select_n3A_382 = arith.select %ne3A_377, %broadcast_in_dim3A_380, %broadcast_in_dim3A_381 : vector<16xi1>, vector<16xi32>
        %or3A_383 = arith.ori %broadcast_in_dim3A_109, %select_n3A_382 : vector<16xi32>
        %broadcast_in_dim3A_384 = arith.constant 10 : i32
        %broadcast_in_dim3A_385 = vector.broadcast %broadcast_in_dim3A_384 : i32 to vector<16xi32>
        %lt3A_386 = arith.constant 0 : i32
        %lt3A_387 = vector.broadcast %lt3A_386 : i32 to vector<16xi32>
        %lt3A_388 = arith.cmpi slt, %broadcast_in_dim3A_385, %lt3A_387 : vector<16xi32>
        %add3A_389 = arith.constant 16 : i32
        %add3A_390 = vector.broadcast %add3A_389 : i32 to vector<16xi32>
        %add3A_391 = arith.addi %broadcast_in_dim3A_385, %add3A_390 : vector<16xi32>
        %select_n3A_392 = arith.select %lt3A_388, %add3A_391, %broadcast_in_dim3A_385 : vector<16xi1>, vector<16xi32>
        %broadcast_in_dim3A_393 = vector.shape_cast %select_n3A_392 : vector<16xi32> to vector<16x1xi32>
        %gather3A_394 = vector.shape_cast %broadcast_in_dim3A_393 : vector<16x1xi32> to vector<16xi32>
        %gather3A_395 = tpu.dynamic_gather %get3A_107[%gather3A_394] in [0] : vector<16xi32>, vector<16xi32> -> vector<16xi32>
        %get3A_396 = arith.constant 26 : i32
        %get3A_397 = arith.index_cast %add3A_120 : i32 to index
        %get3A_398 = arith.index_cast %get3A_396 : i32 to index
        %get3A_399 = arith.constant 0 : index
        %get3A_400 = tpu.vector_load %arg11[%get3A_397, %get3A_398, %get3A_399] {strides = array<i32>} : memref<16x32x16xi32, #tpu.memory_space<vmem>>, vector<16xi32>,
        %and3A_401 = arith.andi %gather3A_395, %get3A_400 : vector<16xi32>
        %ne3A_402 = arith.constant 0 : i32
        %ne3A_403 = vector.broadcast %ne3A_402 : i32 to vector<16xi32>
        %ne3A_404 = arith.cmpi ne, %and3A_401, %ne3A_403 : vector<16xi32>
        %jit3A_405 = arith.constant 67108864 : i32
        %jit3A_406 = arith.constant 0 : i32
        %broadcast_in_dim3A_407 = vector.broadcast %jit3A_405 : i32 to vector<16xi32>
        %broadcast_in_dim3A_408 = vector.broadcast %jit3A_406 : i32 to vector<16xi32>
        %select_n3A_409 = arith.select %ne3A_404, %broadcast_in_dim3A_407, %broadcast_in_dim3A_408 : vector<16xi1>, vector<16xi32>
        %or3A_410 = arith.ori %or3A_356, %select_n3A_409 : vector<16xi32>
        %broadcast_in_dim3A_411 = arith.constant 11 : i32
        %broadcast_in_dim3A_412 = vector.broadcast %broadcast_in_dim3A_411 : i32 to vector<16xi32>
        %lt3A_413 = arith.constant 0 : i32
        %lt3A_414 = vector.broadcast %lt3A_413 : i32 to vector<16xi32>
        %lt3A_415 = arith.cmpi slt, %broadcast_in_dim3A_412, %lt3A_414 : vector<16xi32>
        %add3A_416 = arith.constant 16 : i32
        %add3A_417 = vector.broadcast %add3A_416 : i32 to vector<16xi32>
        %add3A_418 = arith.addi %broadcast_in_dim3A_412, %add3A_417 : vector<16xi32>
        %select_n3A_419 = arith.select %lt3A_415, %add3A_418, %broadcast_in_dim3A_412 : vector<16xi1>, vector<16xi32>
        %broadcast_in_dim3A_420 = vector.shape_cast %select_n3A_419 : vector<16xi32> to vector<16x1xi32>
        %gather3A_421 = vector.shape_cast %broadcast_in_dim3A_420 : vector<16x1xi32> to vector<16xi32>
        %gather3A_422 = tpu.dynamic_gather %get3A_107[%gather3A_421] in [0] : vector<16xi32>, vector<16xi32> -> vector<16xi32>
        %get3A_423 = arith.constant 27 : i32
        %get3A_424 = arith.index_cast %add3A_120 : i32 to index
        %get3A_425 = arith.index_cast %get3A_423 : i32 to index
        %get3A_426 = arith.constant 0 : index
        %get3A_427 = tpu.vector_load %arg11[%get3A_424, %get3A_425, %get3A_426] {strides = array<i32>} : memref<16x32x16xi32, #tpu.memory_space<vmem>>, vector<16xi32>,
        %and3A_428 = arith.andi %gather3A_422, %get3A_427 : vector<16xi32>
        %ne3A_429 = arith.constant 0 : i32
        %ne3A_430 = vector.broadcast %ne3A_429 : i32 to vector<16xi32>
        %ne3A_431 = arith.cmpi ne, %and3A_428, %ne3A_430 : vector<16xi32>
        %jit3A_432 = arith.constant 134217728 : i32
        %jit3A_433 = arith.constant 0 : i32
        %broadcast_in_dim3A_434 = vector.broadcast %jit3A_432 : i32 to vector<16xi32>
        %broadcast_in_dim3A_435 = vector.broadcast %jit3A_433 : i32 to vector<16xi32>
        %select_n3A_436 = arith.select %ne3A_431, %broadcast_in_dim3A_434, %broadcast_in_dim3A_435 : vector<16xi1>, vector<16xi32>
        %or3A_437 = arith.ori %or3A_383, %select_n3A_436 : vector<16xi32>
        %broadcast_in_dim3A_438 = arith.constant 12 : i32
        %broadcast_in_dim3A_439 = vector.broadcast %broadcast_in_dim3A_438 : i32 to vector<16xi32>
        %lt3A_440 = arith.constant 0 : i32
        %lt3A_441 = vector.broadcast %lt3A_440 : i32 to vector<16xi32>
        %lt3A_442 = arith.cmpi slt, %broadcast_in_dim3A_439, %lt3A_441 : vector<16xi32>
        %add3A_443 = arith.constant 16 : i32
        %add3A_444 = vector.broadcast %add3A_443 : i32 to vector<16xi32>
        %add3A_445 = arith.addi %broadcast_in_dim3A_439, %add3A_444 : vector<16xi32>
        %select_n3A_446 = arith.select %lt3A_442, %add3A_445, %broadcast_in_dim3A_439 : vector<16xi1>, vector<16xi32>
        %broadcast_in_dim3A_447 = vector.shape_cast %select_n3A_446 : vector<16xi32> to vector<16x1xi32>
        %gather3A_448 = vector.shape_cast %broadcast_in_dim3A_447 : vector<16x1xi32> to vector<16xi32>
        %gather3A_449 = tpu.dynamic_gather %get3A_107[%gather3A_448] in [0] : vector<16xi32>, vector<16xi32> -> vector<16xi32>
        %get3A_450 = arith.constant 28 : i32
        %get3A_451 = arith.index_cast %add3A_120 : i32 to index
        %get3A_452 = arith.index_cast %get3A_450 : i32 to index
        %get3A_453 = arith.constant 0 : index
        %get3A_454 = tpu.vector_load %arg11[%get3A_451, %get3A_452, %get3A_453] {strides = array<i32>} : memref<16x32x16xi32, #tpu.memory_space<vmem>>, vector<16xi32>,
        %and3A_455 = arith.andi %gather3A_449, %get3A_454 : vector<16xi32>
        %ne3A_456 = arith.constant 0 : i32
        %ne3A_457 = vector.broadcast %ne3A_456 : i32 to vector<16xi32>
        %ne3A_458 = arith.cmpi ne, %and3A_455, %ne3A_457 : vector<16xi32>
        %jit3A_459 = arith.constant 268435456 : i32
        %jit3A_460 = arith.constant 0 : i32
        %broadcast_in_dim3A_461 = vector.broadcast %jit3A_459 : i32 to vector<16xi32>
        %broadcast_in_dim3A_462 = vector.broadcast %jit3A_460 : i32 to vector<16xi32>
        %select_n3A_463 = arith.select %ne3A_458, %broadcast_in_dim3A_461, %broadcast_in_dim3A_462 : vector<16xi1>, vector<16xi32>
        %or3A_464 = arith.ori %or3A_410, %select_n3A_463 : vector<16xi32>
        %broadcast_in_dim3A_465 = arith.constant 13 : i32
        %broadcast_in_dim3A_466 = vector.broadcast %broadcast_in_dim3A_465 : i32 to vector<16xi32>
        %lt3A_467 = arith.constant 0 : i32
        %lt3A_468 = vector.broadcast %lt3A_467 : i32 to vector<16xi32>
        %lt3A_469 = arith.cmpi slt, %broadcast_in_dim3A_466, %lt3A_468 : vector<16xi32>
        %add3A_470 = arith.constant 16 : i32
        %add3A_471 = vector.broadcast %add3A_470 : i32 to vector<16xi32>
        %add3A_472 = arith.addi %broadcast_in_dim3A_466, %add3A_471 : vector<16xi32>
        %select_n3A_473 = arith.select %lt3A_469, %add3A_472, %broadcast_in_dim3A_466 : vector<16xi1>, vector<16xi32>
        %broadcast_in_dim3A_474 = vector.shape_cast %select_n3A_473 : vector<16xi32> to vector<16x1xi32>
        %gather3A_475 = vector.shape_cast %broadcast_in_dim3A_474 : vector<16x1xi32> to vector<16xi32>
        %gather3A_476 = tpu.dynamic_gather %get3A_107[%gather3A_475] in [0] : vector<16xi32>, vector<16xi32> -> vector<16xi32>
        %get3A_477 = arith.constant 29 : i32
        %get3A_478 = arith.index_cast %add3A_120 : i32 to index
        %get3A_479 = arith.index_cast %get3A_477 : i32 to index
        %get3A_480 = arith.constant 0 : index
        %get3A_481 = tpu.vector_load %arg11[%get3A_478, %get3A_479, %get3A_480] {strides = array<i32>} : memref<16x32x16xi32, #tpu.memory_space<vmem>>, vector<16xi32>,
        %and3A_482 = arith.andi %gather3A_476, %get3A_481 : vector<16xi32>
        %ne3A_483 = arith.constant 0 : i32
        %ne3A_484 = vector.broadcast %ne3A_483 : i32 to vector<16xi32>
        %ne3A_485 = arith.cmpi ne, %and3A_482, %ne3A_484 : vector<16xi32>
        %jit3A_486 = arith.constant 536870912 : i32
        %jit3A_487 = arith.constant 0 : i32
        %broadcast_in_dim3A_488 = vector.broadcast %jit3A_486 : i32 to vector<16xi32>
        %broadcast_in_dim3A_489 = vector.broadcast %jit3A_487 : i32 to vector<16xi32>
        %select_n3A_490 = arith.select %ne3A_485, %broadcast_in_dim3A_488, %broadcast_in_dim3A_489 : vector<16xi1>, vector<16xi32>
        %or3A_491 = arith.ori %or3A_437, %select_n3A_490 : vector<16xi32>
        %broadcast_in_dim3A_492 = arith.constant 14 : i32
        %broadcast_in_dim3A_493 = vector.broadcast %broadcast_in_dim3A_492 : i32 to vector<16xi32>
        %lt3A_494 = arith.constant 0 : i32
        %lt3A_495 = vector.broadcast %lt3A_494 : i32 to vector<16xi32>
        %lt3A_496 = arith.cmpi slt, %broadcast_in_dim3A_493, %lt3A_495 : vector<16xi32>
        %add3A_497 = arith.constant 16 : i32
        %add3A_498 = vector.broadcast %add3A_497 : i32 to vector<16xi32>
        %add3A_499 = arith.addi %broadcast_in_dim3A_493, %add3A_498 : vector<16xi32>
        %select_n3A_500 = arith.select %lt3A_496, %add3A_499, %broadcast_in_dim3A_493 : vector<16xi1>, vector<16xi32>
        %broadcast_in_dim3A_501 = vector.shape_cast %select_n3A_500 : vector<16xi32> to vector<16x1xi32>
        %gather3A_502 = vector.shape_cast %broadcast_in_dim3A_501 : vector<16x1xi32> to vector<16xi32>
        %gather3A_503 = tpu.dynamic_gather %get3A_107[%gather3A_502] in [0] : vector<16xi32>, vector<16xi32> -> vector<16xi32>
        %get3A_504 = arith.constant 30 : i32
        %get3A_505 = arith.index_cast %add3A_120 : i32 to index
        %get3A_506 = arith.index_cast %get3A_504 : i32 to index
        %get3A_507 = arith.constant 0 : index
        %get3A_508 = tpu.vector_load %arg11[%get3A_505, %get3A_506, %get3A_507] {strides = array<i32>} : memref<16x32x16xi32, #tpu.memory_space<vmem>>, vector<16xi32>,
        %and3A_509 = arith.andi %gather3A_503, %get3A_508 : vector<16xi32>
        %ne3A_510 = arith.constant 0 : i32
        %ne3A_511 = vector.broadcast %ne3A_510 : i32 to vector<16xi32>
        %ne3A_512 = arith.cmpi ne, %and3A_509, %ne3A_511 : vector<16xi32>
        %jit3A_513 = arith.constant 1073741824 : i32
        %jit3A_514 = arith.constant 0 : i32
        %broadcast_in_dim3A_515 = vector.broadcast %jit3A_513 : i32 to vector<16xi32>
        %broadcast_in_dim3A_516 = vector.broadcast %jit3A_514 : i32 to vector<16xi32>
        %select_n3A_517 = arith.select %ne3A_512, %broadcast_in_dim3A_515, %broadcast_in_dim3A_516 : vector<16xi1>, vector<16xi32>
        %or3A_518 = arith.ori %or3A_464, %select_n3A_517 : vector<16xi32>
        %broadcast_in_dim3A_519 = arith.constant 15 : i32
        %broadcast_in_dim3A_520 = vector.broadcast %broadcast_in_dim3A_519 : i32 to vector<16xi32>
        %lt3A_521 = arith.constant 0 : i32
        %lt3A_522 = vector.broadcast %lt3A_521 : i32 to vector<16xi32>
        %lt3A_523 = arith.cmpi slt, %broadcast_in_dim3A_520, %lt3A_522 : vector<16xi32>
        %add3A_524 = arith.constant 16 : i32
        %add3A_525 = vector.broadcast %add3A_524 : i32 to vector<16xi32>
        %add3A_526 = arith.addi %broadcast_in_dim3A_520, %add3A_525 : vector<16xi32>
        %select_n3A_527 = arith.select %lt3A_523, %add3A_526, %broadcast_in_dim3A_520 : vector<16xi1>, vector<16xi32>
        %broadcast_in_dim3A_528 = vector.shape_cast %select_n3A_527 : vector<16xi32> to vector<16x1xi32>
        %gather3A_529 = vector.shape_cast %broadcast_in_dim3A_528 : vector<16x1xi32> to vector<16xi32>
        %gather3A_530 = tpu.dynamic_gather %get3A_107[%gather3A_529] in [0] : vector<16xi32>, vector<16xi32> -> vector<16xi32>
        %get3A_531 = arith.constant 31 : i32
        %get3A_532 = arith.index_cast %add3A_120 : i32 to index
        %get3A_533 = arith.index_cast %get3A_531 : i32 to index
        %get3A_534 = arith.constant 0 : index
        %get3A_535 = tpu.vector_load %arg11[%get3A_532, %get3A_533, %get3A_534] {strides = array<i32>} : memref<16x32x16xi32, #tpu.memory_space<vmem>>, vector<16xi32>,
        %and3A_536 = arith.andi %gather3A_530, %get3A_535 : vector<16xi32>
        %ne3A_537 = arith.constant 0 : i32
        %ne3A_538 = vector.broadcast %ne3A_537 : i32 to vector<16xi32>
        %ne3A_539 = arith.cmpi ne, %and3A_536, %ne3A_538 : vector<16xi32>
        %jit3A_540 = arith.constant -2147483648 : i32
        %jit3A_541 = arith.constant 0 : i32
        %broadcast_in_dim3A_542 = vector.broadcast %jit3A_540 : i32 to vector<16xi32>
        %broadcast_in_dim3A_543 = vector.broadcast %jit3A_541 : i32 to vector<16xi32>
        %select_n3A_544 = arith.select %ne3A_539, %broadcast_in_dim3A_542, %broadcast_in_dim3A_543 : vector<16xi1>, vector<16xi32>
        %or3A_545 = arith.ori %or3A_491, %select_n3A_544 : vector<16xi32>
        %or3A_546 = arith.ori %or3A_302, %or3A_329 : vector<16xi32>
        %or3A_547 = arith.ori %or3A_518, %or3A_545 : vector<16xi32>
        %ne3A_548 = arith.constant 0 : i32
        %ne3A_549 = vector.broadcast %ne3A_548 : i32 to vector<16xi32>
        %ne3A_550 = arith.cmpi ne, %or3A_546, %ne3A_549 : vector<16xi32>
        %reduce_and3A = arith.constant 1.000000e+00 : f32
        %reduce_and3A_551 = arith.constant 0.000000e+00 : f32
        %reduce_and3A_552 = vector.broadcast %reduce_and3A : f32 to vector<16xf32>
        %reduce_and3A_553 = vector.broadcast %reduce_and3A_551 : f32 to vector<16xf32>
        %reduce_and3A_554 = arith.select %ne3A_550, %reduce_and3A_552, %reduce_and3A_553 : vector<16xi1>, vector<16xf32>
        %reduce_and3A_555 = arith.constant true
        %reduce_and3A_556 = vector.broadcast %reduce_and3A_555 : i1 to vector<16xi1>
        %reduce_and3A_557 = tpu.scan <min>, %reduce_and3A_554 masked %reduce_and3A_556 : vector<16xf32>, vector<16xi1> -> vector<16xf32>
        %reduce_and3A_558 = vector.extract %reduce_and3A_557[15] : f32 from vector<16xf32>
        %reduce_and3A_559 = arith.constant 0.000000e+00 : f32
        %reduce_and3A_560 = arith.cmpf ogt, %reduce_and3A_558, %reduce_and3A_559 : f32
        %convert_element_type3A = arith.extui %reduce_and3A_560 : i1 to i32
        %cond3A = arith.constant 0 : i32
        %cond3A_561 = arith.cmpi ne, %convert_element_type3A, %cond3A : i32
        %cond3A_562 = scf.if %cond3A_561 -> (vector<16xi32>) {
          scf.yield %or3A_546 : vector<16xi32>
        } else {
          %broadcast_in_dim3A_913 = arith.constant 0 : i32
          %broadcast_in_dim3A_914 = vector.broadcast %broadcast_in_dim3A_913 : i32 to vector<16xi32>
          %lt3A_915 = arith.constant 0 : i32
          %lt3A_916 = vector.broadcast %lt3A_915 : i32 to vector<16xi32>
          %lt3A_917 = arith.cmpi slt, %broadcast_in_dim3A_914, %lt3A_916 : vector<16xi32>
          %add3A_918 = arith.constant 16 : i32
          %add3A_919 = vector.broadcast %add3A_918 : i32 to vector<16xi32>
          %add3A_920 = arith.addi %broadcast_in_dim3A_914, %add3A_919 : vector<16xi32>
          %select_n3A_921 = arith.select %lt3A_917, %add3A_920, %broadcast_in_dim3A_914 : vector<16xi1>, vector<16xi32>
          %broadcast_in_dim3A_922 = vector.shape_cast %select_n3A_921 : vector<16xi32> to vector<16x1xi32>
          %gather3A_923 = vector.shape_cast %broadcast_in_dim3A_922 : vector<16x1xi32> to vector<16xi32>
          %gather3A_924 = tpu.dynamic_gather %get3A_104[%gather3A_923] in [0] : vector<16xi32>, vector<16xi32> -> vector<16xi32>
          %get3A_925 = arith.constant 0 : i32
          %get3A_926 = arith.index_cast %mul3A_118 : i32 to index
          %get3A_927 = arith.index_cast %get3A_925 : i32 to index
          %get3A_928 = arith.constant 0 : index
          %get3A_929 = tpu.vector_load %arg11[%get3A_926, %get3A_927, %get3A_928] {strides = array<i32>} : memref<16x32x16xi32, #tpu.memory_space<vmem>>, vector<16xi32>,
          %and3A_930 = arith.andi %gather3A_924, %get3A_929 : vector<16xi32>
          %ne3A_931 = arith.constant 0 : i32
          %ne3A_932 = vector.broadcast %ne3A_931 : i32 to vector<16xi32>
          %ne3A_933 = arith.cmpi ne, %and3A_930, %ne3A_932 : vector<16xi32>
          %jit3A_934 = arith.constant 1 : i32
          %jit3A_935 = arith.constant 0 : i32
          %broadcast_in_dim3A_936 = vector.broadcast %jit3A_934 : i32 to vector<16xi32>
          %broadcast_in_dim3A_937 = vector.broadcast %jit3A_935 : i32 to vector<16xi32>
          %select_n3A_938 = arith.select %ne3A_933, %broadcast_in_dim3A_936, %broadcast_in_dim3A_937 : vector<16xi1>, vector<16xi32>
          %or3A_939 = arith.ori %or3A_546, %select_n3A_938 : vector<16xi32>
          %broadcast_in_dim3A_940 = arith.constant 1 : i32
          %broadcast_in_dim3A_941 = vector.broadcast %broadcast_in_dim3A_940 : i32 to vector<16xi32>
          %lt3A_942 = arith.constant 0 : i32
          %lt3A_943 = vector.broadcast %lt3A_942 : i32 to vector<16xi32>
          %lt3A_944 = arith.cmpi slt, %broadcast_in_dim3A_941, %lt3A_943 : vector<16xi32>
          %add3A_945 = arith.constant 16 : i32
          %add3A_946 = vector.broadcast %add3A_945 : i32 to vector<16xi32>
          %add3A_947 = arith.addi %broadcast_in_dim3A_941, %add3A_946 : vector<16xi32>
          %select_n3A_948 = arith.select %lt3A_944, %add3A_947, %broadcast_in_dim3A_941 : vector<16xi1>, vector<16xi32>
          %broadcast_in_dim3A_949 = vector.shape_cast %select_n3A_948 : vector<16xi32> to vector<16x1xi32>
          %gather3A_950 = vector.shape_cast %broadcast_in_dim3A_949 : vector<16x1xi32> to vector<16xi32>
          %gather3A_951 = tpu.dynamic_gather %get3A_104[%gather3A_950] in [0] : vector<16xi32>, vector<16xi32> -> vector<16xi32>
          %get3A_952 = arith.constant 1 : i32
          %get3A_953 = arith.index_cast %mul3A_118 : i32 to index
          %get3A_954 = arith.index_cast %get3A_952 : i32 to index
          %get3A_955 = arith.constant 0 : index
          %get3A_956 = tpu.vector_load %arg11[%get3A_953, %get3A_954, %get3A_955] {strides = array<i32>} : memref<16x32x16xi32, #tpu.memory_space<vmem>>, vector<16xi32>,
          %and3A_957 = arith.andi %gather3A_951, %get3A_956 : vector<16xi32>
          %ne3A_958 = arith.constant 0 : i32
          %ne3A_959 = vector.broadcast %ne3A_958 : i32 to vector<16xi32>
          %ne3A_960 = arith.cmpi ne, %and3A_957, %ne3A_959 : vector<16xi32>
          %jit3A_961 = arith.constant 2 : i32
          %jit3A_962 = arith.constant 0 : i32
          %broadcast_in_dim3A_963 = vector.broadcast %jit3A_961 : i32 to vector<16xi32>
          %broadcast_in_dim3A_964 = vector.broadcast %jit3A_962 : i32 to vector<16xi32>
          %select_n3A_965 = arith.select %ne3A_960, %broadcast_in_dim3A_963, %broadcast_in_dim3A_964 : vector<16xi1>, vector<16xi32>
          %or3A_966 = arith.ori %broadcast_in_dim3A_109, %select_n3A_965 : vector<16xi32>
          %broadcast_in_dim3A_967 = arith.constant 2 : i32
          %broadcast_in_dim3A_968 = vector.broadcast %broadcast_in_dim3A_967 : i32 to vector<16xi32>
          %lt3A_969 = arith.constant 0 : i32
          %lt3A_970 = vector.broadcast %lt3A_969 : i32 to vector<16xi32>
          %lt3A_971 = arith.cmpi slt, %broadcast_in_dim3A_968, %lt3A_970 : vector<16xi32>
          %add3A_972 = arith.constant 16 : i32
          %add3A_973 = vector.broadcast %add3A_972 : i32 to vector<16xi32>
          %add3A_974 = arith.addi %broadcast_in_dim3A_968, %add3A_973 : vector<16xi32>
          %select_n3A_975 = arith.select %lt3A_971, %add3A_974, %broadcast_in_dim3A_968 : vector<16xi1>, vector<16xi32>
          %broadcast_in_dim3A_976 = vector.shape_cast %select_n3A_975 : vector<16xi32> to vector<16x1xi32>
          %gather3A_977 = vector.shape_cast %broadcast_in_dim3A_976 : vector<16x1xi32> to vector<16xi32>
          %gather3A_978 = tpu.dynamic_gather %get3A_104[%gather3A_977] in [0] : vector<16xi32>, vector<16xi32> -> vector<16xi32>
          %get3A_979 = arith.constant 2 : i32
          %get3A_980 = arith.index_cast %mul3A_118 : i32 to index
          %get3A_981 = arith.index_cast %get3A_979 : i32 to index
          %get3A_982 = arith.constant 0 : index
          %get3A_983 = tpu.vector_load %arg11[%get3A_980, %get3A_981, %get3A_982] {strides = array<i32>} : memref<16x32x16xi32, #tpu.memory_space<vmem>>, vector<16xi32>,
          %and3A_984 = arith.andi %gather3A_978, %get3A_983 : vector<16xi32>
          %ne3A_985 = arith.constant 0 : i32
          %ne3A_986 = vector.broadcast %ne3A_985 : i32 to vector<16xi32>
          %ne3A_987 = arith.cmpi ne, %and3A_984, %ne3A_986 : vector<16xi32>
          %jit3A_988 = arith.constant 4 : i32
          %jit3A_989 = arith.constant 0 : i32
          %broadcast_in_dim3A_990 = vector.broadcast %jit3A_988 : i32 to vector<16xi32>
          %broadcast_in_dim3A_991 = vector.broadcast %jit3A_989 : i32 to vector<16xi32>
          %select_n3A_992 = arith.select %ne3A_987, %broadcast_in_dim3A_990, %broadcast_in_dim3A_991 : vector<16xi1>, vector<16xi32>
          %or3A_993 = arith.ori %or3A_939, %select_n3A_992 : vector<16xi32>
          %broadcast_in_dim3A_994 = arith.constant 3 : i32
          %broadcast_in_dim3A_995 = vector.broadcast %broadcast_in_dim3A_994 : i32 to vector<16xi32>
          %lt3A_996 = arith.constant 0 : i32
          %lt3A_997 = vector.broadcast %lt3A_996 : i32 to vector<16xi32>
          %lt3A_998 = arith.cmpi slt, %broadcast_in_dim3A_995, %lt3A_997 : vector<16xi32>
          %add3A_999 = arith.constant 16 : i32
          %add3A_1000 = vector.broadcast %add3A_999 : i32 to vector<16xi32>
          %add3A_1001 = arith.addi %broadcast_in_dim3A_995, %add3A_1000 : vector<16xi32>
          %select_n3A_1002 = arith.select %lt3A_998, %add3A_1001, %broadcast_in_dim3A_995 : vector<16xi1>, vector<16xi32>
          %broadcast_in_dim3A_1003 = vector.shape_cast %select_n3A_1002 : vector<16xi32> to vector<16x1xi32>
          %gather3A_1004 = vector.shape_cast %broadcast_in_dim3A_1003 : vector<16x1xi32> to vector<16xi32>
          %gather3A_1005 = tpu.dynamic_gather %get3A_104[%gather3A_1004] in [0] : vector<16xi32>, vector<16xi32> -> vector<16xi32>
          %get3A_1006 = arith.constant 3 : i32
          %get3A_1007 = arith.index_cast %mul3A_118 : i32 to index
          %get3A_1008 = arith.index_cast %get3A_1006 : i32 to index
          %get3A_1009 = arith.constant 0 : index
          %get3A_1010 = tpu.vector_load %arg11[%get3A_1007, %get3A_1008, %get3A_1009] {strides = array<i32>} : memref<16x32x16xi32, #tpu.memory_space<vmem>>, vector<16xi32>,
          %and3A_1011 = arith.andi %gather3A_1005, %get3A_1010 : vector<16xi32>
          %ne3A_1012 = arith.constant 0 : i32
          %ne3A_1013 = vector.broadcast %ne3A_1012 : i32 to vector<16xi32>
          %ne3A_1014 = arith.cmpi ne, %and3A_1011, %ne3A_1013 : vector<16xi32>
          %jit3A_1015 = arith.constant 8 : i32
          %jit3A_1016 = arith.constant 0 : i32
          %broadcast_in_dim3A_1017 = vector.broadcast %jit3A_1015 : i32 to vector<16xi32>
          %broadcast_in_dim3A_1018 = vector.broadcast %jit3A_1016 : i32 to vector<16xi32>
          %select_n3A_1019 = arith.select %ne3A_1014, %broadcast_in_dim3A_1017, %broadcast_in_dim3A_1018 : vector<16xi1>, vector<16xi32>
          %or3A_1020 = arith.ori %or3A_966, %select_n3A_1019 : vector<16xi32>
          %broadcast_in_dim3A_1021 = arith.constant 4 : i32
          %broadcast_in_dim3A_1022 = vector.broadcast %broadcast_in_dim3A_1021 : i32 to vector<16xi32>
          %lt3A_1023 = arith.constant 0 : i32
          %lt3A_1024 = vector.broadcast %lt3A_1023 : i32 to vector<16xi32>
          %lt3A_1025 = arith.cmpi slt, %broadcast_in_dim3A_1022, %lt3A_1024 : vector<16xi32>
          %add3A_1026 = arith.constant 16 : i32
          %add3A_1027 = vector.broadcast %add3A_1026 : i32 to vector<16xi32>
          %add3A_1028 = arith.addi %broadcast_in_dim3A_1022, %add3A_1027 : vector<16xi32>
          %select_n3A_1029 = arith.select %lt3A_1025, %add3A_1028, %broadcast_in_dim3A_1022 : vector<16xi1>, vector<16xi32>
          %broadcast_in_dim3A_1030 = vector.shape_cast %select_n3A_1029 : vector<16xi32> to vector<16x1xi32>
          %gather3A_1031 = vector.shape_cast %broadcast_in_dim3A_1030 : vector<16x1xi32> to vector<16xi32>
          %gather3A_1032 = tpu.dynamic_gather %get3A_104[%gather3A_1031] in [0] : vector<16xi32>, vector<16xi32> -> vector<16xi32>
          %get3A_1033 = arith.constant 4 : i32
          %get3A_1034 = arith.index_cast %mul3A_118 : i32 to index
          %get3A_1035 = arith.index_cast %get3A_1033 : i32 to index
          %get3A_1036 = arith.constant 0 : index
          %get3A_1037 = tpu.vector_load %arg11[%get3A_1034, %get3A_1035, %get3A_1036] {strides = array<i32>} : memref<16x32x16xi32, #tpu.memory_space<vmem>>, vector<16xi32>,
          %and3A_1038 = arith.andi %gather3A_1032, %get3A_1037 : vector<16xi32>
          %ne3A_1039 = arith.constant 0 : i32
          %ne3A_1040 = vector.broadcast %ne3A_1039 : i32 to vector<16xi32>
          %ne3A_1041 = arith.cmpi ne, %and3A_1038, %ne3A_1040 : vector<16xi32>
          %jit3A_1042 = arith.constant 16 : i32
          %jit3A_1043 = arith.constant 0 : i32
          %broadcast_in_dim3A_1044 = vector.broadcast %jit3A_1042 : i32 to vector<16xi32>
          %broadcast_in_dim3A_1045 = vector.broadcast %jit3A_1043 : i32 to vector<16xi32>
          %select_n3A_1046 = arith.select %ne3A_1041, %broadcast_in_dim3A_1044, %broadcast_in_dim3A_1045 : vector<16xi1>, vector<16xi32>
          %or3A_1047 = arith.ori %or3A_993, %select_n3A_1046 : vector<16xi32>
          %broadcast_in_dim3A_1048 = arith.constant 5 : i32
          %broadcast_in_dim3A_1049 = vector.broadcast %broadcast_in_dim3A_1048 : i32 to vector<16xi32>
          %lt3A_1050 = arith.constant 0 : i32
          %lt3A_1051 = vector.broadcast %lt3A_1050 : i32 to vector<16xi32>
          %lt3A_1052 = arith.cmpi slt, %broadcast_in_dim3A_1049, %lt3A_1051 : vector<16xi32>
          %add3A_1053 = arith.constant 16 : i32
          %add3A_1054 = vector.broadcast %add3A_1053 : i32 to vector<16xi32>
          %add3A_1055 = arith.addi %broadcast_in_dim3A_1049, %add3A_1054 : vector<16xi32>
          %select_n3A_1056 = arith.select %lt3A_1052, %add3A_1055, %broadcast_in_dim3A_1049 : vector<16xi1>, vector<16xi32>
          %broadcast_in_dim3A_1057 = vector.shape_cast %select_n3A_1056 : vector<16xi32> to vector<16x1xi32>
          %gather3A_1058 = vector.shape_cast %broadcast_in_dim3A_1057 : vector<16x1xi32> to vector<16xi32>
          %gather3A_1059 = tpu.dynamic_gather %get3A_104[%gather3A_1058] in [0] : vector<16xi32>, vector<16xi32> -> vector<16xi32>
          %get3A_1060 = arith.constant 5 : i32
          %get3A_1061 = arith.index_cast %mul3A_118 : i32 to index
          %get3A_1062 = arith.index_cast %get3A_1060 : i32 to index
          %get3A_1063 = arith.constant 0 : index
          %get3A_1064 = tpu.vector_load %arg11[%get3A_1061, %get3A_1062, %get3A_1063] {strides = array<i32>} : memref<16x32x16xi32, #tpu.memory_space<vmem>>, vector<16xi32>,
          %and3A_1065 = arith.andi %gather3A_1059, %get3A_1064 : vector<16xi32>
          %ne3A_1066 = arith.constant 0 : i32
          %ne3A_1067 = vector.broadcast %ne3A_1066 : i32 to vector<16xi32>
          %ne3A_1068 = arith.cmpi ne, %and3A_1065, %ne3A_1067 : vector<16xi32>
          %jit3A_1069 = arith.constant 32 : i32
          %jit3A_1070 = arith.constant 0 : i32
          %broadcast_in_dim3A_1071 = vector.broadcast %jit3A_1069 : i32 to vector<16xi32>
          %broadcast_in_dim3A_1072 = vector.broadcast %jit3A_1070 : i32 to vector<16xi32>
          %select_n3A_1073 = arith.select %ne3A_1068, %broadcast_in_dim3A_1071, %broadcast_in_dim3A_1072 : vector<16xi1>, vector<16xi32>
          %or3A_1074 = arith.ori %or3A_1020, %select_n3A_1073 : vector<16xi32>
          %broadcast_in_dim3A_1075 = arith.constant 6 : i32
          %broadcast_in_dim3A_1076 = vector.broadcast %broadcast_in_dim3A_1075 : i32 to vector<16xi32>
          %lt3A_1077 = arith.constant 0 : i32
          %lt3A_1078 = vector.broadcast %lt3A_1077 : i32 to vector<16xi32>
          %lt3A_1079 = arith.cmpi slt, %broadcast_in_dim3A_1076, %lt3A_1078 : vector<16xi32>
          %add3A_1080 = arith.constant 16 : i32
          %add3A_1081 = vector.broadcast %add3A_1080 : i32 to vector<16xi32>
          %add3A_1082 = arith.addi %broadcast_in_dim3A_1076, %add3A_1081 : vector<16xi32>
          %select_n3A_1083 = arith.select %lt3A_1079, %add3A_1082, %broadcast_in_dim3A_1076 : vector<16xi1>, vector<16xi32>
          %broadcast_in_dim3A_1084 = vector.shape_cast %select_n3A_1083 : vector<16xi32> to vector<16x1xi32>
          %gather3A_1085 = vector.shape_cast %broadcast_in_dim3A_1084 : vector<16x1xi32> to vector<16xi32>
          %gather3A_1086 = tpu.dynamic_gather %get3A_104[%gather3A_1085] in [0] : vector<16xi32>, vector<16xi32> -> vector<16xi32>
          %get3A_1087 = arith.constant 6 : i32
          %get3A_1088 = arith.index_cast %mul3A_118 : i32 to index
          %get3A_1089 = arith.index_cast %get3A_1087 : i32 to index
          %get3A_1090 = arith.constant 0 : index
          %get3A_1091 = tpu.vector_load %arg11[%get3A_1088, %get3A_1089, %get3A_1090] {strides = array<i32>} : memref<16x32x16xi32, #tpu.memory_space<vmem>>, vector<16xi32>,
          %and3A_1092 = arith.andi %gather3A_1086, %get3A_1091 : vector<16xi32>
          %ne3A_1093 = arith.constant 0 : i32
          %ne3A_1094 = vector.broadcast %ne3A_1093 : i32 to vector<16xi32>
          %ne3A_1095 = arith.cmpi ne, %and3A_1092, %ne3A_1094 : vector<16xi32>
          %jit3A_1096 = arith.constant 64 : i32
          %jit3A_1097 = arith.constant 0 : i32
          %broadcast_in_dim3A_1098 = vector.broadcast %jit3A_1096 : i32 to vector<16xi32>
          %broadcast_in_dim3A_1099 = vector.broadcast %jit3A_1097 : i32 to vector<16xi32>
          %select_n3A_1100 = arith.select %ne3A_1095, %broadcast_in_dim3A_1098, %broadcast_in_dim3A_1099 : vector<16xi1>, vector<16xi32>
          %or3A_1101 = arith.ori %or3A_1047, %select_n3A_1100 : vector<16xi32>
          %broadcast_in_dim3A_1102 = arith.constant 7 : i32
          %broadcast_in_dim3A_1103 = vector.broadcast %broadcast_in_dim3A_1102 : i32 to vector<16xi32>
          %lt3A_1104 = arith.constant 0 : i32
          %lt3A_1105 = vector.broadcast %lt3A_1104 : i32 to vector<16xi32>
          %lt3A_1106 = arith.cmpi slt, %broadcast_in_dim3A_1103, %lt3A_1105 : vector<16xi32>
          %add3A_1107 = arith.constant 16 : i32
          %add3A_1108 = vector.broadcast %add3A_1107 : i32 to vector<16xi32>
          %add3A_1109 = arith.addi %broadcast_in_dim3A_1103, %add3A_1108 : vector<16xi32>
          %select_n3A_1110 = arith.select %lt3A_1106, %add3A_1109, %broadcast_in_dim3A_1103 : vector<16xi1>, vector<16xi32>
          %broadcast_in_dim3A_1111 = vector.shape_cast %select_n3A_1110 : vector<16xi32> to vector<16x1xi32>
          %gather3A_1112 = vector.shape_cast %broadcast_in_dim3A_1111 : vector<16x1xi32> to vector<16xi32>
          %gather3A_1113 = tpu.dynamic_gather %get3A_104[%gather3A_1112] in [0] : vector<16xi32>, vector<16xi32> -> vector<16xi32>
          %get3A_1114 = arith.constant 7 : i32
          %get3A_1115 = arith.index_cast %mul3A_118 : i32 to index
          %get3A_1116 = arith.index_cast %get3A_1114 : i32 to index
          %get3A_1117 = arith.constant 0 : index
          %get3A_1118 = tpu.vector_load %arg11[%get3A_1115, %get3A_1116, %get3A_1117] {strides = array<i32>} : memref<16x32x16xi32, #tpu.memory_space<vmem>>, vector<16xi32>,
          %and3A_1119 = arith.andi %gather3A_1113, %get3A_1118 : vector<16xi32>
          %ne3A_1120 = arith.constant 0 : i32
          %ne3A_1121 = vector.broadcast %ne3A_1120 : i32 to vector<16xi32>
          %ne3A_1122 = arith.cmpi ne, %and3A_1119, %ne3A_1121 : vector<16xi32>
          %jit3A_1123 = arith.constant 128 : i32
          %jit3A_1124 = arith.constant 0 : i32
          %broadcast_in_dim3A_1125 = vector.broadcast %jit3A_1123 : i32 to vector<16xi32>
          %broadcast_in_dim3A_1126 = vector.broadcast %jit3A_1124 : i32 to vector<16xi32>
          %select_n3A_1127 = arith.select %ne3A_1122, %broadcast_in_dim3A_1125, %broadcast_in_dim3A_1126 : vector<16xi1>, vector<16xi32>
          %or3A_1128 = arith.ori %or3A_1074, %select_n3A_1127 : vector<16xi32>
          %broadcast_in_dim3A_1129 = arith.constant 8 : i32
          %broadcast_in_dim3A_1130 = vector.broadcast %broadcast_in_dim3A_1129 : i32 to vector<16xi32>
          %lt3A_1131 = arith.constant 0 : i32
          %lt3A_1132 = vector.broadcast %lt3A_1131 : i32 to vector<16xi32>
          %lt3A_1133 = arith.cmpi slt, %broadcast_in_dim3A_1130, %lt3A_1132 : vector<16xi32>
          %add3A_1134 = arith.constant 16 : i32
          %add3A_1135 = vector.broadcast %add3A_1134 : i32 to vector<16xi32>
          %add3A_1136 = arith.addi %broadcast_in_dim3A_1130, %add3A_1135 : vector<16xi32>
          %select_n3A_1137 = arith.select %lt3A_1133, %add3A_1136, %broadcast_in_dim3A_1130 : vector<16xi1>, vector<16xi32>
          %broadcast_in_dim3A_1138 = vector.shape_cast %select_n3A_1137 : vector<16xi32> to vector<16x1xi32>
          %gather3A_1139 = vector.shape_cast %broadcast_in_dim3A_1138 : vector<16x1xi32> to vector<16xi32>
          %gather3A_1140 = tpu.dynamic_gather %get3A_104[%gather3A_1139] in [0] : vector<16xi32>, vector<16xi32> -> vector<16xi32>
          %get3A_1141 = arith.constant 8 : i32
          %get3A_1142 = arith.index_cast %mul3A_118 : i32 to index
          %get3A_1143 = arith.index_cast %get3A_1141 : i32 to index
          %get3A_1144 = arith.constant 0 : index
          %get3A_1145 = tpu.vector_load %arg11[%get3A_1142, %get3A_1143, %get3A_1144] {strides = array<i32>} : memref<16x32x16xi32, #tpu.memory_space<vmem>>, vector<16xi32>,
          %and3A_1146 = arith.andi %gather3A_1140, %get3A_1145 : vector<16xi32>
          %ne3A_1147 = arith.constant 0 : i32
          %ne3A_1148 = vector.broadcast %ne3A_1147 : i32 to vector<16xi32>
          %ne3A_1149 = arith.cmpi ne, %and3A_1146, %ne3A_1148 : vector<16xi32>
          %jit3A_1150 = arith.constant 256 : i32
          %jit3A_1151 = arith.constant 0 : i32
          %broadcast_in_dim3A_1152 = vector.broadcast %jit3A_1150 : i32 to vector<16xi32>
          %broadcast_in_dim3A_1153 = vector.broadcast %jit3A_1151 : i32 to vector<16xi32>
          %select_n3A_1154 = arith.select %ne3A_1149, %broadcast_in_dim3A_1152, %broadcast_in_dim3A_1153 : vector<16xi1>, vector<16xi32>
          %or3A_1155 = arith.ori %or3A_1101, %select_n3A_1154 : vector<16xi32>
          %broadcast_in_dim3A_1156 = arith.constant 9 : i32
          %broadcast_in_dim3A_1157 = vector.broadcast %broadcast_in_dim3A_1156 : i32 to vector<16xi32>
          %lt3A_1158 = arith.constant 0 : i32
          %lt3A_1159 = vector.broadcast %lt3A_1158 : i32 to vector<16xi32>
          %lt3A_1160 = arith.cmpi slt, %broadcast_in_dim3A_1157, %lt3A_1159 : vector<16xi32>
          %add3A_1161 = arith.constant 16 : i32
          %add3A_1162 = vector.broadcast %add3A_1161 : i32 to vector<16xi32>
          %add3A_1163 = arith.addi %broadcast_in_dim3A_1157, %add3A_1162 : vector<16xi32>
          %select_n3A_1164 = arith.select %lt3A_1160, %add3A_1163, %broadcast_in_dim3A_1157 : vector<16xi1>, vector<16xi32>
          %broadcast_in_dim3A_1165 = vector.shape_cast %select_n3A_1164 : vector<16xi32> to vector<16x1xi32>
          %gather3A_1166 = vector.shape_cast %broadcast_in_dim3A_1165 : vector<16x1xi32> to vector<16xi32>
          %gather3A_1167 = tpu.dynamic_gather %get3A_104[%gather3A_1166] in [0] : vector<16xi32>, vector<16xi32> -> vector<16xi32>
          %get3A_1168 = arith.constant 9 : i32
          %get3A_1169 = arith.index_cast %mul3A_118 : i32 to index
          %get3A_1170 = arith.index_cast %get3A_1168 : i32 to index
          %get3A_1171 = arith.constant 0 : index
          %get3A_1172 = tpu.vector_load %arg11[%get3A_1169, %get3A_1170, %get3A_1171] {strides = array<i32>} : memref<16x32x16xi32, #tpu.memory_space<vmem>>, vector<16xi32>,
          %and3A_1173 = arith.andi %gather3A_1167, %get3A_1172 : vector<16xi32>
          %ne3A_1174 = arith.constant 0 : i32
          %ne3A_1175 = vector.broadcast %ne3A_1174 : i32 to vector<16xi32>
          %ne3A_1176 = arith.cmpi ne, %and3A_1173, %ne3A_1175 : vector<16xi32>
          %jit3A_1177 = arith.constant 512 : i32
          %jit3A_1178 = arith.constant 0 : i32
          %broadcast_in_dim3A_1179 = vector.broadcast %jit3A_1177 : i32 to vector<16xi32>
          %broadcast_in_dim3A_1180 = vector.broadcast %jit3A_1178 : i32 to vector<16xi32>
          %select_n3A_1181 = arith.select %ne3A_1176, %broadcast_in_dim3A_1179, %broadcast_in_dim3A_1180 : vector<16xi1>, vector<16xi32>
          %or3A_1182 = arith.ori %or3A_1128, %select_n3A_1181 : vector<16xi32>
          %broadcast_in_dim3A_1183 = arith.constant 10 : i32
          %broadcast_in_dim3A_1184 = vector.broadcast %broadcast_in_dim3A_1183 : i32 to vector<16xi32>
          %lt3A_1185 = arith.constant 0 : i32
          %lt3A_1186 = vector.broadcast %lt3A_1185 : i32 to vector<16xi32>
          %lt3A_1187 = arith.cmpi slt, %broadcast_in_dim3A_1184, %lt3A_1186 : vector<16xi32>
          %add3A_1188 = arith.constant 16 : i32
          %add3A_1189 = vector.broadcast %add3A_1188 : i32 to vector<16xi32>
          %add3A_1190 = arith.addi %broadcast_in_dim3A_1184, %add3A_1189 : vector<16xi32>
          %select_n3A_1191 = arith.select %lt3A_1187, %add3A_1190, %broadcast_in_dim3A_1184 : vector<16xi1>, vector<16xi32>
          %broadcast_in_dim3A_1192 = vector.shape_cast %select_n3A_1191 : vector<16xi32> to vector<16x1xi32>
          %gather3A_1193 = vector.shape_cast %broadcast_in_dim3A_1192 : vector<16x1xi32> to vector<16xi32>
          %gather3A_1194 = tpu.dynamic_gather %get3A_104[%gather3A_1193] in [0] : vector<16xi32>, vector<16xi32> -> vector<16xi32>
          %get3A_1195 = arith.constant 10 : i32
          %get3A_1196 = arith.index_cast %mul3A_118 : i32 to index
          %get3A_1197 = arith.index_cast %get3A_1195 : i32 to index
          %get3A_1198 = arith.constant 0 : index
          %get3A_1199 = tpu.vector_load %arg11[%get3A_1196, %get3A_1197, %get3A_1198] {strides = array<i32>} : memref<16x32x16xi32, #tpu.memory_space<vmem>>, vector<16xi32>,
          %and3A_1200 = arith.andi %gather3A_1194, %get3A_1199 : vector<16xi32>
          %ne3A_1201 = arith.constant 0 : i32
          %ne3A_1202 = vector.broadcast %ne3A_1201 : i32 to vector<16xi32>
          %ne3A_1203 = arith.cmpi ne, %and3A_1200, %ne3A_1202 : vector<16xi32>
          %jit3A_1204 = arith.constant 1024 : i32
          %jit3A_1205 = arith.constant 0 : i32
          %broadcast_in_dim3A_1206 = vector.broadcast %jit3A_1204 : i32 to vector<16xi32>
          %broadcast_in_dim3A_1207 = vector.broadcast %jit3A_1205 : i32 to vector<16xi32>
          %select_n3A_1208 = arith.select %ne3A_1203, %broadcast_in_dim3A_1206, %broadcast_in_dim3A_1207 : vector<16xi1>, vector<16xi32>
          %or3A_1209 = arith.ori %or3A_1155, %select_n3A_1208 : vector<16xi32>
          %broadcast_in_dim3A_1210 = arith.constant 11 : i32
          %broadcast_in_dim3A_1211 = vector.broadcast %broadcast_in_dim3A_1210 : i32 to vector<16xi32>
          %lt3A_1212 = arith.constant 0 : i32
          %lt3A_1213 = vector.broadcast %lt3A_1212 : i32 to vector<16xi32>
          %lt3A_1214 = arith.cmpi slt, %broadcast_in_dim3A_1211, %lt3A_1213 : vector<16xi32>
          %add3A_1215 = arith.constant 16 : i32
          %add3A_1216 = vector.broadcast %add3A_1215 : i32 to vector<16xi32>
          %add3A_1217 = arith.addi %broadcast_in_dim3A_1211, %add3A_1216 : vector<16xi32>
          %select_n3A_1218 = arith.select %lt3A_1214, %add3A_1217, %broadcast_in_dim3A_1211 : vector<16xi1>, vector<16xi32>
          %broadcast_in_dim3A_1219 = vector.shape_cast %select_n3A_1218 : vector<16xi32> to vector<16x1xi32>
          %gather3A_1220 = vector.shape_cast %broadcast_in_dim3A_1219 : vector<16x1xi32> to vector<16xi32>
          %gather3A_1221 = tpu.dynamic_gather %get3A_104[%gather3A_1220] in [0] : vector<16xi32>, vector<16xi32> -> vector<16xi32>
          %get3A_1222 = arith.constant 11 : i32
          %get3A_1223 = arith.index_cast %mul3A_118 : i32 to index
          %get3A_1224 = arith.index_cast %get3A_1222 : i32 to index
          %get3A_1225 = arith.constant 0 : index
          %get3A_1226 = tpu.vector_load %arg11[%get3A_1223, %get3A_1224, %get3A_1225] {strides = array<i32>} : memref<16x32x16xi32, #tpu.memory_space<vmem>>, vector<16xi32>,
          %and3A_1227 = arith.andi %gather3A_1221, %get3A_1226 : vector<16xi32>
          %ne3A_1228 = arith.constant 0 : i32
          %ne3A_1229 = vector.broadcast %ne3A_1228 : i32 to vector<16xi32>
          %ne3A_1230 = arith.cmpi ne, %and3A_1227, %ne3A_1229 : vector<16xi32>
          %jit3A_1231 = arith.constant 2048 : i32
          %jit3A_1232 = arith.constant 0 : i32
          %broadcast_in_dim3A_1233 = vector.broadcast %jit3A_1231 : i32 to vector<16xi32>
          %broadcast_in_dim3A_1234 = vector.broadcast %jit3A_1232 : i32 to vector<16xi32>
          %select_n3A_1235 = arith.select %ne3A_1230, %broadcast_in_dim3A_1233, %broadcast_in_dim3A_1234 : vector<16xi1>, vector<16xi32>
          %or3A_1236 = arith.ori %or3A_1182, %select_n3A_1235 : vector<16xi32>
          %broadcast_in_dim3A_1237 = arith.constant 12 : i32
          %broadcast_in_dim3A_1238 = vector.broadcast %broadcast_in_dim3A_1237 : i32 to vector<16xi32>
          %lt3A_1239 = arith.constant 0 : i32
          %lt3A_1240 = vector.broadcast %lt3A_1239 : i32 to vector<16xi32>
          %lt3A_1241 = arith.cmpi slt, %broadcast_in_dim3A_1238, %lt3A_1240 : vector<16xi32>
          %add3A_1242 = arith.constant 16 : i32
          %add3A_1243 = vector.broadcast %add3A_1242 : i32 to vector<16xi32>
          %add3A_1244 = arith.addi %broadcast_in_dim3A_1238, %add3A_1243 : vector<16xi32>
          %select_n3A_1245 = arith.select %lt3A_1241, %add3A_1244, %broadcast_in_dim3A_1238 : vector<16xi1>, vector<16xi32>
          %broadcast_in_dim3A_1246 = vector.shape_cast %select_n3A_1245 : vector<16xi32> to vector<16x1xi32>
          %gather3A_1247 = vector.shape_cast %broadcast_in_dim3A_1246 : vector<16x1xi32> to vector<16xi32>
          %gather3A_1248 = tpu.dynamic_gather %get3A_104[%gather3A_1247] in [0] : vector<16xi32>, vector<16xi32> -> vector<16xi32>
          %get3A_1249 = arith.constant 12 : i32
          %get3A_1250 = arith.index_cast %mul3A_118 : i32 to index
          %get3A_1251 = arith.index_cast %get3A_1249 : i32 to index
          %get3A_1252 = arith.constant 0 : index
          %get3A_1253 = tpu.vector_load %arg11[%get3A_1250, %get3A_1251, %get3A_1252] {strides = array<i32>} : memref<16x32x16xi32, #tpu.memory_space<vmem>>, vector<16xi32>,
          %and3A_1254 = arith.andi %gather3A_1248, %get3A_1253 : vector<16xi32>
          %ne3A_1255 = arith.constant 0 : i32
          %ne3A_1256 = vector.broadcast %ne3A_1255 : i32 to vector<16xi32>
          %ne3A_1257 = arith.cmpi ne, %and3A_1254, %ne3A_1256 : vector<16xi32>
          %jit3A_1258 = arith.constant 4096 : i32
          %jit3A_1259 = arith.constant 0 : i32
          %broadcast_in_dim3A_1260 = vector.broadcast %jit3A_1258 : i32 to vector<16xi32>
          %broadcast_in_dim3A_1261 = vector.broadcast %jit3A_1259 : i32 to vector<16xi32>
          %select_n3A_1262 = arith.select %ne3A_1257, %broadcast_in_dim3A_1260, %broadcast_in_dim3A_1261 : vector<16xi1>, vector<16xi32>
          %or3A_1263 = arith.ori %or3A_1209, %select_n3A_1262 : vector<16xi32>
          %broadcast_in_dim3A_1264 = arith.constant 13 : i32
          %broadcast_in_dim3A_1265 = vector.broadcast %broadcast_in_dim3A_1264 : i32 to vector<16xi32>
          %lt3A_1266 = arith.constant 0 : i32
          %lt3A_1267 = vector.broadcast %lt3A_1266 : i32 to vector<16xi32>
          %lt3A_1268 = arith.cmpi slt, %broadcast_in_dim3A_1265, %lt3A_1267 : vector<16xi32>
          %add3A_1269 = arith.constant 16 : i32
          %add3A_1270 = vector.broadcast %add3A_1269 : i32 to vector<16xi32>
          %add3A_1271 = arith.addi %broadcast_in_dim3A_1265, %add3A_1270 : vector<16xi32>
          %select_n3A_1272 = arith.select %lt3A_1268, %add3A_1271, %broadcast_in_dim3A_1265 : vector<16xi1>, vector<16xi32>
          %broadcast_in_dim3A_1273 = vector.shape_cast %select_n3A_1272 : vector<16xi32> to vector<16x1xi32>
          %gather3A_1274 = vector.shape_cast %broadcast_in_dim3A_1273 : vector<16x1xi32> to vector<16xi32>
          %gather3A_1275 = tpu.dynamic_gather %get3A_104[%gather3A_1274] in [0] : vector<16xi32>, vector<16xi32> -> vector<16xi32>
          %get3A_1276 = arith.constant 13 : i32
          %get3A_1277 = arith.index_cast %mul3A_118 : i32 to index
          %get3A_1278 = arith.index_cast %get3A_1276 : i32 to index
          %get3A_1279 = arith.constant 0 : index
          %get3A_1280 = tpu.vector_load %arg11[%get3A_1277, %get3A_1278, %get3A_1279] {strides = array<i32>} : memref<16x32x16xi32, #tpu.memory_space<vmem>>, vector<16xi32>,
          %and3A_1281 = arith.andi %gather3A_1275, %get3A_1280 : vector<16xi32>
          %ne3A_1282 = arith.constant 0 : i32
          %ne3A_1283 = vector.broadcast %ne3A_1282 : i32 to vector<16xi32>
          %ne3A_1284 = arith.cmpi ne, %and3A_1281, %ne3A_1283 : vector<16xi32>
          %jit3A_1285 = arith.constant 8192 : i32
          %jit3A_1286 = arith.constant 0 : i32
          %broadcast_in_dim3A_1287 = vector.broadcast %jit3A_1285 : i32 to vector<16xi32>
          %broadcast_in_dim3A_1288 = vector.broadcast %jit3A_1286 : i32 to vector<16xi32>
          %select_n3A_1289 = arith.select %ne3A_1284, %broadcast_in_dim3A_1287, %broadcast_in_dim3A_1288 : vector<16xi1>, vector<16xi32>
          %or3A_1290 = arith.ori %or3A_1236, %select_n3A_1289 : vector<16xi32>
          %broadcast_in_dim3A_1291 = arith.constant 14 : i32
          %broadcast_in_dim3A_1292 = vector.broadcast %broadcast_in_dim3A_1291 : i32 to vector<16xi32>
          %lt3A_1293 = arith.constant 0 : i32
          %lt3A_1294 = vector.broadcast %lt3A_1293 : i32 to vector<16xi32>
          %lt3A_1295 = arith.cmpi slt, %broadcast_in_dim3A_1292, %lt3A_1294 : vector<16xi32>
          %add3A_1296 = arith.constant 16 : i32
          %add3A_1297 = vector.broadcast %add3A_1296 : i32 to vector<16xi32>
          %add3A_1298 = arith.addi %broadcast_in_dim3A_1292, %add3A_1297 : vector<16xi32>
          %select_n3A_1299 = arith.select %lt3A_1295, %add3A_1298, %broadcast_in_dim3A_1292 : vector<16xi1>, vector<16xi32>
          %broadcast_in_dim3A_1300 = vector.shape_cast %select_n3A_1299 : vector<16xi32> to vector<16x1xi32>
          %gather3A_1301 = vector.shape_cast %broadcast_in_dim3A_1300 : vector<16x1xi32> to vector<16xi32>
          %gather3A_1302 = tpu.dynamic_gather %get3A_104[%gather3A_1301] in [0] : vector<16xi32>, vector<16xi32> -> vector<16xi32>
          %get3A_1303 = arith.constant 14 : i32
          %get3A_1304 = arith.index_cast %mul3A_118 : i32 to index
          %get3A_1305 = arith.index_cast %get3A_1303 : i32 to index
          %get3A_1306 = arith.constant 0 : index
          %get3A_1307 = tpu.vector_load %arg11[%get3A_1304, %get3A_1305, %get3A_1306] {strides = array<i32>} : memref<16x32x16xi32, #tpu.memory_space<vmem>>, vector<16xi32>,
          %and3A_1308 = arith.andi %gather3A_1302, %get3A_1307 : vector<16xi32>
          %ne3A_1309 = arith.constant 0 : i32
          %ne3A_1310 = vector.broadcast %ne3A_1309 : i32 to vector<16xi32>
          %ne3A_1311 = arith.cmpi ne, %and3A_1308, %ne3A_1310 : vector<16xi32>
          %jit3A_1312 = arith.constant 16384 : i32
          %jit3A_1313 = arith.constant 0 : i32
          %broadcast_in_dim3A_1314 = vector.broadcast %jit3A_1312 : i32 to vector<16xi32>
          %broadcast_in_dim3A_1315 = vector.broadcast %jit3A_1313 : i32 to vector<16xi32>
          %select_n3A_1316 = arith.select %ne3A_1311, %broadcast_in_dim3A_1314, %broadcast_in_dim3A_1315 : vector<16xi1>, vector<16xi32>
          %or3A_1317 = arith.ori %or3A_1263, %select_n3A_1316 : vector<16xi32>
          %broadcast_in_dim3A_1318 = arith.constant 15 : i32
          %broadcast_in_dim3A_1319 = vector.broadcast %broadcast_in_dim3A_1318 : i32 to vector<16xi32>
          %lt3A_1320 = arith.constant 0 : i32
          %lt3A_1321 = vector.broadcast %lt3A_1320 : i32 to vector<16xi32>
          %lt3A_1322 = arith.cmpi slt, %broadcast_in_dim3A_1319, %lt3A_1321 : vector<16xi32>
          %add3A_1323 = arith.constant 16 : i32
          %add3A_1324 = vector.broadcast %add3A_1323 : i32 to vector<16xi32>
          %add3A_1325 = arith.addi %broadcast_in_dim3A_1319, %add3A_1324 : vector<16xi32>
          %select_n3A_1326 = arith.select %lt3A_1322, %add3A_1325, %broadcast_in_dim3A_1319 : vector<16xi1>, vector<16xi32>
          %broadcast_in_dim3A_1327 = vector.shape_cast %select_n3A_1326 : vector<16xi32> to vector<16x1xi32>
          %gather3A_1328 = vector.shape_cast %broadcast_in_dim3A_1327 : vector<16x1xi32> to vector<16xi32>
          %gather3A_1329 = tpu.dynamic_gather %get3A_104[%gather3A_1328] in [0] : vector<16xi32>, vector<16xi32> -> vector<16xi32>
          %get3A_1330 = arith.constant 15 : i32
          %get3A_1331 = arith.index_cast %mul3A_118 : i32 to index
          %get3A_1332 = arith.index_cast %get3A_1330 : i32 to index
          %get3A_1333 = arith.constant 0 : index
          %get3A_1334 = tpu.vector_load %arg11[%get3A_1331, %get3A_1332, %get3A_1333] {strides = array<i32>} : memref<16x32x16xi32, #tpu.memory_space<vmem>>, vector<16xi32>,
          %and3A_1335 = arith.andi %gather3A_1329, %get3A_1334 : vector<16xi32>
          %ne3A_1336 = arith.constant 0 : i32
          %ne3A_1337 = vector.broadcast %ne3A_1336 : i32 to vector<16xi32>
          %ne3A_1338 = arith.cmpi ne, %and3A_1335, %ne3A_1337 : vector<16xi32>
          %jit3A_1339 = arith.constant 32768 : i32
          %jit3A_1340 = arith.constant 0 : i32
          %broadcast_in_dim3A_1341 = vector.broadcast %jit3A_1339 : i32 to vector<16xi32>
          %broadcast_in_dim3A_1342 = vector.broadcast %jit3A_1340 : i32 to vector<16xi32>
          %select_n3A_1343 = arith.select %ne3A_1338, %broadcast_in_dim3A_1341, %broadcast_in_dim3A_1342 : vector<16xi1>, vector<16xi32>
          %or3A_1344 = arith.ori %or3A_1290, %select_n3A_1343 : vector<16xi32>
          %broadcast_in_dim3A_1345 = arith.constant 0 : i32
          %broadcast_in_dim3A_1346 = vector.broadcast %broadcast_in_dim3A_1345 : i32 to vector<16xi32>
          %lt3A_1347 = arith.constant 0 : i32
          %lt3A_1348 = vector.broadcast %lt3A_1347 : i32 to vector<16xi32>
          %lt3A_1349 = arith.cmpi slt, %broadcast_in_dim3A_1346, %lt3A_1348 : vector<16xi32>
          %add3A_1350 = arith.constant 16 : i32
          %add3A_1351 = vector.broadcast %add3A_1350 : i32 to vector<16xi32>
          %add3A_1352 = arith.addi %broadcast_in_dim3A_1346, %add3A_1351 : vector<16xi32>
          %select_n3A_1353 = arith.select %lt3A_1349, %add3A_1352, %broadcast_in_dim3A_1346 : vector<16xi1>, vector<16xi32>
          %broadcast_in_dim3A_1354 = vector.shape_cast %select_n3A_1353 : vector<16xi32> to vector<16x1xi32>
          %gather3A_1355 = vector.shape_cast %broadcast_in_dim3A_1354 : vector<16x1xi32> to vector<16xi32>
          %gather3A_1356 = tpu.dynamic_gather %get3A_107[%gather3A_1355] in [0] : vector<16xi32>, vector<16xi32> -> vector<16xi32>
          %get3A_1357 = arith.constant 16 : i32
          %get3A_1358 = arith.index_cast %mul3A_118 : i32 to index
          %get3A_1359 = arith.index_cast %get3A_1357 : i32 to index
          %get3A_1360 = arith.constant 0 : index
          %get3A_1361 = tpu.vector_load %arg11[%get3A_1358, %get3A_1359, %get3A_1360] {strides = array<i32>} : memref<16x32x16xi32, #tpu.memory_space<vmem>>, vector<16xi32>,
          %and3A_1362 = arith.andi %gather3A_1356, %get3A_1361 : vector<16xi32>
          %ne3A_1363 = arith.constant 0 : i32
          %ne3A_1364 = vector.broadcast %ne3A_1363 : i32 to vector<16xi32>
          %ne3A_1365 = arith.cmpi ne, %and3A_1362, %ne3A_1364 : vector<16xi32>
          %jit3A_1366 = arith.constant 65536 : i32
          %jit3A_1367 = arith.constant 0 : i32
          %broadcast_in_dim3A_1368 = vector.broadcast %jit3A_1366 : i32 to vector<16xi32>
          %broadcast_in_dim3A_1369 = vector.broadcast %jit3A_1367 : i32 to vector<16xi32>
          %select_n3A_1370 = arith.select %ne3A_1365, %broadcast_in_dim3A_1368, %broadcast_in_dim3A_1369 : vector<16xi1>, vector<16xi32>
          %or3A_1371 = arith.ori %or3A_1317, %select_n3A_1370 : vector<16xi32>
          %broadcast_in_dim3A_1372 = arith.constant 1 : i32
          %broadcast_in_dim3A_1373 = vector.broadcast %broadcast_in_dim3A_1372 : i32 to vector<16xi32>
          %lt3A_1374 = arith.constant 0 : i32
          %lt3A_1375 = vector.broadcast %lt3A_1374 : i32 to vector<16xi32>
          %lt3A_1376 = arith.cmpi slt, %broadcast_in_dim3A_1373, %lt3A_1375 : vector<16xi32>
          %add3A_1377 = arith.constant 16 : i32
          %add3A_1378 = vector.broadcast %add3A_1377 : i32 to vector<16xi32>
          %add3A_1379 = arith.addi %broadcast_in_dim3A_1373, %add3A_1378 : vector<16xi32>
          %select_n3A_1380 = arith.select %lt3A_1376, %add3A_1379, %broadcast_in_dim3A_1373 : vector<16xi1>, vector<16xi32>
          %broadcast_in_dim3A_1381 = vector.shape_cast %select_n3A_1380 : vector<16xi32> to vector<16x1xi32>
          %gather3A_1382 = vector.shape_cast %broadcast_in_dim3A_1381 : vector<16x1xi32> to vector<16xi32>
          %gather3A_1383 = tpu.dynamic_gather %get3A_107[%gather3A_1382] in [0] : vector<16xi32>, vector<16xi32> -> vector<16xi32>
          %get3A_1384 = arith.constant 17 : i32
          %get3A_1385 = arith.index_cast %mul3A_118 : i32 to index
          %get3A_1386 = arith.index_cast %get3A_1384 : i32 to index
          %get3A_1387 = arith.constant 0 : index
          %get3A_1388 = tpu.vector_load %arg11[%get3A_1385, %get3A_1386, %get3A_1387] {strides = array<i32>} : memref<16x32x16xi32, #tpu.memory_space<vmem>>, vector<16xi32>,
          %and3A_1389 = arith.andi %gather3A_1383, %get3A_1388 : vector<16xi32>
          %ne3A_1390 = arith.constant 0 : i32
          %ne3A_1391 = vector.broadcast %ne3A_1390 : i32 to vector<16xi32>
          %ne3A_1392 = arith.cmpi ne, %and3A_1389, %ne3A_1391 : vector<16xi32>
          %jit3A_1393 = arith.constant 131072 : i32
          %jit3A_1394 = arith.constant 0 : i32
          %broadcast_in_dim3A_1395 = vector.broadcast %jit3A_1393 : i32 to vector<16xi32>
          %broadcast_in_dim3A_1396 = vector.broadcast %jit3A_1394 : i32 to vector<16xi32>
          %select_n3A_1397 = arith.select %ne3A_1392, %broadcast_in_dim3A_1395, %broadcast_in_dim3A_1396 : vector<16xi1>, vector<16xi32>
          %or3A_1398 = arith.ori %or3A_1344, %select_n3A_1397 : vector<16xi32>
          %broadcast_in_dim3A_1399 = arith.constant 2 : i32
          %broadcast_in_dim3A_1400 = vector.broadcast %broadcast_in_dim3A_1399 : i32 to vector<16xi32>
          %lt3A_1401 = arith.constant 0 : i32
          %lt3A_1402 = vector.broadcast %lt3A_1401 : i32 to vector<16xi32>
          %lt3A_1403 = arith.cmpi slt, %broadcast_in_dim3A_1400, %lt3A_1402 : vector<16xi32>
          %add3A_1404 = arith.constant 16 : i32
          %add3A_1405 = vector.broadcast %add3A_1404 : i32 to vector<16xi32>
          %add3A_1406 = arith.addi %broadcast_in_dim3A_1400, %add3A_1405 : vector<16xi32>
          %select_n3A_1407 = arith.select %lt3A_1403, %add3A_1406, %broadcast_in_dim3A_1400 : vector<16xi1>, vector<16xi32>
          %broadcast_in_dim3A_1408 = vector.shape_cast %select_n3A_1407 : vector<16xi32> to vector<16x1xi32>
          %gather3A_1409 = vector.shape_cast %broadcast_in_dim3A_1408 : vector<16x1xi32> to vector<16xi32>
          %gather3A_1410 = tpu.dynamic_gather %get3A_107[%gather3A_1409] in [0] : vector<16xi32>, vector<16xi32> -> vector<16xi32>
          %get3A_1411 = arith.constant 18 : i32
          %get3A_1412 = arith.index_cast %mul3A_118 : i32 to index
          %get3A_1413 = arith.index_cast %get3A_1411 : i32 to index
          %get3A_1414 = arith.constant 0 : index
          %get3A_1415 = tpu.vector_load %arg11[%get3A_1412, %get3A_1413, %get3A_1414] {strides = array<i32>} : memref<16x32x16xi32, #tpu.memory_space<vmem>>, vector<16xi32>,
          %and3A_1416 = arith.andi %gather3A_1410, %get3A_1415 : vector<16xi32>
          %ne3A_1417 = arith.constant 0 : i32
          %ne3A_1418 = vector.broadcast %ne3A_1417 : i32 to vector<16xi32>
          %ne3A_1419 = arith.cmpi ne, %and3A_1416, %ne3A_1418 : vector<16xi32>
          %jit3A_1420 = arith.constant 262144 : i32
          %jit3A_1421 = arith.constant 0 : i32
          %broadcast_in_dim3A_1422 = vector.broadcast %jit3A_1420 : i32 to vector<16xi32>
          %broadcast_in_dim3A_1423 = vector.broadcast %jit3A_1421 : i32 to vector<16xi32>
          %select_n3A_1424 = arith.select %ne3A_1419, %broadcast_in_dim3A_1422, %broadcast_in_dim3A_1423 : vector<16xi1>, vector<16xi32>
          %or3A_1425 = arith.ori %or3A_1371, %select_n3A_1424 : vector<16xi32>
          %broadcast_in_dim3A_1426 = arith.constant 3 : i32
          %broadcast_in_dim3A_1427 = vector.broadcast %broadcast_in_dim3A_1426 : i32 to vector<16xi32>
          %lt3A_1428 = arith.constant 0 : i32
          %lt3A_1429 = vector.broadcast %lt3A_1428 : i32 to vector<16xi32>
          %lt3A_1430 = arith.cmpi slt, %broadcast_in_dim3A_1427, %lt3A_1429 : vector<16xi32>
          %add3A_1431 = arith.constant 16 : i32
          %add3A_1432 = vector.broadcast %add3A_1431 : i32 to vector<16xi32>
          %add3A_1433 = arith.addi %broadcast_in_dim3A_1427, %add3A_1432 : vector<16xi32>
          %select_n3A_1434 = arith.select %lt3A_1430, %add3A_1433, %broadcast_in_dim3A_1427 : vector<16xi1>, vector<16xi32>
          %broadcast_in_dim3A_1435 = vector.shape_cast %select_n3A_1434 : vector<16xi32> to vector<16x1xi32>
          %gather3A_1436 = vector.shape_cast %broadcast_in_dim3A_1435 : vector<16x1xi32> to vector<16xi32>
          %gather3A_1437 = tpu.dynamic_gather %get3A_107[%gather3A_1436] in [0] : vector<16xi32>, vector<16xi32> -> vector<16xi32>
          %get3A_1438 = arith.constant 19 : i32
          %get3A_1439 = arith.index_cast %mul3A_118 : i32 to index
          %get3A_1440 = arith.index_cast %get3A_1438 : i32 to index
          %get3A_1441 = arith.constant 0 : index
          %get3A_1442 = tpu.vector_load %arg11[%get3A_1439, %get3A_1440, %get3A_1441] {strides = array<i32>} : memref<16x32x16xi32, #tpu.memory_space<vmem>>, vector<16xi32>,
          %and3A_1443 = arith.andi %gather3A_1437, %get3A_1442 : vector<16xi32>
          %ne3A_1444 = arith.constant 0 : i32
          %ne3A_1445 = vector.broadcast %ne3A_1444 : i32 to vector<16xi32>
          %ne3A_1446 = arith.cmpi ne, %and3A_1443, %ne3A_1445 : vector<16xi32>
          %jit3A_1447 = arith.constant 524288 : i32
          %jit3A_1448 = arith.constant 0 : i32
          %broadcast_in_dim3A_1449 = vector.broadcast %jit3A_1447 : i32 to vector<16xi32>
          %broadcast_in_dim3A_1450 = vector.broadcast %jit3A_1448 : i32 to vector<16xi32>
          %select_n3A_1451 = arith.select %ne3A_1446, %broadcast_in_dim3A_1449, %broadcast_in_dim3A_1450 : vector<16xi1>, vector<16xi32>
          %or3A_1452 = arith.ori %or3A_1398, %select_n3A_1451 : vector<16xi32>
          %broadcast_in_dim3A_1453 = arith.constant 4 : i32
          %broadcast_in_dim3A_1454 = vector.broadcast %broadcast_in_dim3A_1453 : i32 to vector<16xi32>
          %lt3A_1455 = arith.constant 0 : i32
          %lt3A_1456 = vector.broadcast %lt3A_1455 : i32 to vector<16xi32>
          %lt3A_1457 = arith.cmpi slt, %broadcast_in_dim3A_1454, %lt3A_1456 : vector<16xi32>
          %add3A_1458 = arith.constant 16 : i32
          %add3A_1459 = vector.broadcast %add3A_1458 : i32 to vector<16xi32>
          %add3A_1460 = arith.addi %broadcast_in_dim3A_1454, %add3A_1459 : vector<16xi32>
          %select_n3A_1461 = arith.select %lt3A_1457, %add3A_1460, %broadcast_in_dim3A_1454 : vector<16xi1>, vector<16xi32>
          %broadcast_in_dim3A_1462 = vector.shape_cast %select_n3A_1461 : vector<16xi32> to vector<16x1xi32>
          %gather3A_1463 = vector.shape_cast %broadcast_in_dim3A_1462 : vector<16x1xi32> to vector<16xi32>
          %gather3A_1464 = tpu.dynamic_gather %get3A_107[%gather3A_1463] in [0] : vector<16xi32>, vector<16xi32> -> vector<16xi32>
          %get3A_1465 = arith.constant 20 : i32
          %get3A_1466 = arith.index_cast %mul3A_118 : i32 to index
          %get3A_1467 = arith.index_cast %get3A_1465 : i32 to index
          %get3A_1468 = arith.constant 0 : index
          %get3A_1469 = tpu.vector_load %arg11[%get3A_1466, %get3A_1467, %get3A_1468] {strides = array<i32>} : memref<16x32x16xi32, #tpu.memory_space<vmem>>, vector<16xi32>,
          %and3A_1470 = arith.andi %gather3A_1464, %get3A_1469 : vector<16xi32>
          %ne3A_1471 = arith.constant 0 : i32
          %ne3A_1472 = vector.broadcast %ne3A_1471 : i32 to vector<16xi32>
          %ne3A_1473 = arith.cmpi ne, %and3A_1470, %ne3A_1472 : vector<16xi32>
          %jit3A_1474 = arith.constant 1048576 : i32
          %jit3A_1475 = arith.constant 0 : i32
          %broadcast_in_dim3A_1476 = vector.broadcast %jit3A_1474 : i32 to vector<16xi32>
          %broadcast_in_dim3A_1477 = vector.broadcast %jit3A_1475 : i32 to vector<16xi32>
          %select_n3A_1478 = arith.select %ne3A_1473, %broadcast_in_dim3A_1476, %broadcast_in_dim3A_1477 : vector<16xi1>, vector<16xi32>
          %or3A_1479 = arith.ori %or3A_1425, %select_n3A_1478 : vector<16xi32>
          %broadcast_in_dim3A_1480 = arith.constant 5 : i32
          %broadcast_in_dim3A_1481 = vector.broadcast %broadcast_in_dim3A_1480 : i32 to vector<16xi32>
          %lt3A_1482 = arith.constant 0 : i32
          %lt3A_1483 = vector.broadcast %lt3A_1482 : i32 to vector<16xi32>
          %lt3A_1484 = arith.cmpi slt, %broadcast_in_dim3A_1481, %lt3A_1483 : vector<16xi32>
          %add3A_1485 = arith.constant 16 : i32
          %add3A_1486 = vector.broadcast %add3A_1485 : i32 to vector<16xi32>
          %add3A_1487 = arith.addi %broadcast_in_dim3A_1481, %add3A_1486 : vector<16xi32>
          %select_n3A_1488 = arith.select %lt3A_1484, %add3A_1487, %broadcast_in_dim3A_1481 : vector<16xi1>, vector<16xi32>
          %broadcast_in_dim3A_1489 = vector.shape_cast %select_n3A_1488 : vector<16xi32> to vector<16x1xi32>
          %gather3A_1490 = vector.shape_cast %broadcast_in_dim3A_1489 : vector<16x1xi32> to vector<16xi32>
          %gather3A_1491 = tpu.dynamic_gather %get3A_107[%gather3A_1490] in [0] : vector<16xi32>, vector<16xi32> -> vector<16xi32>
          %get3A_1492 = arith.constant 21 : i32
          %get3A_1493 = arith.index_cast %mul3A_118 : i32 to index
          %get3A_1494 = arith.index_cast %get3A_1492 : i32 to index
          %get3A_1495 = arith.constant 0 : index
          %get3A_1496 = tpu.vector_load %arg11[%get3A_1493, %get3A_1494, %get3A_1495] {strides = array<i32>} : memref<16x32x16xi32, #tpu.memory_space<vmem>>, vector<16xi32>,
          %and3A_1497 = arith.andi %gather3A_1491, %get3A_1496 : vector<16xi32>
          %ne3A_1498 = arith.constant 0 : i32
          %ne3A_1499 = vector.broadcast %ne3A_1498 : i32 to vector<16xi32>
          %ne3A_1500 = arith.cmpi ne, %and3A_1497, %ne3A_1499 : vector<16xi32>
          %jit3A_1501 = arith.constant 2097152 : i32
          %jit3A_1502 = arith.constant 0 : i32
          %broadcast_in_dim3A_1503 = vector.broadcast %jit3A_1501 : i32 to vector<16xi32>
          %broadcast_in_dim3A_1504 = vector.broadcast %jit3A_1502 : i32 to vector<16xi32>
          %select_n3A_1505 = arith.select %ne3A_1500, %broadcast_in_dim3A_1503, %broadcast_in_dim3A_1504 : vector<16xi1>, vector<16xi32>
          %or3A_1506 = arith.ori %or3A_1452, %select_n3A_1505 : vector<16xi32>
          %broadcast_in_dim3A_1507 = arith.constant 6 : i32
          %broadcast_in_dim3A_1508 = vector.broadcast %broadcast_in_dim3A_1507 : i32 to vector<16xi32>
          %lt3A_1509 = arith.constant 0 : i32
          %lt3A_1510 = vector.broadcast %lt3A_1509 : i32 to vector<16xi32>
          %lt3A_1511 = arith.cmpi slt, %broadcast_in_dim3A_1508, %lt3A_1510 : vector<16xi32>
          %add3A_1512 = arith.constant 16 : i32
          %add3A_1513 = vector.broadcast %add3A_1512 : i32 to vector<16xi32>
          %add3A_1514 = arith.addi %broadcast_in_dim3A_1508, %add3A_1513 : vector<16xi32>
          %select_n3A_1515 = arith.select %lt3A_1511, %add3A_1514, %broadcast_in_dim3A_1508 : vector<16xi1>, vector<16xi32>
          %broadcast_in_dim3A_1516 = vector.shape_cast %select_n3A_1515 : vector<16xi32> to vector<16x1xi32>
          %gather3A_1517 = vector.shape_cast %broadcast_in_dim3A_1516 : vector<16x1xi32> to vector<16xi32>
          %gather3A_1518 = tpu.dynamic_gather %get3A_107[%gather3A_1517] in [0] : vector<16xi32>, vector<16xi32> -> vector<16xi32>
          %get3A_1519 = arith.constant 22 : i32
          %get3A_1520 = arith.index_cast %mul3A_118 : i32 to index
          %get3A_1521 = arith.index_cast %get3A_1519 : i32 to index
          %get3A_1522 = arith.constant 0 : index
          %get3A_1523 = tpu.vector_load %arg11[%get3A_1520, %get3A_1521, %get3A_1522] {strides = array<i32>} : memref<16x32x16xi32, #tpu.memory_space<vmem>>, vector<16xi32>,
          %and3A_1524 = arith.andi %gather3A_1518, %get3A_1523 : vector<16xi32>
          %ne3A_1525 = arith.constant 0 : i32
          %ne3A_1526 = vector.broadcast %ne3A_1525 : i32 to vector<16xi32>
          %ne3A_1527 = arith.cmpi ne, %and3A_1524, %ne3A_1526 : vector<16xi32>
          %jit3A_1528 = arith.constant 4194304 : i32
          %jit3A_1529 = arith.constant 0 : i32
          %broadcast_in_dim3A_1530 = vector.broadcast %jit3A_1528 : i32 to vector<16xi32>
          %broadcast_in_dim3A_1531 = vector.broadcast %jit3A_1529 : i32 to vector<16xi32>
          %select_n3A_1532 = arith.select %ne3A_1527, %broadcast_in_dim3A_1530, %broadcast_in_dim3A_1531 : vector<16xi1>, vector<16xi32>
          %or3A_1533 = arith.ori %or3A_1479, %select_n3A_1532 : vector<16xi32>
          %broadcast_in_dim3A_1534 = arith.constant 7 : i32
          %broadcast_in_dim3A_1535 = vector.broadcast %broadcast_in_dim3A_1534 : i32 to vector<16xi32>
          %lt3A_1536 = arith.constant 0 : i32
          %lt3A_1537 = vector.broadcast %lt3A_1536 : i32 to vector<16xi32>
          %lt3A_1538 = arith.cmpi slt, %broadcast_in_dim3A_1535, %lt3A_1537 : vector<16xi32>
          %add3A_1539 = arith.constant 16 : i32
          %add3A_1540 = vector.broadcast %add3A_1539 : i32 to vector<16xi32>
          %add3A_1541 = arith.addi %broadcast_in_dim3A_1535, %add3A_1540 : vector<16xi32>
          %select_n3A_1542 = arith.select %lt3A_1538, %add3A_1541, %broadcast_in_dim3A_1535 : vector<16xi1>, vector<16xi32>
          %broadcast_in_dim3A_1543 = vector.shape_cast %select_n3A_1542 : vector<16xi32> to vector<16x1xi32>
          %gather3A_1544 = vector.shape_cast %broadcast_in_dim3A_1543 : vector<16x1xi32> to vector<16xi32>
          %gather3A_1545 = tpu.dynamic_gather %get3A_107[%gather3A_1544] in [0] : vector<16xi32>, vector<16xi32> -> vector<16xi32>
          %get3A_1546 = arith.constant 23 : i32
          %get3A_1547 = arith.index_cast %mul3A_118 : i32 to index
          %get3A_1548 = arith.index_cast %get3A_1546 : i32 to index
          %get3A_1549 = arith.constant 0 : index
          %get3A_1550 = tpu.vector_load %arg11[%get3A_1547, %get3A_1548, %get3A_1549] {strides = array<i32>} : memref<16x32x16xi32, #tpu.memory_space<vmem>>, vector<16xi32>,
          %and3A_1551 = arith.andi %gather3A_1545, %get3A_1550 : vector<16xi32>
          %ne3A_1552 = arith.constant 0 : i32
          %ne3A_1553 = vector.broadcast %ne3A_1552 : i32 to vector<16xi32>
          %ne3A_1554 = arith.cmpi ne, %and3A_1551, %ne3A_1553 : vector<16xi32>
          %jit3A_1555 = arith.constant 8388608 : i32
          %jit3A_1556 = arith.constant 0 : i32
          %broadcast_in_dim3A_1557 = vector.broadcast %jit3A_1555 : i32 to vector<16xi32>
          %broadcast_in_dim3A_1558 = vector.broadcast %jit3A_1556 : i32 to vector<16xi32>
          %select_n3A_1559 = arith.select %ne3A_1554, %broadcast_in_dim3A_1557, %broadcast_in_dim3A_1558 : vector<16xi1>, vector<16xi32>
          %or3A_1560 = arith.ori %or3A_1506, %select_n3A_1559 : vector<16xi32>
          %or3A_1561 = arith.ori %or3A_1533, %or3A_1560 : vector<16xi32>
          scf.yield %or3A_1561 : vector<16xi32>
        }
        %ne3A_563 = arith.constant 0 : i32
        %ne3A_564 = vector.broadcast %ne3A_563 : i32 to vector<16xi32>
        %ne3A_565 = arith.cmpi ne, %or3A_547, %ne3A_564 : vector<16xi32>
        %reduce_and3A_566 = arith.constant 1.000000e+00 : f32
        %reduce_and3A_567 = arith.constant 0.000000e+00 : f32
        %reduce_and3A_568 = vector.broadcast %reduce_and3A_566 : f32 to vector<16xf32>
        %reduce_and3A_569 = vector.broadcast %reduce_and3A_567 : f32 to vector<16xf32>
        %reduce_and3A_570 = arith.select %ne3A_565, %reduce_and3A_568, %reduce_and3A_569 : vector<16xi1>, vector<16xf32>
        %reduce_and3A_571 = arith.constant true
        %reduce_and3A_572 = vector.broadcast %reduce_and3A_571 : i1 to vector<16xi1>
        %reduce_and3A_573 = tpu.scan <min>, %reduce_and3A_570 masked %reduce_and3A_572 : vector<16xf32>, vector<16xi1> -> vector<16xf32>
        %reduce_and3A_574 = vector.extract %reduce_and3A_573[15] : f32 from vector<16xf32>
        %reduce_and3A_575 = arith.constant 0.000000e+00 : f32
        %reduce_and3A_576 = arith.cmpf ogt, %reduce_and3A_574, %reduce_and3A_575 : f32
        %convert_element_type3A_577 = arith.extui %reduce_and3A_576 : i1 to i32
        %cond3A_578 = arith.constant 0 : i32
        %cond3A_579 = arith.cmpi ne, %convert_element_type3A_577, %cond3A_578 : i32
        %cond3A_580 = scf.if %cond3A_579 -> (vector<16xi32>) {
          scf.yield %or3A_547 : vector<16xi32>
        } else {
          %broadcast_in_dim3A_913 = arith.constant 0 : i32
          %broadcast_in_dim3A_914 = vector.broadcast %broadcast_in_dim3A_913 : i32 to vector<16xi32>
          %lt3A_915 = arith.constant 0 : i32
          %lt3A_916 = vector.broadcast %lt3A_915 : i32 to vector<16xi32>
          %lt3A_917 = arith.cmpi slt, %broadcast_in_dim3A_914, %lt3A_916 : vector<16xi32>
          %add3A_918 = arith.constant 16 : i32
          %add3A_919 = vector.broadcast %add3A_918 : i32 to vector<16xi32>
          %add3A_920 = arith.addi %broadcast_in_dim3A_914, %add3A_919 : vector<16xi32>
          %select_n3A_921 = arith.select %lt3A_917, %add3A_920, %broadcast_in_dim3A_914 : vector<16xi1>, vector<16xi32>
          %broadcast_in_dim3A_922 = vector.shape_cast %select_n3A_921 : vector<16xi32> to vector<16x1xi32>
          %gather3A_923 = vector.shape_cast %broadcast_in_dim3A_922 : vector<16x1xi32> to vector<16xi32>
          %gather3A_924 = tpu.dynamic_gather %get3A_104[%gather3A_923] in [0] : vector<16xi32>, vector<16xi32> -> vector<16xi32>
          %get3A_925 = arith.constant 0 : i32
          %get3A_926 = arith.index_cast %add3A_120 : i32 to index
          %get3A_927 = arith.index_cast %get3A_925 : i32 to index
          %get3A_928 = arith.constant 0 : index
          %get3A_929 = tpu.vector_load %arg11[%get3A_926, %get3A_927, %get3A_928] {strides = array<i32>} : memref<16x32x16xi32, #tpu.memory_space<vmem>>, vector<16xi32>,
          %and3A_930 = arith.andi %gather3A_924, %get3A_929 : vector<16xi32>
          %ne3A_931 = arith.constant 0 : i32
          %ne3A_932 = vector.broadcast %ne3A_931 : i32 to vector<16xi32>
          %ne3A_933 = arith.cmpi ne, %and3A_930, %ne3A_932 : vector<16xi32>
          %jit3A_934 = arith.constant 1 : i32
          %jit3A_935 = arith.constant 0 : i32
          %broadcast_in_dim3A_936 = vector.broadcast %jit3A_934 : i32 to vector<16xi32>
          %broadcast_in_dim3A_937 = vector.broadcast %jit3A_935 : i32 to vector<16xi32>
          %select_n3A_938 = arith.select %ne3A_933, %broadcast_in_dim3A_936, %broadcast_in_dim3A_937 : vector<16xi1>, vector<16xi32>
          %or3A_939 = arith.ori %or3A_547, %select_n3A_938 : vector<16xi32>
          %broadcast_in_dim3A_940 = arith.constant 1 : i32
          %broadcast_in_dim3A_941 = vector.broadcast %broadcast_in_dim3A_940 : i32 to vector<16xi32>
          %lt3A_942 = arith.constant 0 : i32
          %lt3A_943 = vector.broadcast %lt3A_942 : i32 to vector<16xi32>
          %lt3A_944 = arith.cmpi slt, %broadcast_in_dim3A_941, %lt3A_943 : vector<16xi32>
          %add3A_945 = arith.constant 16 : i32
          %add3A_946 = vector.broadcast %add3A_945 : i32 to vector<16xi32>
          %add3A_947 = arith.addi %broadcast_in_dim3A_941, %add3A_946 : vector<16xi32>
          %select_n3A_948 = arith.select %lt3A_944, %add3A_947, %broadcast_in_dim3A_941 : vector<16xi1>, vector<16xi32>
          %broadcast_in_dim3A_949 = vector.shape_cast %select_n3A_948 : vector<16xi32> to vector<16x1xi32>
          %gather3A_950 = vector.shape_cast %broadcast_in_dim3A_949 : vector<16x1xi32> to vector<16xi32>
          %gather3A_951 = tpu.dynamic_gather %get3A_104[%gather3A_950] in [0] : vector<16xi32>, vector<16xi32> -> vector<16xi32>
          %get3A_952 = arith.constant 1 : i32
          %get3A_953 = arith.index_cast %add3A_120 : i32 to index
          %get3A_954 = arith.index_cast %get3A_952 : i32 to index
          %get3A_955 = arith.constant 0 : index
          %get3A_956 = tpu.vector_load %arg11[%get3A_953, %get3A_954, %get3A_955] {strides = array<i32>} : memref<16x32x16xi32, #tpu.memory_space<vmem>>, vector<16xi32>,
          %and3A_957 = arith.andi %gather3A_951, %get3A_956 : vector<16xi32>
          %ne3A_958 = arith.constant 0 : i32
          %ne3A_959 = vector.broadcast %ne3A_958 : i32 to vector<16xi32>
          %ne3A_960 = arith.cmpi ne, %and3A_957, %ne3A_959 : vector<16xi32>
          %jit3A_961 = arith.constant 2 : i32
          %jit3A_962 = arith.constant 0 : i32
          %broadcast_in_dim3A_963 = vector.broadcast %jit3A_961 : i32 to vector<16xi32>
          %broadcast_in_dim3A_964 = vector.broadcast %jit3A_962 : i32 to vector<16xi32>
          %select_n3A_965 = arith.select %ne3A_960, %broadcast_in_dim3A_963, %broadcast_in_dim3A_964 : vector<16xi1>, vector<16xi32>
          %or3A_966 = arith.ori %broadcast_in_dim3A_109, %select_n3A_965 : vector<16xi32>
          %broadcast_in_dim3A_967 = arith.constant 2 : i32
          %broadcast_in_dim3A_968 = vector.broadcast %broadcast_in_dim3A_967 : i32 to vector<16xi32>
          %lt3A_969 = arith.constant 0 : i32
          %lt3A_970 = vector.broadcast %lt3A_969 : i32 to vector<16xi32>
          %lt3A_971 = arith.cmpi slt, %broadcast_in_dim3A_968, %lt3A_970 : vector<16xi32>
          %add3A_972 = arith.constant 16 : i32
          %add3A_973 = vector.broadcast %add3A_972 : i32 to vector<16xi32>
          %add3A_974 = arith.addi %broadcast_in_dim3A_968, %add3A_973 : vector<16xi32>
          %select_n3A_975 = arith.select %lt3A_971, %add3A_974, %broadcast_in_dim3A_968 : vector<16xi1>, vector<16xi32>
          %broadcast_in_dim3A_976 = vector.shape_cast %select_n3A_975 : vector<16xi32> to vector<16x1xi32>
          %gather3A_977 = vector.shape_cast %broadcast_in_dim3A_976 : vector<16x1xi32> to vector<16xi32>
          %gather3A_978 = tpu.dynamic_gather %get3A_104[%gather3A_977] in [0] : vector<16xi32>, vector<16xi32> -> vector<16xi32>
          %get3A_979 = arith.constant 2 : i32
          %get3A_980 = arith.index_cast %add3A_120 : i32 to index
          %get3A_981 = arith.index_cast %get3A_979 : i32 to index
          %get3A_982 = arith.constant 0 : index
          %get3A_983 = tpu.vector_load %arg11[%get3A_980, %get3A_981, %get3A_982] {strides = array<i32>} : memref<16x32x16xi32, #tpu.memory_space<vmem>>, vector<16xi32>,
          %and3A_984 = arith.andi %gather3A_978, %get3A_983 : vector<16xi32>
          %ne3A_985 = arith.constant 0 : i32
          %ne3A_986 = vector.broadcast %ne3A_985 : i32 to vector<16xi32>
          %ne3A_987 = arith.cmpi ne, %and3A_984, %ne3A_986 : vector<16xi32>
          %jit3A_988 = arith.constant 4 : i32
          %jit3A_989 = arith.constant 0 : i32
          %broadcast_in_dim3A_990 = vector.broadcast %jit3A_988 : i32 to vector<16xi32>
          %broadcast_in_dim3A_991 = vector.broadcast %jit3A_989 : i32 to vector<16xi32>
          %select_n3A_992 = arith.select %ne3A_987, %broadcast_in_dim3A_990, %broadcast_in_dim3A_991 : vector<16xi1>, vector<16xi32>
          %or3A_993 = arith.ori %or3A_939, %select_n3A_992 : vector<16xi32>
          %broadcast_in_dim3A_994 = arith.constant 3 : i32
          %broadcast_in_dim3A_995 = vector.broadcast %broadcast_in_dim3A_994 : i32 to vector<16xi32>
          %lt3A_996 = arith.constant 0 : i32
          %lt3A_997 = vector.broadcast %lt3A_996 : i32 to vector<16xi32>
          %lt3A_998 = arith.cmpi slt, %broadcast_in_dim3A_995, %lt3A_997 : vector<16xi32>
          %add3A_999 = arith.constant 16 : i32
          %add3A_1000 = vector.broadcast %add3A_999 : i32 to vector<16xi32>
          %add3A_1001 = arith.addi %broadcast_in_dim3A_995, %add3A_1000 : vector<16xi32>
          %select_n3A_1002 = arith.select %lt3A_998, %add3A_1001, %broadcast_in_dim3A_995 : vector<16xi1>, vector<16xi32>
          %broadcast_in_dim3A_1003 = vector.shape_cast %select_n3A_1002 : vector<16xi32> to vector<16x1xi32>
          %gather3A_1004 = vector.shape_cast %broadcast_in_dim3A_1003 : vector<16x1xi32> to vector<16xi32>
          %gather3A_1005 = tpu.dynamic_gather %get3A_104[%gather3A_1004] in [0] : vector<16xi32>, vector<16xi32> -> vector<16xi32>
          %get3A_1006 = arith.constant 3 : i32
          %get3A_1007 = arith.index_cast %add3A_120 : i32 to index
          %get3A_1008 = arith.index_cast %get3A_1006 : i32 to index
          %get3A_1009 = arith.constant 0 : index
          %get3A_1010 = tpu.vector_load %arg11[%get3A_1007, %get3A_1008, %get3A_1009] {strides = array<i32>} : memref<16x32x16xi32, #tpu.memory_space<vmem>>, vector<16xi32>,
          %and3A_1011 = arith.andi %gather3A_1005, %get3A_1010 : vector<16xi32>
          %ne3A_1012 = arith.constant 0 : i32
          %ne3A_1013 = vector.broadcast %ne3A_1012 : i32 to vector<16xi32>
          %ne3A_1014 = arith.cmpi ne, %and3A_1011, %ne3A_1013 : vector<16xi32>
          %jit3A_1015 = arith.constant 8 : i32
          %jit3A_1016 = arith.constant 0 : i32
          %broadcast_in_dim3A_1017 = vector.broadcast %jit3A_1015 : i32 to vector<16xi32>
          %broadcast_in_dim3A_1018 = vector.broadcast %jit3A_1016 : i32 to vector<16xi32>
          %select_n3A_1019 = arith.select %ne3A_1014, %broadcast_in_dim3A_1017, %broadcast_in_dim3A_1018 : vector<16xi1>, vector<16xi32>
          %or3A_1020 = arith.ori %or3A_966, %select_n3A_1019 : vector<16xi32>
          %broadcast_in_dim3A_1021 = arith.constant 4 : i32
          %broadcast_in_dim3A_1022 = vector.broadcast %broadcast_in_dim3A_1021 : i32 to vector<16xi32>
          %lt3A_1023 = arith.constant 0 : i32
          %lt3A_1024 = vector.broadcast %lt3A_1023 : i32 to vector<16xi32>
          %lt3A_1025 = arith.cmpi slt, %broadcast_in_dim3A_1022, %lt3A_1024 : vector<16xi32>
          %add3A_1026 = arith.constant 16 : i32
          %add3A_1027 = vector.broadcast %add3A_1026 : i32 to vector<16xi32>
          %add3A_1028 = arith.addi %broadcast_in_dim3A_1022, %add3A_1027 : vector<16xi32>
          %select_n3A_1029 = arith.select %lt3A_1025, %add3A_1028, %broadcast_in_dim3A_1022 : vector<16xi1>, vector<16xi32>
          %broadcast_in_dim3A_1030 = vector.shape_cast %select_n3A_1029 : vector<16xi32> to vector<16x1xi32>
          %gather3A_1031 = vector.shape_cast %broadcast_in_dim3A_1030 : vector<16x1xi32> to vector<16xi32>
          %gather3A_1032 = tpu.dynamic_gather %get3A_104[%gather3A_1031] in [0] : vector<16xi32>, vector<16xi32> -> vector<16xi32>
          %get3A_1033 = arith.constant 4 : i32
          %get3A_1034 = arith.index_cast %add3A_120 : i32 to index
          %get3A_1035 = arith.index_cast %get3A_1033 : i32 to index
          %get3A_1036 = arith.constant 0 : index
          %get3A_1037 = tpu.vector_load %arg11[%get3A_1034, %get3A_1035, %get3A_1036] {strides = array<i32>} : memref<16x32x16xi32, #tpu.memory_space<vmem>>, vector<16xi32>,
          %and3A_1038 = arith.andi %gather3A_1032, %get3A_1037 : vector<16xi32>
          %ne3A_1039 = arith.constant 0 : i32
          %ne3A_1040 = vector.broadcast %ne3A_1039 : i32 to vector<16xi32>
          %ne3A_1041 = arith.cmpi ne, %and3A_1038, %ne3A_1040 : vector<16xi32>
          %jit3A_1042 = arith.constant 16 : i32
          %jit3A_1043 = arith.constant 0 : i32
          %broadcast_in_dim3A_1044 = vector.broadcast %jit3A_1042 : i32 to vector<16xi32>
          %broadcast_in_dim3A_1045 = vector.broadcast %jit3A_1043 : i32 to vector<16xi32>
          %select_n3A_1046 = arith.select %ne3A_1041, %broadcast_in_dim3A_1044, %broadcast_in_dim3A_1045 : vector<16xi1>, vector<16xi32>
          %or3A_1047 = arith.ori %or3A_993, %select_n3A_1046 : vector<16xi32>
          %broadcast_in_dim3A_1048 = arith.constant 5 : i32
          %broadcast_in_dim3A_1049 = vector.broadcast %broadcast_in_dim3A_1048 : i32 to vector<16xi32>
          %lt3A_1050 = arith.constant 0 : i32
          %lt3A_1051 = vector.broadcast %lt3A_1050 : i32 to vector<16xi32>
          %lt3A_1052 = arith.cmpi slt, %broadcast_in_dim3A_1049, %lt3A_1051 : vector<16xi32>
          %add3A_1053 = arith.constant 16 : i32
          %add3A_1054 = vector.broadcast %add3A_1053 : i32 to vector<16xi32>
          %add3A_1055 = arith.addi %broadcast_in_dim3A_1049, %add3A_1054 : vector<16xi32>
          %select_n3A_1056 = arith.select %lt3A_1052, %add3A_1055, %broadcast_in_dim3A_1049 : vector<16xi1>, vector<16xi32>
          %broadcast_in_dim3A_1057 = vector.shape_cast %select_n3A_1056 : vector<16xi32> to vector<16x1xi32>
          %gather3A_1058 = vector.shape_cast %broadcast_in_dim3A_1057 : vector<16x1xi32> to vector<16xi32>
          %gather3A_1059 = tpu.dynamic_gather %get3A_104[%gather3A_1058] in [0] : vector<16xi32>, vector<16xi32> -> vector<16xi32>
          %get3A_1060 = arith.constant 5 : i32
          %get3A_1061 = arith.index_cast %add3A_120 : i32 to index
          %get3A_1062 = arith.index_cast %get3A_1060 : i32 to index
          %get3A_1063 = arith.constant 0 : index
          %get3A_1064 = tpu.vector_load %arg11[%get3A_1061, %get3A_1062, %get3A_1063] {strides = array<i32>} : memref<16x32x16xi32, #tpu.memory_space<vmem>>, vector<16xi32>,
          %and3A_1065 = arith.andi %gather3A_1059, %get3A_1064 : vector<16xi32>
          %ne3A_1066 = arith.constant 0 : i32
          %ne3A_1067 = vector.broadcast %ne3A_1066 : i32 to vector<16xi32>
          %ne3A_1068 = arith.cmpi ne, %and3A_1065, %ne3A_1067 : vector<16xi32>
          %jit3A_1069 = arith.constant 32 : i32
          %jit3A_1070 = arith.constant 0 : i32
          %broadcast_in_dim3A_1071 = vector.broadcast %jit3A_1069 : i32 to vector<16xi32>
          %broadcast_in_dim3A_1072 = vector.broadcast %jit3A_1070 : i32 to vector<16xi32>
          %select_n3A_1073 = arith.select %ne3A_1068, %broadcast_in_dim3A_1071, %broadcast_in_dim3A_1072 : vector<16xi1>, vector<16xi32>
          %or3A_1074 = arith.ori %or3A_1020, %select_n3A_1073 : vector<16xi32>
          %broadcast_in_dim3A_1075 = arith.constant 6 : i32
          %broadcast_in_dim3A_1076 = vector.broadcast %broadcast_in_dim3A_1075 : i32 to vector<16xi32>
          %lt3A_1077 = arith.constant 0 : i32
          %lt3A_1078 = vector.broadcast %lt3A_1077 : i32 to vector<16xi32>
          %lt3A_1079 = arith.cmpi slt, %broadcast_in_dim3A_1076, %lt3A_1078 : vector<16xi32>
          %add3A_1080 = arith.constant 16 : i32
          %add3A_1081 = vector.broadcast %add3A_1080 : i32 to vector<16xi32>
          %add3A_1082 = arith.addi %broadcast_in_dim3A_1076, %add3A_1081 : vector<16xi32>
          %select_n3A_1083 = arith.select %lt3A_1079, %add3A_1082, %broadcast_in_dim3A_1076 : vector<16xi1>, vector<16xi32>
          %broadcast_in_dim3A_1084 = vector.shape_cast %select_n3A_1083 : vector<16xi32> to vector<16x1xi32>
          %gather3A_1085 = vector.shape_cast %broadcast_in_dim3A_1084 : vector<16x1xi32> to vector<16xi32>
          %gather3A_1086 = tpu.dynamic_gather %get3A_104[%gather3A_1085] in [0] : vector<16xi32>, vector<16xi32> -> vector<16xi32>
          %get3A_1087 = arith.constant 6 : i32
          %get3A_1088 = arith.index_cast %add3A_120 : i32 to index
          %get3A_1089 = arith.index_cast %get3A_1087 : i32 to index
          %get3A_1090 = arith.constant 0 : index
          %get3A_1091 = tpu.vector_load %arg11[%get3A_1088, %get3A_1089, %get3A_1090] {strides = array<i32>} : memref<16x32x16xi32, #tpu.memory_space<vmem>>, vector<16xi32>,
          %and3A_1092 = arith.andi %gather3A_1086, %get3A_1091 : vector<16xi32>
          %ne3A_1093 = arith.constant 0 : i32
          %ne3A_1094 = vector.broadcast %ne3A_1093 : i32 to vector<16xi32>
          %ne3A_1095 = arith.cmpi ne, %and3A_1092, %ne3A_1094 : vector<16xi32>
          %jit3A_1096 = arith.constant 64 : i32
          %jit3A_1097 = arith.constant 0 : i32
          %broadcast_in_dim3A_1098 = vector.broadcast %jit3A_1096 : i32 to vector<16xi32>
          %broadcast_in_dim3A_1099 = vector.broadcast %jit3A_1097 : i32 to vector<16xi32>
          %select_n3A_1100 = arith.select %ne3A_1095, %broadcast_in_dim3A_1098, %broadcast_in_dim3A_1099 : vector<16xi1>, vector<16xi32>
          %or3A_1101 = arith.ori %or3A_1047, %select_n3A_1100 : vector<16xi32>
          %broadcast_in_dim3A_1102 = arith.constant 7 : i32
          %broadcast_in_dim3A_1103 = vector.broadcast %broadcast_in_dim3A_1102 : i32 to vector<16xi32>
          %lt3A_1104 = arith.constant 0 : i32
          %lt3A_1105 = vector.broadcast %lt3A_1104 : i32 to vector<16xi32>
          %lt3A_1106 = arith.cmpi slt, %broadcast_in_dim3A_1103, %lt3A_1105 : vector<16xi32>
          %add3A_1107 = arith.constant 16 : i32
          %add3A_1108 = vector.broadcast %add3A_1107 : i32 to vector<16xi32>
          %add3A_1109 = arith.addi %broadcast_in_dim3A_1103, %add3A_1108 : vector<16xi32>
          %select_n3A_1110 = arith.select %lt3A_1106, %add3A_1109, %broadcast_in_dim3A_1103 : vector<16xi1>, vector<16xi32>
          %broadcast_in_dim3A_1111 = vector.shape_cast %select_n3A_1110 : vector<16xi32> to vector<16x1xi32>
          %gather3A_1112 = vector.shape_cast %broadcast_in_dim3A_1111 : vector<16x1xi32> to vector<16xi32>
          %gather3A_1113 = tpu.dynamic_gather %get3A_104[%gather3A_1112] in [0] : vector<16xi32>, vector<16xi32> -> vector<16xi32>
          %get3A_1114 = arith.constant 7 : i32
          %get3A_1115 = arith.index_cast %add3A_120 : i32 to index
          %get3A_1116 = arith.index_cast %get3A_1114 : i32 to index
          %get3A_1117 = arith.constant 0 : index
          %get3A_1118 = tpu.vector_load %arg11[%get3A_1115, %get3A_1116, %get3A_1117] {strides = array<i32>} : memref<16x32x16xi32, #tpu.memory_space<vmem>>, vector<16xi32>,
          %and3A_1119 = arith.andi %gather3A_1113, %get3A_1118 : vector<16xi32>
          %ne3A_1120 = arith.constant 0 : i32
          %ne3A_1121 = vector.broadcast %ne3A_1120 : i32 to vector<16xi32>
          %ne3A_1122 = arith.cmpi ne, %and3A_1119, %ne3A_1121 : vector<16xi32>
          %jit3A_1123 = arith.constant 128 : i32
          %jit3A_1124 = arith.constant 0 : i32
          %broadcast_in_dim3A_1125 = vector.broadcast %jit3A_1123 : i32 to vector<16xi32>
          %broadcast_in_dim3A_1126 = vector.broadcast %jit3A_1124 : i32 to vector<16xi32>
          %select_n3A_1127 = arith.select %ne3A_1122, %broadcast_in_dim3A_1125, %broadcast_in_dim3A_1126 : vector<16xi1>, vector<16xi32>
          %or3A_1128 = arith.ori %or3A_1074, %select_n3A_1127 : vector<16xi32>
          %broadcast_in_dim3A_1129 = arith.constant 8 : i32
          %broadcast_in_dim3A_1130 = vector.broadcast %broadcast_in_dim3A_1129 : i32 to vector<16xi32>
          %lt3A_1131 = arith.constant 0 : i32
          %lt3A_1132 = vector.broadcast %lt3A_1131 : i32 to vector<16xi32>
          %lt3A_1133 = arith.cmpi slt, %broadcast_in_dim3A_1130, %lt3A_1132 : vector<16xi32>
          %add3A_1134 = arith.constant 16 : i32
          %add3A_1135 = vector.broadcast %add3A_1134 : i32 to vector<16xi32>
          %add3A_1136 = arith.addi %broadcast_in_dim3A_1130, %add3A_1135 : vector<16xi32>
          %select_n3A_1137 = arith.select %lt3A_1133, %add3A_1136, %broadcast_in_dim3A_1130 : vector<16xi1>, vector<16xi32>
          %broadcast_in_dim3A_1138 = vector.shape_cast %select_n3A_1137 : vector<16xi32> to vector<16x1xi32>
          %gather3A_1139 = vector.shape_cast %broadcast_in_dim3A_1138 : vector<16x1xi32> to vector<16xi32>
          %gather3A_1140 = tpu.dynamic_gather %get3A_104[%gather3A_1139] in [0] : vector<16xi32>, vector<16xi32> -> vector<16xi32>
          %get3A_1141 = arith.constant 8 : i32
          %get3A_1142 = arith.index_cast %add3A_120 : i32 to index
          %get3A_1143 = arith.index_cast %get3A_1141 : i32 to index
          %get3A_1144 = arith.constant 0 : index
          %get3A_1145 = tpu.vector_load %arg11[%get3A_1142, %get3A_1143, %get3A_1144] {strides = array<i32>} : memref<16x32x16xi32, #tpu.memory_space<vmem>>, vector<16xi32>,
          %and3A_1146 = arith.andi %gather3A_1140, %get3A_1145 : vector<16xi32>
          %ne3A_1147 = arith.constant 0 : i32
          %ne3A_1148 = vector.broadcast %ne3A_1147 : i32 to vector<16xi32>
          %ne3A_1149 = arith.cmpi ne, %and3A_1146, %ne3A_1148 : vector<16xi32>
          %jit3A_1150 = arith.constant 256 : i32
          %jit3A_1151 = arith.constant 0 : i32
          %broadcast_in_dim3A_1152 = vector.broadcast %jit3A_1150 : i32 to vector<16xi32>
          %broadcast_in_dim3A_1153 = vector.broadcast %jit3A_1151 : i32 to vector<16xi32>
          %select_n3A_1154 = arith.select %ne3A_1149, %broadcast_in_dim3A_1152, %broadcast_in_dim3A_1153 : vector<16xi1>, vector<16xi32>
          %or3A_1155 = arith.ori %or3A_1101, %select_n3A_1154 : vector<16xi32>
          %broadcast_in_dim3A_1156 = arith.constant 9 : i32
          %broadcast_in_dim3A_1157 = vector.broadcast %broadcast_in_dim3A_1156 : i32 to vector<16xi32>
          %lt3A_1158 = arith.constant 0 : i32
          %lt3A_1159 = vector.broadcast %lt3A_1158 : i32 to vector<16xi32>
          %lt3A_1160 = arith.cmpi slt, %broadcast_in_dim3A_1157, %lt3A_1159 : vector<16xi32>
          %add3A_1161 = arith.constant 16 : i32
          %add3A_1162 = vector.broadcast %add3A_1161 : i32 to vector<16xi32>
          %add3A_1163 = arith.addi %broadcast_in_dim3A_1157, %add3A_1162 : vector<16xi32>
          %select_n3A_1164 = arith.select %lt3A_1160, %add3A_1163, %broadcast_in_dim3A_1157 : vector<16xi1>, vector<16xi32>
          %broadcast_in_dim3A_1165 = vector.shape_cast %select_n3A_1164 : vector<16xi32> to vector<16x1xi32>
          %gather3A_1166 = vector.shape_cast %broadcast_in_dim3A_1165 : vector<16x1xi32> to vector<16xi32>
          %gather3A_1167 = tpu.dynamic_gather %get3A_104[%gather3A_1166] in [0] : vector<16xi32>, vector<16xi32> -> vector<16xi32>
          %get3A_1168 = arith.constant 9 : i32
          %get3A_1169 = arith.index_cast %add3A_120 : i32 to index
          %get3A_1170 = arith.index_cast %get3A_1168 : i32 to index
          %get3A_1171 = arith.constant 0 : index
          %get3A_1172 = tpu.vector_load %arg11[%get3A_1169, %get3A_1170, %get3A_1171] {strides = array<i32>} : memref<16x32x16xi32, #tpu.memory_space<vmem>>, vector<16xi32>,
          %and3A_1173 = arith.andi %gather3A_1167, %get3A_1172 : vector<16xi32>
          %ne3A_1174 = arith.constant 0 : i32
          %ne3A_1175 = vector.broadcast %ne3A_1174 : i32 to vector<16xi32>
          %ne3A_1176 = arith.cmpi ne, %and3A_1173, %ne3A_1175 : vector<16xi32>
          %jit3A_1177 = arith.constant 512 : i32
          %jit3A_1178 = arith.constant 0 : i32
          %broadcast_in_dim3A_1179 = vector.broadcast %jit3A_1177 : i32 to vector<16xi32>
          %broadcast_in_dim3A_1180 = vector.broadcast %jit3A_1178 : i32 to vector<16xi32>
          %select_n3A_1181 = arith.select %ne3A_1176, %broadcast_in_dim3A_1179, %broadcast_in_dim3A_1180 : vector<16xi1>, vector<16xi32>
          %or3A_1182 = arith.ori %or3A_1128, %select_n3A_1181 : vector<16xi32>
          %broadcast_in_dim3A_1183 = arith.constant 10 : i32
          %broadcast_in_dim3A_1184 = vector.broadcast %broadcast_in_dim3A_1183 : i32 to vector<16xi32>
          %lt3A_1185 = arith.constant 0 : i32
          %lt3A_1186 = vector.broadcast %lt3A_1185 : i32 to vector<16xi32>
          %lt3A_1187 = arith.cmpi slt, %broadcast_in_dim3A_1184, %lt3A_1186 : vector<16xi32>
          %add3A_1188 = arith.constant 16 : i32
          %add3A_1189 = vector.broadcast %add3A_1188 : i32 to vector<16xi32>
          %add3A_1190 = arith.addi %broadcast_in_dim3A_1184, %add3A_1189 : vector<16xi32>
          %select_n3A_1191 = arith.select %lt3A_1187, %add3A_1190, %broadcast_in_dim3A_1184 : vector<16xi1>, vector<16xi32>
          %broadcast_in_dim3A_1192 = vector.shape_cast %select_n3A_1191 : vector<16xi32> to vector<16x1xi32>
          %gather3A_1193 = vector.shape_cast %broadcast_in_dim3A_1192 : vector<16x1xi32> to vector<16xi32>
          %gather3A_1194 = tpu.dynamic_gather %get3A_104[%gather3A_1193] in [0] : vector<16xi32>, vector<16xi32> -> vector<16xi32>
          %get3A_1195 = arith.constant 10 : i32
          %get3A_1196 = arith.index_cast %add3A_120 : i32 to index
          %get3A_1197 = arith.index_cast %get3A_1195 : i32 to index
          %get3A_1198 = arith.constant 0 : index
          %get3A_1199 = tpu.vector_load %arg11[%get3A_1196, %get3A_1197, %get3A_1198] {strides = array<i32>} : memref<16x32x16xi32, #tpu.memory_space<vmem>>, vector<16xi32>,
          %and3A_1200 = arith.andi %gather3A_1194, %get3A_1199 : vector<16xi32>
          %ne3A_1201 = arith.constant 0 : i32
          %ne3A_1202 = vector.broadcast %ne3A_1201 : i32 to vector<16xi32>
          %ne3A_1203 = arith.cmpi ne, %and3A_1200, %ne3A_1202 : vector<16xi32>
          %jit3A_1204 = arith.constant 1024 : i32
          %jit3A_1205 = arith.constant 0 : i32
          %broadcast_in_dim3A_1206 = vector.broadcast %jit3A_1204 : i32 to vector<16xi32>
          %broadcast_in_dim3A_1207 = vector.broadcast %jit3A_1205 : i32 to vector<16xi32>
          %select_n3A_1208 = arith.select %ne3A_1203, %broadcast_in_dim3A_1206, %broadcast_in_dim3A_1207 : vector<16xi1>, vector<16xi32>
          %or3A_1209 = arith.ori %or3A_1155, %select_n3A_1208 : vector<16xi32>
          %broadcast_in_dim3A_1210 = arith.constant 11 : i32
          %broadcast_in_dim3A_1211 = vector.broadcast %broadcast_in_dim3A_1210 : i32 to vector<16xi32>
          %lt3A_1212 = arith.constant 0 : i32
          %lt3A_1213 = vector.broadcast %lt3A_1212 : i32 to vector<16xi32>
          %lt3A_1214 = arith.cmpi slt, %broadcast_in_dim3A_1211, %lt3A_1213 : vector<16xi32>
          %add3A_1215 = arith.constant 16 : i32
          %add3A_1216 = vector.broadcast %add3A_1215 : i32 to vector<16xi32>
          %add3A_1217 = arith.addi %broadcast_in_dim3A_1211, %add3A_1216 : vector<16xi32>
          %select_n3A_1218 = arith.select %lt3A_1214, %add3A_1217, %broadcast_in_dim3A_1211 : vector<16xi1>, vector<16xi32>
          %broadcast_in_dim3A_1219 = vector.shape_cast %select_n3A_1218 : vector<16xi32> to vector<16x1xi32>
          %gather3A_1220 = vector.shape_cast %broadcast_in_dim3A_1219 : vector<16x1xi32> to vector<16xi32>
          %gather3A_1221 = tpu.dynamic_gather %get3A_104[%gather3A_1220] in [0] : vector<16xi32>, vector<16xi32> -> vector<16xi32>
          %get3A_1222 = arith.constant 11 : i32
          %get3A_1223 = arith.index_cast %add3A_120 : i32 to index
          %get3A_1224 = arith.index_cast %get3A_1222 : i32 to index
          %get3A_1225 = arith.constant 0 : index
          %get3A_1226 = tpu.vector_load %arg11[%get3A_1223, %get3A_1224, %get3A_1225] {strides = array<i32>} : memref<16x32x16xi32, #tpu.memory_space<vmem>>, vector<16xi32>,
          %and3A_1227 = arith.andi %gather3A_1221, %get3A_1226 : vector<16xi32>
          %ne3A_1228 = arith.constant 0 : i32
          %ne3A_1229 = vector.broadcast %ne3A_1228 : i32 to vector<16xi32>
          %ne3A_1230 = arith.cmpi ne, %and3A_1227, %ne3A_1229 : vector<16xi32>
          %jit3A_1231 = arith.constant 2048 : i32
          %jit3A_1232 = arith.constant 0 : i32
          %broadcast_in_dim3A_1233 = vector.broadcast %jit3A_1231 : i32 to vector<16xi32>
          %broadcast_in_dim3A_1234 = vector.broadcast %jit3A_1232 : i32 to vector<16xi32>
          %select_n3A_1235 = arith.select %ne3A_1230, %broadcast_in_dim3A_1233, %broadcast_in_dim3A_1234 : vector<16xi1>, vector<16xi32>
          %or3A_1236 = arith.ori %or3A_1182, %select_n3A_1235 : vector<16xi32>
          %broadcast_in_dim3A_1237 = arith.constant 12 : i32
          %broadcast_in_dim3A_1238 = vector.broadcast %broadcast_in_dim3A_1237 : i32 to vector<16xi32>
          %lt3A_1239 = arith.constant 0 : i32
          %lt3A_1240 = vector.broadcast %lt3A_1239 : i32 to vector<16xi32>
          %lt3A_1241 = arith.cmpi slt, %broadcast_in_dim3A_1238, %lt3A_1240 : vector<16xi32>
          %add3A_1242 = arith.constant 16 : i32
          %add3A_1243 = vector.broadcast %add3A_1242 : i32 to vector<16xi32>
          %add3A_1244 = arith.addi %broadcast_in_dim3A_1238, %add3A_1243 : vector<16xi32>
          %select_n3A_1245 = arith.select %lt3A_1241, %add3A_1244, %broadcast_in_dim3A_1238 : vector<16xi1>, vector<16xi32>
          %broadcast_in_dim3A_1246 = vector.shape_cast %select_n3A_1245 : vector<16xi32> to vector<16x1xi32>
          %gather3A_1247 = vector.shape_cast %broadcast_in_dim3A_1246 : vector<16x1xi32> to vector<16xi32>
          %gather3A_1248 = tpu.dynamic_gather %get3A_104[%gather3A_1247] in [0] : vector<16xi32>, vector<16xi32> -> vector<16xi32>
          %get3A_1249 = arith.constant 12 : i32
          %get3A_1250 = arith.index_cast %add3A_120 : i32 to index
          %get3A_1251 = arith.index_cast %get3A_1249 : i32 to index
          %get3A_1252 = arith.constant 0 : index
          %get3A_1253 = tpu.vector_load %arg11[%get3A_1250, %get3A_1251, %get3A_1252] {strides = array<i32>} : memref<16x32x16xi32, #tpu.memory_space<vmem>>, vector<16xi32>,
          %and3A_1254 = arith.andi %gather3A_1248, %get3A_1253 : vector<16xi32>
          %ne3A_1255 = arith.constant 0 : i32
          %ne3A_1256 = vector.broadcast %ne3A_1255 : i32 to vector<16xi32>
          %ne3A_1257 = arith.cmpi ne, %and3A_1254, %ne3A_1256 : vector<16xi32>
          %jit3A_1258 = arith.constant 4096 : i32
          %jit3A_1259 = arith.constant 0 : i32
          %broadcast_in_dim3A_1260 = vector.broadcast %jit3A_1258 : i32 to vector<16xi32>
          %broadcast_in_dim3A_1261 = vector.broadcast %jit3A_1259 : i32 to vector<16xi32>
          %select_n3A_1262 = arith.select %ne3A_1257, %broadcast_in_dim3A_1260, %broadcast_in_dim3A_1261 : vector<16xi1>, vector<16xi32>
          %or3A_1263 = arith.ori %or3A_1209, %select_n3A_1262 : vector<16xi32>
          %broadcast_in_dim3A_1264 = arith.constant 13 : i32
          %broadcast_in_dim3A_1265 = vector.broadcast %broadcast_in_dim3A_1264 : i32 to vector<16xi32>
          %lt3A_1266 = arith.constant 0 : i32
          %lt3A_1267 = vector.broadcast %lt3A_1266 : i32 to vector<16xi32>
          %lt3A_1268 = arith.cmpi slt, %broadcast_in_dim3A_1265, %lt3A_1267 : vector<16xi32>
          %add3A_1269 = arith.constant 16 : i32
          %add3A_1270 = vector.broadcast %add3A_1269 : i32 to vector<16xi32>
          %add3A_1271 = arith.addi %broadcast_in_dim3A_1265, %add3A_1270 : vector<16xi32>
          %select_n3A_1272 = arith.select %lt3A_1268, %add3A_1271, %broadcast_in_dim3A_1265 : vector<16xi1>, vector<16xi32>
          %broadcast_in_dim3A_1273 = vector.shape_cast %select_n3A_1272 : vector<16xi32> to vector<16x1xi32>
          %gather3A_1274 = vector.shape_cast %broadcast_in_dim3A_1273 : vector<16x1xi32> to vector<16xi32>
          %gather3A_1275 = tpu.dynamic_gather %get3A_104[%gather3A_1274] in [0] : vector<16xi32>, vector<16xi32> -> vector<16xi32>
          %get3A_1276 = arith.constant 13 : i32
          %get3A_1277 = arith.index_cast %add3A_120 : i32 to index
          %get3A_1278 = arith.index_cast %get3A_1276 : i32 to index
          %get3A_1279 = arith.constant 0 : index
          %get3A_1280 = tpu.vector_load %arg11[%get3A_1277, %get3A_1278, %get3A_1279] {strides = array<i32>} : memref<16x32x16xi32, #tpu.memory_space<vmem>>, vector<16xi32>,
          %and3A_1281 = arith.andi %gather3A_1275, %get3A_1280 : vector<16xi32>
          %ne3A_1282 = arith.constant 0 : i32
          %ne3A_1283 = vector.broadcast %ne3A_1282 : i32 to vector<16xi32>
          %ne3A_1284 = arith.cmpi ne, %and3A_1281, %ne3A_1283 : vector<16xi32>
          %jit3A_1285 = arith.constant 8192 : i32
          %jit3A_1286 = arith.constant 0 : i32
          %broadcast_in_dim3A_1287 = vector.broadcast %jit3A_1285 : i32 to vector<16xi32>
          %broadcast_in_dim3A_1288 = vector.broadcast %jit3A_1286 : i32 to vector<16xi32>
          %select_n3A_1289 = arith.select %ne3A_1284, %broadcast_in_dim3A_1287, %broadcast_in_dim3A_1288 : vector<16xi1>, vector<16xi32>
          %or3A_1290 = arith.ori %or3A_1236, %select_n3A_1289 : vector<16xi32>
          %broadcast_in_dim3A_1291 = arith.constant 14 : i32
          %broadcast_in_dim3A_1292 = vector.broadcast %broadcast_in_dim3A_1291 : i32 to vector<16xi32>
          %lt3A_1293 = arith.constant 0 : i32
          %lt3A_1294 = vector.broadcast %lt3A_1293 : i32 to vector<16xi32>
          %lt3A_1295 = arith.cmpi slt, %broadcast_in_dim3A_1292, %lt3A_1294 : vector<16xi32>
          %add3A_1296 = arith.constant 16 : i32
          %add3A_1297 = vector.broadcast %add3A_1296 : i32 to vector<16xi32>
          %add3A_1298 = arith.addi %broadcast_in_dim3A_1292, %add3A_1297 : vector<16xi32>
          %select_n3A_1299 = arith.select %lt3A_1295, %add3A_1298, %broadcast_in_dim3A_1292 : vector<16xi1>, vector<16xi32>
          %broadcast_in_dim3A_1300 = vector.shape_cast %select_n3A_1299 : vector<16xi32> to vector<16x1xi32>
          %gather3A_1301 = vector.shape_cast %broadcast_in_dim3A_1300 : vector<16x1xi32> to vector<16xi32>
          %gather3A_1302 = tpu.dynamic_gather %get3A_104[%gather3A_1301] in [0] : vector<16xi32>, vector<16xi32> -> vector<16xi32>
          %get3A_1303 = arith.constant 14 : i32
          %get3A_1304 = arith.index_cast %add3A_120 : i32 to index
          %get3A_1305 = arith.index_cast %get3A_1303 : i32 to index
          %get3A_1306 = arith.constant 0 : index
          %get3A_1307 = tpu.vector_load %arg11[%get3A_1304, %get3A_1305, %get3A_1306] {strides = array<i32>} : memref<16x32x16xi32, #tpu.memory_space<vmem>>, vector<16xi32>,
          %and3A_1308 = arith.andi %gather3A_1302, %get3A_1307 : vector<16xi32>
          %ne3A_1309 = arith.constant 0 : i32
          %ne3A_1310 = vector.broadcast %ne3A_1309 : i32 to vector<16xi32>
          %ne3A_1311 = arith.cmpi ne, %and3A_1308, %ne3A_1310 : vector<16xi32>
          %jit3A_1312 = arith.constant 16384 : i32
          %jit3A_1313 = arith.constant 0 : i32
          %broadcast_in_dim3A_1314 = vector.broadcast %jit3A_1312 : i32 to vector<16xi32>
          %broadcast_in_dim3A_1315 = vector.broadcast %jit3A_1313 : i32 to vector<16xi32>
          %select_n3A_1316 = arith.select %ne3A_1311, %broadcast_in_dim3A_1314, %broadcast_in_dim3A_1315 : vector<16xi1>, vector<16xi32>
          %or3A_1317 = arith.ori %or3A_1263, %select_n3A_1316 : vector<16xi32>
          %broadcast_in_dim3A_1318 = arith.constant 15 : i32
          %broadcast_in_dim3A_1319 = vector.broadcast %broadcast_in_dim3A_1318 : i32 to vector<16xi32>
          %lt3A_1320 = arith.constant 0 : i32
          %lt3A_1321 = vector.broadcast %lt3A_1320 : i32 to vector<16xi32>
          %lt3A_1322 = arith.cmpi slt, %broadcast_in_dim3A_1319, %lt3A_1321 : vector<16xi32>
          %add3A_1323 = arith.constant 16 : i32
          %add3A_1324 = vector.broadcast %add3A_1323 : i32 to vector<16xi32>
          %add3A_1325 = arith.addi %broadcast_in_dim3A_1319, %add3A_1324 : vector<16xi32>
          %select_n3A_1326 = arith.select %lt3A_1322, %add3A_1325, %broadcast_in_dim3A_1319 : vector<16xi1>, vector<16xi32>
          %broadcast_in_dim3A_1327 = vector.shape_cast %select_n3A_1326 : vector<16xi32> to vector<16x1xi32>
          %gather3A_1328 = vector.shape_cast %broadcast_in_dim3A_1327 : vector<16x1xi32> to vector<16xi32>
          %gather3A_1329 = tpu.dynamic_gather %get3A_104[%gather3A_1328] in [0] : vector<16xi32>, vector<16xi32> -> vector<16xi32>
          %get3A_1330 = arith.constant 15 : i32
          %get3A_1331 = arith.index_cast %add3A_120 : i32 to index
          %get3A_1332 = arith.index_cast %get3A_1330 : i32 to index
          %get3A_1333 = arith.constant 0 : index
          %get3A_1334 = tpu.vector_load %arg11[%get3A_1331, %get3A_1332, %get3A_1333] {strides = array<i32>} : memref<16x32x16xi32, #tpu.memory_space<vmem>>, vector<16xi32>,
          %and3A_1335 = arith.andi %gather3A_1329, %get3A_1334 : vector<16xi32>
          %ne3A_1336 = arith.constant 0 : i32
          %ne3A_1337 = vector.broadcast %ne3A_1336 : i32 to vector<16xi32>
          %ne3A_1338 = arith.cmpi ne, %and3A_1335, %ne3A_1337 : vector<16xi32>
          %jit3A_1339 = arith.constant 32768 : i32
          %jit3A_1340 = arith.constant 0 : i32
          %broadcast_in_dim3A_1341 = vector.broadcast %jit3A_1339 : i32 to vector<16xi32>
          %broadcast_in_dim3A_1342 = vector.broadcast %jit3A_1340 : i32 to vector<16xi32>
          %select_n3A_1343 = arith.select %ne3A_1338, %broadcast_in_dim3A_1341, %broadcast_in_dim3A_1342 : vector<16xi1>, vector<16xi32>
          %or3A_1344 = arith.ori %or3A_1290, %select_n3A_1343 : vector<16xi32>
          %broadcast_in_dim3A_1345 = arith.constant 0 : i32
          %broadcast_in_dim3A_1346 = vector.broadcast %broadcast_in_dim3A_1345 : i32 to vector<16xi32>
          %lt3A_1347 = arith.constant 0 : i32
          %lt3A_1348 = vector.broadcast %lt3A_1347 : i32 to vector<16xi32>
          %lt3A_1349 = arith.cmpi slt, %broadcast_in_dim3A_1346, %lt3A_1348 : vector<16xi32>
          %add3A_1350 = arith.constant 16 : i32
          %add3A_1351 = vector.broadcast %add3A_1350 : i32 to vector<16xi32>
          %add3A_1352 = arith.addi %broadcast_in_dim3A_1346, %add3A_1351 : vector<16xi32>
          %select_n3A_1353 = arith.select %lt3A_1349, %add3A_1352, %broadcast_in_dim3A_1346 : vector<16xi1>, vector<16xi32>
          %broadcast_in_dim3A_1354 = vector.shape_cast %select_n3A_1353 : vector<16xi32> to vector<16x1xi32>
          %gather3A_1355 = vector.shape_cast %broadcast_in_dim3A_1354 : vector<16x1xi32> to vector<16xi32>
          %gather3A_1356 = tpu.dynamic_gather %get3A_107[%gather3A_1355] in [0] : vector<16xi32>, vector<16xi32> -> vector<16xi32>
          %get3A_1357 = arith.constant 16 : i32
          %get3A_1358 = arith.index_cast %add3A_120 : i32 to index
          %get3A_1359 = arith.index_cast %get3A_1357 : i32 to index
          %get3A_1360 = arith.constant 0 : index
          %get3A_1361 = tpu.vector_load %arg11[%get3A_1358, %get3A_1359, %get3A_1360] {strides = array<i32>} : memref<16x32x16xi32, #tpu.memory_space<vmem>>, vector<16xi32>,
          %and3A_1362 = arith.andi %gather3A_1356, %get3A_1361 : vector<16xi32>
          %ne3A_1363 = arith.constant 0 : i32
          %ne3A_1364 = vector.broadcast %ne3A_1363 : i32 to vector<16xi32>
          %ne3A_1365 = arith.cmpi ne, %and3A_1362, %ne3A_1364 : vector<16xi32>
          %jit3A_1366 = arith.constant 65536 : i32
          %jit3A_1367 = arith.constant 0 : i32
          %broadcast_in_dim3A_1368 = vector.broadcast %jit3A_1366 : i32 to vector<16xi32>
          %broadcast_in_dim3A_1369 = vector.broadcast %jit3A_1367 : i32 to vector<16xi32>
          %select_n3A_1370 = arith.select %ne3A_1365, %broadcast_in_dim3A_1368, %broadcast_in_dim3A_1369 : vector<16xi1>, vector<16xi32>
          %or3A_1371 = arith.ori %or3A_1317, %select_n3A_1370 : vector<16xi32>
          %broadcast_in_dim3A_1372 = arith.constant 1 : i32
          %broadcast_in_dim3A_1373 = vector.broadcast %broadcast_in_dim3A_1372 : i32 to vector<16xi32>
          %lt3A_1374 = arith.constant 0 : i32
          %lt3A_1375 = vector.broadcast %lt3A_1374 : i32 to vector<16xi32>
          %lt3A_1376 = arith.cmpi slt, %broadcast_in_dim3A_1373, %lt3A_1375 : vector<16xi32>
          %add3A_1377 = arith.constant 16 : i32
          %add3A_1378 = vector.broadcast %add3A_1377 : i32 to vector<16xi32>
          %add3A_1379 = arith.addi %broadcast_in_dim3A_1373, %add3A_1378 : vector<16xi32>
          %select_n3A_1380 = arith.select %lt3A_1376, %add3A_1379, %broadcast_in_dim3A_1373 : vector<16xi1>, vector<16xi32>
          %broadcast_in_dim3A_1381 = vector.shape_cast %select_n3A_1380 : vector<16xi32> to vector<16x1xi32>
          %gather3A_1382 = vector.shape_cast %broadcast_in_dim3A_1381 : vector<16x1xi32> to vector<16xi32>
          %gather3A_1383 = tpu.dynamic_gather %get3A_107[%gather3A_1382] in [0] : vector<16xi32>, vector<16xi32> -> vector<16xi32>
          %get3A_1384 = arith.constant 17 : i32
          %get3A_1385 = arith.index_cast %add3A_120 : i32 to index
          %get3A_1386 = arith.index_cast %get3A_1384 : i32 to index
          %get3A_1387 = arith.constant 0 : index
          %get3A_1388 = tpu.vector_load %arg11[%get3A_1385, %get3A_1386, %get3A_1387] {strides = array<i32>} : memref<16x32x16xi32, #tpu.memory_space<vmem>>, vector<16xi32>,
          %and3A_1389 = arith.andi %gather3A_1383, %get3A_1388 : vector<16xi32>
          %ne3A_1390 = arith.constant 0 : i32
          %ne3A_1391 = vector.broadcast %ne3A_1390 : i32 to vector<16xi32>
          %ne3A_1392 = arith.cmpi ne, %and3A_1389, %ne3A_1391 : vector<16xi32>
          %jit3A_1393 = arith.constant 131072 : i32
          %jit3A_1394 = arith.constant 0 : i32
          %broadcast_in_dim3A_1395 = vector.broadcast %jit3A_1393 : i32 to vector<16xi32>
          %broadcast_in_dim3A_1396 = vector.broadcast %jit3A_1394 : i32 to vector<16xi32>
          %select_n3A_1397 = arith.select %ne3A_1392, %broadcast_in_dim3A_1395, %broadcast_in_dim3A_1396 : vector<16xi1>, vector<16xi32>
          %or3A_1398 = arith.ori %or3A_1344, %select_n3A_1397 : vector<16xi32>
          %broadcast_in_dim3A_1399 = arith.constant 2 : i32
          %broadcast_in_dim3A_1400 = vector.broadcast %broadcast_in_dim3A_1399 : i32 to vector<16xi32>
          %lt3A_1401 = arith.constant 0 : i32
          %lt3A_1402 = vector.broadcast %lt3A_1401 : i32 to vector<16xi32>
          %lt3A_1403 = arith.cmpi slt, %broadcast_in_dim3A_1400, %lt3A_1402 : vector<16xi32>
          %add3A_1404 = arith.constant 16 : i32
          %add3A_1405 = vector.broadcast %add3A_1404 : i32 to vector<16xi32>
          %add3A_1406 = arith.addi %broadcast_in_dim3A_1400, %add3A_1405 : vector<16xi32>
          %select_n3A_1407 = arith.select %lt3A_1403, %add3A_1406, %broadcast_in_dim3A_1400 : vector<16xi1>, vector<16xi32>
          %broadcast_in_dim3A_1408 = vector.shape_cast %select_n3A_1407 : vector<16xi32> to vector<16x1xi32>
          %gather3A_1409 = vector.shape_cast %broadcast_in_dim3A_1408 : vector<16x1xi32> to vector<16xi32>
          %gather3A_1410 = tpu.dynamic_gather %get3A_107[%gather3A_1409] in [0] : vector<16xi32>, vector<16xi32> -> vector<16xi32>
          %get3A_1411 = arith.constant 18 : i32
          %get3A_1412 = arith.index_cast %add3A_120 : i32 to index
          %get3A_1413 = arith.index_cast %get3A_1411 : i32 to index
          %get3A_1414 = arith.constant 0 : index
          %get3A_1415 = tpu.vector_load %arg11[%get3A_1412, %get3A_1413, %get3A_1414] {strides = array<i32>} : memref<16x32x16xi32, #tpu.memory_space<vmem>>, vector<16xi32>,
          %and3A_1416 = arith.andi %gather3A_1410, %get3A_1415 : vector<16xi32>
          %ne3A_1417 = arith.constant 0 : i32
          %ne3A_1418 = vector.broadcast %ne3A_1417 : i32 to vector<16xi32>
          %ne3A_1419 = arith.cmpi ne, %and3A_1416, %ne3A_1418 : vector<16xi32>
          %jit3A_1420 = arith.constant 262144 : i32
          %jit3A_1421 = arith.constant 0 : i32
          %broadcast_in_dim3A_1422 = vector.broadcast %jit3A_1420 : i32 to vector<16xi32>
          %broadcast_in_dim3A_1423 = vector.broadcast %jit3A_1421 : i32 to vector<16xi32>
          %select_n3A_1424 = arith.select %ne3A_1419, %broadcast_in_dim3A_1422, %broadcast_in_dim3A_1423 : vector<16xi1>, vector<16xi32>
          %or3A_1425 = arith.ori %or3A_1371, %select_n3A_1424 : vector<16xi32>
          %broadcast_in_dim3A_1426 = arith.constant 3 : i32
          %broadcast_in_dim3A_1427 = vector.broadcast %broadcast_in_dim3A_1426 : i32 to vector<16xi32>
          %lt3A_1428 = arith.constant 0 : i32
          %lt3A_1429 = vector.broadcast %lt3A_1428 : i32 to vector<16xi32>
          %lt3A_1430 = arith.cmpi slt, %broadcast_in_dim3A_1427, %lt3A_1429 : vector<16xi32>
          %add3A_1431 = arith.constant 16 : i32
          %add3A_1432 = vector.broadcast %add3A_1431 : i32 to vector<16xi32>
          %add3A_1433 = arith.addi %broadcast_in_dim3A_1427, %add3A_1432 : vector<16xi32>
          %select_n3A_1434 = arith.select %lt3A_1430, %add3A_1433, %broadcast_in_dim3A_1427 : vector<16xi1>, vector<16xi32>
          %broadcast_in_dim3A_1435 = vector.shape_cast %select_n3A_1434 : vector<16xi32> to vector<16x1xi32>
          %gather3A_1436 = vector.shape_cast %broadcast_in_dim3A_1435 : vector<16x1xi32> to vector<16xi32>
          %gather3A_1437 = tpu.dynamic_gather %get3A_107[%gather3A_1436] in [0] : vector<16xi32>, vector<16xi32> -> vector<16xi32>
          %get3A_1438 = arith.constant 19 : i32
          %get3A_1439 = arith.index_cast %add3A_120 : i32 to index
          %get3A_1440 = arith.index_cast %get3A_1438 : i32 to index
          %get3A_1441 = arith.constant 0 : index
          %get3A_1442 = tpu.vector_load %arg11[%get3A_1439, %get3A_1440, %get3A_1441] {strides = array<i32>} : memref<16x32x16xi32, #tpu.memory_space<vmem>>, vector<16xi32>,
          %and3A_1443 = arith.andi %gather3A_1437, %get3A_1442 : vector<16xi32>
          %ne3A_1444 = arith.constant 0 : i32
          %ne3A_1445 = vector.broadcast %ne3A_1444 : i32 to vector<16xi32>
          %ne3A_1446 = arith.cmpi ne, %and3A_1443, %ne3A_1445 : vector<16xi32>
          %jit3A_1447 = arith.constant 524288 : i32
          %jit3A_1448 = arith.constant 0 : i32
          %broadcast_in_dim3A_1449 = vector.broadcast %jit3A_1447 : i32 to vector<16xi32>
          %broadcast_in_dim3A_1450 = vector.broadcast %jit3A_1448 : i32 to vector<16xi32>
          %select_n3A_1451 = arith.select %ne3A_1446, %broadcast_in_dim3A_1449, %broadcast_in_dim3A_1450 : vector<16xi1>, vector<16xi32>
          %or3A_1452 = arith.ori %or3A_1398, %select_n3A_1451 : vector<16xi32>
          %broadcast_in_dim3A_1453 = arith.constant 4 : i32
          %broadcast_in_dim3A_1454 = vector.broadcast %broadcast_in_dim3A_1453 : i32 to vector<16xi32>
          %lt3A_1455 = arith.constant 0 : i32
          %lt3A_1456 = vector.broadcast %lt3A_1455 : i32 to vector<16xi32>
          %lt3A_1457 = arith.cmpi slt, %broadcast_in_dim3A_1454, %lt3A_1456 : vector<16xi32>
          %add3A_1458 = arith.constant 16 : i32
          %add3A_1459 = vector.broadcast %add3A_1458 : i32 to vector<16xi32>
          %add3A_1460 = arith.addi %broadcast_in_dim3A_1454, %add3A_1459 : vector<16xi32>
          %select_n3A_1461 = arith.select %lt3A_1457, %add3A_1460, %broadcast_in_dim3A_1454 : vector<16xi1>, vector<16xi32>
          %broadcast_in_dim3A_1462 = vector.shape_cast %select_n3A_1461 : vector<16xi32> to vector<16x1xi32>
          %gather3A_1463 = vector.shape_cast %broadcast_in_dim3A_1462 : vector<16x1xi32> to vector<16xi32>
          %gather3A_1464 = tpu.dynamic_gather %get3A_107[%gather3A_1463] in [0] : vector<16xi32>, vector<16xi32> -> vector<16xi32>
          %get3A_1465 = arith.constant 20 : i32
          %get3A_1466 = arith.index_cast %add3A_120 : i32 to index
          %get3A_1467 = arith.index_cast %get3A_1465 : i32 to index
          %get3A_1468 = arith.constant 0 : index
          %get3A_1469 = tpu.vector_load %arg11[%get3A_1466, %get3A_1467, %get3A_1468] {strides = array<i32>} : memref<16x32x16xi32, #tpu.memory_space<vmem>>, vector<16xi32>,
          %and3A_1470 = arith.andi %gather3A_1464, %get3A_1469 : vector<16xi32>
          %ne3A_1471 = arith.constant 0 : i32
          %ne3A_1472 = vector.broadcast %ne3A_1471 : i32 to vector<16xi32>
          %ne3A_1473 = arith.cmpi ne, %and3A_1470, %ne3A_1472 : vector<16xi32>
          %jit3A_1474 = arith.constant 1048576 : i32
          %jit3A_1475 = arith.constant 0 : i32
          %broadcast_in_dim3A_1476 = vector.broadcast %jit3A_1474 : i32 to vector<16xi32>
          %broadcast_in_dim3A_1477 = vector.broadcast %jit3A_1475 : i32 to vector<16xi32>
          %select_n3A_1478 = arith.select %ne3A_1473, %broadcast_in_dim3A_1476, %broadcast_in_dim3A_1477 : vector<16xi1>, vector<16xi32>
          %or3A_1479 = arith.ori %or3A_1425, %select_n3A_1478 : vector<16xi32>
          %broadcast_in_dim3A_1480 = arith.constant 5 : i32
          %broadcast_in_dim3A_1481 = vector.broadcast %broadcast_in_dim3A_1480 : i32 to vector<16xi32>
          %lt3A_1482 = arith.constant 0 : i32
          %lt3A_1483 = vector.broadcast %lt3A_1482 : i32 to vector<16xi32>
          %lt3A_1484 = arith.cmpi slt, %broadcast_in_dim3A_1481, %lt3A_1483 : vector<16xi32>
          %add3A_1485 = arith.constant 16 : i32
          %add3A_1486 = vector.broadcast %add3A_1485 : i32 to vector<16xi32>
          %add3A_1487 = arith.addi %broadcast_in_dim3A_1481, %add3A_1486 : vector<16xi32>
          %select_n3A_1488 = arith.select %lt3A_1484, %add3A_1487, %broadcast_in_dim3A_1481 : vector<16xi1>, vector<16xi32>
          %broadcast_in_dim3A_1489 = vector.shape_cast %select_n3A_1488 : vector<16xi32> to vector<16x1xi32>
          %gather3A_1490 = vector.shape_cast %broadcast_in_dim3A_1489 : vector<16x1xi32> to vector<16xi32>
          %gather3A_1491 = tpu.dynamic_gather %get3A_107[%gather3A_1490] in [0] : vector<16xi32>, vector<16xi32> -> vector<16xi32>
          %get3A_1492 = arith.constant 21 : i32
          %get3A_1493 = arith.index_cast %add3A_120 : i32 to index
          %get3A_1494 = arith.index_cast %get3A_1492 : i32 to index
          %get3A_1495 = arith.constant 0 : index
          %get3A_1496 = tpu.vector_load %arg11[%get3A_1493, %get3A_1494, %get3A_1495] {strides = array<i32>} : memref<16x32x16xi32, #tpu.memory_space<vmem>>, vector<16xi32>,
          %and3A_1497 = arith.andi %gather3A_1491, %get3A_1496 : vector<16xi32>
          %ne3A_1498 = arith.constant 0 : i32
          %ne3A_1499 = vector.broadcast %ne3A_1498 : i32 to vector<16xi32>
          %ne3A_1500 = arith.cmpi ne, %and3A_1497, %ne3A_1499 : vector<16xi32>
          %jit3A_1501 = arith.constant 2097152 : i32
          %jit3A_1502 = arith.constant 0 : i32
          %broadcast_in_dim3A_1503 = vector.broadcast %jit3A_1501 : i32 to vector<16xi32>
          %broadcast_in_dim3A_1504 = vector.broadcast %jit3A_1502 : i32 to vector<16xi32>
          %select_n3A_1505 = arith.select %ne3A_1500, %broadcast_in_dim3A_1503, %broadcast_in_dim3A_1504 : vector<16xi1>, vector<16xi32>
          %or3A_1506 = arith.ori %or3A_1452, %select_n3A_1505 : vector<16xi32>
          %broadcast_in_dim3A_1507 = arith.constant 6 : i32
          %broadcast_in_dim3A_1508 = vector.broadcast %broadcast_in_dim3A_1507 : i32 to vector<16xi32>
          %lt3A_1509 = arith.constant 0 : i32
          %lt3A_1510 = vector.broadcast %lt3A_1509 : i32 to vector<16xi32>
          %lt3A_1511 = arith.cmpi slt, %broadcast_in_dim3A_1508, %lt3A_1510 : vector<16xi32>
          %add3A_1512 = arith.constant 16 : i32
          %add3A_1513 = vector.broadcast %add3A_1512 : i32 to vector<16xi32>
          %add3A_1514 = arith.addi %broadcast_in_dim3A_1508, %add3A_1513 : vector<16xi32>
          %select_n3A_1515 = arith.select %lt3A_1511, %add3A_1514, %broadcast_in_dim3A_1508 : vector<16xi1>, vector<16xi32>
          %broadcast_in_dim3A_1516 = vector.shape_cast %select_n3A_1515 : vector<16xi32> to vector<16x1xi32>
          %gather3A_1517 = vector.shape_cast %broadcast_in_dim3A_1516 : vector<16x1xi32> to vector<16xi32>
          %gather3A_1518 = tpu.dynamic_gather %get3A_107[%gather3A_1517] in [0] : vector<16xi32>, vector<16xi32> -> vector<16xi32>
          %get3A_1519 = arith.constant 22 : i32
          %get3A_1520 = arith.index_cast %add3A_120 : i32 to index
          %get3A_1521 = arith.index_cast %get3A_1519 : i32 to index
          %get3A_1522 = arith.constant 0 : index
          %get3A_1523 = tpu.vector_load %arg11[%get3A_1520, %get3A_1521, %get3A_1522] {strides = array<i32>} : memref<16x32x16xi32, #tpu.memory_space<vmem>>, vector<16xi32>,
          %and3A_1524 = arith.andi %gather3A_1518, %get3A_1523 : vector<16xi32>
          %ne3A_1525 = arith.constant 0 : i32
          %ne3A_1526 = vector.broadcast %ne3A_1525 : i32 to vector<16xi32>
          %ne3A_1527 = arith.cmpi ne, %and3A_1524, %ne3A_1526 : vector<16xi32>
          %jit3A_1528 = arith.constant 4194304 : i32
          %jit3A_1529 = arith.constant 0 : i32
          %broadcast_in_dim3A_1530 = vector.broadcast %jit3A_1528 : i32 to vector<16xi32>
          %broadcast_in_dim3A_1531 = vector.broadcast %jit3A_1529 : i32 to vector<16xi32>
          %select_n3A_1532 = arith.select %ne3A_1527, %broadcast_in_dim3A_1530, %broadcast_in_dim3A_1531 : vector<16xi1>, vector<16xi32>
          %or3A_1533 = arith.ori %or3A_1479, %select_n3A_1532 : vector<16xi32>
          %broadcast_in_dim3A_1534 = arith.constant 7 : i32
          %broadcast_in_dim3A_1535 = vector.broadcast %broadcast_in_dim3A_1534 : i32 to vector<16xi32>
          %lt3A_1536 = arith.constant 0 : i32
          %lt3A_1537 = vector.broadcast %lt3A_1536 : i32 to vector<16xi32>
          %lt3A_1538 = arith.cmpi slt, %broadcast_in_dim3A_1535, %lt3A_1537 : vector<16xi32>
          %add3A_1539 = arith.constant 16 : i32
          %add3A_1540 = vector.broadcast %add3A_1539 : i32 to vector<16xi32>
          %add3A_1541 = arith.addi %broadcast_in_dim3A_1535, %add3A_1540 : vector<16xi32>
          %select_n3A_1542 = arith.select %lt3A_1538, %add3A_1541, %broadcast_in_dim3A_1535 : vector<16xi1>, vector<16xi32>
          %broadcast_in_dim3A_1543 = vector.shape_cast %select_n3A_1542 : vector<16xi32> to vector<16x1xi32>
          %gather3A_1544 = vector.shape_cast %broadcast_in_dim3A_1543 : vector<16x1xi32> to vector<16xi32>
          %gather3A_1545 = tpu.dynamic_gather %get3A_107[%gather3A_1544] in [0] : vector<16xi32>, vector<16xi32> -> vector<16xi32>
          %get3A_1546 = arith.constant 23 : i32
          %get3A_1547 = arith.index_cast %add3A_120 : i32 to index
          %get3A_1548 = arith.index_cast %get3A_1546 : i32 to index
          %get3A_1549 = arith.constant 0 : index
          %get3A_1550 = tpu.vector_load %arg11[%get3A_1547, %get3A_1548, %get3A_1549] {strides = array<i32>} : memref<16x32x16xi32, #tpu.memory_space<vmem>>, vector<16xi32>,
          %and3A_1551 = arith.andi %gather3A_1545, %get3A_1550 : vector<16xi32>
          %ne3A_1552 = arith.constant 0 : i32
          %ne3A_1553 = vector.broadcast %ne3A_1552 : i32 to vector<16xi32>
          %ne3A_1554 = arith.cmpi ne, %and3A_1551, %ne3A_1553 : vector<16xi32>
          %jit3A_1555 = arith.constant 8388608 : i32
          %jit3A_1556 = arith.constant 0 : i32
          %broadcast_in_dim3A_1557 = vector.broadcast %jit3A_1555 : i32 to vector<16xi32>
          %broadcast_in_dim3A_1558 = vector.broadcast %jit3A_1556 : i32 to vector<16xi32>
          %select_n3A_1559 = arith.select %ne3A_1554, %broadcast_in_dim3A_1557, %broadcast_in_dim3A_1558 : vector<16xi1>, vector<16xi32>
          %or3A_1560 = arith.ori %or3A_1506, %select_n3A_1559 : vector<16xi32>
          %or3A_1561 = arith.ori %or3A_1533, %or3A_1560 : vector<16xi32>
          scf.yield %or3A_1561 : vector<16xi32>
        }
        %ne3A_581 = arith.constant 0 : i32
        %ne3A_582 = vector.broadcast %ne3A_581 : i32 to vector<16xi32>
        %ne3A_583 = arith.cmpi ne, %cond3A_562, %ne3A_582 : vector<16xi32>
        %lt3A_584 = arith.constant 0 : i32
        %lt3A_585 = vector.broadcast %lt3A_584 : i32 to vector<16xi32>
        %lt3A_586 = arith.cmpi slt, %cond3A_562, %lt3A_585 : vector<16xi32>
        %shift_right_logical3A = arith.constant 1 : i32
        %shift_right_logical3A_587 = vector.broadcast %shift_right_logical3A : i32 to vector<16xi32>
        %shift_right_logical3A_588 = arith.shrui %cond3A_562, %shift_right_logical3A_587 : vector<16xi32>
        %or3A_589 = arith.ori %cond3A_562, %shift_right_logical3A_588 : vector<16xi32>
        %shift_right_logical3A_590 = arith.constant 2 : i32
        %shift_right_logical3A_591 = vector.broadcast %shift_right_logical3A_590 : i32 to vector<16xi32>
        %shift_right_logical3A_592 = arith.shrui %or3A_589, %shift_right_logical3A_591 : vector<16xi32>
        %or3A_593 = arith.ori %or3A_589, %shift_right_logical3A_592 : vector<16xi32>
        %shift_right_logical3A_594 = arith.constant 4 : i32
        %shift_right_logical3A_595 = vector.broadcast %shift_right_logical3A_594 : i32 to vector<16xi32>
        %shift_right_logical3A_596 = arith.shrui %or3A_593, %shift_right_logical3A_595 : vector<16xi32>
        %or3A_597 = arith.ori %or3A_593, %shift_right_logical3A_596 : vector<16xi32>
        %shift_right_logical3A_598 = arith.constant 8 : i32
        %shift_right_logical3A_599 = vector.broadcast %shift_right_logical3A_598 : i32 to vector<16xi32>
        %shift_right_logical3A_600 = arith.shrui %or3A_597, %shift_right_logical3A_599 : vector<16xi32>
        %or3A_601 = arith.ori %or3A_597, %shift_right_logical3A_600 : vector<16xi32>
        %shift_right_logical3A_602 = arith.constant 16 : i32
        %shift_right_logical3A_603 = vector.broadcast %shift_right_logical3A_602 : i32 to vector<16xi32>
        %shift_right_logical3A_604 = arith.shrui %or3A_601, %shift_right_logical3A_603 : vector<16xi32>
        %or3A_605 = arith.ori %or3A_601, %shift_right_logical3A_604 : vector<16xi32>
        %shift_right_logical3A_606 = arith.constant 1 : i32
        %shift_right_logical3A_607 = vector.broadcast %shift_right_logical3A_606 : i32 to vector<16xi32>
        %shift_right_logical3A_608 = arith.shrui %or3A_605, %shift_right_logical3A_607 : vector<16xi32>
        %xor3A = arith.xori %or3A_605, %shift_right_logical3A_608 : vector<16xi32>
        %convert_element_type3A_609 = arith.sitofp %xor3A : vector<16xi32> to vector<16xf32>
        %bitcast_convert_type3A = tpu.bitcast %convert_element_type3A_609 : vector<16xf32> -> vector<16xi32>
        %shift_right_logical3A_610 = arith.constant 23 : i32
        %shift_right_logical3A_611 = vector.broadcast %shift_right_logical3A_610 : i32 to vector<16xi32>
        %shift_right_logical3A_612 = arith.shrui %bitcast_convert_type3A, %shift_right_logical3A_611 : vector<16xi32>
        %sub3A = arith.constant 127 : i32
        %sub3A_613 = vector.broadcast %sub3A : i32 to vector<16xi32>
        %sub3A_614 = arith.subi %shift_right_logical3A_612, %sub3A_613 : vector<16xi32>
        %jit3A_615 = arith.constant 31 : i32
        %broadcast_in_dim3A_616 = vector.broadcast %jit3A_615 : i32 to vector<16xi32>
        %select_n3A_617 = arith.select %lt3A_586, %broadcast_in_dim3A_616, %sub3A_614 : vector<16xi1>, vector<16xi32>
        %max3A = arith.constant 0 : i32
        %max3A_618 = vector.broadcast %max3A : i32 to vector<16xi32>
        %max3A_619 = arith.maxsi %select_n3A_617, %max3A_618 : vector<16xi32>
        %broadcast_in_dim3A_620 = vector.broadcast %scan3A_102 : i32 to vector<16xi32>
        %gather3A_621 = tpu.vector_load_idx %arg9[%broadcast_in_dim3A_620, %max3A_619] : memref<8x32xi32, #tpu.memory_space<vmem>>[vector<16xi32>, vector<16xi32>], vector<16xi32>,
        %broadcast_in_dim3A_622 = vector.broadcast %mul3A_118 : i32 to vector<16xi32>
        %gather3A_623 = tpu.vector_load_idx %arg11[%broadcast_in_dim3A_622, %max3A_619, %iota3A] : memref<16x32x16xi32, #tpu.memory_space<vmem>>[vector<16xi32>, vector<16xi32>, vector<16xi32>], vector<16xi32>,
        %and3A_624 = arith.andi %gather3A_621, %gather3A_623 : vector<16xi32>
        %lt3A_625 = arith.constant 0 : i32
        %lt3A_626 = vector.broadcast %lt3A_625 : i32 to vector<16xi32>
        %lt3A_627 = arith.cmpi slt, %and3A_624, %lt3A_626 : vector<16xi32>
        %shift_right_logical3A_628 = arith.constant 1 : i32
        %shift_right_logical3A_629 = vector.broadcast %shift_right_logical3A_628 : i32 to vector<16xi32>
        %shift_right_logical3A_630 = arith.shrui %and3A_624, %shift_right_logical3A_629 : vector<16xi32>
        %or3A_631 = arith.ori %and3A_624, %shift_right_logical3A_630 : vector<16xi32>
        %shift_right_logical3A_632 = arith.constant 2 : i32
        %shift_right_logical3A_633 = vector.broadcast %shift_right_logical3A_632 : i32 to vector<16xi32>
        %shift_right_logical3A_634 = arith.shrui %or3A_631, %shift_right_logical3A_633 : vector<16xi32>
        %or3A_635 = arith.ori %or3A_631, %shift_right_logical3A_634 : vector<16xi32>
        %shift_right_logical3A_636 = arith.constant 4 : i32
        %shift_right_logical3A_637 = vector.broadcast %shift_right_logical3A_636 : i32 to vector<16xi32>
        %shift_right_logical3A_638 = arith.shrui %or3A_635, %shift_right_logical3A_637 : vector<16xi32>
        %or3A_639 = arith.ori %or3A_635, %shift_right_logical3A_638 : vector<16xi32>
        %shift_right_logical3A_640 = arith.constant 8 : i32
        %shift_right_logical3A_641 = vector.broadcast %shift_right_logical3A_640 : i32 to vector<16xi32>
        %shift_right_logical3A_642 = arith.shrui %or3A_639, %shift_right_logical3A_641 : vector<16xi32>
        %or3A_643 = arith.ori %or3A_639, %shift_right_logical3A_642 : vector<16xi32>
        %shift_right_logical3A_644 = arith.constant 16 : i32
        %shift_right_logical3A_645 = vector.broadcast %shift_right_logical3A_644 : i32 to vector<16xi32>
        %shift_right_logical3A_646 = arith.shrui %or3A_643, %shift_right_logical3A_645 : vector<16xi32>
        %or3A_647 = arith.ori %or3A_643, %shift_right_logical3A_646 : vector<16xi32>
        %shift_right_logical3A_648 = arith.constant 1 : i32
        %shift_right_logical3A_649 = vector.broadcast %shift_right_logical3A_648 : i32 to vector<16xi32>
        %shift_right_logical3A_650 = arith.shrui %or3A_647, %shift_right_logical3A_649 : vector<16xi32>
        %xor3A_651 = arith.xori %or3A_647, %shift_right_logical3A_650 : vector<16xi32>
        %convert_element_type3A_652 = arith.sitofp %xor3A_651 : vector<16xi32> to vector<16xf32>
        %bitcast_convert_type3A_653 = tpu.bitcast %convert_element_type3A_652 : vector<16xf32> -> vector<16xi32>
        %shift_right_logical3A_654 = arith.constant 23 : i32
        %shift_right_logical3A_655 = vector.broadcast %shift_right_logical3A_654 : i32 to vector<16xi32>
        %shift_right_logical3A_656 = arith.shrui %bitcast_convert_type3A_653, %shift_right_logical3A_655 : vector<16xi32>
        %sub3A_657 = arith.constant 127 : i32
        %sub3A_658 = vector.broadcast %sub3A_657 : i32 to vector<16xi32>
        %sub3A_659 = arith.subi %shift_right_logical3A_656, %sub3A_658 : vector<16xi32>
        %jit3A_660 = arith.constant 31 : i32
        %broadcast_in_dim3A_661 = vector.broadcast %jit3A_660 : i32 to vector<16xi32>
        %select_n3A_662 = arith.select %lt3A_627, %broadcast_in_dim3A_661, %sub3A_659 : vector<16xi1>, vector<16xi32>
        %max3A_663 = arith.constant 0 : i32
        %max3A_664 = vector.broadcast %max3A_663 : i32 to vector<16xi32>
        %max3A_665 = arith.maxsi %select_n3A_662, %max3A_664 : vector<16xi32>
        %mul3A_666 = arith.constant 32 : i32
        %mul3A_667 = vector.broadcast %mul3A_666 : i32 to vector<16xi32>
        %mul3A_668 = arith.muli %max3A_619, %mul3A_667 : vector<16xi32>
        %add3A_669 = arith.addi %mul3A_668, %max3A_665 : vector<16xi32>
        %min3A = arith.constant 999 : i32
        %min3A_670 = vector.broadcast %min3A : i32 to vector<16xi32>
        %min3A_671 = arith.minsi %add3A_669, %min3A_670 : vector<16xi32>
        %mul3A_672 = arith.constant 16 : i32
        %mul3A_673 = arith.muli %mul3A_118, %mul3A_672 : i32
        %jit3A_674 = arith.constant 1.000000e+00 : f32
        %jit3A_675 = arith.constant 0.000000e+00 : f32
        %broadcast_in_dim3A_676 = vector.broadcast %jit3A_674 : f32 to vector<16xf32>
        %broadcast_in_dim3A_677 = vector.broadcast %jit3A_675 : f32 to vector<16xf32>
        %select_n3A_678 = arith.select %ne3A_583, %broadcast_in_dim3A_676, %broadcast_in_dim3A_677 : vector<16xi1>, vector<16xf32>
        %swap3A_679 = arith.constant 0 : i32
        %swap3A_680 = arith.index_cast %swap3A_679 : i32 to index
        %swap3A_681 = arith.index_cast %scan3A_102 : i32 to index
        %swap3A_682 = arith.index_cast %mul3A_673 : i32 to index
        %swap3A_683 = tpu.vector_load %arg12[%swap3A_680, %swap3A_681, %swap3A_682] {strides = array<i32>} : memref<5x8x256xf32, #tpu.memory_space<vmem>>, vector<16xf32>,
        tpu.vector_store %arg12[%swap3A_680, %swap3A_681, %swap3A_682], %select_n3A_678 {strides = array<i32>} : memref<5x8x256xf32, #tpu.memory_space<vmem>>, vector<16xf32>,
        %mul3A_684 = arith.constant 4 : i32
        %mul3A_685 = vector.broadcast %mul3A_684 : i32 to vector<16xi32>
        %mul3A_686 = arith.muli %min3A_671, %mul3A_685 : vector<16xi32>
        %add3A_687 = arith.constant 0 : i32
        %add3A_688 = vector.broadcast %add3A_687 : i32 to vector<16xi32>
        %add3A_689 = arith.addi %mul3A_686, %add3A_688 : vector<16xi32>
        %gather3A_690 = tpu.vector_load_idx %arg4[%add3A_689] : memref<4000xf32, #tpu.memory_space<vmem>>[vector<16xi32>], vector<16xf32>,
        %jit3A_691 = arith.constant 0.000000e+00 : f32
        %broadcast_in_dim3A_692 = vector.broadcast %jit3A_691 : f32 to vector<16xf32>
        %select_n3A_693 = arith.select %ne3A_583, %gather3A_690, %broadcast_in_dim3A_692 : vector<16xi1>, vector<16xf32>
        %swap3A_694 = arith.constant 1 : i32
        %swap3A_695 = arith.index_cast %swap3A_694 : i32 to index
        %swap3A_696 = arith.index_cast %scan3A_102 : i32 to index
        %swap3A_697 = arith.index_cast %mul3A_673 : i32 to index
        %swap3A_698 = tpu.vector_load %arg12[%swap3A_695, %swap3A_696, %swap3A_697] {strides = array<i32>} : memref<5x8x256xf32, #tpu.memory_space<vmem>>, vector<16xf32>,
        tpu.vector_store %arg12[%swap3A_695, %swap3A_696, %swap3A_697], %select_n3A_693 {strides = array<i32>} : memref<5x8x256xf32, #tpu.memory_space<vmem>>, vector<16xf32>,
        %mul3A_699 = arith.constant 4 : i32
        %mul3A_700 = vector.broadcast %mul3A_699 : i32 to vector<16xi32>
        %mul3A_701 = arith.muli %min3A_671, %mul3A_700 : vector<16xi32>
        %add3A_702 = arith.constant 1 : i32
        %add3A_703 = vector.broadcast %add3A_702 : i32 to vector<16xi32>
        %add3A_704 = arith.addi %mul3A_701, %add3A_703 : vector<16xi32>
        %gather3A_705 = tpu.vector_load_idx %arg4[%add3A_704] : memref<4000xf32, #tpu.memory_space<vmem>>[vector<16xi32>], vector<16xf32>,
        %jit3A_706 = arith.constant 0.000000e+00 : f32
        %broadcast_in_dim3A_707 = vector.broadcast %jit3A_706 : f32 to vector<16xf32>
        %select_n3A_708 = arith.select %ne3A_583, %gather3A_705, %broadcast_in_dim3A_707 : vector<16xi1>, vector<16xf32>
        %swap3A_709 = arith.constant 2 : i32
        %swap3A_710 = arith.index_cast %swap3A_709 : i32 to index
        %swap3A_711 = arith.index_cast %scan3A_102 : i32 to index
        %swap3A_712 = arith.index_cast %mul3A_673 : i32 to index
        %swap3A_713 = tpu.vector_load %arg12[%swap3A_710, %swap3A_711, %swap3A_712] {strides = array<i32>} : memref<5x8x256xf32, #tpu.memory_space<vmem>>, vector<16xf32>,
        tpu.vector_store %arg12[%swap3A_710, %swap3A_711, %swap3A_712], %select_n3A_708 {strides = array<i32>} : memref<5x8x256xf32, #tpu.memory_space<vmem>>, vector<16xf32>,
        %mul3A_714 = arith.constant 4 : i32
        %mul3A_715 = vector.broadcast %mul3A_714 : i32 to vector<16xi32>
        %mul3A_716 = arith.muli %min3A_671, %mul3A_715 : vector<16xi32>
        %add3A_717 = arith.constant 2 : i32
        %add3A_718 = vector.broadcast %add3A_717 : i32 to vector<16xi32>
        %add3A_719 = arith.addi %mul3A_716, %add3A_718 : vector<16xi32>
        %gather3A_720 = tpu.vector_load_idx %arg4[%add3A_719] : memref<4000xf32, #tpu.memory_space<vmem>>[vector<16xi32>], vector<16xf32>,
        %jit3A_721 = arith.constant 0.000000e+00 : f32
        %broadcast_in_dim3A_722 = vector.broadcast %jit3A_721 : f32 to vector<16xf32>
        %select_n3A_723 = arith.select %ne3A_583, %gather3A_720, %broadcast_in_dim3A_722 : vector<16xi1>, vector<16xf32>
        %swap3A_724 = arith.constant 3 : i32
        %swap3A_725 = arith.index_cast %swap3A_724 : i32 to index
        %swap3A_726 = arith.index_cast %scan3A_102 : i32 to index
        %swap3A_727 = arith.index_cast %mul3A_673 : i32 to index
        %swap3A_728 = tpu.vector_load %arg12[%swap3A_725, %swap3A_726, %swap3A_727] {strides = array<i32>} : memref<5x8x256xf32, #tpu.memory_space<vmem>>, vector<16xf32>,
        tpu.vector_store %arg12[%swap3A_725, %swap3A_726, %swap3A_727], %select_n3A_723 {strides = array<i32>} : memref<5x8x256xf32, #tpu.memory_space<vmem>>, vector<16xf32>,
        %mul3A_729 = arith.constant 4 : i32
        %mul3A_730 = vector.broadcast %mul3A_729 : i32 to vector<16xi32>
        %mul3A_731 = arith.muli %min3A_671, %mul3A_730 : vector<16xi32>
        %add3A_732 = arith.constant 3 : i32
        %add3A_733 = vector.broadcast %add3A_732 : i32 to vector<16xi32>
        %add3A_734 = arith.addi %mul3A_731, %add3A_733 : vector<16xi32>
        %gather3A_735 = tpu.vector_load_idx %arg4[%add3A_734] : memref<4000xf32, #tpu.memory_space<vmem>>[vector<16xi32>], vector<16xf32>,
        %jit3A_736 = arith.constant 0.000000e+00 : f32
        %broadcast_in_dim3A_737 = vector.broadcast %jit3A_736 : f32 to vector<16xf32>
        %select_n3A_738 = arith.select %ne3A_583, %gather3A_735, %broadcast_in_dim3A_737 : vector<16xi1>, vector<16xf32>
        %swap3A_739 = arith.constant 4 : i32
        %swap3A_740 = arith.index_cast %swap3A_739 : i32 to index
        %swap3A_741 = arith.index_cast %scan3A_102 : i32 to index
        %swap3A_742 = arith.index_cast %mul3A_673 : i32 to index
        %swap3A_743 = tpu.vector_load %arg12[%swap3A_740, %swap3A_741, %swap3A_742] {strides = array<i32>} : memref<5x8x256xf32, #tpu.memory_space<vmem>>, vector<16xf32>,
        tpu.vector_store %arg12[%swap3A_740, %swap3A_741, %swap3A_742], %select_n3A_738 {strides = array<i32>} : memref<5x8x256xf32, #tpu.memory_space<vmem>>, vector<16xf32>,
        %ne3A_744 = arith.constant 0 : i32
        %ne3A_745 = vector.broadcast %ne3A_744 : i32 to vector<16xi32>
        %ne3A_746 = arith.cmpi ne, %cond3A_580, %ne3A_745 : vector<16xi32>
        %lt3A_747 = arith.constant 0 : i32
        %lt3A_748 = vector.broadcast %lt3A_747 : i32 to vector<16xi32>
        %lt3A_749 = arith.cmpi slt, %cond3A_580, %lt3A_748 : vector<16xi32>
        %shift_right_logical3A_750 = arith.constant 1 : i32
        %shift_right_logical3A_751 = vector.broadcast %shift_right_logical3A_750 : i32 to vector<16xi32>
        %shift_right_logical3A_752 = arith.shrui %cond3A_580, %shift_right_logical3A_751 : vector<16xi32>
        %or3A_753 = arith.ori %cond3A_580, %shift_right_logical3A_752 : vector<16xi32>
        %shift_right_logical3A_754 = arith.constant 2 : i32
        %shift_right_logical3A_755 = vector.broadcast %shift_right_logical3A_754 : i32 to vector<16xi32>
        %shift_right_logical3A_756 = arith.shrui %or3A_753, %shift_right_logical3A_755 : vector<16xi32>
        %or3A_757 = arith.ori %or3A_753, %shift_right_logical3A_756 : vector<16xi32>
        %shift_right_logical3A_758 = arith.constant 4 : i32
        %shift_right_logical3A_759 = vector.broadcast %shift_right_logical3A_758 : i32 to vector<16xi32>
        %shift_right_logical3A_760 = arith.shrui %or3A_757, %shift_right_logical3A_759 : vector<16xi32>
        %or3A_761 = arith.ori %or3A_757, %shift_right_logical3A_760 : vector<16xi32>
        %shift_right_logical3A_762 = arith.constant 8 : i32
        %shift_right_logical3A_763 = vector.broadcast %shift_right_logical3A_762 : i32 to vector<16xi32>
        %shift_right_logical3A_764 = arith.shrui %or3A_761, %shift_right_logical3A_763 : vector<16xi32>
        %or3A_765 = arith.ori %or3A_761, %shift_right_logical3A_764 : vector<16xi32>
        %shift_right_logical3A_766 = arith.constant 16 : i32
        %shift_right_logical3A_767 = vector.broadcast %shift_right_logical3A_766 : i32 to vector<16xi32>
        %shift_right_logical3A_768 = arith.shrui %or3A_765, %shift_right_logical3A_767 : vector<16xi32>
        %or3A_769 = arith.ori %or3A_765, %shift_right_logical3A_768 : vector<16xi32>
        %shift_right_logical3A_770 = arith.constant 1 : i32
        %shift_right_logical3A_771 = vector.broadcast %shift_right_logical3A_770 : i32 to vector<16xi32>
        %shift_right_logical3A_772 = arith.shrui %or3A_769, %shift_right_logical3A_771 : vector<16xi32>
        %xor3A_773 = arith.xori %or3A_769, %shift_right_logical3A_772 : vector<16xi32>
        %convert_element_type3A_774 = arith.sitofp %xor3A_773 : vector<16xi32> to vector<16xf32>
        %bitcast_convert_type3A_775 = tpu.bitcast %convert_element_type3A_774 : vector<16xf32> -> vector<16xi32>
        %shift_right_logical3A_776 = arith.constant 23 : i32
        %shift_right_logical3A_777 = vector.broadcast %shift_right_logical3A_776 : i32 to vector<16xi32>
        %shift_right_logical3A_778 = arith.shrui %bitcast_convert_type3A_775, %shift_right_logical3A_777 : vector<16xi32>
        %sub3A_779 = arith.constant 127 : i32
        %sub3A_780 = vector.broadcast %sub3A_779 : i32 to vector<16xi32>
        %sub3A_781 = arith.subi %shift_right_logical3A_778, %sub3A_780 : vector<16xi32>
        %jit3A_782 = arith.constant 31 : i32
        %broadcast_in_dim3A_783 = vector.broadcast %jit3A_782 : i32 to vector<16xi32>
        %select_n3A_784 = arith.select %lt3A_749, %broadcast_in_dim3A_783, %sub3A_781 : vector<16xi1>, vector<16xi32>
        %max3A_785 = arith.constant 0 : i32
        %max3A_786 = vector.broadcast %max3A_785 : i32 to vector<16xi32>
        %max3A_787 = arith.maxsi %select_n3A_784, %max3A_786 : vector<16xi32>
        %broadcast_in_dim3A_788 = vector.broadcast %scan3A_102 : i32 to vector<16xi32>
        %gather3A_789 = tpu.vector_load_idx %arg9[%broadcast_in_dim3A_788, %max3A_787] : memref<8x32xi32, #tpu.memory_space<vmem>>[vector<16xi32>, vector<16xi32>], vector<16xi32>,
        %broadcast_in_dim3A_790 = vector.broadcast %add3A_120 : i32 to vector<16xi32>
        %gather3A_791 = tpu.vector_load_idx %arg11[%broadcast_in_dim3A_790, %max3A_787, %iota3A] : memref<16x32x16xi32, #tpu.memory_space<vmem>>[vector<16xi32>, vector<16xi32>, vector<16xi32>], vector<16xi32>,
        %and3A_792 = arith.andi %gather3A_789, %gather3A_791 : vector<16xi32>
        %lt3A_793 = arith.constant 0 : i32
        %lt3A_794 = vector.broadcast %lt3A_793 : i32 to vector<16xi32>
        %lt3A_795 = arith.cmpi slt, %and3A_792, %lt3A_794 : vector<16xi32>
        %shift_right_logical3A_796 = arith.constant 1 : i32
        %shift_right_logical3A_797 = vector.broadcast %shift_right_logical3A_796 : i32 to vector<16xi32>
        %shift_right_logical3A_798 = arith.shrui %and3A_792, %shift_right_logical3A_797 : vector<16xi32>
        %or3A_799 = arith.ori %and3A_792, %shift_right_logical3A_798 : vector<16xi32>
        %shift_right_logical3A_800 = arith.constant 2 : i32
        %shift_right_logical3A_801 = vector.broadcast %shift_right_logical3A_800 : i32 to vector<16xi32>
        %shift_right_logical3A_802 = arith.shrui %or3A_799, %shift_right_logical3A_801 : vector<16xi32>
        %or3A_803 = arith.ori %or3A_799, %shift_right_logical3A_802 : vector<16xi32>
        %shift_right_logical3A_804 = arith.constant 4 : i32
        %shift_right_logical3A_805 = vector.broadcast %shift_right_logical3A_804 : i32 to vector<16xi32>
        %shift_right_logical3A_806 = arith.shrui %or3A_803, %shift_right_logical3A_805 : vector<16xi32>
        %or3A_807 = arith.ori %or3A_803, %shift_right_logical3A_806 : vector<16xi32>
        %shift_right_logical3A_808 = arith.constant 8 : i32
        %shift_right_logical3A_809 = vector.broadcast %shift_right_logical3A_808 : i32 to vector<16xi32>
        %shift_right_logical3A_810 = arith.shrui %or3A_807, %shift_right_logical3A_809 : vector<16xi32>
        %or3A_811 = arith.ori %or3A_807, %shift_right_logical3A_810 : vector<16xi32>
        %shift_right_logical3A_812 = arith.constant 16 : i32
        %shift_right_logical3A_813 = vector.broadcast %shift_right_logical3A_812 : i32 to vector<16xi32>
        %shift_right_logical3A_814 = arith.shrui %or3A_811, %shift_right_logical3A_813 : vector<16xi32>
        %or3A_815 = arith.ori %or3A_811, %shift_right_logical3A_814 : vector<16xi32>
        %shift_right_logical3A_816 = arith.constant 1 : i32
        %shift_right_logical3A_817 = vector.broadcast %shift_right_logical3A_816 : i32 to vector<16xi32>
        %shift_right_logical3A_818 = arith.shrui %or3A_815, %shift_right_logical3A_817 : vector<16xi32>
        %xor3A_819 = arith.xori %or3A_815, %shift_right_logical3A_818 : vector<16xi32>
        %convert_element_type3A_820 = arith.sitofp %xor3A_819 : vector<16xi32> to vector<16xf32>
        %bitcast_convert_type3A_821 = tpu.bitcast %convert_element_type3A_820 : vector<16xf32> -> vector<16xi32>
        %shift_right_logical3A_822 = arith.constant 23 : i32
        %shift_right_logical3A_823 = vector.broadcast %shift_right_logical3A_822 : i32 to vector<16xi32>
        %shift_right_logical3A_824 = arith.shrui %bitcast_convert_type3A_821, %shift_right_logical3A_823 : vector<16xi32>
        %sub3A_825 = arith.constant 127 : i32
        %sub3A_826 = vector.broadcast %sub3A_825 : i32 to vector<16xi32>
        %sub3A_827 = arith.subi %shift_right_logical3A_824, %sub3A_826 : vector<16xi32>
        %jit3A_828 = arith.constant 31 : i32
        %broadcast_in_dim3A_829 = vector.broadcast %jit3A_828 : i32 to vector<16xi32>
        %select_n3A_830 = arith.select %lt3A_795, %broadcast_in_dim3A_829, %sub3A_827 : vector<16xi1>, vector<16xi32>
        %max3A_831 = arith.constant 0 : i32
        %max3A_832 = vector.broadcast %max3A_831 : i32 to vector<16xi32>
        %max3A_833 = arith.maxsi %select_n3A_830, %max3A_832 : vector<16xi32>
        %mul3A_834 = arith.constant 32 : i32
        %mul3A_835 = vector.broadcast %mul3A_834 : i32 to vector<16xi32>
        %mul3A_836 = arith.muli %max3A_787, %mul3A_835 : vector<16xi32>
        %add3A_837 = arith.addi %mul3A_836, %max3A_833 : vector<16xi32>
        %min3A_838 = arith.constant 999 : i32
        %min3A_839 = vector.broadcast %min3A_838 : i32 to vector<16xi32>
        %min3A_840 = arith.minsi %add3A_837, %min3A_839 : vector<16xi32>
        %mul3A_841 = arith.constant 16 : i32
        %mul3A_842 = arith.muli %add3A_120, %mul3A_841 : i32
        %jit3A_843 = arith.constant 1.000000e+00 : f32
        %jit3A_844 = arith.constant 0.000000e+00 : f32
        %broadcast_in_dim3A_845 = vector.broadcast %jit3A_843 : f32 to vector<16xf32>
        %broadcast_in_dim3A_846 = vector.broadcast %jit3A_844 : f32 to vector<16xf32>
        %select_n3A_847 = arith.select %ne3A_746, %broadcast_in_dim3A_845, %broadcast_in_dim3A_846 : vector<16xi1>, vector<16xf32>
        %swap3A_848 = arith.constant 0 : i32
        %swap3A_849 = arith.index_cast %swap3A_848 : i32 to index
        %swap3A_850 = arith.index_cast %scan3A_102 : i32 to index
        %swap3A_851 = arith.index_cast %mul3A_842 : i32 to index
        %swap3A_852 = tpu.vector_load %arg12[%swap3A_849, %swap3A_850, %swap3A_851] {strides = array<i32>} : memref<5x8x256xf32, #tpu.memory_space<vmem>>, vector<16xf32>,
        tpu.vector_store %arg12[%swap3A_849, %swap3A_850, %swap3A_851], %select_n3A_847 {strides = array<i32>} : memref<5x8x256xf32, #tpu.memory_space<vmem>>, vector<16xf32>,
        %mul3A_853 = arith.constant 4 : i32
        %mul3A_854 = vector.broadcast %mul3A_853 : i32 to vector<16xi32>
        %mul3A_855 = arith.muli %min3A_840, %mul3A_854 : vector<16xi32>
        %add3A_856 = arith.constant 0 : i32
        %add3A_857 = vector.broadcast %add3A_856 : i32 to vector<16xi32>
        %add3A_858 = arith.addi %mul3A_855, %add3A_857 : vector<16xi32>
        %gather3A_859 = tpu.vector_load_idx %arg4[%add3A_858] : memref<4000xf32, #tpu.memory_space<vmem>>[vector<16xi32>], vector<16xf32>,
        %jit3A_860 = arith.constant 0.000000e+00 : f32
        %broadcast_in_dim3A_861 = vector.broadcast %jit3A_860 : f32 to vector<16xf32>
        %select_n3A_862 = arith.select %ne3A_746, %gather3A_859, %broadcast_in_dim3A_861 : vector<16xi1>, vector<16xf32>
        %swap3A_863 = arith.constant 1 : i32
        %swap3A_864 = arith.index_cast %swap3A_863 : i32 to index
        %swap3A_865 = arith.index_cast %scan3A_102 : i32 to index
        %swap3A_866 = arith.index_cast %mul3A_842 : i32 to index
        %swap3A_867 = tpu.vector_load %arg12[%swap3A_864, %swap3A_865, %swap3A_866] {strides = array<i32>} : memref<5x8x256xf32, #tpu.memory_space<vmem>>, vector<16xf32>,
        tpu.vector_store %arg12[%swap3A_864, %swap3A_865, %swap3A_866], %select_n3A_862 {strides = array<i32>} : memref<5x8x256xf32, #tpu.memory_space<vmem>>, vector<16xf32>,
        %mul3A_868 = arith.constant 4 : i32
        %mul3A_869 = vector.broadcast %mul3A_868 : i32 to vector<16xi32>
        %mul3A_870 = arith.muli %min3A_840, %mul3A_869 : vector<16xi32>
        %add3A_871 = arith.constant 1 : i32
        %add3A_872 = vector.broadcast %add3A_871 : i32 to vector<16xi32>
        %add3A_873 = arith.addi %mul3A_870, %add3A_872 : vector<16xi32>
        %gather3A_874 = tpu.vector_load_idx %arg4[%add3A_873] : memref<4000xf32, #tpu.memory_space<vmem>>[vector<16xi32>], vector<16xf32>,
        %jit3A_875 = arith.constant 0.000000e+00 : f32
        %broadcast_in_dim3A_876 = vector.broadcast %jit3A_875 : f32 to vector<16xf32>
        %select_n3A_877 = arith.select %ne3A_746, %gather3A_874, %broadcast_in_dim3A_876 : vector<16xi1>, vector<16xf32>
        %swap3A_878 = arith.constant 2 : i32
        %swap3A_879 = arith.index_cast %swap3A_878 : i32 to index
        %swap3A_880 = arith.index_cast %scan3A_102 : i32 to index
        %swap3A_881 = arith.index_cast %mul3A_842 : i32 to index
        %swap3A_882 = tpu.vector_load %arg12[%swap3A_879, %swap3A_880, %swap3A_881] {strides = array<i32>} : memref<5x8x256xf32, #tpu.memory_space<vmem>>, vector<16xf32>,
        tpu.vector_store %arg12[%swap3A_879, %swap3A_880, %swap3A_881], %select_n3A_877 {strides = array<i32>} : memref<5x8x256xf32, #tpu.memory_space<vmem>>, vector<16xf32>,
        %mul3A_883 = arith.constant 4 : i32
        %mul3A_884 = vector.broadcast %mul3A_883 : i32 to vector<16xi32>
        %mul3A_885 = arith.muli %min3A_840, %mul3A_884 : vector<16xi32>
        %add3A_886 = arith.constant 2 : i32
        %add3A_887 = vector.broadcast %add3A_886 : i32 to vector<16xi32>
        %add3A_888 = arith.addi %mul3A_885, %add3A_887 : vector<16xi32>
        %gather3A_889 = tpu.vector_load_idx %arg4[%add3A_888] : memref<4000xf32, #tpu.memory_space<vmem>>[vector<16xi32>], vector<16xf32>,
        %jit3A_890 = arith.constant 0.000000e+00 : f32
        %broadcast_in_dim3A_891 = vector.broadcast %jit3A_890 : f32 to vector<16xf32>
        %select_n3A_892 = arith.select %ne3A_746, %gather3A_889, %broadcast_in_dim3A_891 : vector<16xi1>, vector<16xf32>
        %swap3A_893 = arith.constant 3 : i32
        %swap3A_894 = arith.index_cast %swap3A_893 : i32 to index
        %swap3A_895 = arith.index_cast %scan3A_102 : i32 to index
        %swap3A_896 = arith.index_cast %mul3A_842 : i32 to index
        %swap3A_897 = tpu.vector_load %arg12[%swap3A_894, %swap3A_895, %swap3A_896] {strides = array<i32>} : memref<5x8x256xf32, #tpu.memory_space<vmem>>, vector<16xf32>,
        tpu.vector_store %arg12[%swap3A_894, %swap3A_895, %swap3A_896], %select_n3A_892 {strides = array<i32>} : memref<5x8x256xf32, #tpu.memory_space<vmem>>, vector<16xf32>,
        %mul3A_898 = arith.constant 4 : i32
        %mul3A_899 = vector.broadcast %mul3A_898 : i32 to vector<16xi32>
        %mul3A_900 = arith.muli %min3A_840, %mul3A_899 : vector<16xi32>
        %add3A_901 = arith.constant 3 : i32
        %add3A_902 = vector.broadcast %add3A_901 : i32 to vector<16xi32>
        %add3A_903 = arith.addi %mul3A_900, %add3A_902 : vector<16xi32>
        %gather3A_904 = tpu.vector_load_idx %arg4[%add3A_903] : memref<4000xf32, #tpu.memory_space<vmem>>[vector<16xi32>], vector<16xf32>,
        %jit3A_905 = arith.constant 0.000000e+00 : f32
        %broadcast_in_dim3A_906 = vector.broadcast %jit3A_905 : f32 to vector<16xf32>
        %select_n3A_907 = arith.select %ne3A_746, %gather3A_904, %broadcast_in_dim3A_906 : vector<16xi1>, vector<16xf32>
        %swap3A_908 = arith.constant 4 : i32
        %swap3A_909 = arith.index_cast %swap3A_908 : i32 to index
        %swap3A_910 = arith.index_cast %scan3A_102 : i32 to index
        %swap3A_911 = arith.index_cast %mul3A_842 : i32 to index
        %swap3A_912 = tpu.vector_load %arg12[%swap3A_909, %swap3A_910, %swap3A_911] {strides = array<i32>} : memref<5x8x256xf32, #tpu.memory_space<vmem>>, vector<16xf32>,
        tpu.vector_store %arg12[%swap3A_909, %swap3A_910, %swap3A_911], %select_n3A_907 {strides = array<i32>} : memref<5x8x256xf32, #tpu.memory_space<vmem>>, vector<16xf32>,
      }
      %scan3A_115 = arith.constant 8 : i32
    }
    %scan3A_99 = arith.constant 8 : i32
    %mul3A_100 = arith.constant 8 : i32
    %mul3A_101 = arith.muli %add3A, %mul3A_100 : i32
    "tpu.region"() ({
      %run_scoped3A = tpu.sem_alloc : memref<!tpu.dma_semaphore, #tpu.memory_space<semaphore_mem>>
      %dma_start3A = arith.constant 0 : i32
      %dma_start3A_102 = arith.constant 0 : i32
      %dma_start3A_103 = tpu.memref_slice %arg3[%dma_start3A, %mul3A_101, %dma_start3A_102] : memref<5x256x256xf32, #tpu.memory_space<hbm>> -> memref<5x8x256xf32, #tpu.memory_space<hbm>>
      %dma_start3A_104 = arith.constant 0 : i32
      %dma_start3A_105 = arith.constant 0 : i32
      %dma_start3A_106 = tpu.memref_slice %arg3[%dma_start3A_104, %mul3A_101, %dma_start3A_105] : memref<5x256x256xf32, #tpu.memory_space<hbm>> -> memref<5x8x256xf32, #tpu.memory_space<hbm>>
      tpu.enqueue_dma source(%arg12 : memref<5x8x256xf32, #tpu.memory_space<vmem>>) target(%dma_start3A_106 : memref<5x8x256xf32, #tpu.memory_space<hbm>>) target_semaphore(%run_scoped3A : memref<!tpu.dma_semaphore, #tpu.memory_space<semaphore_mem>>)
      %dma_wait3A = arith.constant 0 : i32
      %dma_wait3A_107 = arith.constant 0 : i32
      %dma_wait3A_108 = tpu.memref_slice %arg3[%dma_wait3A, %mul3A_101, %dma_wait3A_107] : memref<5x256x256xf32, #tpu.memory_space<hbm>> -> memref<5x8x256xf32, #tpu.memory_space<hbm>>
      %dma_wait3A_109 = arith.constant 0 : i32
      %dma_wait3A_110 = arith.constant 0 : i32
      %dma_wait3A_111 = tpu.memref_slice %arg3[%dma_wait3A_109, %mul3A_101, %dma_wait3A_110] : memref<5x256x256xf32, #tpu.memory_space<hbm>> -> memref<5x8x256xf32, #tpu.memory_space<hbm>>
      tpu.wait_dma2 semaphore(%run_scoped3A : memref<!tpu.dma_semaphore, #tpu.memory_space<semaphore_mem>>) src(%arg12 : memref<5x8x256xf32, #tpu.memory_space<vmem>>) dst(%dma_wait3A_111 : memref<5x8x256xf32, #tpu.memory_space<hbm>>)
      tpu.yield
    }) : () -> ()
    return
  }
}

</mosaic_0001>

<sc_bundles>
// kernel: kernel.3.cloned.1.call-start
scs
__scs_entry_jumppad:
0x0: {  	(pc) =	sbr.rel $0x88, $3  }
0x1: {  	(tag) =	ssettag $0x0;
	lr =	simm.s32 $0x1  }
0x2: {  	[smem:$0x3FA0] =	sst lr;
	_ =	strace $0xD0000000  }
0x3: {  	_ = 	snop  }
0x4: {  	_ = 	snop  }
0x5: {  	_ = 	snop  }
0x6: {  	_ = 	snop  }
0x7: {  	_ = 	snop  }
__scs_overlays_trampoline_lowered:
0x8: {  	[smem:$0x3FAF] =	sst s0  }
0x9: {  	[smem:$0x3FB0] =	sst s1  }
0xa: {  	[smem:$0x3FB1] =	sst s2  }
0xb: {  	[smem:$0x3FB2] =	sst s3  }
0xc: {  	[smem:$0x3FB3] =	sst s4  }
0xd: {  	[smem:$0x3FB4] =	sst s5  }
0xe: {  	[smem:$0x3FB5] =	sst s6  }
0xf: {  	[smem:$0x3FB6] =	sst s7  }
0x10: {  	[smem:$0x3FB7] =	sst s8  }
0x11: {  	[smem:$0x3FB8] =	sst s9;
	s0 =	simm.s32 @!p0 $0x0  }
0x12: {  	s1 =	sld [smem:$0x3F9E];
	s0 =	simm.s32 @p0 $0x1  }
0x13: {  	[smem:$0x3FB9] =	sst s0;
	s0 =	simm.s32 @!p1 $0x0  }
0x14: {  	s2 =	sld [smem:$0x3F9D];
	s0 =	simm.s32 @p1 $0x1  }
0x15: {  	[smem:$0x3FBA] =	sst s0;
	s0 =	simm.s32 @!p2 $0x0  }
0x16: {  	s3 =	sld [smem:$0x3FDB];
	s0 =	simm.s32 @p2 $0x1  }
0x17: {  	s4 =	simm.s32 $0x1BF5;
	[smem:$0x3FBC] =	sst s0  }
0x18: {  	s0 =	sld [smem:$0x3F9F];
	_ =	swait.ge [sflag:s4], $0x0  }
0x19: {  	s7 =	sld [smem:$0x3FA0]  }
0x1a: {  	s8 =	sadd.s32 $0xFFFFE003, lr  }
0x1b: {  	s9 =	sadd.s32 $0xFFFFFEF7, lr;
	s5 =	simm.s32 $0xFFFFFFFF;
	p2 =	slt.u32 s8, $0xFFFFF086  }
0x1c: {  	p1 =	slt.u32 s9, $0xF7A;
	s5 =	simm.s32 @!p2 $0x0  }
0x1d: {  	s5 =	simm.s32 @p1 $0x1;
	p0 =	seq.s32 s7, s2  }
0x1e: {  	s7 =	smul.u32 @!p0 $0xF7A, s2;
	p2 =	seq.s32 @!p0 s5, $0x0  }
0x1f: {  	s9 =	smul.u32 $0xF7A, s1;
	s8 =	simm.s32 @!p0 $0x1BF5;
	p2 =	por !p2, p0  }
0x20: {  	[sflag:s8] =	ssyncset.s32 @!p0 $0xFFFFF086;
	s6 =	sadd.s32 @!p0 s3, s7;
	s7 =	simm.s32 @!p0 $0x108  }
0x21: {  	s3 =	sadd.s32 s3, s9;
	s6 =	sadd.s32 @!p0 $0x88, s6;
	s7 =	simm.s32 @p2 $0x1082  }
0x22: {  	[simem:s7], [sflag:s8] =	dma.local @!p0 [hbm:s6], $0xF7A  }
0x23: {  	s9 =	sor.u32 $0xD0000000, s2;
	s6 =	simm.s32 $0x108;
	_ =	swait.ge @!p0 [sflag:s8], $0x0  }
0x24: {  	s3 =	sadd.s32 $0x88, s3;
	s6 =	simm.s32 @!p1 $0x1082;
	[sflag:s4] =	ssyncset.s32 $0xFFFFF086  }
0x25: {  	[simem:s6], [sflag:s4] =	dma.local [hbm:s3], $0xF7A  }
0x26: {  	[smem:$0x3FA0] =	sst s1;
	(tag) =	ssettag s2;
	_ =	strace s9  }
0x27: {  	s1 =	sld [smem:$0x3FB0]  }
0x28: {  	s2 =	sld [smem:$0x3FB1]  }
0x29: {  	s4 =	sld [smem:$0x3FB3]  }
0x2a: {  	p0 =	seq.s32 s5, $0x0;
	s5 =	sld [smem:$0x3FB4]  }
0x2b: {  	s6 =	sld [smem:$0x3FB5]  }
0x2c: {  	s7 =	sld [smem:$0x3FB6]  }
0x2d: {  	s3 =	simm.s32 $0x108;
	s8 =	sld [smem:$0x3FB7]  }
0x2e: {  	s3 =	simm.s32 @!p0 $0x1082;
	s9 =	sld [smem:$0x3FB8]  }
0x2f: {  	lr =	sadd.s32 s0, s3;
	s0 =	sld [smem:$0x3FAF]  }
0x30: {  	s3 =	sld [smem:$0x3FB2]  }
0x31: {  	[smem:$0x3FBB] =	sst s10  }
0x32: {  	s10 =	sld [smem:$0x3FB9];
	_ =	sdelay $0x3  }
0x33: {  	p0 =	seq.s32 s10, $0x1;
	s10 =	sld [smem:$0x3FBB];
	_ =	sdelay $0x3  }
0x34: {  	[smem:$0x3FBB] =	sst s10  }
0x35: {  	s10 =	sld [smem:$0x3FBA];
	_ =	sdelay $0x3  }
0x36: {  	p1 =	seq.s32 s10, $0x1;
	s10 =	sld [smem:$0x3FBB];
	_ =	sdelay $0x3  }
0x37: {  	[smem:$0x3FBB] =	sst s10  }
0x38: {  	s10 =	sld [smem:$0x3FBC]  }
0x39: {  	_ = 	snop;
	(pc) =	sbr.ind lr, $3  }
0x3a: {  	_ = 	snop  }
0x3b: {  	_ = 	snop  }
0x3c: {  	p2 =	seq.s32 s10, $0x1;
	s10 =	sld [smem:$0x3FBB]  }
0x3d: {  	_ =	shalt  }
0x3e: {  	_ =	shalt  }
0x3f: {  	_ =	shalt  }
0x40: {  	_ =	shalt  }
0x41: {  	_ =	shalt  }
0x42: {  	_ =	shalt  }
0x43: {  	_ =	shalt  }
0x44: {  	_ =	shalt  }
0x45: {  	_ =	shalt  }
0x46: {  	_ =	shalt  }
0x47: {  	_ =	shalt  }
0x48: {  	_ =	shalt  }
0x49: {  	_ =	shalt  }
0x4a: {  	_ =	shalt  }
0x4b: {  	_ =	shalt  }
0x4c: {  	_ =	shalt  }
0x4d: {  	_ =	shalt  }
0x4e: {  	_ =	shalt  }
0x4f: {  	_ =	shalt  }
0x50: {  	_ =	shalt  }
0x51: {  	_ =	shalt  }
0x52: {  	_ =	shalt  }
0x53: {  	_ =	shalt  }
0x54: {  	_ =	shalt  }
0x55: {  	_ =	shalt  }
0x56: {  	_ =	shalt  }
0x57: {  	_ =	shalt  }
0x58: {  	_ =	shalt  }
0x59: {  	_ =	shalt  }
0x5a: {  	_ =	shalt  }
0x5b: {  	_ =	shalt  }
0x5c: {  	_ =	shalt  }
0x5d: {  	_ =	shalt  }
0x5e: {  	_ =	shalt  }
0x5f: {  	_ =	shalt  }
0x60: {  	_ =	shalt  }
0x61: {  	_ =	shalt  }
0x62: {  	_ =	shalt  }
0x63: {  	_ =	shalt  }
0x64: {  	_ =	shalt  }
0x65: {  	_ =	shalt  }
0x66: {  	_ =	shalt  }
0x67: {  	_ =	shalt  }
0x68: {  	_ =	shalt  }
0x69: {  	_ =	shalt  }
0x6a: {  	_ =	shalt  }
0x6b: {  	_ =	shalt  }
0x6c: {  	_ =	shalt  }
0x6d: {  	_ =	shalt  }
0x6e: {  	_ =	shalt  }
0x6f: {  	_ =	shalt  }
0x70: {  	_ =	shalt  }
0x71: {  	_ =	shalt  }
0x72: {  	_ =	shalt  }
0x73: {  	_ =	shalt  }
0x74: {  	_ =	shalt  }
0x75: {  	_ =	shalt  }
0x76: {  	_ =	shalt  }
0x77: {  	_ =	shalt  }
0x78: {  	_ =	shalt  }
0x79: {  	_ =	shalt  }
0x7a: {  	_ =	shalt  }
0x7b: {  	_ =	shalt  }
0x7c: {  	_ =	shalt  }
0x7d: {  	_ =	shalt  }
0x7e: {  	_ =	shalt  }
0x7f: {  	_ =	shalt  }
0x80: {  	_ =	shalt  }
0x81: {  	_ =	shalt  }
0x82: {  	_ =	shalt  }
0x83: {  	_ =	shalt  }
0x84: {  	_ =	shalt  }
0x85: {  	_ =	shalt  }
0x86: {  	_ =	shalt  }
0x87: {  	_ =	shalt  }
.Lfunc_end0:
.L_simem_size_0:
called_computation_lowered:
.L_overlay_start_0:
0x88: {  	s2 =	sld [smem:$0x3FD9]  }
0x89: {  	s3 =	sld [smem:$0x3FFE];
	_ =	sdelay $0x1  }
0x8a: {  	s1 =	srdreg.scid  }
0x8b: {  	s0 =	sand.u32 $0x1, s1  }
0x8c: {  	s17 =	sshll.u32 s0, $0xA;
	s2 =	sadd.s32 s3, s2  }
0x8d: {  	s2 =	sadd.s32 s2, s17  }
0x8e: {  	[smem:$0x3FC7] =	sst s2  }
0x8f: {  	_ = 	snop  }
0x90: {  	s2 =	sld [smem:$0x3FD0];
	(tm) =	ssettm $0x1  }
0x91: {  	s18 =	sld [smem:$0x3FFB];
	_ =	sdelay $0x3  }
0x92: {  	_ =	strace s18  }
0x93: {  	s3 =	sld [smem:$0x3FFC];
	_ =	sdelay $0x3  }
0x94: {  	_ =	strace s3  }
0x95: {  	s3 =	sld [smem:$0x3FFD];
	_ =	sdelay $0x3  }
0x96: {  	_ =	strace s3  }
0x97: {  	_ =	strace $0x8FFFFFFF  }
0x98: {  	s19 =	sld [smem:$0x3FDB];
	_ =	sdelay $0x1  }
0x99: {  	s4 =	simm.s32 $_scs_section_size  }
0x9a: {  	s5 =	simm.s32 $_size__tile_overlayer_lowered;
	s6 =	simm.s32 $_tile_overlayer_lowered  }
0x9b: {  	s22 =	simm.s32 $0x1BFF;
	s21 =	sshll.u32 s6, $0x1;
	s3 =	sadd.s32 s4, s19  }
0x9c: {  	s7 =	simm.s32 $0x0;
	s20 =	sshll.u32 s5, $0x1;
	s5 =	sadd.s32 s21, s3  }
0x9d: {  	[timem:s7], [sflag:s22] =	dma.local [hbm:s5], s20  }
0x9e: {  	_ =	swait.ge [sflag:s22], s20  }
0x9f: {  	s4 =	ssub.s32 $0x0, s20;
	[sflag:s22] =	ssyncset.done $0x0  }
0xa0: {  	[sflag:s22] =	ssyncadd.s32 s4;
	_ =	sdelay $0x1  }
0xa1: {  	s23 =	simm.s32 $0x1B8B  }
0xa2: {  	_ =	swait.ge [sflag:s23], $0x1  }
0xa3: {  	[sflag:s23] =	ssyncset.done $0x0  }
0xa4: {  	s25 =	simm.s32 $0x1B8E;
	s24 =	sld [smem:$0x3FFE];
	[sflag:s23] =	ssyncadd.s32 $0xFFFFFFFF  }
0xa5: {  	s26 =	simm.s32 $execute0_lowered;
	[smem:$0x3FD2] =	sst s25  }
0xa6: {  	s5 =	sshll.u32 s26, $0x1;
	_ =	strace $0x80000046;
	[dreg:$0x1] =	wrdreg $0xFFFFFFFF  }
0xa7: {  	s28 =	simm.s32 $_size_execute0_lowered;
	s3 =	sadd.s32 s3, s5;
	[dreg:$0x0] =	wrdreg $0x0  }
0xa8: {  	s5 =	sshll.u32 s28, $0x1;
	[dreg:$0x2] =	wrdreg s3  }
0xa9: {  	[dreg:$0x3] =	wrdreg s5  }
0xaa: {  	[dreg:$0x4] =	wrdreg $0xC0  }
0xab: {  	_ =	task [dreg:s7], $0x5FFFF  }
0xac: {  	[dreg:$0x1] =	wrdreg $0xFFFFFFFF  }
0xad: {  	[dreg:$0x0] =	wrdreg $0x60  }
0xae: {  	[dreg:$0x2] =	wrdreg s24  }
0xaf: {  	[dreg:$0x3] =	wrdreg s2  }
0xb0: {  	[dreg:$0x4] =	wrdreg $0x15C000  }
0xb1: {  	[dreg:$0x5] =	wrdreg $0x9  }
0xb2: {  	_ =	task.clear_ibuf [dreg:s7], $0x6FFFF;
	_ =	strace $0x90000046  }
0xb3: {  	s29 =	simm.s32 $0x9;
	_ =	strace $0x80000048  }
0xb4: {  	_ =	swait.ge [sflag:s29], $0x1  }
0xb5: {  	[sflag:s29] =	ssyncadd.s32 $0xFFFFFFFF  }
0xb6: {  	_ =	strace $0x90000048  }
0xb7: {  	_ =	sfence  }
0xb8: {  	s30 =	sld [smem:$0x0];
	_ =	sdelay $0x2  }
0xb9: {  	s31 =	sshll.u32 s1, $0xD;
	s1 =	sshrl.u32 s1, $0x2  }
0xba: {  	s3 =	sand.u32 $0x4000, s31;
	s1 =	sadd.s32 s1, s30  }
0xbb: {  	s0 =	sor.u32 s3, s0;
	s1 =	sshll.u32 s1, $0x11  }
0xbc: {  	s0 =	sor.u32 s1, s0  }
0xbd: {  	s0 =	sadd.s32 $0x8F2B, s0  }
0xbe: {  	[sflag:s0] =	ssyncadd.remote.s32 $0x1  }
0xbf: {  	_ =	sfence.sel $0xFFFF  }
0xc0: {  	[dreg:$0x0] =	wrdreg $0xFFFFFFFF;
	(pc) =	sbr.abs _section_cstart, $3  }
0xc1: {  	[dreg:$0x1] =	wrdreg $0xFFFFFFFF  }
0xc2: {  	_ =	task.clear_ibuf [dreg:s7], $0x2FFFF;
	_ =	strace $0x9FFFFFFF  }
0xc3: {  	(tm) =	ssettm $0x7FFFFFFF  }
tec
execute0_lowered:
.L_overlay_start_1:
0x0: {  	(tag) =	ssettag $0x1  }
0x1: {  	s1 =	srdreg.scid;
	s30 =	rddreg [dreg:$0x0]  }
0x2: {  	s0 =	stileid.u32;
	s6 =	rddreg [dreg:$0x1];
	s9 =	simm.s32 $0x1000  }
0x3: {  	v52 =	vlaneseq.u32;
	s10 =	simm.s32 $0x1800;
	s12 =	simm.s32 $0x3400;
	s13 =	simm.s32 $0x2000  }
0x4: {  	v12 =	vimm.s32 $0x0;
	v13 =	vimm.s32 $0x1;
	v14 =	vimm.s32 $0x2;
	s15 =	simm.s32 $0x10000;
	s16 =	simm.s32 $0x13400;
	s17 =	simm.s32 $0x0  }
0x5: {  	v15 =	vimm.s32 $0x4;
	v16 =	vimm.s32 $0x3;
	v17 =	vimm.s32 $0x8;
	s4 =	sand.u32 $0x1, s1;
	s2 =	sshll.u32 s0, $0x3;
	s29 =	sshll.u32 s0, $0x4  }
0x6: {  	v18 =	vimm.s32 $0x5;
	v19 =	vimm.s32 $0x6;
	v20 =	vimm.s32 $0x7;
	s8 =	sshll.u32 s0, $0xC;
	s1 =	sshll.u32 s4, $0x7;
	s7 =	ssub.s32 $0x2, s4  }
0x7: {  	v21 =	vimm.s32 $0x9;
	v22 =	vimm.s32 $0xA;
	v23 =	vimm.s32 $0xB;
	s4 =	sadd.s32 $0x400, s30;
	s1 =	sor.u32 s2, s1;
	s31 =	sshrl.u32 s7, $0x1  }
0x8: {  	v24 =	vimm.s32 $0xC;
	v25 =	vimm.s32 $0xD;
	v26 =	vimm.s32 $0xE;
	s2 =	sor.u32 $0x1, s1;
	s3 =	sor.u32 $0x2, s1;
	s24 =	sor.u32 $0x3, s1  }
.Ltmp0:
0x9: {  	v27 =	vimm.s32 $0xF;
	v35 =	vimm.s32 $0x20000000;
	v3 =	vmul.u32 $0x20, v52;
	s25 =	sor.u32 $0x4, s1;
	s26 =	sor.u32 $0x5, s1;
	(pc) =	sbr.rel .LBB2_1-.Ltmp0, $4  }
0xa: {  	v36 =	vimm.s32 $0x40000000;
	v37 =	vimm.s32 $0x7F;
	s28 =	sor.u32 $0x6, s1;
	s5 =	sor.u32 $0x7, s1;
	v2 =	vmov s3;
	s3 =	simm.s32 $0x0  }
0xb: {  	v10 =	vor.u32 s29, v52;
	v6 =	vor.u32 $0x200, v3;
	v0 =	vmov s1;
	s7 =	ssub.s32 s7, s31;
	s1 =	sshll.u32 s1, $0x5;
	[smem:$0x7FF] =	sst s3  }
0xc: {  	v1 =	vmov s2;
	v4 =	vmov s24;
	v5 =	vmov s25;
	s2 =	rddreg [dreg:$0x2];
	s6 =	sadd.s32 s6, s1;
	_ =	strace $0x80000047;
	[tilespmem:$0x1FFE0] =	vst v3  }
0xd: {  	v7 =	vmov s26;
	v8 =	vmov s28;
	v9 =	vmov s5;
	s7 =	smax.u32 s7, $0x1;
	s5 =	sadd.s32 s8, s2;
	s8 =	simm.s32 $0x1;
	[tilespmem:$0x1FFF0] =	vst v6  }
.LBB2_15:
0xe: {  	s17 =	sadd.s32 $0x1, s17  }
0xf: {  	p0 =	sne.s32 s17, s7  }
.Ltmp1:
0x10: {  	s0 =	simm.s32 $0x800;
	(pc) =	sbr.rel @!p0 .LBB2_16-.Ltmp1, $4  }
0x11: {  	[hbm4b:s6+s0] =	stream.strided.scatter [tilespmem:s16], [sflag:$0x1], $0x2800, s15, s0, $0x38;
	[tilespmem:$0x15E00] =	vst v63  }
0x12: {  	_ =	swait.ge [sflag:s8], $0x2800  }
0x13: {  	[sflag:s8] =	ssyncset.done $0x0;
	v3 =	vld [tilespmem:$0x1FFE0]  }
0x14: {  	v6 =	vld [tilespmem:$0x1FFF0];
	[sflag:s8] =	ssyncadd.s32 $0xFFFFD800  }
.LBB2_1:
0x15: {  	[tilespmem:s3], [sflag:$0x1] =	stream.linear.gather [hbm4b:s4+s3], $0x1000, $0x38;
	[tilespmem:$0x15E00] =	vst v63  }
0x16: {  	s18 =	simm.s32 $0x30;
	_ =	swait.ge [sflag:s8], $0x1000  }
0x17: {  	s19 =	simm.s32 $0x1C20;
	s20 =	simm.s32 $0x1020;
	[sflag:s8] =	ssyncset.done $0x0  }
0x18: {  	s21 =	simm.s32 $0x1420;
	s22 =	simm.s32 $0x1820;
	[sflag:s8] =	ssyncadd.s32 $0xFFFFF000  }
.LBB2_2:
0x19: {  	s1 =	sadd.s32 $0xFFFFFFD0, s18  }
0x1a: {  	v38 =	vor.u32 s1, v52  }
0x1b: {  	v39 =	vshll.u32 v38, $0x2  }
0x1c: {  	v40 =	vor.u32 $0x1, v39  }
0x1d: {  	v41 =	vor.u32 $0x2, v39  }
0x1e: {  	v42 =	vor.u32 $0x3, v39  }
0x1f: {  	s23 =	simm.s32 $0x0  }
0x20: {  	v39 =	vld.idx.msk [tilespmem:v39+s23+$0x0], $0xffff  }
0x21: {  	v40 =	vld.idx.msk [tilespmem:v40+s23+$0x0], $0xffff  }
0x22: {  	v41 =	vld.idx.msk [tilespmem:v41+s23+$0x0], $0xffff  }
0x23: {  	v42 =	vld.idx.msk [tilespmem:v42+s23+$0x0], $0xffff;
	_ =	sdelay $0x2  }
0x24: {  	v39 =	vmul.f32 $2.560000000e+02, v39  }
0x25: {  	v40 =	vmul.f32 $2.560000000e+02, v40;
	v41 =	vmul.f32 $2.560000000e+02, v41  }
0x26: {  	s30 =	sadd.s32 $0xFFFFFFE0, s18;
	v42 =	vmul.f32 $2.560000000e+02, v42;
	v39 =	vtrunc.f32 v39  }
0x27: {  	v43 =	vor.u32 s30, v52;
	v39 =	vcvt.f32.s32 v39;
	v40 =	vtrunc.f32 v40  }
0x28: {  	v44 =	vshll.u32 v43, $0x2;
	v41 =	vtrunc.f32 v41;
	v42 =	vtrunc.f32 v42  }
0x29: {  	vm1 =	vlt.u32 v38, $0x3E8;
	v40 =	vcvt.f32.s32 v40;
	v41 =	vcvt.f32.s32 v41  }
0x2a: {  	v63 =	vor.u32 $0x1, v44;
	v42 =	vcvt.f32.s32 v42;
	vm0 =	vgt.s32 v39, $0x0  }
0x2b: {  	v39 =	vnsel vm0, $0x0, v39;
	vm8 =	vgt.s32 v40, $0x0;
	vm9 =	vlt.s32 v41, $0x100  }
0x2c: {  	vm10 =	vlt.s32 v42, $0x100;
	v40 =	vnsel vm8, $0x0, v40;
	[tilespmem:s20+$0xFFFFFFE0] =	vst v39;
	v60 =	vnsel vm9, $0x100, v41  }
0x2d: {  	v31 =	vor.u32 $0x2, v44;
	v61 =	vnsel vm10, $0x100, v42;
	[tilespmem:s21+$0xFFFFFFE0] =	vst v40;
	v38 =	vnsel vm1, $0x0, v60  }
0x2e: {  	v32 =	vor.u32 $0x3, v44;
	v62 =	vnsel vm1, $0x0, v61;
	[tilespmem:s22+$0xFFFFFFE0] =	vst v38  }
0x2f: {  	[tilespmem:s19+$0xFFFFFFE0] =	vst v62  }
0x30: {  	v30 =	vld.idx.msk [tilespmem:v44+s23+$0x0], $0xffff  }
0x31: {  	v38 =	vld.idx.msk [tilespmem:v63+s23+$0x0], $0xffff  }
0x32: {  	v40 =	vld.idx.msk [tilespmem:v31+s23+$0x0], $0xffff  }
0x33: {  	v41 =	vld.idx.msk [tilespmem:v32+s23+$0x0], $0xffff;
	_ =	sdelay $0x2  }
0x34: {  	s31 =	sadd.s32 $0xFFFFFFF0, s18;
	v39 =	vmul.f32 $2.560000000e+02, v30  }
0x35: {  	v33 =	vor.u32 s31, v52;
	v38 =	vmul.f32 $2.560000000e+02, v38;
	v40 =	vmul.f32 $2.560000000e+02, v40  }
0x36: {  	vm12 =	vlt.s32 v33, $0x3E7;
	v41 =	vmul.f32 $2.560000000e+02, v41;
	v39 =	vtrunc.f32 v39  }
0x37: {  	vm15 =	vlt.u32 v43, $0x3E8;
	v38 =	vtrunc.f32 v38;
	v40 =	vtrunc.f32 v40  }
0x38: {  	v34 =	vnsel vm12, $0x3E7, v33;
	v41 =	vtrunc.f32 v41;
	v39 =	vcvt.f32.s32 v39  }
0x39: {  	v44 =	vshll.u32 v34, $0x2;
	v38 =	vcvt.f32.s32 v38;
	v40 =	vcvt.f32.s32 v40  }
0x3a: {  	v49 =	vor.u32 $0x1, v44;
	v41 =	vcvt.f32.s32 v41;
	vm11 =	vgt.s32 v39, $0x0  }
0x3b: {  	vm13 =	vgt.s32 v38, $0x0;
	vm14 =	vlt.s32 v40, $0x100;
	v39 =	vnsel vm11, $0x0, v39  }
0x3c: {  	vm4 =	vlt.s32 v41, $0x100;
	v38 =	vnsel vm13, $0x0, v38;
	v45 =	vnsel vm14, $0x100, v40;
	[tilespmem:s20+$0xFFFFFFF0] =	vst v39  }
0x3d: {  	v51 =	vor.u32 $0x2, v44;
	v47 =	vnsel vm4, $0x100, v41;
	v46 =	vnsel vm15, $0x0, v45;
	[tilespmem:s21+$0xFFFFFFF0] =	vst v38  }
0x3e: {  	v53 =	vor.u32 $0x3, v44;
	v48 =	vnsel vm15, $0x0, v47;
	[tilespmem:s22+$0xFFFFFFF0] =	vst v46  }
0x3f: {  	[tilespmem:s19+$0xFFFFFFF0] =	vst v48  }
0x40: {  	v50 =	vld.idx.msk [tilespmem:v44+s23+$0x0], $0xffff  }
0x41: {  	v38 =	vld.idx.msk [tilespmem:v49+s23+$0x0], $0xffff  }
0x42: {  	v40 =	vld.idx.msk [tilespmem:v51+s23+$0x0], $0xffff  }
0x43: {  	v41 =	vld.idx.msk [tilespmem:v53+s23+$0x0], $0xffff;
	_ =	sdelay $0x2  }
0x44: {  	v39 =	vmul.f32 $2.560000000e+02, v50  }
0x45: {  	v54 =	vor.u32 s18, v52;
	v38 =	vmul.f32 $2.560000000e+02, v38;
	v40 =	vmul.f32 $2.560000000e+02, v40  }
0x46: {  	vm6 =	vlt.s32 v54, $0x3E7;
	v41 =	vmul.f32 $2.560000000e+02, v41;
	v39 =	vtrunc.f32 v39  }
0x47: {  	v55 =	vnsel vm6, $0x3E7, v54;
	v38 =	vtrunc.f32 v38;
	v40 =	vtrunc.f32 v40  }
0x48: {  	vm9 =	vlt.u32 v33, $0x3E8;
	v41 =	vtrunc.f32 v41;
	v39 =	vcvt.f32.s32 v39  }
0x49: {  	v44 =	vshll.u32 v55, $0x2;
	v38 =	vcvt.f32.s32 v38;
	v40 =	vcvt.f32.s32 v40  }
0x4a: {  	v59 =	vor.u32 $0x1, v44;
	v41 =	vcvt.f32.s32 v41;
	vm5 =	vgt.s32 v39, $0x0  }
0x4b: {  	vm7 =	vgt.s32 v38, $0x0;
	vm8 =	vlt.s32 v40, $0x100;
	v39 =	vnsel vm5, $0x0, v39  }
0x4c: {  	vm10 =	vlt.s32 v41, $0x100;
	v38 =	vnsel vm7, $0x0, v38;
	v56 =	vnsel vm8, $0x100, v40;
	[tilespmem:s20+$0x0] =	vst v39  }
0x4d: {  	v61 =	vor.u32 $0x2, v44;
	v58 =	vnsel vm10, $0x100, v41;
	v57 =	vnsel vm9, $0x0, v56;
	[tilespmem:s21+$0x0] =	vst v38  }
0x4e: {  	v62 =	vor.u32 $0x3, v44;
	v60 =	vnsel vm9, $0x0, v58;
	[tilespmem:s22+$0x0] =	vst v57  }
0x4f: {  	[tilespmem:s19+$0x0] =	vst v60  }
0x50: {  	v63 =	vld.idx.msk [tilespmem:v44+s23+$0x0], $0xffff  }
0x51: {  	v40 =	vld.idx.msk [tilespmem:v59+s23+$0x0], $0xffff  }
0x52: {  	v39 =	vld.idx.msk [tilespmem:v61+s23+$0x0], $0xffff  }
0x53: {  	v38 =	vld.idx.msk [tilespmem:v62+s23+$0x0], $0xffff;
	_ =	sdelay $0x2  }
0x54: {  	v41 =	vmul.f32 $2.560000000e+02, v63  }
0x55: {  	v40 =	vmul.f32 $2.560000000e+02, v40;
	v39 =	vmul.f32 $2.560000000e+02, v39  }
0x56: {  	v38 =	vmul.f32 $2.560000000e+02, v38;
	v41 =	vtrunc.f32 v41  }
0x57: {  	v40 =	vtrunc.f32 v40;
	v39 =	vtrunc.f32 v39  }
0x58: {  	v38 =	vtrunc.f32 v38;
	v41 =	vcvt.f32.s32 v41  }
0x59: {  	v40 =	vcvt.f32.s32 v40;
	v39 =	vcvt.f32.s32 v39  }
0x5a: {  	p0 =	sne.s32 s18, $0x3F0;
	vm14 =	vlt.u32 v54, $0x3E8;
	v38 =	vcvt.f32.s32 v38;
	vm11 =	vgt.s32 v41, $0x0  }
.Ltmp2:
0x5b: {  	vm12 =	vgt.s32 v40, $0x0;
	vm13 =	vlt.s32 v39, $0x100;
	v41 =	vnsel vm11, $0x0, v41;
	(pc) =	sbr.rel @p0 .LBB2_2-.Ltmp2, $4  }
0x5c: {  	vm15 =	vlt.s32 v38, $0x100;
	v40 =	vnsel vm12, $0x0, v40;
	v39 =	vnsel vm13, $0x100, v39;
	[tilespmem:s20+$0x10] =	vst v41  }
0x5d: {  	v38 =	vnsel vm15, $0x100, v38;
	v39 =	vnsel vm14, $0x0, v39;
	[tilespmem:s21+$0x10] =	vst v40  }
0x5e: {  	s18 =	sadd.s32 $0x40, s18;
	v38 =	vnsel vm14, $0x0, v38;
	s20 =	sadd.s32 $0x40, s20;
	[tilespmem:s22+$0x10] =	vst v39  }
0x5f: {  	s21 =	sadd.s32 $0x40, s21;
	s22 =	sadd.s32 $0x40, s22;
	[tilespmem:s19+$0x10] =	vst v38;
	s19 =	sadd.s32 $0x40, s19  }
0x60: {  	v38 =	vor.u32 s23, v3;
	_ =	sdelay $0x4  }
0x61: {  	v39 =	vld.idx.msk [tilespmem:v38+s9+$0x0], $0xffff  }
0x62: {  	v38 =	vld.idx.msk [tilespmem:v38+s10+$0x0], $0xffff;
	_ =	sdelay $0x1  }
0x63: {  	v40 =	vor.u32 s23, v6  }
0x64: {  	v11 =	vimm.s32 $0x0;
	s1 =	simm.s32 $0x1;
	s18 =	simm.s32 $0x1;
	v47 =	vimm.s32 $0x0  }
0x65: {  	v62 =	vmov s1;
	v55 =	vor.u32 s18, v3;
	vm5 =	vge.s32 v0, v39  }
0x66: {  	vm1 =	vlt.s32 v0, v38;
	vm2 =	vge.s32 v1, v39;
	vm3 =	vlt.s32 v1, v38  }
0x67: {  	vm4 =	vge.s32 v2, v39;
	vm6 =	vlt.s32 v2, v38;
	vm8 =	vge.s32 v4, v39  }
0x68: {  	v41 =	vld.idx.msk [tilespmem:v40+s9+$0x0], $0xffff;
	vm9 =	vlt.s32 v4, v38;
	vm10 =	vge.s32 v5, v39;
	vm11 =	vlt.s32 v5, v38  }
0x69: {  	v40 =	vld.idx.msk [tilespmem:v40+s10+$0x0], $0xffff;
	vm12 =	vge.s32 v7, v39;
	vm13 =	vlt.s32 v7, v38;
	vm14 =	vge.s32 v8, v39  }
0x6a: {  	vm15 =	vlt.s32 v8, v38;
	vm0 =	vge.s32 v9, v39;
	vm7 =	vmand vm5, vm1  }
0x6b: {  	vm5 =	vmand vm2, vm3;
	vm1 =	vlt.s32 v9, v38;
	vm6 =	vmand vm4, vm6  }
0x6c: {  	vm4 =	vmand vm8, vm9;
	vm3 =	vmand vm10, vm11;
	vm8 =	vmand vm12, vm13  }
0x6d: {  	vm15 =	vmand vm14, vm15;
	vm9 =	vge.s32 v1, v41;
	vm10 =	vge.s32 v2, v41  }
0x6e: {  	vm11 =	vlt.s32 v0, v40;
	vm2 =	vlt.s32 v9, v40;
	vm14 =	vlt.s32 v1, v40  }
0x6f: {  	vm13 =	vlt.s32 v2, v40;
	v11 =	vsel vm15, $0xFFFFFFFF, v11;
	vm0 =	vmand vm0, vm1  }
0x70: {  	vm1 =	vge.s32 v0, v41;
	vm15 =	vge.s32 v4, v41;
	vm9 =	vmand vm9, vm14  }
0x71: {  	vm14 =	vlt.s32 v5, v40;
	vm10 =	vmand vm10, vm13;
	vm13 =	vge.s32 v7, v41  }
0x72: {  	v63 =	vnsel vm7, $0x0, v62;
	v42 =	vnsel vm5, $0x0, v62;
	v44 =	vnsel vm6, $0x0, v62  }
0x73: {  	v49 =	vnsel vm4, $0x0, v62;
	v32 =	vnsel vm3, $0x0, v62;
	v30 =	vnsel vm8, $0x0, v62  }
0x74: {  	[tilespmem:$0x1FFC0] =	vst v11;
	v11 =	vimm.s32 $0x0;
	v43 =	vnsel vm9, $0x0, v62;
	v48 =	vnsel vm10, $0x0, v62  }
0x75: {  	v46 =	vor.u32 v47, v63;
	v63 =	vor.u32 v47, v42;
	v61 =	vor.u32 v47, v44  }
0x76: {  	v59 =	vor.u32 v47, v49;
	v44 =	vor.u32 v47, v32;
	v42 =	vor.u32 v47, v30  }
0x77: {  	v11 =	vsel vm0, $0xFFFFFFFF, v11;
	vm0 =	vge.s32 v9, v41;
	v60 =	vor.u32 v47, v48  }
0x78: {  	vm12 =	vmand vm0, vm2;
	vm2 =	vmand vm1, vm11;
	vm11 =	vge.s32 v5, v41  }
0x79: {  	v28 =	vld [tilespmem:$0x1FFC0];
	vm1 =	vge.s32 v8, v41;
	vm0 =	vlt.s32 v8, v40;
	v45 =	vnsel vm12, $0x0, v62  }
0x7a: {  	[tilespmem:$0x1FFD0] =	vst v11;
	vm12 =	vlt.s32 v4, v40;
	vm11 =	vmand vm11, vm14;
	vm0 =	vmand vm1, vm0  }
0x7b: {  	v54 =	vnsel vm2, $0x0, v62;
	v33 =	vld [tilespmem:$0x1FFD0];
	vm12 =	vmand vm15, vm12;
	vm15 =	vlt.s32 v7, v40  }
0x7c: {  	v29 =	vnsel vm11, $0x0, v62;
	v31 =	vnsel vm0, $0x0, v62;
	v38 =	vor.u32 v47, v45  }
0x7d: {  	v45 =	vor.u32 v47, v54;
	vm13 =	vmand vm13, vm15;
	v50 =	vnsel vm12, $0x0, v62  }
0x7e: {  	v39 =	vor.u32 v47, v31;
	v11 =	vnsel vm13, $0x0, v62;
	vm14 =	vnez.u8 v28  }
0x7f: {  	v58 =	vor.u32 v47, v50;
	v50 =	vor.u32 s18, v6;
	v28 =	vnsel vm14, $0x0, v62  }
0x80: {  	v49 =	vld.idx.msk [tilespmem:v55+s10+$0x0], $0xffff;
	v41 =	vor.u32 v47, v11;
	vm15 =	vnez.u8 v33;
	v40 =	vor.u32 v47, v28  }
0x81: {  	s19 =	simm.s32 $0x2;
	v34 =	vmovc v6;
	v48 =	vld.idx.msk [tilespmem:v55+s9+$0x0], $0xffff;
	v51 =	vnsel vm15, $0x0, v62;
	v62 =	vor.u32 v47, v43;
	v43 =	vor.u32 v47, v29  }
.LBB2_4:
0x82: {  	_ =	sdelay $0x2  }
0x83: {  	v52 =	vor.u32 s19, v3;
	v47 =	vor.u32 v47, v51  }
0x84: {  	v6 =	vimm.s32 $0x0;
	vm5 =	vge.s32 v0, v48;
	vm1 =	vlt.s32 v0, v49  }
0x85: {  	vm2 =	vge.s32 v1, v48;
	vm3 =	vlt.s32 v1, v49;
	vm4 =	vge.s32 v2, v48  }
0x86: {  	vm6 =	vlt.s32 v2, v49;
	vm8 =	vge.s32 v4, v48;
	vm9 =	vlt.s32 v4, v49  }
0x87: {  	v55 =	vld.idx.msk [tilespmem:v50+s9+$0x0], $0xffff;
	vm10 =	vge.s32 v5, v48;
	vm11 =	vlt.s32 v5, v49;
	vm12 =	vge.s32 v7, v48  }
0x88: {  	v56 =	vld.idx.msk [tilespmem:v50+s10+$0x0], $0xffff;
	vm13 =	vlt.s32 v7, v49;
	vm14 =	vge.s32 v8, v48;
	vm15 =	vlt.s32 v8, v49  }
0x89: {  	vm0 =	vge.s32 v9, v48;
	vm7 =	vmand vm5, vm1;
	vm5 =	vmand vm2, vm3  }
0x8a: {  	vm1 =	vlt.s32 v9, v49;
	vm6 =	vmand vm4, vm6;
	vm8 =	vmand vm8, vm9  }
0x8b: {  	vm11 =	vmand vm10, vm11;
	vm13 =	vmand vm12, vm13;
	vm15 =	vmand vm14, vm15  }
0x8c: {  	s1 =	sshll.u32 s8, s18;
	vm4 =	vge.s32 v0, v55;
	vm9 =	vge.s32 v1, v55;
	vm10 =	vge.s32 v2, v55  }
0x8d: {  	vm3 =	vge.s32 v9, v55;
	v49 =	vmov s1;
	vm14 =	vlt.s32 v1, v56  }
0x8e: {  	vm2 =	vlt.s32 v5, v56;
	v6 =	vsel vm5, $0xFFFFFFFF, v6;
	vm0 =	vmand vm0, vm1  }
0x8f: {  	vm5 =	vlt.s32 v9, v56;
	vm1 =	vlt.s32 v7, v56;
	vm9 =	vmand vm9, vm14  }
0x90: {  	v50 =	vnsel vm7, $0x0, v49;
	[tilespmem:$0x1FF70] =	vst v6;
	v6 =	vimm.s32 $0x0;
	vm12 =	vmand vm3, vm5  }
0x91: {  	vm5 =	vge.s32 v5, v55;
	vm3 =	vge.s32 v7, v55;
	v46 =	vor.u32 v46, v50  }
0x92: {  	v50 =	vor.u32 s19, v34;
	v6 =	vsel vm11, $0xFFFFFFFF, v6;
	vm11 =	vlt.s32 v0, v56  }
0x93: {  	v57 =	vnsel vm12, $0x0, v49;
	vm12 =	vlt.s32 v4, v56;
	vm2 =	vmand vm5, vm2  }
0x94: {  	vm1 =	vmand vm3, vm1;
	[tilespmem:$0x1FF80] =	vst v6;
	v6 =	vimm.s32 $0x0;
	v38 =	vor.u32 v38, v57  }
0x95: {  	vm4 =	vmand vm4, vm11;
	vm11 =	vge.s32 v8, v55;
	v29 =	vnsel vm2, $0x0, v49  }
0x96: {  	v31 =	vnsel vm1, $0x0, v49;
	v6 =	vsel vm13, $0xFFFFFFFF, v6;
	vm13 =	vlt.s32 v2, v56  }
0x97: {  	v53 =	vnsel vm4, $0x0, v49;
	v43 =	vor.u32 v43, v29;
	v41 =	vor.u32 v41, v31  }
0x98: {  	v28 =	vld [tilespmem:$0x1FF80];
	[tilespmem:$0x1FF90] =	vst v6;
	v6 =	vimm.s32 $0x0;
	vm10 =	vmand vm10, vm13;
	v45 =	vor.u32 v45, v53  }
0x99: {  	v6 =	vsel vm15, $0xFFFFFFFF, v6;
	vm15 =	vge.s32 v4, v55;
	v55 =	vnsel vm9, $0x0, v49;
	v30 =	vld [tilespmem:$0x1FF90]  }
0x9a: {  	v57 =	vnsel vm10, $0x0, v49;
	[tilespmem:$0x1FFA0] =	vst v6;
	v6 =	vimm.s32 $0x0;
	vm12 =	vmand vm15, vm12  }
0x9b: {  	v62 =	vor.u32 v62, v55;
	v60 =	vor.u32 v60, v57;
	v6 =	vsel vm0, $0xFFFFFFFF, v6;
	v32 =	vld [tilespmem:$0x1FFA0]  }
0x9c: {  	vm0 =	vlt.s32 v8, v56;
	v56 =	vnsel vm6, $0x0, v49;
	v11 =	vnsel vm12, $0x0, v49;
	[tilespmem:$0x1FFB0] =	vst v6;
	v6 =	vld [tilespmem:$0x1FF70]  }
0x9d: {  	vm0 =	vmand vm11, vm0;
	vm12 =	vnez.u8 v28;
	v61 =	vor.u32 v61, v56;
	v51 =	vld [tilespmem:$0x1FFB0]  }
0x9e: {  	p0 =	sne.s32 s19, $0x1F;
	v58 =	vor.u32 v58, v11;
	v28 =	vnsel vm12, $0x0, v49;
	vm13 =	vnez.u8 v30  }
.Ltmp3:
0x9f: {  	v33 =	vnsel vm0, $0x0, v49;
	v44 =	vor.u32 v44, v28;
	v30 =	vnsel vm13, $0x0, v49;
	(pc) =	sbr.rel @p0 .LBB2_4-.Ltmp3, $4  }
0xa0: {  	v39 =	vor.u32 v39, v33;
	vm14 =	vnez.u8 v32;
	v42 =	vor.u32 v42, v30  }
0xa1: {  	vm11 =	vnez.u8 v6;
	v6 =	vnsel vm8, $0x0, v49;
	v32 =	vnsel vm14, $0x0, v49  }
0xa2: {  	v48 =	vld.idx.msk [tilespmem:v52+s9+$0x0], $0xffff;
	v54 =	vnsel vm11, $0x0, v49;
	vm15 =	vnez.u8 v51;
	v59 =	vor.u32 v59, v6  }
0xa3: {  	s18 =	smov.u32 s19;
	s19 =	sadd.s32 $0x1, s19;
	v40 =	vor.u32 v40, v32;
	v51 =	vnsel vm15, $0x0, v49;
	v49 =	vld.idx.msk [tilespmem:v52+s10+$0x0], $0xffff;
	v63 =	vor.u32 v63, v54  }
0xa4: {  	_ =	sdelay $0x1  }
0xa5: {  	v6 =	vor.u32 v47, v51;
	s1 =	sshll.u32 s8, s18  }
0xa6: {  	v29 =	vmov s1;
	vm0 =	vge.s32 v0, v48;
	vm2 =	vge.s32 v1, v48  }
0xa7: {  	vm4 =	vge.s32 v2, v48;
	vm6 =	vge.s32 v4, v48;
	vm8 =	vge.s32 v5, v48  }
0xa8: {  	vm10 =	vge.s32 v7, v48;
	vm12 =	vge.s32 v8, v48;
	vm14 =	vge.s32 v9, v48  }
0xa9: {  	v11 =	vld.idx.msk [tilespmem:v50+s9+$0x0], $0xffff;
	vm1 =	vlt.s32 v0, v49;
	vm3 =	vlt.s32 v1, v49;
	vm5 =	vlt.s32 v2, v49  }
0xaa: {  	v28 =	vld.idx.msk [tilespmem:v50+s10+$0x0], $0xffff;
	vm7 =	vlt.s32 v4, v49;
	vm9 =	vlt.s32 v5, v49;
	vm11 =	vlt.s32 v7, v49  }
0xab: {  	vm13 =	vlt.s32 v8, v49;
	vm15 =	vmand vm0, vm1;
	vm0 =	vmand vm2, vm3  }
0xac: {  	vm2 =	vlt.s32 v9, v49;
	vm1 =	vmand vm4, vm5;
	vm5 =	vmand vm6, vm7  }
0xad: {  	vm4 =	vmand vm8, vm9;
	vm3 =	vmand vm10, vm11;
	vm7 =	vmand vm12, vm13  }
0xae: {  	vm8 =	vge.s32 v0, v11;
	vm9 =	vge.s32 v1, v11;
	vm10 =	vge.s32 v2, v11  }
0xaf: {  	vm11 =	vlt.s32 v0, v28;
	vm12 =	vlt.s32 v1, v28;
	vm13 =	vlt.s32 v2, v28  }
0xb0: {  	vm6 =	vmand vm14, vm2;
	vm2 =	vge.s32 v9, v11;
	vm14 =	vge.s32 v4, v11  }
0xb1: {  	vm8 =	vmand vm8, vm11;
	vm11 =	vlt.s32 v4, v28;
	v30 =	vnsel vm15, $0x0, v29  }
0xb2: {  	vm15 =	vge.s32 v5, v11;
	v32 =	vnsel vm0, $0x0, v29;
	v30 =	vor.u32 v46, v30  }
0xb3: {  	vm0 =	vlt.s32 v5, v28;
	v51 =	vnsel vm4, $0x0, v29;
	v32 =	vor.u32 v63, v32;
	[tilespmem:$0x2000] =	vst v30  }
0xb4: {  	v47 =	vnsel vm1, $0x0, v29;
	v31 =	vnsel vm8, $0x0, v29;
	v52 =	vor.u32 v44, v51;
	[tilespmem:$0x2080] =	vst v32  }
0xb5: {  	vm8 =	vmand vm9, vm12;
	v55 =	vnsel vm6, $0x0, v29;
	v31 =	vor.u32 v45, v31;
	[tilespmem:$0x2200] =	vst v52  }
0xb6: {  	vm1 =	vge.s32 v7, v11;
	v46 =	vnsel vm8, $0x0, v29;
	v6 =	vor.u32 v6, v55;
	[tilespmem:$0x2010] =	vst v31  }
0xb7: {  	vm4 =	vge.s32 v8, v11;
	vm0 =	vmand vm15, vm0;
	v30 =	vor.u32 v62, v46;
	[tilespmem:$0x2380] =	vst v6  }
0xb8: {  	vm8 =	vmand vm10, vm13;
	v11 =	vnsel vm0, $0x0, v29;
	v31 =	vor.u32 v61, v47;
	[tilespmem:$0x2090] =	vst v30  }
0xb9: {  	v49 =	vnsel vm5, $0x0, v29;
	v48 =	vnsel vm8, $0x0, v29;
	v11 =	vor.u32 v43, v11;
	[tilespmem:$0x2100] =	vst v31  }
0xba: {  	vm5 =	vlt.s32 v7, v28;
	vm8 =	vmand vm14, vm11;
	v32 =	vor.u32 v60, v48;
	[tilespmem:$0x2210] =	vst v11  }
0xbb: {  	vm0 =	vmand vm1, vm5;
	v50 =	vnsel vm8, $0x0, v29;
	v30 =	vor.u32 v59, v49;
	[tilespmem:$0x2110] =	vst v32  }
0xbc: {  	vm1 =	vlt.s32 v8, v28;
	v54 =	vnsel vm0, $0x0, v29;
	v31 =	vor.u32 v58, v50;
	[tilespmem:$0x2180] =	vst v30  }
0xbd: {  	vm0 =	vmand vm4, vm1;
	v11 =	vnsel vm7, $0x0, v29;
	v30 =	vor.u32 v41, v54;
	[tilespmem:$0x2190] =	vst v31  }
0xbe: {  	vm1 =	vlt.s32 v9, v28;
	v28 =	vnsel vm0, $0x0, v29;
	v11 =	vor.u32 v40, v11;
	[tilespmem:$0x2290] =	vst v30  }
0xbf: {  	v53 =	vnsel vm3, $0x0, v29;
	vm0 =	vmand vm2, vm1;
	v28 =	vor.u32 v39, v28;
	[tilespmem:$0x2300] =	vst v11  }
0xc0: {  	v31 =	vor.u32 v42, v53;
	v11 =	vnsel vm0, $0x0, v29;
	[tilespmem:$0x2310] =	vst v28  }
0xc1: {  	[tilespmem:$0x2280] =	vst v31;
	v11 =	vor.u32 v38, v11  }
0xc2: {  	s30 =	simm.s32 $0x0;
	[tilespmem:$0x2390] =	vst v11  }
0xc3: {  	v6 =	vld [tilespmem:s30+$0x1410];
	_ =	sdelay $0x4  }
0xc4: {  	v11 =	vperm.xlane v6, v26  }
0xc5: {  	v28 =	vperm.xlane v6, v27;
	v29 =	vperm.xlane v6, v24  }
0xc6: {  	v56 =	vperm.xlane v6, v25;
	v57 =	vperm.xlane v6, v22  }
0xc7: {  	v42 =	vld [tilespmem:s30+$0x1C10];
	v58 =	vperm.xlane v6, v23;
	v33 =	vperm.xlane v6, v17  }
0xc8: {  	v59 =	vperm.xlane v6, v21;
	v60 =	vperm.xlane v6, v19  }
0xc9: {  	v61 =	vperm.xlane v6, v20;
	v62 =	vperm.xlane v6, v15  }
0xca: {  	v63 =	vperm.xlane v6, v18;
	v34 =	vperm.xlane v6, v14  }
0xcb: {  	v54 =	vperm.xlane v6, v16;
	v51 =	vperm.xlane v6, v12  }
0xcc: {  	v49 =	vperm.xlane v6, v13;
	v41 =	vperm.xlane v42, v26  }
0xcd: {  	v48 =	vperm.xlane v42, v27;
	v45 =	vperm.xlane v42, v24  }
0xce: {  	v44 =	vperm.xlane v42, v25;
	v39 =	vperm.xlane v42, v22  }
0xcf: {  	v38 =	vperm.xlane v42, v23;
	v40 =	vperm.xlane v42, v17  }
0xd0: {  	v6 =	vld [tilespmem:s30+$0x1400];
	v43 =	vperm.xlane v42, v21;
	v47 =	vperm.xlane v42, v19  }
0xd1: {  	v46 =	vperm.xlane v42, v20;
	vm2 =	vge.s32 v10, v56;
	vm1 =	vge.s32 v10, v11;
	v11 =	vld [tilespmem:s30+$0x1C00]  }
0xd2: {  	vm0 =	vge.s32 v10, v28;
	vm5 =	vge.s32 v10, v57;
	vm4 =	vge.s32 v10, v58  }
0xd3: {  	vm3 =	vge.s32 v10, v29;
	vm8 =	vge.s32 v10, v61;
	vm7 =	vge.s32 v10, v33  }
0xd4: {  	vm6 =	vge.s32 v10, v59;
	vm9 =	vge.s32 v10, v60;
	vm10 =	vge.s32 v10, v63  }
0xd5: {  	vm11 =	vge.s32 v10, v62;
	v28 =	vperm.xlane v6, v12;
	v55 =	vperm.xlane v6, v13  }
0xd6: {  	vm12 =	vge.s32 v10, v54;
	v57 =	vperm.xlane v6, v16;
	v29 =	vperm.xlane v11, v12  }
0xd7: {  	v59 =	vperm.xlane v6, v19;
	v56 =	vperm.xlane v11, v13;
	vm13 =	vge.s32 v10, v28  }
0xd8: {  	vm15 =	vge.s32 v10, v55;
	v28 =	vperm.xlane v6, v14;
	vm14 =	vlt.s32 v10, v29  }
0xd9: {  	v29 =	vperm.xlane v11, v14;
	vm14 =	vmand vm13, vm14;
	vm13 =	vlt.s32 v10, v56  }
0xda: {  	vm15 =	vmand vm15, vm13;
	v31 =	vsel vm14, $0x1, v12;
	vm14 =	vge.s32 v10, v28  }
0xdb: {  	v28 =	vperm.xlane v11, v16;
	v32 =	vsel vm15, $0x2, v12;
	vm15 =	vlt.s32 v10, v29  }
0xdc: {  	v58 =	vperm.xlane v11, v15;
	v29 =	vperm.xlane v6, v15;
	vm14 =	vmand vm14, vm15  }
0xdd: {  	vm15 =	vge.s32 v10, v57;
	v33 =	vsel vm14, $0x4, v12;
	vm14 =	vlt.s32 v10, v28  }
0xde: {  	v28 =	vperm.xlane v6, v18;
	vm14 =	vmand vm15, vm14;
	vm15 =	vge.s32 v10, v29  }
0xdf: {  	v29 =	vperm.xlane v11, v18;
	v50 =	vsel vm14, $0x8, v12;
	vm14 =	vlt.s32 v10, v58  }
0xe0: {  	v61 =	vperm.xlane v6, v21;
	vm14 =	vmand vm15, vm14;
	vm15 =	vge.s32 v10, v28  }
0xe1: {  	v28 =	vperm.xlane v11, v19;
	v52 =	vsel vm14, $0x10, v12;
	vm14 =	vlt.s32 v10, v29  }
0xe2: {  	v60 =	vperm.xlane v11, v20;
	v29 =	vperm.xlane v6, v20;
	vm14 =	vmand vm15, vm14  }
0xe3: {  	vm15 =	vge.s32 v10, v59;
	v53 =	vsel vm14, $0x20, v12;
	vm14 =	vlt.s32 v10, v28  }
0xe4: {  	v28 =	vperm.xlane v6, v17;
	vm14 =	vmand vm15, vm14;
	vm15 =	vge.s32 v10, v29  }
0xe5: {  	v29 =	vperm.xlane v11, v17;
	v54 =	vsel vm14, $0x40, v12;
	vm14 =	vlt.s32 v10, v60  }
0xe6: {  	v63 =	vperm.xlane v6, v24;
	vm14 =	vmand vm15, vm14;
	vm15 =	vge.s32 v10, v28  }
0xe7: {  	v28 =	vperm.xlane v11, v21;
	v55 =	vsel vm14, $0x80, v12;
	vm14 =	vlt.s32 v10, v29  }
0xe8: {  	v62 =	vperm.xlane v11, v22;
	v29 =	vperm.xlane v6, v22;
	vm14 =	vmand vm15, vm14  }
0xe9: {  	vm15 =	vge.s32 v10, v61;
	v56 =	vsel vm14, $0x100, v12;
	vm14 =	vlt.s32 v10, v28  }
0xea: {  	v28 =	vperm.xlane v6, v23;
	vm14 =	vmand vm15, vm14;
	vm15 =	vge.s32 v10, v29  }
0xeb: {  	v29 =	vperm.xlane v11, v23;
	v57 =	vsel vm14, $0x200, v12;
	vm14 =	vlt.s32 v10, v62  }
0xec: {  	vm13 =	vge.s32 v10, v34;
	vm14 =	vmand vm15, vm14;
	vm15 =	vge.s32 v10, v28  }
0xed: {  	v28 =	vperm.xlane v11, v24;
	v58 =	vsel vm14, $0x400, v12;
	vm14 =	vlt.s32 v10, v29  }
0xee: {  	v34 =	vperm.xlane v11, v25;
	v29 =	vperm.xlane v6, v25;
	vm14 =	vmand vm15, vm14  }
0xef: {  	vm15 =	vge.s32 v10, v63;
	v59 =	vsel vm14, $0x800, v12;
	vm14 =	vlt.s32 v10, v28  }
0xf0: {  	v28 =	vperm.xlane v6, v26;
	vm14 =	vmand vm15, vm14;
	vm15 =	vge.s32 v10, v29  }
0xf1: {  	v29 =	vperm.xlane v11, v26;
	v60 =	vsel vm14, $0x1000, v12;
	vm14 =	vlt.s32 v10, v34  }
0xf2: {  	v6 =	vperm.xlane v6, v27;
	v11 =	vperm.xlane v11, v27;
	vm14 =	vmand vm15, vm14  }
0xf3: {  	vm15 =	vge.s32 v10, v28;
	v28 =	vsel vm14, $0x2000, v12;
	vm14 =	vlt.s32 v10, v29  }
0xf4: {  	v63 =	vperm.xlane v42, v13;
	vm14 =	vmand vm15, vm14;
	vm15 =	vge.s32 v10, v6  }
0xf5: {  	v6 =	vsel vm14, $0x4000, v12;
	vm14 =	vlt.s32 v10, v11;
	v11 =	vor.u32 v31, v32  }
0xf6: {  	v29 =	vperm.xlane v42, v12;
	vm14 =	vmand vm15, vm14;
	v11 =	vor.u32 v33, v11  }
0xf7: {  	vm15 =	vge.s32 v10, v51;
	v30 =	vsel vm14, $0x8000, v12;
	v11 =	vor.u32 v50, v11  }
0xf8: {  	vm14 =	vlt.s32 v10, v29;
	v29 =	vperm.xlane v42, v15;
	v11 =	vor.u32 v52, v11  }
0xf9: {  	vm14 =	vmand vm15, vm14;
	vm15 =	vge.s32 v10, v49;
	v11 =	vor.u32 v53, v11  }
0xfa: {  	v52 =	vperm.xlane v42, v18;
	v53 =	vperm.xlane v42, v14;
	v11 =	vor.u32 v54, v11  }
0xfb: {  	v54 =	vsel vm14, $0x10000, v12;
	vm14 =	vlt.s32 v10, v63;
	v11 =	vor.u32 v55, v11  }
0xfc: {  	v55 =	vperm.xlane v42, v16;
	vm14 =	vmand vm15, vm14;
	v11 =	vor.u32 v56, v11  }
0xfd: {  	vm15 =	vlt.s32 v10, v53;
	v61 =	vsel vm14, $0x20000, v12;
	v11 =	vor.u32 v57, v11  }
0xfe: {  	vm14 =	vlt.s32 v10, v48;
	vm13 =	vmand vm13, vm15;
	v11 =	vor.u32 v58, v11  }
0xff: {  	vm15 =	vlt.s32 v10, v55;
	v62 =	vsel vm13, $0x40000, v12;
	v11 =	vor.u32 v59, v11  }
0x100: {  	vm13 =	vlt.s32 v10, v45;
	vm12 =	vmand vm12, vm15;
	v11 =	vor.u32 v60, v11  }
0x101: {  	vm15 =	vlt.s32 v10, v29;
	vm3 =	vmand vm3, vm13;
	v11 =	vor.u32 v28, v11  }
0x102: {  	vm11 =	vmand vm11, vm15;
	vm15 =	vlt.s32 v10, v52;
	v6 =	vor.u32 v6, v11  }
0x103: {  	vm10 =	vmand vm10, vm15;
	vm15 =	vlt.s32 v10, v47;
	v6 =	vor.u32 v30, v6  }
0x104: {  	v28 =	vsel vm12, $0x80000, v12;
	vm12 =	vlt.s32 v10, v44;
	v6 =	vor.u32 v54, v6  }
0x105: {  	v29 =	vsel vm10, $0x200000, v12;
	vm10 =	vlt.s32 v10, v43;
	v6 =	vor.u32 v61, v6  }
0x106: {  	vm9 =	vmand vm9, vm15;
	vm15 =	vlt.s32 v10, v46;
	v6 =	vor.u32 v62, v6  }
0x107: {  	v11 =	vsel vm11, $0x100000, v12;
	vm8 =	vmand vm8, vm15;
	v6 =	vor.u32 v28, v6  }
0x108: {  	vm15 =	vlt.s32 v10, v40;
	vm6 =	vmand vm6, vm10;
	v6 =	vor.u32 v11, v6  }
0x109: {  	vm7 =	vmand vm7, vm15;
	v28 =	vsel vm9, $0x400000, v12;
	v6 =	vor.u32 v29, v6  }
0x10a: {  	vm9 =	vlt.s32 v10, v39;
	v11 =	vsel vm8, $0x800000, v12;
	v6 =	vor.u32 v28, v6  }
0x10b: {  	vm8 =	vlt.s32 v10, v38;
	v28 =	vsel vm7, $0x1000000, v12;
	v6 =	vor.u32 v11, v6  }
0x10c: {  	vm5 =	vmand vm5, vm9;
	v11 =	vsel vm6, $0x2000000, v12;
	v6 =	vor.u32 v28, v6  }
0x10d: {  	vm4 =	vmand vm4, vm8;
	v28 =	vsel vm5, $0x4000000, v12;
	v6 =	vor.u32 v11, v6  }
0x10e: {  	vm11 =	vlt.s32 v10, v41;
	v11 =	vsel vm4, $0x8000000, v12;
	v6 =	vor.u32 v28, v6  }
0x10f: {  	vm2 =	vmand vm2, vm12;
	v28 =	vsel vm3, $0x10000000, v12;
	v6 =	vor.u32 v11, v6  }
0x110: {  	vm1 =	vmand vm1, vm11;
	v11 =	vsel vm2, $0x20000000, v12;
	v6 =	vor.u32 v28, v6  }
0x111: {  	vm0 =	vmand vm0, vm14;
	v28 =	vsel vm1, $0x40000000, v12;
	v6 =	vor.u32 v11, v6  }
0x112: {  	v11 =	vsel vm0, $0x80000000, v12;
	v6 =	vor.u32 v28, v6  }
0x113: {  	s18 =	simm.s32 $0x2400;
	v6 =	vor.u32 v11, v6  }
0x114: {  	s31 =	simm.s32 $0x20;
	[tilespmem:s18+$0x0] =	vst v6  }
0x115: {  	v38 =	vld [tilespmem:s31+$0x1C10];
	_ =	sdelay $0x4  }
0x116: {  	v3 =	vperm.xlane v38, v26  }
0x117: {  	v6 =	vld [tilespmem:s31+$0x1410]  }
0x118: {  	[tilespmem:$0x1FDC0] =	vst v3;
	v3 =	vperm.xlane v38, v24;
	_ =	sdelay $0x1  }
0x119: {  	[tilespmem:$0x1FD80] =	vst v3;
	v3 =	vperm.xlane v38, v25;
	_ =	sdelay $0x1  }
0x11a: {  	v41 =	vperm.xlane v6, v20;
	[tilespmem:$0x1FDA0] =	vst v3;
	v3 =	vperm.xlane v38, v15;
	_ =	sdelay $0x1  }
0x11b: {  	v40 =	vperm.xlane v6, v19;
	vm0 =	vge.s32 v10, v41;
	[tilespmem:$0x1FE80] =	vst v3;
	v3 =	vimm.s32 $0x0  }
0x11c: {  	v3 =	vsel vm0, $0xFFFFFFFF, v3  }
0x11d: {  	v43 =	vperm.xlane v6, v18;
	vm0 =	vge.s32 v10, v40;
	[tilespmem:$0x1FCE0] =	vst v3;
	v3 =	vimm.s32 $0x0  }
0x11e: {  	v3 =	vsel vm0, $0xFFFFFFFF, v3  }
0x11f: {  	v42 =	vperm.xlane v6, v15;
	vm0 =	vge.s32 v10, v43;
	[tilespmem:$0x1FCF0] =	vst v3;
	v3 =	vimm.s32 $0x0  }
0x120: {  	v11 =	vperm.xlane v6, v26;
	v3 =	vsel vm0, $0xFFFFFFFF, v3  }
0x121: {  	v45 =	vperm.xlane v6, v16;
	vm0 =	vge.s32 v10, v42;
	[tilespmem:$0x1FD00] =	vst v3;
	v3 =	vimm.s32 $0x0  }
0x122: {  	v28 =	vperm.xlane v6, v27;
	v29 =	vperm.xlane v6, v24;
	v3 =	vsel vm0, $0xFFFFFFFF, v3  }
0x123: {  	v44 =	vperm.xlane v6, v14;
	vm0 =	vge.s32 v10, v45;
	[tilespmem:$0x1FD10] =	vst v3;
	v3 =	vimm.s32 $0x0  }
0x124: {  	v63 =	vperm.xlane v6, v25;
	v31 =	vperm.xlane v6, v22;
	v3 =	vsel vm0, $0xFFFFFFFF, v3  }
0x125: {  	v51 =	vperm.xlane v6, v13;
	vm0 =	vge.s32 v10, v44;
	[tilespmem:$0x1FD20] =	vst v3;
	v3 =	vimm.s32 $0x0  }
0x126: {  	v32 =	vperm.xlane v6, v23;
	v33 =	vperm.xlane v6, v17;
	v3 =	vsel vm0, $0xFFFFFFFF, v3  }
0x127: {  	v50 =	vperm.xlane v6, v12;
	vm0 =	vge.s32 v10, v51;
	[tilespmem:$0x1FD30] =	vst v3;
	v3 =	vimm.s32 $0x0  }
0x128: {  	v39 =	vperm.xlane v6, v21;
	v6 =	vperm.xlane v38, v27;
	v3 =	vsel vm0, $0xFFFFFFFF, v3  }
0x129: {  	vm0 =	vge.s32 v10, v50;
	[tilespmem:$0x1FD40] =	vst v3;
	v3 =	vimm.s32 $0x0  }
0x12a: {  	[tilespmem:$0x1FD60] =	vst v6;
	v3 =	vsel vm0, $0xFFFFFFFF, v3  }
0x12b: {  	[tilespmem:$0x1FD50] =	vst v3;
	v3 =	vld [tilespmem:$0x1FD60];
	_ =	sdelay $0x4  }
0x12c: {  	vm0 =	vlt.s32 v10, v3;
	v3 =	vimm.s32 $0x0  }
0x12d: {  	v3 =	vsel vm0, $0xFFFFFFFF, v3  }
0x12e: {  	[tilespmem:$0x1FD70] =	vst v3;
	v3 =	vld [tilespmem:$0x1FD80];
	_ =	sdelay $0x4  }
0x12f: {  	vm0 =	vlt.s32 v10, v3;
	v3 =	vimm.s32 $0x0  }
0x130: {  	v3 =	vsel vm0, $0xFFFFFFFF, v3  }
0x131: {  	[tilespmem:$0x1FD90] =	vst v3;
	v3 =	vld [tilespmem:$0x1FDA0];
	_ =	sdelay $0x4  }
0x132: {  	vm0 =	vlt.s32 v10, v3;
	v3 =	vimm.s32 $0x0  }
0x133: {  	v3 =	vsel vm0, $0xFFFFFFFF, v3  }
0x134: {  	[tilespmem:$0x1FDB0] =	vst v3;
	v3 =	vld [tilespmem:$0x1FDC0];
	_ =	sdelay $0x4  }
0x135: {  	v59 =	vperm.xlane v38, v21;
	vm0 =	vlt.s32 v10, v3;
	v3 =	vimm.s32 $0x0  }
0x136: {  	v6 =	vperm.xlane v38, v22;
	v3 =	vsel vm0, $0xFFFFFFFF, v3  }
0x137: {  	vm0 =	vlt.s32 v10, v59;
	[tilespmem:$0x1FDD0] =	vst v3;
	v3 =	vimm.s32 $0x0  }
0x138: {  	[tilespmem:$0x1FDF0] =	vst v6;
	v3 =	vsel vm0, $0xFFFFFFFF, v3  }
0x139: {  	[tilespmem:$0x1FDE0] =	vst v3;
	v3 =	vld [tilespmem:$0x1FDF0];
	_ =	sdelay $0x3  }
0x13a: {  	v6 =	vperm.xlane v38, v23  }
0x13b: {  	vm0 =	vlt.s32 v10, v3;
	v3 =	vimm.s32 $0x0  }
0x13c: {  	[tilespmem:$0x1FE10] =	vst v6;
	v3 =	vsel vm0, $0xFFFFFFFF, v3  }
0x13d: {  	[tilespmem:$0x1FE00] =	vst v3;
	v3 =	vld [tilespmem:$0x1FE10];
	_ =	sdelay $0x4  }
0x13e: {  	v57 =	vperm.xlane v38, v20;
	vm0 =	vlt.s32 v10, v3;
	v3 =	vimm.s32 $0x0  }
0x13f: {  	v3 =	vsel vm0, $0xFFFFFFFF, v3  }
0x140: {  	v34 =	vperm.xlane v38, v17;
	vm0 =	vlt.s32 v10, v57;
	[tilespmem:$0x1FE20] =	vst v3;
	v3 =	vimm.s32 $0x0  }
0x141: {  	v6 =	vperm.xlane v38, v19;
	v3 =	vsel vm0, $0xFFFFFFFF, v3  }
0x142: {  	vm0 =	vlt.s32 v10, v34;
	[tilespmem:$0x1FE30] =	vst v3;
	v3 =	vimm.s32 $0x0  }
0x143: {  	[tilespmem:$0x1FE50] =	vst v6;
	v3 =	vsel vm0, $0xFFFFFFFF, v3  }
0x144: {  	[tilespmem:$0x1FE40] =	vst v3;
	v3 =	vld [tilespmem:$0x1FE50];
	_ =	sdelay $0x4  }
0x145: {  	v60 =	vperm.xlane v38, v18;
	vm0 =	vlt.s32 v10, v3;
	v3 =	vimm.s32 $0x0  }
0x146: {  	v3 =	vsel vm0, $0xFFFFFFFF, v3  }
0x147: {  	vm0 =	vlt.s32 v10, v60;
	[tilespmem:$0x1FE60] =	vst v3;
	v3 =	vimm.s32 $0x0  }
0x148: {  	v3 =	vsel vm0, $0xFFFFFFFF, v3  }
0x149: {  	[tilespmem:$0x1FE70] =	vst v3;
	v3 =	vld [tilespmem:$0x1FE80];
	_ =	sdelay $0x3  }
0x14a: {  	v46 =	vld [tilespmem:s31+$0x1400]  }
0x14b: {  	v56 =	vperm.xlane v38, v16;
	vm0 =	vlt.s32 v10, v3;
	v3 =	vimm.s32 $0x0  }
0x14c: {  	v3 =	vsel vm0, $0xFFFFFFFF, v3  }
0x14d: {  	v62 =	vperm.xlane v38, v14;
	vm0 =	vlt.s32 v10, v56;
	[tilespmem:$0x1FE90] =	vst v3;
	v3 =	vimm.s32 $0x0  }
0x14e: {  	v55 =	vperm.xlane v38, v13;
	v3 =	vsel vm0, $0xFFFFFFFF, v3  }
0x14f: {  	v58 =	vperm.xlane v46, v27;
	vm0 =	vlt.s32 v10, v62;
	[tilespmem:$0x1FEA0] =	vst v3;
	v3 =	vimm.s32 $0x0  }
0x150: {  	v61 =	vperm.xlane v46, v25;
	vm6 =	vge.s32 v10, v63;
	v3 =	vsel vm0, $0xFFFFFFFF, v3  }
0x151: {  	v63 =	vperm.xlane v38, v12;
	vm0 =	vlt.s32 v10, v55;
	[tilespmem:$0x1FEB0] =	vst v3;
	v3 =	vimm.s32 $0x0  }
0x152: {  	v52 =	vperm.xlane v46, v24;
	vm12 =	vge.s32 v10, v31;
	v3 =	vsel vm0, $0xFFFFFFFF, v3  }
0x153: {  	v31 =	vperm.xlane v46, v26;
	vm0 =	vlt.s32 v10, v63;
	[tilespmem:$0x1FEC0] =	vst v3;
	v3 =	vimm.s32 $0x0  }
0x154: {  	v54 =	vperm.xlane v46, v21;
	v53 =	vperm.xlane v46, v22;
	v3 =	vsel vm0, $0xFFFFFFFF, v3  }
0x155: {  	v30 =	vperm.xlane v46, v18;
	vm0 =	vge.s32 v10, v31;
	[tilespmem:$0x1FED0] =	vst v3;
	v3 =	vimm.s32 $0x0  }
0x156: {  	v48 =	vperm.xlane v46, v12;
	vm8 =	vge.s32 v10, v32;
	v3 =	vsel vm0, $0xFFFFFFFF, v3  }
0x157: {  	v32 =	vperm.xlane v46, v23;
	vm0 =	vge.s32 v10, v58;
	[tilespmem:$0x1FEE0] =	vst v3;
	v3 =	vimm.s32 $0x0  }
0x158: {  	v47 =	vperm.xlane v46, v14;
	v49 =	vperm.xlane v46, v13;
	v3 =	vsel vm0, $0xFFFFFFFF, v3  }
0x159: {  	vm5 =	vge.s32 v10, v11;
	vm0 =	vge.s32 v10, v32;
	[tilespmem:$0x1FEF0] =	vst v3;
	v3 =	vimm.s32 $0x0  }
0x15a: {  	vm4 =	vge.s32 v10, v28;
	vm7 =	vge.s32 v10, v29;
	v3 =	vsel vm0, $0xFFFFFFFF, v3  }
0x15b: {  	vm15 =	vge.s32 v10, v33;
	vm0 =	vge.s32 v10, v52;
	[tilespmem:$0x1FF00] =	vst v3;
	v3 =	vimm.s32 $0x0  }
0x15c: {  	v33 =	vperm.xlane v46, v20;
	vm13 =	vge.s32 v10, v39;
	v3 =	vsel vm0, $0xFFFFFFFF, v3  }
0x15d: {  	v41 =	vld [tilespmem:s31+$0x1C00];
	v6 =	vperm.xlane v46, v17;
	vm0 =	vge.s32 v10, v61;
	[tilespmem:$0x1FF10] =	vst v3;
	v3 =	vimm.s32 $0x0  }
0x15e: {  	v11 =	vperm.xlane v46, v19;
	v29 =	vperm.xlane v46, v16;
	v3 =	vsel vm0, $0xFFFFFFFF, v3  }
0x15f: {  	v28 =	vperm.xlane v46, v15;
	vm0 =	vge.s32 v10, v6;
	[tilespmem:$0x1FF20] =	vst v3;
	v3 =	vimm.s32 $0x0  }
0x160: {  	vm10 =	vge.s32 v10, v30;
	vm9 =	vge.s32 v10, v11;
	v3 =	vsel vm0, $0xFFFFFFFF, v3  }
0x161: {  	vm11 =	vge.s32 v10, v28;
	vm0 =	vge.s32 v10, v54;
	[tilespmem:$0x1FF30] =	vst v3;
	v3 =	vimm.s32 $0x0  }
0x162: {  	v39 =	vperm.xlane v41, v26;
	v38 =	vperm.xlane v41, v27;
	v3 =	vsel vm0, $0xFFFFFFFF, v3  }
0x163: {  	v46 =	vperm.xlane v41, v17;
	vm0 =	vge.s32 v10, v53;
	[tilespmem:$0x1FF40] =	vst v3;
	v3 =	vimm.s32 $0x0  }
0x164: {  	v40 =	vperm.xlane v41, v24;
	v43 =	vperm.xlane v41, v23;
	v3 =	vsel vm0, $0xFFFFFFFF, v3  }
0x165: {  	v42 =	vperm.xlane v41, v25;
	vm0 =	vge.s32 v10, v33;
	[tilespmem:$0x1FF50] =	vst v3;
	v3 =	vimm.s32 $0x0  }
0x166: {  	v45 =	vperm.xlane v41, v21;
	v44 =	vperm.xlane v41, v22;
	v3 =	vsel vm0, $0xFFFFFFFF, v3  }
0x167: {  	s19 =	simm.s32 $0x100;
	vm14 =	vge.s32 v10, v29;
	v51 =	vperm.xlane v41, v20;
	v50 =	vperm.xlane v41, v19;
	[tilespmem:$0x1FF60] =	vst v3  }
.LBB2_6:
0x168: {  	v3 =	vimm.s32 $0x0  }
0x169: {  	v3 =	vsel vm8, $0xFFFFFFFF, v3  }
0x16a: {  	[tilespmem:$0x1FC90] =	vst v3;
	v3 =	vimm.s32 $0x0  }
0x16b: {  	v3 =	vsel vm13, $0xFFFFFFFF, v3  }
0x16c: {  	[tilespmem:$0x1FC70] =	vst v3;
	v3 =	vimm.s32 $0x0  }
0x16d: {  	v3 =	vsel vm12, $0xFFFFFFFF, v3  }
0x16e: {  	[tilespmem:$0x1FC80] =	vst v3;
	v3 =	vimm.s32 $0x0  }
0x16f: {  	v3 =	vsel vm7, $0xFFFFFFFF, v3  }
0x170: {  	[tilespmem:$0x1FCA0] =	vst v3;
	v3 =	vimm.s32 $0x0  }
0x171: {  	v3 =	vsel vm15, $0xFFFFFFFF, v3  }
0x172: {  	[tilespmem:$0x1FC60] =	vst v3;
	v3 =	vimm.s32 $0x0  }
0x173: {  	v3 =	vsel vm6, $0xFFFFFFFF, v3  }
0x174: {  	[tilespmem:$0x1FCB0] =	vst v3;
	v3 =	vimm.s32 $0x0  }
0x175: {  	v3 =	vsel vm5, $0xFFFFFFFF, v3  }
0x176: {  	[tilespmem:$0x1FCC0] =	vst v3;
	v3 =	vimm.s32 $0x0  }
0x177: {  	v3 =	vsel vm4, $0xFFFFFFFF, v3  }
0x178: {  	vm0 =	vlt.s32 v10, v42;
	[tilespmem:$0x1FCD0] =	vst v3;
	v3 =	vimm.s32 $0x0  }
0x179: {  	v6 =	vperm.xlane v41, v15;
	v11 =	vperm.xlane v41, v18;
	v3 =	vsel vm0, $0xFFFFFFFF, v3  }
0x17a: {  	v28 =	vperm.xlane v41, v14;
	vm0 =	vlt.s32 v10, v39;
	[tilespmem:$0x1FC30] =	vst v3;
	v3 =	vimm.s32 $0x0  }
0x17b: {  	v29 =	vperm.xlane v41, v16;
	v31 =	vperm.xlane v41, v13;
	v3 =	vsel vm0, $0xFFFFFFFF, v3  }
0x17c: {  	v30 =	vperm.xlane v41, v12;
	vm0 =	vlt.s32 v10, v38;
	[tilespmem:$0x1FC40] =	vst v3;
	v3 =	vimm.s32 $0x0  }
0x17d: {  	vm1 =	vlt.s32 v10, v50;
	vm8 =	vlt.s32 v10, v31;
	v3 =	vsel vm0, $0xFFFFFFFF, v3  }
0x17e: {  	vm2 =	vlt.s32 v10, v29;
	vm0 =	vlt.s32 v10, v44;
	[tilespmem:$0x1FC50] =	vst v3;
	v3 =	vimm.s32 $0x0  }
0x17f: {  	vm2 =	vmand vm14, vm2;
	vm7 =	vlt.s32 v10, v30;
	v3 =	vsel vm0, $0xFFFFFFFF, v3  }
0x180: {  	vm5 =	vge.s32 v10, v48;
	vm0 =	vlt.s32 v10, v43;
	[tilespmem:$0x1FC00] =	vst v3;
	v3 =	vimm.s32 $0x0  }
0x181: {  	vm15 =	vge.s32 v10, v49;
	vm5 =	vmand vm5, vm7;
	v3 =	vsel vm0, $0xFFFFFFFF, v3  }
0x182: {  	vm7 =	vmand vm15, vm8;
	vm0 =	vlt.s32 v10, v40;
	[tilespmem:$0x1FC10] =	vst v3;
	v3 =	vimm.s32 $0x0  }
0x183: {  	vm8 =	vlt.s32 v10, v28;
	vm4 =	vge.s32 v10, v47;
	v3 =	vsel vm0, $0xFFFFFFFF, v3  }
0x184: {  	vm6 =	vlt.s32 v10, v11;
	v11 =	vsel vm7, $0x2, v12;
	vm4 =	vmand vm4, vm8;
	[tilespmem:$0x1FC20] =	vst v3;
	v3 =	vld [tilespmem:$0x1FF60]  }
0x185: {  	v28 =	vsel vm4, $0x4, v12;
	vm0 =	vlt.s32 v10, v6;
	v6 =	vsel vm5, $0x1, v12  }
0x186: {  	v6 =	vor.u32 v6, v11;
	v11 =	vsel vm2, $0x8, v12;
	vm0 =	vmand vm11, vm0  }
0x187: {  	v6 =	vor.u32 v28, v6;
	v28 =	vsel vm0, $0x10, v12;
	vm0 =	vmand vm10, vm6  }
0x188: {  	v6 =	vor.u32 v11, v6;
	v11 =	vsel vm0, $0x20, v12;
	vm0 =	vmand vm9, vm1  }
0x189: {  	v6 =	vor.u32 v28, v6;
	v28 =	vsel vm0, $0x40, v12;
	vm0 =	vnez.u8 v3;
	v3 =	vld [tilespmem:$0x1FF30];
	_ =	sdelay $0x2  }
0x18a: {  	vm13 =	vlt.s32 v10, v51  }
0x18b: {  	vm0 =	vmand vm0, vm13  }
0x18c: {  	v6 =	vor.u32 v11, v6;
	v11 =	vsel vm0, $0x80, v12;
	vm0 =	vnez.u8 v3;
	v3 =	vld [tilespmem:$0x1FF40];
	_ =	sdelay $0x2  }
0x18d: {  	vm12 =	vlt.s32 v10, v46  }
0x18e: {  	vm0 =	vmand vm0, vm12  }
0x18f: {  	v6 =	vor.u32 v28, v6;
	v28 =	vsel vm0, $0x100, v12;
	vm0 =	vnez.u8 v3;
	v3 =	vld [tilespmem:$0x1FF50];
	_ =	sdelay $0x2  }
0x190: {  	vm3 =	vlt.s32 v10, v45  }
0x191: {  	vm0 =	vmand vm0, vm3  }
0x192: {  	v6 =	vor.u32 v11, v6;
	v11 =	vsel vm0, $0x200, v12;
	vm0 =	vnez.u8 v3;
	v3 =	vld [tilespmem:$0x1FC00];
	_ =	sdelay $0x4  }
0x193: {  	vm1 =	vnez.u8 v3;
	v3 =	vld [tilespmem:$0x1FF00];
	_ =	sdelay $0x3  }
0x194: {  	vm0 =	vmand vm0, vm1  }
0x195: {  	v6 =	vor.u32 v28, v6;
	v28 =	vsel vm0, $0x400, v12;
	vm0 =	vnez.u8 v3;
	v3 =	vld [tilespmem:$0x1FC10];
	_ =	sdelay $0x4  }
0x196: {  	vm1 =	vnez.u8 v3;
	v3 =	vld [tilespmem:$0x1FF10];
	_ =	sdelay $0x3  }
0x197: {  	vm0 =	vmand vm0, vm1  }
0x198: {  	v6 =	vor.u32 v11, v6;
	v11 =	vsel vm0, $0x800, v12;
	vm0 =	vnez.u8 v3;
	v3 =	vld [tilespmem:$0x1FC20];
	_ =	sdelay $0x4  }
0x199: {  	vm1 =	vnez.u8 v3;
	v3 =	vld [tilespmem:$0x1FF20];
	_ =	sdelay $0x3  }
0x19a: {  	vm0 =	vmand vm0, vm1  }
0x19b: {  	v6 =	vor.u32 v28, v6;
	v28 =	vsel vm0, $0x1000, v12;
	vm0 =	vnez.u8 v3;
	v3 =	vld [tilespmem:$0x1FC30];
	_ =	sdelay $0x4  }
0x19c: {  	vm1 =	vnez.u8 v3;
	v3 =	vld [tilespmem:$0x1FEE0];
	_ =	sdelay $0x3  }
0x19d: {  	vm0 =	vmand vm0, vm1  }
0x19e: {  	v6 =	vor.u32 v11, v6;
	v11 =	vsel vm0, $0x2000, v12;
	vm0 =	vnez.u8 v3;
	v3 =	vld [tilespmem:$0x1FC40];
	_ =	sdelay $0x4  }
0x19f: {  	vm1 =	vnez.u8 v3;
	v3 =	vld [tilespmem:$0x1FEF0];
	_ =	sdelay $0x3  }
0x1a0: {  	vm0 =	vmand vm0, vm1  }
0x1a1: {  	v6 =	vor.u32 v28, v6;
	v28 =	vsel vm0, $0x4000, v12;
	vm0 =	vnez.u8 v3;
	v3 =	vld [tilespmem:$0x1FC50];
	_ =	sdelay $0x4  }
0x1a2: {  	vm1 =	vnez.u8 v3;
	v3 =	vld [tilespmem:$0x1FD50];
	_ =	sdelay $0x3  }
0x1a3: {  	vm0 =	vmand vm0, vm1  }
0x1a4: {  	v6 =	vor.u32 v11, v6;
	v11 =	vsel vm0, $0x8000, v12;
	vm0 =	vnez.u8 v3;
	v3 =	vld [tilespmem:$0x1FED0];
	_ =	sdelay $0x4  }
0x1a5: {  	vm1 =	vnez.u8 v3;
	v3 =	vld [tilespmem:$0x1FD40];
	_ =	sdelay $0x3  }
0x1a6: {  	vm0 =	vmand vm0, vm1  }
0x1a7: {  	v6 =	vor.u32 v28, v6;
	v28 =	vsel vm0, $0x10000, v12;
	vm0 =	vnez.u8 v3;
	v3 =	vld [tilespmem:$0x1FEC0];
	_ =	sdelay $0x4  }
0x1a8: {  	vm1 =	vnez.u8 v3;
	v3 =	vld [tilespmem:$0x1FD30];
	_ =	sdelay $0x3  }
0x1a9: {  	vm0 =	vmand vm0, vm1  }
0x1aa: {  	v6 =	vor.u32 v11, v6;
	v11 =	vsel vm0, $0x20000, v12;
	vm0 =	vnez.u8 v3;
	v3 =	vld [tilespmem:$0x1FEB0];
	_ =	sdelay $0x4  }
0x1ab: {  	vm1 =	vnez.u8 v3;
	v3 =	vld [tilespmem:$0x1FD20];
	_ =	sdelay $0x3  }
0x1ac: {  	vm0 =	vmand vm0, vm1  }
0x1ad: {  	v6 =	vor.u32 v28, v6;
	v28 =	vsel vm0, $0x40000, v12;
	vm0 =	vnez.u8 v3;
	v3 =	vld [tilespmem:$0x1FEA0];
	_ =	sdelay $0x4  }
0x1ae: {  	vm1 =	vnez.u8 v3;
	v3 =	vld [tilespmem:$0x1FD10];
	_ =	sdelay $0x3  }
0x1af: {  	vm0 =	vmand vm0, vm1  }
0x1b0: {  	v6 =	vor.u32 v11, v6;
	v11 =	vsel vm0, $0x80000, v12;
	vm0 =	vnez.u8 v3;
	v3 =	vld [tilespmem:$0x1FE90];
	_ =	sdelay $0x4  }
0x1b1: {  	vm1 =	vnez.u8 v3;
	v3 =	vld [tilespmem:$0x1FD00];
	_ =	sdelay $0x3  }
0x1b2: {  	vm0 =	vmand vm0, vm1  }
0x1b3: {  	v6 =	vor.u32 v28, v6;
	v28 =	vsel vm0, $0x100000, v12;
	vm0 =	vnez.u8 v3;
	v3 =	vld [tilespmem:$0x1FE70];
	_ =	sdelay $0x4  }
0x1b4: {  	vm1 =	vnez.u8 v3;
	v3 =	vld [tilespmem:$0x1FCF0];
	_ =	sdelay $0x3  }
0x1b5: {  	vm0 =	vmand vm0, vm1  }
0x1b6: {  	v6 =	vor.u32 v11, v6;
	v11 =	vsel vm0, $0x200000, v12;
	vm0 =	vnez.u8 v3;
	v3 =	vld [tilespmem:$0x1FE60];
	_ =	sdelay $0x4  }
0x1b7: {  	vm1 =	vnez.u8 v3;
	v3 =	vld [tilespmem:$0x1FCE0];
	_ =	sdelay $0x3  }
0x1b8: {  	vm0 =	vmand vm0, vm1  }
0x1b9: {  	v6 =	vor.u32 v28, v6;
	v28 =	vsel vm0, $0x400000, v12;
	vm0 =	vnez.u8 v3;
	v3 =	vld [tilespmem:$0x1FE30];
	_ =	sdelay $0x4  }
0x1ba: {  	vm1 =	vnez.u8 v3;
	v3 =	vld [tilespmem:$0x1FE40];
	_ =	sdelay $0x3  }
0x1bb: {  	vm0 =	vmand vm0, vm1  }
0x1bc: {  	v6 =	vor.u32 v11, v6;
	v11 =	vsel vm0, $0x800000, v12;
	vm0 =	vnez.u8 v3;
	v3 =	vld [tilespmem:$0x1FC60];
	_ =	sdelay $0x4  }
0x1bd: {  	vm1 =	vnez.u8 v3;
	v3 =	vld [tilespmem:$0x1FDE0];
	_ =	sdelay $0x3  }
0x1be: {  	vm0 =	vmand vm1, vm0  }
0x1bf: {  	v6 =	vor.u32 v28, v6;
	v28 =	vsel vm0, $0x1000000, v12;
	vm0 =	vnez.u8 v3;
	v3 =	vld [tilespmem:$0x1FC70];
	_ =	sdelay $0x4  }
0x1c0: {  	vm1 =	vnez.u8 v3;
	v3 =	vld [tilespmem:$0x1FE00];
	_ =	sdelay $0x3  }
0x1c1: {  	vm0 =	vmand vm1, vm0  }
0x1c2: {  	v6 =	vor.u32 v11, v6;
	v11 =	vsel vm0, $0x2000000, v12;
	vm0 =	vnez.u8 v3;
	v3 =	vld [tilespmem:$0x1FC80];
	_ =	sdelay $0x4  }
0x1c3: {  	vm1 =	vnez.u8 v3;
	v3 =	vld [tilespmem:$0x1FE20];
	_ =	sdelay $0x3  }
0x1c4: {  	vm0 =	vmand vm1, vm0  }
0x1c5: {  	v6 =	vor.u32 v28, v6;
	v28 =	vsel vm0, $0x4000000, v12;
	vm0 =	vnez.u8 v3;
	v3 =	vld [tilespmem:$0x1FC90];
	_ =	sdelay $0x4  }
0x1c6: {  	vm1 =	vnez.u8 v3;
	v3 =	vld [tilespmem:$0x1FD90];
	_ =	sdelay $0x3  }
0x1c7: {  	vm0 =	vmand vm1, vm0  }
0x1c8: {  	v6 =	vor.u32 v11, v6;
	v11 =	vsel vm0, $0x8000000, v12;
	vm0 =	vnez.u8 v3;
	v3 =	vld [tilespmem:$0x1FCA0];
	_ =	sdelay $0x4  }
0x1c9: {  	vm1 =	vnez.u8 v3;
	v3 =	vld [tilespmem:$0x1FDB0];
	_ =	sdelay $0x3  }
0x1ca: {  	vm0 =	vmand vm1, vm0  }
0x1cb: {  	v6 =	vor.u32 v28, v6;
	v28 =	vsel vm0, $0x10000000, v12;
	vm0 =	vnez.u8 v3;
	v3 =	vld [tilespmem:$0x1FCB0];
	_ =	sdelay $0x4  }
0x1cc: {  	vm1 =	vnez.u8 v3;
	v3 =	vld [tilespmem:$0x1FDD0];
	_ =	sdelay $0x3  }
0x1cd: {  	vm0 =	vmand vm1, vm0  }
0x1ce: {  	v6 =	vor.u32 v11, v6;
	v11 =	vsel vm0, $0x20000000, v12;
	vm0 =	vnez.u8 v3;
	v3 =	vld [tilespmem:$0x1FCC0];
	_ =	sdelay $0x4  }
0x1cf: {  	vm1 =	vnez.u8 v3;
	v3 =	vld [tilespmem:$0x1FD70];
	_ =	sdelay $0x3  }
0x1d0: {  	vm0 =	vmand vm1, vm0  }
0x1d1: {  	v6 =	vor.u32 v28, v6;
	v28 =	vsel vm0, $0x40000000, v12;
	vm0 =	vnez.u8 v3;
	v3 =	vld [tilespmem:$0x1FCD0];
	_ =	sdelay $0x4  }
0x1d2: {  	vm1 =	vnez.u8 v3  }
0x1d3: {  	v6 =	vor.u32 v11, v6;
	vm0 =	vmand vm1, vm0  }
0x1d4: {  	v6 =	vor.u32 v28, v6;
	v11 =	vsel vm0, $0x80000000, v12  }
0x1d5: {  	s18 =	sadd.s32 $0x80, s18;
	v6 =	vor.u32 v11, v6  }
0x1d6: {  	s20 =	sshra.s32 s19, $0x2;
	[tilespmem:s18+$0x0] =	vst v6  }
0x1d7: {  	v6 =	vld [tilespmem:s20+$0x1410];
	_ =	sdelay $0x4  }
0x1d8: {  	v53 =	vperm.xlane v6, v20;
	_ =	sdelay $0x1  }
0x1d9: {  	v3 =	vimm.s32 $0x0;
	v52 =	vperm.xlane v6, v19;
	vm0 =	vge.s32 v10, v53  }
0x1da: {  	v11 =	vperm.xlane v6, v26;
	v3 =	vsel vm0, $0xFFFFFFFF, v3  }
0x1db: {  	v55 =	vperm.xlane v6, v18;
	vm0 =	vge.s32 v10, v52;
	[tilespmem:$0x1FCE0] =	vst v3;
	v3 =	vimm.s32 $0x0  }
0x1dc: {  	v28 =	vperm.xlane v6, v27;
	v29 =	vperm.xlane v6, v24;
	v3 =	vsel vm0, $0xFFFFFFFF, v3  }
0x1dd: {  	v54 =	vperm.xlane v6, v15;
	vm0 =	vge.s32 v10, v55;
	[tilespmem:$0x1FCF0] =	vst v3;
	v3 =	vimm.s32 $0x0  }
0x1de: {  	v49 =	vperm.xlane v6, v25;
	v50 =	vperm.xlane v6, v22;
	v3 =	vsel vm0, $0xFFFFFFFF, v3  }
0x1df: {  	v58 =	vperm.xlane v6, v16;
	vm0 =	vge.s32 v10, v54;
	[tilespmem:$0x1FD00] =	vst v3;
	v3 =	vimm.s32 $0x0  }
0x1e0: {  	v32 =	vperm.xlane v6, v23;
	v33 =	vperm.xlane v6, v17;
	v3 =	vsel vm0, $0xFFFFFFFF, v3  }
0x1e1: {  	v57 =	vperm.xlane v6, v14;
	vm0 =	vge.s32 v10, v58;
	[tilespmem:$0x1FD10] =	vst v3;
	v3 =	vimm.s32 $0x0  }
0x1e2: {  	v56 =	vld [tilespmem:s20+$0x1C10];
	v51 =	vperm.xlane v6, v21;
	v59 =	vperm.xlane v6, v12;
	v3 =	vsel vm0, $0xFFFFFFFF, v3  }
0x1e3: {  	v6 =	vperm.xlane v6, v13;
	vm0 =	vge.s32 v10, v57;
	[tilespmem:$0x1FD20] =	vst v3;
	v3 =	vimm.s32 $0x0  }
0x1e4: {  	v3 =	vsel vm0, $0xFFFFFFFF, v3  }
0x1e5: {  	vm0 =	vge.s32 v10, v6;
	[tilespmem:$0x1FD30] =	vst v3;
	v3 =	vimm.s32 $0x0  }
0x1e6: {  	vm4 =	vge.s32 v10, v28;
	v3 =	vsel vm0, $0xFFFFFFFF, v3  }
0x1e7: {  	v28 =	vperm.xlane v56, v27;
	vm0 =	vge.s32 v10, v59;
	[tilespmem:$0x1FD40] =	vst v3;
	v3 =	vimm.s32 $0x0  }
0x1e8: {  	vm7 =	vge.s32 v10, v29;
	v3 =	vsel vm0, $0xFFFFFFFF, v3  }
0x1e9: {  	v29 =	vperm.xlane v56, v24;
	vm0 =	vlt.s32 v10, v28;
	[tilespmem:$0x1FD50] =	vst v3;
	v3 =	vimm.s32 $0x0  }
0x1ea: {  	v3 =	vsel vm0, $0xFFFFFFFF, v3  }
0x1eb: {  	v60 =	vperm.xlane v56, v25;
	vm0 =	vlt.s32 v10, v29;
	[tilespmem:$0x1FD70] =	vst v3;
	v3 =	vimm.s32 $0x0  }
0x1ec: {  	vm5 =	vge.s32 v10, v11;
	v3 =	vsel vm0, $0xFFFFFFFF, v3  }
0x1ed: {  	v11 =	vperm.xlane v56, v26;
	vm0 =	vlt.s32 v10, v60;
	[tilespmem:$0x1FD90] =	vst v3;
	v3 =	vimm.s32 $0x0  }
0x1ee: {  	v3 =	vsel vm0, $0xFFFFFFFF, v3  }
0x1ef: {  	v48 =	vperm.xlane v56, v21;
	vm0 =	vlt.s32 v10, v11;
	[tilespmem:$0x1FDB0] =	vst v3;
	v3 =	vimm.s32 $0x0  }
0x1f0: {  	v3 =	vsel vm0, $0xFFFFFFFF, v3  }
0x1f1: {  	v61 =	vperm.xlane v56, v22;
	vm0 =	vlt.s32 v10, v48;
	[tilespmem:$0x1FDD0] =	vst v3;
	v3 =	vimm.s32 $0x0  }
0x1f2: {  	v3 =	vsel vm0, $0xFFFFFFFF, v3  }
0x1f3: {  	v62 =	vperm.xlane v56, v23;
	vm0 =	vlt.s32 v10, v61;
	[tilespmem:$0x1FDE0] =	vst v3;
	v3 =	vimm.s32 $0x0  }
0x1f4: {  	vm12 =	vge.s32 v10, v50;
	v3 =	vsel vm0, $0xFFFFFFFF, v3  }
0x1f5: {  	v50 =	vperm.xlane v56, v20;
	vm0 =	vlt.s32 v10, v62;
	[tilespmem:$0x1FE00] =	vst v3;
	v3 =	vimm.s32 $0x0  }
0x1f6: {  	v3 =	vsel vm0, $0xFFFFFFFF, v3  }
0x1f7: {  	v63 =	vperm.xlane v56, v17;
	vm0 =	vlt.s32 v10, v50;
	[tilespmem:$0x1FE20] =	vst v3;
	v3 =	vimm.s32 $0x0  }
0x1f8: {  	vm6 =	vge.s32 v10, v49;
	v3 =	vsel vm0, $0xFFFFFFFF, v3  }
0x1f9: {  	v49 =	vperm.xlane v56, v19;
	vm0 =	vlt.s32 v10, v63;
	[tilespmem:$0x1FE30] =	vst v3;
	v3 =	vimm.s32 $0x0  }
0x1fa: {  	vm13 =	vge.s32 v10, v51;
	v3 =	vsel vm0, $0xFFFFFFFF, v3  }
0x1fb: {  	v51 =	vperm.xlane v56, v18;
	vm0 =	vlt.s32 v10, v49;
	[tilespmem:$0x1FE40] =	vst v3;
	v3 =	vimm.s32 $0x0  }
0x1fc: {  	v3 =	vsel vm0, $0xFFFFFFFF, v3  }
0x1fd: {  	v6 =	vperm.xlane v56, v15;
	vm0 =	vlt.s32 v10, v51;
	[tilespmem:$0x1FE60] =	vst v3;
	v3 =	vimm.s32 $0x0  }
0x1fe: {  	v3 =	vsel vm0, $0xFFFFFFFF, v3  }
0x1ff: {  	v53 =	vperm.xlane v56, v16;
	vm0 =	vlt.s32 v10, v6;
	[tilespmem:$0x1FE70] =	vst v3;
	v3 =	vimm.s32 $0x0  }
0x200: {  	v3 =	vsel vm0, $0xFFFFFFFF, v3  }
0x201: {  	v52 =	vperm.xlane v56, v14;
	vm0 =	vlt.s32 v10, v53;
	[tilespmem:$0x1FE90] =	vst v3;
	v3 =	vimm.s32 $0x0  }
0x202: {  	v42 =	vld [tilespmem:s20+$0x1400];
	v3 =	vsel vm0, $0xFFFFFFFF, v3  }
0x203: {  	v43 =	vperm.xlane v56, v13;
	vm0 =	vlt.s32 v10, v52;
	[tilespmem:$0x1FEA0] =	vst v3;
	v3 =	vimm.s32 $0x0  }
0x204: {  	v3 =	vsel vm0, $0xFFFFFFFF, v3  }
0x205: {  	v41 =	vld [tilespmem:s20+$0x1C00];
	v54 =	vperm.xlane v56, v12;
	vm0 =	vlt.s32 v10, v43;
	[tilespmem:$0x1FEB0] =	vst v3;
	v3 =	vimm.s32 $0x0  }
0x206: {  	v3 =	vsel vm0, $0xFFFFFFFF, v3  }
0x207: {  	v29 =	vperm.xlane v42, v26;
	vm0 =	vlt.s32 v10, v54;
	[tilespmem:$0x1FEC0] =	vst v3;
	v3 =	vimm.s32 $0x0  }
0x208: {  	v47 =	vperm.xlane v42, v14;
	v3 =	vsel vm0, $0xFFFFFFFF, v3  }
0x209: {  	v11 =	vperm.xlane v42, v27;
	vm0 =	vge.s32 v10, v29;
	[tilespmem:$0x1FED0] =	vst v3;
	v3 =	vimm.s32 $0x0  }
0x20a: {  	v39 =	vperm.xlane v41, v26;
	v38 =	vperm.xlane v41, v27;
	v3 =	vsel vm0, $0xFFFFFFFF, v3  }
0x20b: {  	v55 =	vperm.xlane v42, v23;
	vm0 =	vge.s32 v10, v11;
	[tilespmem:$0x1FEE0] =	vst v3;
	v3 =	vimm.s32 $0x0  }
0x20c: {  	v40 =	vperm.xlane v41, v24;
	v44 =	vperm.xlane v41, v22;
	v3 =	vsel vm0, $0xFFFFFFFF, v3  }
0x20d: {  	v56 =	vperm.xlane v42, v24;
	vm0 =	vge.s32 v10, v55;
	[tilespmem:$0x1FEF0] =	vst v3;
	v3 =	vimm.s32 $0x0  }
0x20e: {  	v46 =	vperm.xlane v41, v17;
	v45 =	vperm.xlane v41, v21;
	v3 =	vsel vm0, $0xFFFFFFFF, v3  }
0x20f: {  	v28 =	vperm.xlane v42, v25;
	vm0 =	vge.s32 v10, v56;
	[tilespmem:$0x1FF00] =	vst v3;
	v3 =	vimm.s32 $0x0  }
0x210: {  	vm8 =	vge.s32 v10, v32;
	vm15 =	vge.s32 v10, v33;
	v3 =	vsel vm0, $0xFFFFFFFF, v3  }
0x211: {  	v59 =	vperm.xlane v42, v17;
	vm0 =	vge.s32 v10, v28;
	[tilespmem:$0x1FF10] =	vst v3;
	v3 =	vimm.s32 $0x0  }
0x212: {  	v58 =	vperm.xlane v42, v22;
	v60 =	vperm.xlane v42, v18;
	v3 =	vsel vm0, $0xFFFFFFFF, v3  }
0x213: {  	v57 =	vperm.xlane v42, v21;
	vm0 =	vge.s32 v10, v59;
	[tilespmem:$0x1FF20] =	vst v3;
	v3 =	vimm.s32 $0x0  }
0x214: {  	vm10 =	vge.s32 v10, v60;
	v61 =	vperm.xlane v42, v19;
	v3 =	vsel vm0, $0xFFFFFFFF, v3  }
0x215: {  	v48 =	vperm.xlane v42, v12;
	vm0 =	vge.s32 v10, v57;
	[tilespmem:$0x1FF30] =	vst v3;
	v3 =	vimm.s32 $0x0  }
0x216: {  	p0 =	sne.s32 s19, $0xF80;
	v62 =	vperm.xlane v42, v16;
	vm9 =	vge.s32 v10, v61;
	v3 =	vsel vm0, $0xFFFFFFFF, v3  }
.Ltmp4:
0x217: {  	v6 =	vperm.xlane v42, v20;
	vm0 =	vge.s32 v10, v58;
	[tilespmem:$0x1FF40] =	vst v3;
	v3 =	vimm.s32 $0x0;
	(pc) =	sbr.rel @p0 .LBB2_6-.Ltmp4, $4  }
0x218: {  	vm14 =	vge.s32 v10, v62;
	v50 =	vperm.xlane v41, v19;
	v3 =	vsel vm0, $0xFFFFFFFF, v3  }
0x219: {  	v63 =	vperm.xlane v42, v15;
	vm0 =	vge.s32 v10, v6;
	[tilespmem:$0x1FF50] =	vst v3;
	v3 =	vimm.s32 $0x0  }
0x21a: {  	v49 =	vperm.xlane v42, v13;
	v51 =	vperm.xlane v41, v20;
	v3 =	vsel vm0, $0xFFFFFFFF, v3  }
0x21b: {  	s19 =	sadd.s32 $0x80, s19;
	vm11 =	vge.s32 v10, v63;
	v42 =	vperm.xlane v41, v25;
	v43 =	vperm.xlane v41, v23;
	[tilespmem:$0x1FF60] =	vst v3  }
0x21c: {  	v6 =	vperm.xlane v41, v12  }
0x21d: {  	v11 =	vperm.xlane v41, v13;
	vm0 =	vge.s32 v10, v48  }
0x21e: {  	vm1 =	vge.s32 v10, v49;
	v29 =	vperm.xlane v41, v16;
	vm2 =	vlt.s32 v10, v6  }
0x21f: {  	vm3 =	vlt.s32 v10, v11;
	v6 =	vperm.xlane v41, v14;
	vm0 =	vmand vm0, vm2  }
0x220: {  	v30 =	vperm.xlane v41, v15;
	vm1 =	vmand vm1, vm3;
	v11 =	vsel vm0, $0x1, v12  }
0x221: {  	v3 =	vld [tilespmem:$0x1FF60];
	v28 =	vsel vm1, $0x2, v12;
	vm0 =	vge.s32 v10, v47;
	vm1 =	vlt.s32 v10, v6  }
0x222: {  	v6 =	vperm.xlane v41, v18;
	vm0 =	vmand vm0, vm1;
	vm1 =	vlt.s32 v10, v29  }
0x223: {  	v29 =	vsel vm0, $0x4, v12;
	vm0 =	vmand vm14, vm1;
	vm14 =	vlt.s32 v10, v30  }
0x224: {  	vm11 =	vmand vm11, vm14;
	vm14 =	vlt.s32 v10, v6  }
0x225: {  	v6 =	vsel vm11, $0x10, v12;
	vm11 =	vmand vm10, vm14  }
0x226: {  	v31 =	vsel vm11, $0x20, v12;
	vm11 =	vnez.u8 v3;
	v3 =	vld [tilespmem:$0x1FF30];
	_ =	sdelay $0x2  }
0x227: {  	vm14 =	vlt.s32 v10, v50  }
0x228: {  	vm9 =	vmand vm9, vm14  }
0x229: {  	v32 =	vsel vm9, $0x40, v12;
	vm9 =	vnez.u8 v3;
	v3 =	vld [tilespmem:$0x1FF40];
	_ =	sdelay $0x3  }
0x22a: {  	vm10 =	vlt.s32 v10, v51  }
0x22b: {  	v62 =	vsel vm0, $0x8, v12;
	vm0 =	vmand vm11, vm10;
	vm11 =	vnez.u8 v3;
	v3 =	vld [tilespmem:$0x1FF50];
	_ =	sdelay $0x3  }
0x22c: {  	v11 =	vor.u32 v11, v28;
	vm14 =	vlt.s32 v10, v46  }
0x22d: {  	v28 =	vsel vm0, $0x80, v12;
	vm0 =	vmand vm9, vm14;
	vm9 =	vnez.u8 v3;
	v3 =	vld [tilespmem:$0x1FF00];
	_ =	sdelay $0x3  }
0x22e: {  	v11 =	vor.u32 v29, v11;
	vm10 =	vlt.s32 v10, v45  }
0x22f: {  	v29 =	vsel vm0, $0x100, v12;
	vm0 =	vmand vm11, vm10;
	vm11 =	vnez.u8 v3;
	v3 =	vld [tilespmem:$0x1FF10];
	_ =	sdelay $0x2  }
0x230: {  	v11 =	vor.u32 v62, v11  }
0x231: {  	v6 =	vor.u32 v6, v11;
	vm14 =	vlt.s32 v10, v44  }
0x232: {  	v11 =	vsel vm0, $0x200, v12;
	vm0 =	vmand vm9, vm14;
	vm9 =	vnez.u8 v3;
	v3 =	vld [tilespmem:$0x1FF20];
	_ =	sdelay $0x3  }
0x233: {  	vm10 =	vlt.s32 v10, v43  }
0x234: {  	v63 =	vsel vm0, $0x400, v12;
	vm0 =	vmand vm11, vm10;
	vm11 =	vnez.u8 v3;
	v3 =	vld [tilespmem:$0x1FEE0];
	_ =	sdelay $0x1  }
0x235: {  	v6 =	vor.u32 v31, v6  }
0x236: {  	v6 =	vor.u32 v32, v6  }
0x237: {  	v6 =	vor.u32 v28, v6;
	vm14 =	vlt.s32 v10, v40  }
0x238: {  	v28 =	vsel vm0, $0x800, v12;
	vm0 =	vmand vm9, vm14;
	vm9 =	vnez.u8 v3;
	v3 =	vld [tilespmem:$0x1FEF0];
	_ =	sdelay $0x2  }
0x239: {  	v6 =	vor.u32 v29, v6  }
0x23a: {  	v6 =	vor.u32 v11, v6;
	vm10 =	vlt.s32 v10, v42  }
0x23b: {  	v11 =	vsel vm0, $0x1000, v12;
	vm0 =	vmand vm11, vm10;
	vm11 =	vnez.u8 v3;
	v3 =	vld [tilespmem:$0x1FD50];
	_ =	sdelay $0x3  }
0x23c: {  	vm14 =	vlt.s32 v10, v39  }
0x23d: {  	v29 =	vsel vm0, $0x2000, v12;
	vm0 =	vmand vm9, vm14;
	vm14 =	vnez.u8 v3;
	v3 =	vld [tilespmem:$0x1FED0];
	_ =	sdelay $0x4  }
0x23e: {  	vm9 =	vnez.u8 v3;
	v3 =	vld [tilespmem:$0x1FD40];
	_ =	sdelay $0x1  }
0x23f: {  	v6 =	vor.u32 v63, v6  }
0x240: {  	v6 =	vor.u32 v28, v6  }
0x241: {  	v6 =	vor.u32 v11, v6;
	vm10 =	vlt.s32 v10, v38  }
0x242: {  	v11 =	vsel vm0, $0x4000, v12;
	vm0 =	vmand vm11, vm10;
	vm10 =	vnez.u8 v3;
	v3 =	vld [tilespmem:$0x1FEC0];
	_ =	sdelay $0x4  }
0x243: {  	vm11 =	vnez.u8 v3;
	v3 =	vld [tilespmem:$0x1FD30];
	_ =	sdelay $0x4  }
0x244: {  	v28 =	vsel vm0, $0x8000, v12;
	vm0 =	vmand vm14, vm9;
	vm14 =	vnez.u8 v3;
	v3 =	vld [tilespmem:$0x1FEB0];
	_ =	sdelay $0x4  }
0x245: {  	vm9 =	vnez.u8 v3;
	v3 =	vld [tilespmem:$0x1FD20];
	_ =	sdelay $0x2  }
0x246: {  	v6 =	vor.u32 v29, v6  }
0x247: {  	v6 =	vor.u32 v11, v6  }
0x248: {  	v11 =	vsel vm0, $0x10000, v12;
	vm0 =	vmand vm10, vm11;
	vm10 =	vnez.u8 v3;
	v3 =	vld [tilespmem:$0x1FEA0];
	_ =	sdelay $0x4  }
0x249: {  	vm11 =	vnez.u8 v3;
	v3 =	vld [tilespmem:$0x1FD10];
	_ =	sdelay $0x3  }
0x24a: {  	v6 =	vor.u32 v28, v6  }
0x24b: {  	v28 =	vsel vm0, $0x20000, v12;
	vm0 =	vmand vm14, vm9;
	vm14 =	vnez.u8 v3;
	v3 =	vld [tilespmem:$0x1FE90];
	_ =	sdelay $0x4  }
0x24c: {  	vm9 =	vnez.u8 v3;
	v3 =	vld [tilespmem:$0x1FD00];
	_ =	sdelay $0x3  }
0x24d: {  	v6 =	vor.u32 v11, v6  }
0x24e: {  	v11 =	vsel vm0, $0x40000, v12;
	vm0 =	vmand vm10, vm11;
	vm10 =	vnez.u8 v3;
	v3 =	vld [tilespmem:$0x1FE70];
	_ =	sdelay $0x4  }
0x24f: {  	vm11 =	vnez.u8 v3;
	v3 =	vld [tilespmem:$0x1FCF0];
	_ =	sdelay $0x3  }
0x250: {  	v6 =	vor.u32 v28, v6  }
0x251: {  	v28 =	vsel vm0, $0x80000, v12;
	vm0 =	vmand vm14, vm9;
	vm14 =	vnez.u8 v3;
	v3 =	vld [tilespmem:$0x1FE60];
	_ =	sdelay $0x4  }
0x252: {  	vm9 =	vnez.u8 v3;
	v3 =	vld [tilespmem:$0x1FCE0];
	_ =	sdelay $0x3  }
0x253: {  	v6 =	vor.u32 v11, v6  }
0x254: {  	v11 =	vsel vm0, $0x100000, v12;
	vm0 =	vmand vm10, vm11;
	vm10 =	vnez.u8 v3;
	v3 =	vld [tilespmem:$0x1FE30];
	_ =	sdelay $0x4  }
0x255: {  	vm11 =	vnez.u8 v3;
	v3 =	vld [tilespmem:$0x1FE40];
	_ =	sdelay $0x3  }
0x256: {  	v6 =	vor.u32 v28, v6  }
0x257: {  	v28 =	vsel vm0, $0x200000, v12;
	vm0 =	vmand vm14, vm9;
	vm14 =	vnez.u8 v3;
	v3 =	vld [tilespmem:$0x1FDE0];
	_ =	sdelay $0x4  }
0x258: {  	vm9 =	vnez.u8 v3;
	v3 =	vld [tilespmem:$0x1FE00];
	_ =	sdelay $0x3  }
0x259: {  	v6 =	vor.u32 v11, v6  }
0x25a: {  	v11 =	vsel vm0, $0x400000, v12;
	vm0 =	vmand vm10, vm11;
	vm10 =	vnez.u8 v3;
	v3 =	vld [tilespmem:$0x1FE20];
	_ =	sdelay $0x4  }
0x25b: {  	vm11 =	vnez.u8 v3;
	v3 =	vld [tilespmem:$0x1FD90];
	_ =	sdelay $0x1  }
0x25c: {  	v6 =	vor.u32 v28, v6  }
0x25d: {  	v6 =	vor.u32 v11, v6;
	v28 =	vsel vm0, $0x800000, v12;
	vm0 =	vmand vm15, vm14  }
0x25e: {  	v6 =	vor.u32 v28, v6;
	v11 =	vsel vm0, $0x1000000, v12;
	vm0 =	vmand vm13, vm9  }
0x25f: {  	v28 =	vsel vm0, $0x2000000, v12;
	vm0 =	vmand vm12, vm10;
	vm12 =	vnez.u8 v3;
	v3 =	vld [tilespmem:$0x1FDB0];
	_ =	sdelay $0x4  }
0x260: {  	vm13 =	vnez.u8 v3;
	v3 =	vld [tilespmem:$0x1FDD0];
	_ =	sdelay $0x4  }
0x261: {  	v6 =	vor.u32 v11, v6;
	vm14 =	vnez.u8 v3;
	v3 =	vld [tilespmem:$0x1FD70]  }
0x262: {  	v6 =	vor.u32 v28, v6;
	v11 =	vsel vm0, $0x4000000, v12;
	vm0 =	vmand vm8, vm11  }
0x263: {  	v6 =	vor.u32 v11, v6;
	v28 =	vsel vm0, $0x8000000, v12;
	vm0 =	vmand vm7, vm12  }
0x264: {  	v6 =	vor.u32 v28, v6;
	v11 =	vsel vm0, $0x10000000, v12  }
0x265: {  	v6 =	vor.u32 v11, v6;
	vm0 =	vmand vm6, vm13  }
0x266: {  	v28 =	vsel vm0, $0x20000000, v12;
	vm0 =	vmand vm5, vm14;
	vm15 =	vnez.u8 v3  }
0x267: {  	v6 =	vor.u32 v28, v6;
	v11 =	vsel vm0, $0x40000000, v12;
	vm0 =	vmand vm4, vm15  }
0x268: {  	v6 =	vor.u32 v11, v6;
	v28 =	vsel vm0, $0x80000000, v12  }
0x269: {  	s1 =	sadd.s32 $0x80, s18;
	v6 =	vor.u32 v28, v6  }
0x26a: {  	s0 =	simm.s32 $0x2400;
	[tilespmem:s1+$0x0] =	vst v6  }
0x26b: {  	[spmem:s5] =	stream.linear.scatter [tilespmem:s0], [sflag:$0x1], $0x1000, $0x38;
	[tilespmem:$0x15E00] =	vst v63  }
0x26c: {  	_ =	swait.ge [sflag:s8], $0x1000  }
0x26d: {  	[sflag:s8] =	ssyncset.done $0x0  }
0x26e: {  	[sflag:s8] =	ssyncadd.s32 $0xFFFFF000  }
.Ltmp5:
0x26f: {  	[bflag:$0x0] =	sbarrier.arrive $0xFFFF;
	(pc) =	sbr.rel .LBB2_8-.Ltmp5, $4  }
0x270: {  	[tilespmem:s12], [sflag:$0x1] =	stream.linear.gather [spmem:s2], $0x10000, $0x38;
	[tilespmem:$0x15E00] =	vst v63  }
0x271: {  	v52 =	vlaneseq.u32;
	_ =	swait.ge [sflag:s8], $0x10000  }
0x272: {  	v53 =	vimm.s32 $0x1000000;
	v54 =	vimm.s32 $0x2000000;
	v55 =	vimm.s32 $0x4000000;
	[sflag:s8] =	ssyncset.done $0x0  }
0x273: {  	s18 =	simm.s32 $0x0;
	v56 =	vimm.s32 $0x8000000;
	v57 =	vimm.s32 $0x10000000;
	v34 =	vimm.f32 $1.000000000e+00;
	[sflag:s8] =	ssyncadd.s32 $0xFFFF0000  }
.LBB2_14:
0x274: {  	s18 =	sadd.s32 $0x1, s18  }
0x275: {  	p0 =	sne.s32 s18, $0x8  }
.Ltmp6:
0x276: {  	_ = 	snop;
	(pc) =	sbr.rel @!p0 .LBB2_15-.Ltmp6, $1  }
0x277: {  	_ =	sdelay $0x3  }
.LBB2_8:
0x278: {  	s1 =	sshll.u32 s18, $0x7  }
0x279: {  	v58 =	vld [tilespmem:s1+$0x2010];
	_ =	sdelay $0x3  }
.Ltmp7:
0x27a: {  	_ = 	snop;
	(pc) =	sbr.rel .LBB2_9-.Ltmp7, $4  }
0x27b: {  	v59 =	vperm.xlane v58, v17;
	v60 =	vperm.xlane v58, v21  }
0x27c: {  	s24 =	simm.s32 $0x4400;
	s25 =	simm.s32 $0x0;
	s26 =	simm.s32 $0x0;
	v61 =	vperm.xlane v58, v22;
	v62 =	vperm.xlane v58, v23  }
0x27d: {  	s28 =	simm.s32 $0x0;
	s19 =	sadd.s32 $0x13400, s1;
	s20 =	sadd.s32 $0x13C00, s1;
	v63 =	vperm.xlane v58, v24;
	v38 =	vperm.xlane v58, v25  }
0x27e: {  	s21 =	sadd.s32 $0x14400, s1;
	s22 =	sadd.s32 $0x14C00, s1;
	s23 =	sadd.s32 $0x15400, s1;
	v39 =	vld [tilespmem:s1+$0x2000];
	v42 =	vmov s1;
	v40 =	vperm.xlane v58, v26;
	v41 =	vperm.xlane v58, v27  }
.LBB2_13:
0x27f: {  	v3 =	vshrl.u32 v43, $0x1  }
0x280: {  	v3 =	vor.u32 v43, v3  }
0x281: {  	v6 =	vshrl.u32 v3, $0x2  }
0x282: {  	v3 =	vor.u32 v3, v6  }
0x283: {  	v6 =	vshrl.u32 v3, $0x4  }
0x284: {  	v3 =	vor.u32 v3, v6  }
0x285: {  	v6 =	vshrl.u32 v3, $0x8  }
0x286: {  	v3 =	vor.u32 v3, v6  }
0x287: {  	v6 =	vshrl.u32 v3, $0x10  }
0x288: {  	v3 =	vor.u32 v3, v6  }
0x289: {  	v6 =	vshrl.u32 v3, $0x1  }
0x28a: {  	v3 =	vxor.u32 v3, v6  }
0x28b: {  	v3 =	vcvt.s32.f32 v3;
	_ =	sdelay $0x1  }
0x28c: {  	v3 =	vshrl.u32 v3, $0x17  }
0x28d: {  	v3 =	vmax.u32 v3, $0x7F  }
0x28e: {  	vm0 =	vlt.s32 v43, $0x0;
	v3 =	vsub.s32 v3, v37  }
0x28f: {  	v3 =	vsel vm0, $0x1F, v3  }
0x290: {  	v6 =	vand.u32 $0x180, v3  }
0x291: {  	s1 =	sshll.u32 s28, $0xC;
	v11 =	vand.u32 $0x7F, v3;
	v28 =	vshll.u32 v3, $0x7;
	v6 =	vadd.s32 v42, v6  }
0x292: {  	v6 =	vor.u32 v11, v6;
	v11 =	vadd.s32 s1, v28  }
0x293: {  	v11 =	vor.u32 v52, v11;
	_ =	sdelay $0x3  }
0x294: {  	v6 =	vld.idx.msk [tilespmem:v6+s13+$0x0], $0xffff  }
0x295: {  	v11 =	vld.idx.msk [tilespmem:v11+s12+$0x0], $0xffff;
	_ =	sdelay $0x4  }
0x296: {  	v6 =	vand.u32 v6, v11  }
0x297: {  	v11 =	vshrl.u32 v6, $0x1  }
0x298: {  	v11 =	vor.u32 v6, v11  }
0x299: {  	v28 =	vshrl.u32 v11, $0x2  }
0x29a: {  	v11 =	vor.u32 v11, v28  }
0x29b: {  	v28 =	vshrl.u32 v11, $0x4  }
0x29c: {  	v11 =	vor.u32 v11, v28  }
0x29d: {  	v28 =	vshrl.u32 v11, $0x8  }
0x29e: {  	v11 =	vor.u32 v11, v28  }
0x29f: {  	v28 =	vshrl.u32 v11, $0x10  }
0x2a0: {  	v11 =	vor.u32 v11, v28  }
0x2a1: {  	v28 =	vshrl.u32 v11, $0x1  }
0x2a2: {  	v11 =	vxor.u32 v11, v28  }
0x2a3: {  	v11 =	vcvt.s32.f32 v11;
	_ =	sdelay $0x1  }
0x2a4: {  	v11 =	vshrl.u32 v11, $0x17  }
0x2a5: {  	v11 =	vmax.u32 v11, $0x7F  }
0x2a6: {  	vm12 =	vlt.s32 v6, $0x0;
	v6 =	vsub.s32 v11, v37  }
0x2a7: {  	v3 =	vshll.u32 v3, $0x5;
	v6 =	vsel vm12, $0x1F, v6  }
0x2a8: {  	v3 =	vadd.s32 v3, v6  }
0x2a9: {  	v3 =	vmin.u32 v3, $0x3E7  }
0x2aa: {  	v3 =	vshll.u32 v3, $0x2  }
0x2ab: {  	s0 =	sand.u32 $0x400, s26  }
0x2ac: {  	vm13 =	veq.s32 v43, $0x0;
	s11 =	sand.u32 $0x60, s25;
	s29 =	sadd.s32 s0, s19  }
0x2ad: {  	s30 =	sadd.s32 s11, s29;
	v6 =	vsel vm13, $0x0, v34  }
0x2ae: {  	[tilespmem:s30+$0x0] =	vst v6  }
0x2af: {  	v6 =	vld.idx.msk [tilespmem:v3+s3+$0x0], $0xffff;
	_ =	sdelay $0x1  }
0x2b0: {  	v11 =	vor.u32 $0x1, v3  }
0x2b1: {  	v28 =	vshrl.u32 v44, $0x1  }
0x2b2: {  	v28 =	vor.u32 v44, v28;
	s30 =	sadd.s32 s0, s20  }
0x2b3: {  	v29 =	vshrl.u32 v28, $0x2;
	s31 =	sadd.s32 s11, s30;
	v6 =	vsel vm13, $0x0, v6  }
0x2b4: {  	[tilespmem:s31+$0x0] =	vst v6;
	v6 =	vor.u32 v28, v29  }
0x2b5: {  	v11 =	vld.idx.msk [tilespmem:v11+s3+$0x0], $0xffff;
	v28 =	vshrl.u32 v6, $0x4  }
0x2b6: {  	v6 =	vor.u32 v6, v28  }
0x2b7: {  	v28 =	vor.u32 $0x2, v3;
	v29 =	vshrl.u32 v6, $0x8  }
0x2b8: {  	v6 =	vor.u32 v6, v29  }
0x2b9: {  	s31 =	sadd.s32 s0, s21;
	v29 =	vshrl.u32 v6, $0x10  }
0x2ba: {  	s14 =	sadd.s32 s11, s31;
	v11 =	vsel vm13, $0x0, v11;
	v6 =	vor.u32 v6, v29  }
0x2bb: {  	[tilespmem:s14+$0x0] =	vst v11;
	v11 =	vshrl.u32 v6, $0x1  }
0x2bc: {  	v28 =	vld.idx.msk [tilespmem:v28+s3+$0x0], $0xffff;
	v6 =	vxor.u32 v6, v11  }
0x2bd: {  	v6 =	vcvt.s32.f32 v6  }
0x2be: {  	v3 =	vor.u32 $0x3, v3  }
0x2bf: {  	v6 =	vshrl.u32 v6, $0x17  }
0x2c0: {  	s1 =	sadd.s32 s0, s22;
	v6 =	vmax.u32 v6, $0x7F  }
0x2c1: {  	vm1 =	vlt.s32 v44, $0x0;
	s14 =	sadd.s32 s11, s1;
	v11 =	vsel vm13, $0x0, v28;
	v6 =	vsub.s32 v6, v37  }
0x2c2: {  	[tilespmem:s14+$0x0] =	vst v11;
	v6 =	vsel vm1, $0x1F, v6  }
0x2c3: {  	s14 =	sadd.s32 $0x1, s28;
	v3 =	vld.idx.msk [tilespmem:v3+s3+$0x0], $0xffff;
	v11 =	vand.u32 $0x180, v6  }
0x2c4: {  	v28 =	vand.u32 $0x7F, v6;
	s14 =	sshll.u32 s14, $0xC;
	v29 =	vshll.u32 v6, $0x7;
	v11 =	vadd.s32 v42, v11  }
0x2c5: {  	v11 =	vor.u32 v28, v11;
	v28 =	vadd.s32 s14, v29  }
0x2c6: {  	v28 =	vor.u32 v52, v28  }
0x2c7: {  	s0 =	sadd.s32 s0, s23  }
0x2c8: {  	s11 =	sadd.s32 s11, s0;
	v3 =	vsel vm13, $0x0, v3  }
0x2c9: {  	[tilespmem:s11+$0x0] =	vst v3  }
0x2ca: {  	v3 =	vld.idx.msk [tilespmem:v11+s13+$0x0], $0xffff  }
0x2cb: {  	v11 =	vld.idx.msk [tilespmem:v28+s12+$0x0], $0xffff;
	_ =	sdelay $0x4  }
0x2cc: {  	v3 =	vand.u32 v3, v11  }
0x2cd: {  	v11 =	vshrl.u32 v3, $0x1  }
0x2ce: {  	v11 =	vor.u32 v3, v11  }
0x2cf: {  	v28 =	vshrl.u32 v11, $0x2  }
0x2d0: {  	v11 =	vor.u32 v11, v28  }
0x2d1: {  	v28 =	vshrl.u32 v11, $0x4  }
0x2d2: {  	v11 =	vor.u32 v11, v28  }
0x2d3: {  	v28 =	vshrl.u32 v11, $0x8  }
0x2d4: {  	v11 =	vor.u32 v11, v28  }
0x2d5: {  	v28 =	vshrl.u32 v11, $0x10  }
0x2d6: {  	v11 =	vor.u32 v11, v28  }
0x2d7: {  	v28 =	vshrl.u32 v11, $0x1  }
0x2d8: {  	v11 =	vxor.u32 v11, v28  }
0x2d9: {  	v11 =	vcvt.s32.f32 v11;
	_ =	sdelay $0x1  }
0x2da: {  	v11 =	vshrl.u32 v11, $0x17  }
0x2db: {  	v11 =	vmax.u32 v11, $0x7F  }
0x2dc: {  	vm14 =	vlt.s32 v3, $0x0;
	v3 =	vsub.s32 v11, v37  }
0x2dd: {  	v6 =	vshll.u32 v6, $0x5;
	v3 =	vsel vm14, $0x1F, v3  }
0x2de: {  	v3 =	vadd.s32 v6, v3  }
0x2df: {  	v3 =	vmin.u32 v3, $0x3E7  }
0x2e0: {  	v3 =	vshll.u32 v3, $0x2  }
0x2e1: {  	s14 =	sadd.s32 $0x10, s25  }
0x2e2: {  	vm15 =	veq.s32 v44, $0x0;
	s11 =	sand.u32 $0x70, s14  }
0x2e3: {  	s29 =	sadd.s32 s11, s29;
	v6 =	vsel vm15, $0x0, v34  }
0x2e4: {  	[tilespmem:s29+$0x0] =	vst v6  }
0x2e5: {  	v6 =	vld.idx.msk [tilespmem:v3+s3+$0x0], $0xffff;
	_ =	sdelay $0x1  }
0x2e6: {  	v11 =	vor.u32 $0x1, v3;
	_ =	sdelay $0x2  }
0x2e7: {  	s30 =	sadd.s32 s11, s30;
	v6 =	vsel vm15, $0x0, v6  }
0x2e8: {  	[tilespmem:s30+$0x0] =	vst v6  }
0x2e9: {  	v6 =	vld.idx.msk [tilespmem:v11+s3+$0x0], $0xffff;
	_ =	sdelay $0x1  }
0x2ea: {  	v11 =	vor.u32 $0x2, v3;
	_ =	sdelay $0x2  }
0x2eb: {  	s31 =	sadd.s32 s11, s31;
	v6 =	vsel vm15, $0x0, v6  }
0x2ec: {  	[tilespmem:s31+$0x0] =	vst v6  }
0x2ed: {  	v6 =	vld.idx.msk [tilespmem:v11+s3+$0x0], $0xffff;
	_ =	sdelay $0x1  }
0x2ee: {  	v3 =	vor.u32 $0x3, v3;
	_ =	sdelay $0x2  }
0x2ef: {  	s1 =	sadd.s32 s11, s1;
	v6 =	vsel vm15, $0x0, v6  }
0x2f0: {  	[tilespmem:s1+$0x0] =	vst v6  }
0x2f1: {  	s28 =	sadd.s32 $0x2, s28;
	v3 =	vld.idx.msk [tilespmem:v3+s3+$0x0], $0xffff  }
0x2f2: {  	p0 =	sne.s32 s28, $0x10  }
.Ltmp8:
0x2f3: {  	_ = 	snop;
	(pc) =	sbr.rel @!p0 .LBB2_14-.Ltmp8, $3  }
0x2f4: {  	_ =	sdelay $0x1  }
0x2f5: {  	s0 =	sadd.s32 s11, s0;
	v3 =	vsel vm15, $0x0, v3  }
0x2f6: {  	s26 =	sadd.s32 $0x100, s26;
	s24 =	sadd.s32 $0x2000, s24;
	s25 =	sadd.s32 $0x20, s25;
	[tilespmem:s0+$0x0] =	vst v3  }
.LBB2_9:
0x2f7: {  	v6 =	vld [tilespmem:s24+$0xFFFFFC00]  }
0x2f8: {  	v11 =	vld [tilespmem:s24+$0xFFFFFC80]  }
0x2f9: {  	v28 =	vld [tilespmem:s24+$0xFFFFFD00]  }
0x2fa: {  	v29 =	vld [tilespmem:s24+$0xFFFFFD80]  }
0x2fb: {  	v30 =	vld [tilespmem:s24+$0xFFFFFE00];
	_ =	sdelay $0x1  }
0x2fc: {  	v6 =	vand.u32 v59, v6  }
0x2fd: {  	v11 =	vand.u32 v60, v11;
	vm0 =	veq.s32 v6, $0x0;
	v6 =	vld [tilespmem:s24+$0xFFFFFE80]  }
0x2fe: {  	vm9 =	veq.s32 v11, $0x0;
	v11 =	vand.u32 v61, v28;
	v28 =	vand.u32 v62, v29;
	v29 =	vld [tilespmem:s24+$0xFFFFFF00]  }
0x2ff: {  	v3 =	vimm.s32 $0x80000000;
	v30 =	vand.u32 v63, v30  }
0x300: {  	vm11 =	veq.s32 v30, $0x0;
	v31 =	vsel vm0, $0x0, v53;
	vm10 =	veq.s32 v11, $0x0;
	v11 =	vld [tilespmem:s24+$0xFFFFFF80]  }
0x301: {  	v32 =	vsel vm9, $0x0, v54;
	vm1 =	veq.s32 v28, $0x0;
	v28 =	vsel vm10, $0x0, v55  }
0x302: {  	v33 =	vsel vm1, $0x0, v56;
	v50 =	vor.u32 v31, v32;
	v6 =	vand.u32 v38, v6  }
0x303: {  	v29 =	vand.u32 v40, v29;
	vm12 =	veq.s32 v6, $0x0;
	v6 =	vor.u32 v28, v50  }
0x304: {  	v51 =	vsel vm11, $0x0, v57;
	vm13 =	veq.s32 v29, $0x0;
	v6 =	vor.u32 v33, v6  }
0x305: {  	v11 =	vand.u32 v41, v11;
	v28 =	vsel vm12, $0x0, v35;
	v6 =	vor.u32 v51, v6  }
0x306: {  	v29 =	vsel vm13, $0x0, v36;
	vm14 =	veq.s32 v11, $0x0;
	v6 =	vor.u32 v28, v6  }
0x307: {  	v11 =	vsel vm14, $0x0, v3;
	v6 =	vor.u32 v29, v6  }
0x308: {  	v43 =	vor.u32 v11, v6  }
0x309: {  	vm15 =	veq.s32 v43, $0x0  }
0x30a: {  	v6 =	vsel vm15, $0x0, v34  }
0x30b: {  	(xrf0) =	vmin.scan.msk.f32 $0xffff, v6;
	_ =	sdelay $0x5  }
0x30c: {  	v6, _, _ =	vpop (xrf0)  }
0x30d: {  	(v2sf) =	vpush v6, $0xF;
	_ =	sdelay $0xd  }
0x30e: {  	v48 =	vld [tilespmem:s24+$0xD00]  }
0x30f: {  	v49 =	vld [tilespmem:s24+$0xD80];
	s1 =	spop (v2sf)  }
0x310: {  	v46 =	vld [tilespmem:s24+$0xE00];
	p0 =	sgt.f32 s1, $0.0e+00  }
.Ltmp9:
0x311: {  	v47 =	vld [tilespmem:s24+$0xE80];
	(pc) =	sbr.rel @p0 .LBB2_11-.Ltmp9, $4  }
0x312: {  	v45 =	vld [tilespmem:s24+$0xF00]  }
0x313: {  	v44 =	vld [tilespmem:s24+$0xF80]  }
0x314: {  	v50 =	vld [tilespmem:s24+$0xC80]  }
0x315: {  	v51 =	vld [tilespmem:s24+$0xC00]  }
0x316: {  	v6 =	vld [tilespmem:s24+$0xFFFFF000];
	_ =	sdelay $0x1  }
0x317: {  	v11 =	vld [tilespmem:s24+$0xFFFFF080]  }
0x318: {  	v28 =	vperm.xlane v39, v12;
	v29 =	vld [tilespmem:s24+$0xFFFFF100]  }
0x319: {  	v30 =	vld [tilespmem:s24+$0xFFFFF180]  }
0x31a: {  	v6 =	vand.u32 v28, v6;
	v28 =	vperm.xlane v39, v13  }
0x31b: {  	v31 =	vld [tilespmem:s24+$0xFFFFF200];
	vm0 =	vne.s32 v6, $0x0;
	v6 =	vperm.xlane v39, v14  }
0x31c: {  	v36 =	vperm.xlane v39, v20;
	v11 =	vand.u32 v28, v11;
	v28 =	vperm.xlane v39, v16  }
0x31d: {  	v33 =	vld [tilespmem:s24+$0xFFFFF280];
	v3 =	vimm.s32 $0x10;
	vm7 =	veq.s32 v11, $0x0;
	v6 =	vand.u32 v6, v29  }
0x31e: {  	v11 =	vperm.xlane v39, v15;
	v29 =	vld [tilespmem:s24+$0xFFFFF300];
	vm8 =	veq.s32 v6, $0x0;
	v6 =	vand.u32 v28, v30  }
0x31f: {  	v32 =	vsel vm0, $0x1, v12;
	v52 =	vsel vm7, $0x0, v14;
	v28 =	vld [tilespmem:s24+$0xFFFFF380];
	vm1 =	veq.s32 v6, $0x0  }
0x320: {  	v30 =	vld [tilespmem:s24+$0xFFFFF400];
	v6 =	vand.u32 v11, v31;
	v11 =	vperm.xlane v39, v18;
	v31 =	vsel vm8, $0x0, v15  }
0x321: {  	v32 =	vor.u32 v32, v52;
	v52 =	vimm.s32 $0x4000;
	vm9 =	veq.s32 v6, $0x0  }
0x322: {  	v6 =	vand.u32 v11, v33;
	v11 =	vperm.xlane v39, v19;
	v55 =	vsel vm9, $0x0, v3  }
0x323: {  	v54 =	vld [tilespmem:s24+$0xFFFFF480];
	v3 =	vimm.s32 $0x20;
	vm10 =	veq.s32 v6, $0x0;
	v6 =	vperm.xlane v39, v17  }
0x324: {  	v56 =	vld [tilespmem:s24+$0xFFFFF500];
	v57 =	vsel vm10, $0x0, v3;
	v11 =	vand.u32 v11, v29;
	v28 =	vand.u32 v36, v28  }
0x325: {  	v3 =	vimm.s32 $0x40;
	vm11 =	veq.s32 v11, $0x0;
	v6 =	vand.u32 v6, v30  }
0x326: {  	vm12 =	veq.s32 v28, $0x0;
	v28 =	vperm.xlane v39, v22;
	vm2 =	veq.s32 v6, $0x0  }
0x327: {  	v11 =	vld [tilespmem:s24+$0xFFFFF580];
	v6 =	vperm.xlane v39, v21;
	v30 =	vsel vm11, $0x0, v3;
	v3 =	vimm.s32 $0x80  }
0x328: {  	v53 =	vsel vm1, $0x0, v17;
	v29 =	vld [tilespmem:s24+$0xFFFFF600];
	v36 =	vperm.xlane v39, v23;
	v33 =	vsel vm12, $0x0, v3  }
0x329: {  	v3 =	vimm.s32 $0x100;
	v28 =	vand.u32 v28, v56;
	v6 =	vand.u32 v6, v54  }
0x32a: {  	v56 =	vld [tilespmem:s24+$0xFFFFF680];
	v34 =	vsel vm2, $0x0, v3;
	v3 =	vimm.s32 $0x200;
	vm13 =	veq.s32 v6, $0x0  }
0x32b: {  	vm14 =	veq.s32 v28, $0x0;
	v28 =	vld [tilespmem:s24+$0xFFFFF700];
	v6 =	vperm.xlane v39, v24;
	v35 =	vsel vm13, $0x0, v3  }
0x32c: {  	v3 =	vimm.s32 $0x400;
	v11 =	vand.u32 v36, v11;
	v36 =	vimm.s32 $0x1000  }
0x32d: {  	vm15 =	veq.s32 v11, $0x0;
	v6 =	vand.u32 v6, v29;
	v11 =	vperm.xlane v39, v25  }
0x32e: {  	v29 =	vimm.s32 $0x800;
	vm4 =	veq.s32 v6, $0x0;
	v6 =	vperm.xlane v39, v26  }
0x32f: {  	v54 =	vld [tilespmem:s24+$0xFFFFF780];
	v3 =	vsel vm14, $0x0, v3;
	v29 =	vsel vm15, $0x0, v29;
	v36 =	vsel vm4, $0x0, v36  }
0x330: {  	v11 =	vand.u32 v11, v56;
	v56 =	vimm.s32 $0x8000000;
	v6 =	vand.u32 v6, v28  }
0x331: {  	vm5 =	veq.s32 v11, $0x0;
	v28 =	vor.u32 v31, v32;
	vm6 =	veq.s32 v6, $0x0  }
0x332: {  	v11 =	vld [tilespmem:s24+$0xFFFFF800];
	v6 =	vperm.xlane v39, v27;
	v28 =	vor.u32 v53, v28;
	v53 =	vimm.s32 $0x2000  }
0x333: {  	v32 =	vsel vm5, $0x0, v53;
	v52 =	vsel vm6, $0x0, v52;
	v28 =	vor.u32 v55, v28  }
0x334: {  	v31 =	vld [tilespmem:s24+$0xFFFFF880];
	v55 =	vimm.s32 $0x4000000;
	v53 =	vperm.xlane v58, v12;
	v6 =	vand.u32 v6, v54  }
0x335: {  	v28 =	vor.u32 v57, v28;
	v57 =	vimm.s32 $0x10000000;
	vm7 =	veq.s32 v6, $0x0  }
0x336: {  	v6 =	vperm.xlane v58, v13;
	v28 =	vor.u32 v30, v28;
	v30 =	vimm.s32 $0x8000  }
0x337: {  	v54 =	vld [tilespmem:s24+$0xFFFFF900];
	v30 =	vsel vm7, $0x0, v30;
	v11 =	vand.u32 v53, v11;
	v53 =	vimm.s32 $0x1000000  }
0x338: {  	v28 =	vor.u32 v33, v28;
	v33 =	vimm.s32 $0x10000;
	vm8 =	veq.s32 v11, $0x0  }
0x339: {  	v6 =	vand.u32 v6, v31;
	v11 =	vld [tilespmem:s24+$0xFFFFF980];
	v28 =	vor.u32 v34, v28;
	v34 =	vimm.s32 $0x20000  }
0x33a: {  	v31 =	vld [tilespmem:s24+$0xFFFFFA00];
	vm9 =	veq.s32 v6, $0x0;
	v6 =	vperm.xlane v58, v14;
	v28 =	vor.u32 v35, v28  }
0x33b: {  	v33 =	vsel vm8, $0x0, v33;
	v35 =	vimm.s32 $0x40000;
	v34 =	vsel vm9, $0x0, v34  }
0x33c: {  	v3 =	vor.u32 v3, v28;
	v28 =	vperm.xlane v58, v16;
	v6 =	vand.u32 v6, v54  }
0x33d: {  	v3 =	vor.u32 v29, v3;
	vm10 =	veq.s32 v6, $0x0;
	v6 =	vperm.xlane v58, v15  }
0x33e: {  	v29 =	vld [tilespmem:s24+$0xFFFFFA80];
	v3 =	vor.u32 v36, v3;
	v35 =	vsel vm10, $0x0, v35;
	v11 =	vand.u32 v28, v11  }
0x33f: {  	v3 =	vor.u32 v32, v3;
	vm11 =	veq.s32 v11, $0x0;
	v6 =	vand.u32 v6, v31  }
0x340: {  	v11 =	vld [tilespmem:s24+$0xFFFFFB00];
	v3 =	vor.u32 v52, v3;
	v31 =	vimm.s32 $0x100000;
	vm12 =	veq.s32 v6, $0x0  }
0x341: {  	v6 =	vperm.xlane v58, v18;
	v3 =	vor.u32 v30, v3;
	v30 =	vimm.s32 $0x80000  }
0x342: {  	v28 =	vld [tilespmem:s24+$0xFFFFFB80];
	v32 =	vimm.s32 $0x200000;
	v30 =	vsel vm11, $0x0, v30;
	v31 =	vsel vm12, $0x0, v31  }
0x343: {  	v3 =	vor.u32 v33, v3;
	v6 =	vand.u32 v6, v29;
	v29 =	vperm.xlane v58, v19  }
0x344: {  	v3 =	vor.u32 v34, v3;
	vm13 =	veq.s32 v6, $0x0;
	v6 =	vperm.xlane v58, v20  }
0x345: {  	v3 =	vor.u32 v35, v3;
	v32 =	vsel vm13, $0x0, v32;
	v11 =	vand.u32 v29, v11  }
0x346: {  	v3 =	vor.u32 v30, v3;
	vm14 =	veq.s32 v11, $0x0;
	v11 =	vimm.s32 $0x400000  }
0x347: {  	v6 =	vand.u32 v6, v28;
	v3 =	vor.u32 v31, v3;
	v11 =	vsel vm14, $0x0, v11  }
0x348: {  	vm15 =	veq.s32 v6, $0x0;
	v3 =	vor.u32 v32, v3;
	v6 =	vimm.s32 $0x800000  }
0x349: {  	v54 =	vimm.s32 $0x2000000;
	v6 =	vsel vm15, $0x0, v6;
	v3 =	vor.u32 v11, v3  }
0x34a: {  	v36 =	vimm.s32 $0x40000000;
	v52 =	vlaneseq.u32;
	v3 =	vor.u32 v6, v3  }
0x34b: {  	v34 =	vimm.f32 $1.000000000e+00;
	v35 =	vimm.s32 $0x20000000;
	v43 =	vor.u32 v43, v3  }
.LBB2_11:
0x34c: {  	_ =	sdelay $0x1  }
0x34d: {  	v11 =	vand.u32 v62, v49;
	v29 =	vand.u32 v63, v46  }
0x34e: {  	vm1 =	veq.s32 v11, $0x0;
	vm11 =	veq.s32 v29, $0x0;
	v29 =	vand.u32 v38, v47  }
0x34f: {  	vm12 =	veq.s32 v29, $0x0;
	v6 =	vand.u32 v60, v50;
	v3 =	vand.u32 v59, v51  }
0x350: {  	vm9 =	veq.s32 v6, $0x0;
	v6 =	vand.u32 v61, v48;
	vm0 =	veq.s32 v3, $0x0  }
0x351: {  	v28 =	vsel vm9, $0x0, v54;
	vm10 =	veq.s32 v6, $0x0;
	v3 =	vsel vm0, $0x0, v53  }
0x352: {  	v29 =	vand.u32 v40, v45;
	v6 =	vsel vm10, $0x0, v55;
	v3 =	vor.u32 v3, v28  }
0x353: {  	v11 =	vsel vm1, $0x0, v56;
	vm13 =	veq.s32 v29, $0x0;
	v3 =	vor.u32 v6, v3  }
0x354: {  	v28 =	vsel vm11, $0x0, v57;
	v6 =	vsel vm12, $0x0, v35;
	v3 =	vor.u32 v11, v3  }
0x355: {  	v11 =	vand.u32 v41, v44;
	v3 =	vor.u32 v28, v3;
	v28 =	vsel vm13, $0x0, v36  }
0x356: {  	vm14 =	veq.s32 v11, $0x0;
	v3 =	vor.u32 v6, v3;
	v6 =	vimm.s32 $0x80000000  }
0x357: {  	v6 =	vsel vm14, $0x0, v6;
	v3 =	vor.u32 v28, v3  }
0x358: {  	v44 =	vor.u32 v6, v3  }
0x359: {  	vm15 =	veq.s32 v44, $0x0  }
0x35a: {  	v3 =	vsel vm15, $0x0, v34  }
0x35b: {  	(xrf0) =	vmin.scan.msk.f32 $0xffff, v3;
	_ =	sdelay $0x5  }
0x35c: {  	v3, _, _ =	vpop (xrf0)  }
0x35d: {  	(v2sf) =	vpush v3, $0xF;
	_ =	sdelay $0xe  }
0x35e: {  	s1 =	spop (v2sf)  }
0x35f: {  	p0 =	sgt.f32 s1, $0.0e+00  }
.Ltmp10:
0x360: {  	_ = 	snop;
	(pc) =	sbr.rel @p0 .LBB2_13-.Ltmp10, $1  }
0x361: {  	_ =	sdelay $0x3  }
0x362: {  	v3 =	vld [tilespmem:s24+$0x0];
	_ =	sdelay $0x1  }
0x363: {  	v6 =	vld [tilespmem:s24+$0x80]  }
0x364: {  	v11 =	vperm.xlane v39, v12;
	v28 =	vld [tilespmem:s24+$0x100]  }
0x365: {  	v29 =	vld [tilespmem:s24+$0x180];
	v50 =	vperm.xlane v39, v20;
	v36 =	vimm.s32 $0x10;
	v46 =	vimm.s32 $0x20  }
0x366: {  	v30 =	vld [tilespmem:s24+$0x200];
	v51 =	vimm.s32 $0x80;
	v3 =	vand.u32 v11, v3;
	v11 =	vperm.xlane v39, v13  }
0x367: {  	v47 =	vimm.s32 $0x100;
	vm0 =	vne.s32 v3, $0x0;
	v3 =	vperm.xlane v39, v14  }
0x368: {  	v32 =	vld [tilespmem:s24+$0x280];
	v48 =	vimm.s32 $0x200;
	v6 =	vand.u32 v11, v6;
	v11 =	vperm.xlane v39, v16  }
0x369: {  	vm7 =	veq.s32 v6, $0x0;
	v3 =	vand.u32 v3, v28;
	v6 =	vperm.xlane v39, v15  }
0x36a: {  	v49 =	vimm.s32 $0x400;
	v28 =	vld [tilespmem:s24+$0x300];
	vm8 =	veq.s32 v3, $0x0;
	v3 =	vand.u32 v11, v29  }
0x36b: {  	v11 =	vld [tilespmem:s24+$0x380];
	vm1 =	veq.s32 v3, $0x0;
	v3 =	vand.u32 v6, v30;
	v6 =	vperm.xlane v39, v18  }
0x36c: {  	v31 =	vsel vm0, $0x1, v12;
	v33 =	vsel vm7, $0x0, v14;
	v29 =	vld [tilespmem:s24+$0x400];
	v30 =	vsel vm8, $0x0, v15  }
0x36d: {  	vm9 =	veq.s32 v3, $0x0;
	v3 =	vand.u32 v6, v32;
	v6 =	vperm.xlane v39, v19  }
0x36e: {  	v35 =	vld [tilespmem:s24+$0x480];
	v31 =	vor.u32 v31, v33;
	v34 =	vsel vm1, $0x0, v17;
	v36 =	vsel vm9, $0x0, v36  }
0x36f: {  	v45 =	vld [tilespmem:s24+$0x500];
	vm10 =	veq.s32 v3, $0x0;
	v3 =	vperm.xlane v39, v17;
	v6 =	vand.u32 v6, v28  }
0x370: {  	v46 =	vsel vm10, $0x0, v46;
	v11 =	vand.u32 v50, v11;
	vm11 =	veq.s32 v6, $0x0  }
0x371: {  	vm12 =	veq.s32 v11, $0x0;
	v3 =	vand.u32 v3, v29;
	v6 =	vld [tilespmem:s24+$0x580];
	v11 =	vperm.xlane v39, v22  }
0x372: {  	v28 =	vld [tilespmem:s24+$0x600];
	v29 =	vimm.s32 $0x40;
	vm2 =	veq.s32 v3, $0x0;
	v3 =	vperm.xlane v39, v21  }
0x373: {  	v50 =	vimm.s32 $0x1000;
	v29 =	vsel vm11, $0x0, v29;
	v32 =	vsel vm12, $0x0, v51  }
0x374: {  	v11 =	vand.u32 v11, v45;
	v45 =	vld [tilespmem:s24+$0x680];
	v3 =	vand.u32 v3, v35;
	v35 =	vperm.xlane v39, v23  }
0x375: {  	vm14 =	veq.s32 v11, $0x0;
	v11 =	vld [tilespmem:s24+$0x700];
	vm13 =	veq.s32 v3, $0x0;
	v3 =	vperm.xlane v39, v24  }
0x376: {  	v51 =	vperm.xlane v58, v12;
	v47 =	vsel vm2, $0x0, v47;
	v6 =	vand.u32 v35, v6  }
0x377: {  	vm15 =	veq.s32 v6, $0x0;
	v3 =	vand.u32 v3, v28;
	v6 =	vperm.xlane v39, v25  }
0x378: {  	v28 =	vimm.s32 $0x800;
	vm4 =	veq.s32 v3, $0x0;
	v3 =	vperm.xlane v39, v26  }
0x379: {  	v49 =	vsel vm14, $0x0, v49;
	v48 =	vsel vm13, $0x0, v48;
	v35 =	vld [tilespmem:s24+$0x780];
	v28 =	vsel vm15, $0x0, v28  }
0x37a: {  	v6 =	vand.u32 v6, v45;
	v45 =	vimm.s32 $0x4000;
	v3 =	vand.u32 v3, v11  }
0x37b: {  	vm5 =	veq.s32 v6, $0x0;
	v11 =	vor.u32 v30, v31;
	vm6 =	veq.s32 v3, $0x0  }
0x37c: {  	v6 =	vld [tilespmem:s24+$0x800];
	v3 =	vperm.xlane v39, v27;
	v11 =	vor.u32 v34, v11;
	v34 =	vimm.s32 $0x2000  }
0x37d: {  	v50 =	vsel vm4, $0x0, v50;
	v30 =	vld [tilespmem:s24+$0x880];
	v31 =	vsel vm5, $0x0, v34;
	v33 =	vsel vm6, $0x0, v45  }
0x37e: {  	v11 =	vor.u32 v36, v11;
	v45 =	vimm.s32 $0x10000;
	v3 =	vand.u32 v3, v35  }
0x37f: {  	v11 =	vor.u32 v46, v11;
	v46 =	vimm.s32 $0x20000;
	vm7 =	veq.s32 v3, $0x0  }
0x380: {  	v36 =	vld [tilespmem:s24+$0x900];
	v3 =	vperm.xlane v58, v13;
	v11 =	vor.u32 v29, v11;
	v29 =	vimm.s32 $0x8000  }
0x381: {  	v29 =	vsel vm7, $0x0, v29;
	v6 =	vand.u32 v51, v6;
	v11 =	vor.u32 v32, v11  }
0x382: {  	v51 =	vld [tilespmem:s24+$0xA00];
	vm8 =	veq.s32 v6, $0x0;
	v3 =	vand.u32 v3, v30;
	v11 =	vor.u32 v47, v11  }
0x383: {  	v6 =	vld [tilespmem:s24+$0x980];
	v47 =	vperm.xlane v58, v16;
	vm9 =	veq.s32 v3, $0x0;
	v3 =	vperm.xlane v58, v14  }
0x384: {  	v11 =	vor.u32 v48, v11;
	v32 =	vsel vm8, $0x0, v45;
	v48 =	vimm.s32 $0x40000  }
0x385: {  	v34 =	vsel vm9, $0x0, v46;
	v11 =	vor.u32 v49, v11;
	v3 =	vand.u32 v3, v36  }
0x386: {  	v11 =	vor.u32 v28, v11;
	vm10 =	veq.s32 v3, $0x0;
	v3 =	vperm.xlane v58, v15  }
0x387: {  	v28 =	vld [tilespmem:s24+$0xA80];
	v11 =	vor.u32 v50, v11;
	v50 =	vimm.s32 $0x100000;
	v36 =	vsel vm10, $0x0, v48  }
0x388: {  	v6 =	vand.u32 v47, v6;
	v11 =	vor.u32 v31, v11;
	v3 =	vand.u32 v3, v51  }
0x389: {  	vm11 =	veq.s32 v6, $0x0;
	v6 =	vld [tilespmem:s24+$0xB00];
	v11 =	vor.u32 v33, v11;
	vm12 =	veq.s32 v3, $0x0  }
0x38a: {  	v3 =	vperm.xlane v58, v18;
	v11 =	vor.u32 v29, v11;
	v29 =	vimm.s32 $0x80000  }
0x38b: {  	v49 =	vld [tilespmem:s24+$0xB80];
	v51 =	vimm.s32 $0x200000;
	v29 =	vsel vm11, $0x0, v29;
	v11 =	vor.u32 v32, v11  }
0x38c: {  	v3 =	vand.u32 v3, v28;
	v28 =	vperm.xlane v58, v19;
	v11 =	vor.u32 v34, v11  }
0x38d: {  	v31 =	vsel vm12, $0x0, v50;
	vm13 =	veq.s32 v3, $0x0;
	v11 =	vor.u32 v36, v11  }
0x38e: {  	v3 =	vperm.xlane v58, v20;
	v6 =	vand.u32 v28, v6;
	v11 =	vor.u32 v29, v11  }
0x38f: {  	vm14 =	veq.s32 v6, $0x0;
	v6 =	vor.u32 v31, v11;
	v11 =	vimm.s32 $0x400000  }
.Ltmp11:
0x390: {  	v32 =	vsel vm13, $0x0, v51;
	v3 =	vand.u32 v3, v49;
	v11 =	vsel vm14, $0x0, v11;
	(pc) =	sbr.rel .LBB2_13-.Ltmp11, $4  }
0x391: {  	vm15 =	veq.s32 v3, $0x0;
	v3 =	vor.u32 v32, v6;
	v6 =	vimm.s32 $0x800000  }
0x392: {  	v6 =	vsel vm15, $0x0, v6;
	v3 =	vor.u32 v11, v3  }
0x393: {  	v35 =	vimm.s32 $0x20000000;
	v3 =	vor.u32 v6, v3  }
0x394: {  	v34 =	vimm.f32 $1.000000000e+00;
	v36 =	vimm.s32 $0x40000000;
	v44 =	vor.u32 v44, v3  }
.LBB2_16:
0x395: {  	_ =	sfence.sel $0x180000  }
0x396: {  	[bflag:$0x0] =	sbarrier.arrive $0xFFFF  }
0x397: {  	_ =	strace $0x90000047  }
0x398: {  	s0 =	stileid.u32;
	[bflag:$0x2] =	sbarrier.arrive $0xFFFF  }
0x399: {  	p0 =	sne.s32 s0, $0x0;
	s0 =	rddreg [dreg:$0x3]  }
0x39a: {  	s0 =	sadd.s32 @!p0 $0x100000, s0  }
0x39b: {  	[sflag:s0] =	ssyncadd.tile.s32 @!p0 $0x1;
	_ =	shalt  }
.Lfunc_end2:
_tile_overlayer_lowered:
.L_overlay_start_2:
0x39c: {  	(tag) =	ssettag $0x2  }
0x39d: {  	s0 =	rddreg [dreg:$0x0];
	s2 =	stileid.u32  }
0x39e: {  	s1 =	rddreg [dreg:$0x1];
	p0 =	sne.s32 s2, $0x0  }
0x39f: {  	s3 =	rddreg [dreg:$0x2];
	[bflag:$0x3] =	sbarrier.arrive $0xFFFF;
	s2 =	simm.s32 @!p0 $0x1C01  }
0x3a0: {  	[timem:s3], [sflag:s2] =	dma.local @!p0 [hbm:s0], s1  }
0x3a1: {  	s0 =	simm.s32 @!p0 $0x1  }
0x3a2: {  	_ =	swait.ge @!p0 [sflag:s0], s1  }
0x3a3: {  	s1 =	ssub.s32 @!p0 $0x0, s1;
	[sflag:s0] =	ssyncset.done @!p0 $0x0  }
0x3a4: {  	[sflag:s0] =	ssyncadd.s32 @!p0 s1  }
0x3a5: {  	[bflag:$0x3] =	sbarrier.arrive $0xFFFF  }
0x3a6: {  	_ =	shalt  }

</sc_bundles>
